<compile_context>
chip_gen: v7x
topology: tpu7x:2x2x1
jax: 0.10.2.dev20260603
libtpu: 0.0.44.dev20260713+nightly
codegen_flags: <defaults>
</compile_context>

<pallas_src>
import functools

import jax
import jax.numpy as jnp
from jax import lax
from jax.experimental import pallas as pl
from jax.experimental.pallas import tpu as pltpu
from jax.experimental.pallas import tpu_sc as plsc

_B = 16384
_F = 16
_HID = 64
_NW = 32
_ROWS_PER_W = _B // _NW
_CHUNK = 128
_NCHUNK = _ROWS_PER_W // _CHUNK
_L = 16

_NU = 1000000
_NM = 100000
_CU = _NU // 128
_CM = _NM // 128
_RU = _NU // 8
_RM_PAD = 12504

_SCALE = 5.0 - 0.5 + 1.0
_SHIFT = 0.5 - 0.5



def _permute_block(in_blk, out_blk):
    lanes = jax.lax.iota(jnp.int32, _L)

    @plsc.parallel_loop(0, 128, unroll=8)
    def _(i):
        r = i >> 3
        s = i & 7
        out_blk[r, pl.ds(s * _L, _L)] = plsc.load_gather(
            in_blk, [lanes, lanes * 0 + i])


def _retile_table(tabt, rows_out, nfull, wid, ring, obuf, in_sem, out_sem):
    n_w = (nfull - wid + _NW - 1) // _NW

    def fire_in(t, slot):
        c = (wid + _NW * t) * 128
        pltpu.async_copy(tabt.at[:, pl.ds(c, 128)], ring.at[slot], in_sem)

    for t in range(8):
        fire_in(t, t)

    def body(t, _):
        slot = lax.rem(t, 8)
        pltpu.make_async_copy(tabt.at[:, pl.ds(0, 128)],
                              ring.at[slot], in_sem).wait()

        @pl.when(t >= 8)
        def _():
            pltpu.make_async_copy(obuf.at[slot],
                                  rows_out.at[pl.ds(0, 16), :],
                                  out_sem).wait()
        _permute_block(ring.at[slot], obuf.at[slot])
        c16 = (wid + _NW * t) * 16
        pltpu.async_copy(obuf.at[slot], rows_out.at[pl.ds(c16, 16), :],
                         out_sem)

        @pl.when(t + 8 < n_w)
        def _():
            fire_in(t + 8, slot)
        return 0

    jax.lax.fori_loop(0, n_w, body, 0)
    for _ in range(8):
        pltpu.make_async_copy(obuf.at[0], rows_out.at[pl.ds(0, 16), :],
                              out_sem).wait()


def _retile_body(u_tabt, m_tabt, u_rows, m_rows,
                 ring, obuf, rem_in_u, rem_in_m, rem_out, in_sem, out_sem):
    wid = lax.axis_index("s") * 2 + lax.axis_index("c")
    _retile_table(u_tabt, u_rows, _CU, wid, ring, obuf, in_sem, out_sem)
    _retile_table(m_tabt, m_rows, _CM, wid, ring, obuf, in_sem, out_sem)

    lanes = jax.lax.iota(jnp.int32, _L)

    @pl.when(wid == 0)
    def _():
        pltpu.sync_copy(u_tabt.at[:, pl.ds(_CU * 128, 64)], rem_in_u)
        for r in range(8):
            for s in range(8):
                rem_out[r, pl.ds(s * _L, _L)] = plsc.load_gather(
                    rem_in_u, [lanes, jnp.full((_L,), r * 8 + s, jnp.int32)])
        pltpu.sync_copy(rem_out.at[pl.ds(0, 8), :],
                        u_rows.at[pl.ds(_CU * 16, 8), :])

    @pl.when(wid == 1)
    def _():
        pltpu.sync_copy(m_tabt.at[:, pl.ds(_CM * 128, 32)], rem_in_m)
        for r in range(8):
            for s in range(8):
                l = min(r * 8 + s, 31)
                rem_out[r, pl.ds(s * _L, _L)] = plsc.load_gather(
                    rem_in_m, [lanes, jnp.full((_L,), l, jnp.int32)])
        pltpu.sync_copy(rem_out.at[pl.ds(0, 8), :],
                        m_rows.at[pl.ds(_CM * 16, 8), :])


@functools.partial(
    pl.kernel,
    out_type=(
        jax.ShapeDtypeStruct((_RU, 128), jnp.float32),
        jax.ShapeDtypeStruct((_RM_PAD, 128), jnp.float32),
    ),
    mesh=plsc.VectorSubcoreMesh(core_axis_name="c", subcore_axis_name="s"),
    compiler_params=pltpu.CompilerParams(needs_layout_passes=False),
    scratch_types=[
        pltpu.VMEM((8, _F, 128), jnp.float32),
        pltpu.VMEM((8, _F, 128), jnp.float32),
        pltpu.VMEM((_F, 64), jnp.float32),
        pltpu.VMEM((_F, 32), jnp.float32),
        pltpu.VMEM((8, 128), jnp.float32),
        pltpu.SemaphoreType.DMA,
        pltpu.SemaphoreType.DMA,
    ],
)
def _retile(u_tabt, m_tabt, u_rows, m_rows,
            ring, obuf, rem_in_u, rem_in_m, rem_out, in_sem, out_sem):
    _retile_body(u_tabt, m_tabt, u_rows, m_rows,
                 ring, obuf, rem_in_u, rem_in_m, rem_out, in_sem, out_sem)



def _compute_tile_indices(idx_v, tidx_v):
    for j in range(_NCHUNK):
        def body(g, _, j=j):
            iv = idx_v[j, pl.ds(g * _L, _L)]
            tidx_v[j, pl.ds(g * _L, _L)] = jax.lax.shift_right_logical(iv, 3)
            return 0
        jax.lax.fori_loop(0, _CHUNK // _L, body, 0)


def _extract_chunk(idx_v, j, gat, stage):
    lanes = jax.lax.iota(jnp.int32, _L)

    def body(g, _):
        iv = idx_v[j, pl.ds(g * _L, _L)]
        sub = (iv & 7) * _F
        rows = g * _L + lanes
        off = j * _CHUNK + g * _L

        @plsc.parallel_loop(0, _F, unroll=8)
        def _(c):
            stage[c, pl.ds(off, _L)] = plsc.load_gather(gat, [rows, sub + c])
        return 0

    jax.lax.fori_loop(0, _CHUNK // _L, body, 0)


def _gather_body(u_idx, m_idx, u_tab, m_tab, u_out, m_out,
                 u_idx_v, m_idx_v, u_tidx, m_tidx, gat, u_stage, m_stage, sem):
    wid = lax.axis_index("s") * 2 + lax.axis_index("c")
    base = wid * _ROWS_PER_W
    pltpu.sync_copy(u_idx.at[pl.ds(wid * _NCHUNK, _NCHUNK)], u_idx_v)
    pltpu.sync_copy(m_idx.at[pl.ds(wid * _NCHUNK, _NCHUNK)], m_idx_v)
    _compute_tile_indices(u_idx_v, u_tidx)
    _compute_tile_indices(m_idx_v, m_tidx)

    tasks = [(u_tab, u_tidx, u_idx_v, u_stage, j) for j in range(_NCHUNK)]
    tasks += [(m_tab, m_tidx, m_idx_v, m_stage, j) for j in range(_NCHUNK)]

    def fire(t, buf):
        tab, tidx, _, _, j = tasks[t]
        return pltpu.async_copy(tab.at[tidx.at[j]], gat.at[buf], sem)

    handles = {0: fire(0, 0)}
    for t in range(len(tasks)):
        handles[t].wait()
        if t + 1 < len(tasks):
            handles[t + 1] = fire(t + 1, (t + 1) % 2)
        _, _, idx_v, stage, j = tasks[t]
        _extract_chunk(idx_v, j, gat.at[t % 2], stage)

    pltpu.sync_copy(u_stage, u_out.at[:, pl.ds(base, _ROWS_PER_W)])
    pltpu.sync_copy(m_stage, m_out.at[:, pl.ds(base, _ROWS_PER_W)])


@functools.partial(
    pl.kernel,
    out_type=(
        jax.ShapeDtypeStruct((_F, _B), jnp.float32),
        jax.ShapeDtypeStruct((_F, _B), jnp.float32),
    ),
    mesh=plsc.VectorSubcoreMesh(core_axis_name="c", subcore_axis_name="s"),
    compiler_params=pltpu.CompilerParams(needs_layout_passes=False),
    scratch_types=[
        pltpu.VMEM((_NCHUNK, _CHUNK), jnp.int32),
        pltpu.VMEM((_NCHUNK, _CHUNK), jnp.int32),
        pltpu.VMEM((_NCHUNK, _CHUNK), jnp.int32),
        pltpu.VMEM((_NCHUNK, _CHUNK), jnp.int32),
        pltpu.VMEM((2, _CHUNK, 128), jnp.float32),
        pltpu.VMEM((_F, _ROWS_PER_W), jnp.float32),
        pltpu.VMEM((_F, _ROWS_PER_W), jnp.float32),
        pltpu.SemaphoreType.DMA,
    ],
)
def _gather(u_idx, m_idx, u_tab, m_tab, u_out, m_out,
            u_idx_v, m_idx_v, u_tidx, m_tidx, gat, u_stage, m_stage, sem):
    _gather_body(u_idx, m_idx, u_tab, m_tab, u_out, m_out,
                 u_idx_v, m_idx_v, u_tidx, m_tidx, gat, u_stage, m_stage, sem)



_BLK = 2048


def _mlp_body(u_ref, m_ref, w1a_ref, w1b_ref, b1_ref, w2_ref, b2_ref, o_ref):
    h = jnp.dot(w1a_ref[...], u_ref[...],
                preferred_element_type=jnp.float32,
                precision=lax.Precision.HIGHEST)
    h = h + jnp.dot(w1b_ref[...], m_ref[...],
                    preferred_element_type=jnp.float32,
                    precision=lax.Precision.HIGHEST)
    h = jnp.maximum(h + b1_ref[...], 0.0)
    t = jnp.sum(h * w2_ref[...], axis=0, keepdims=True) + b2_ref[...]
    o_ref[...] = jax.nn.sigmoid(t) * _SCALE + _SHIFT


def _mlp(u_embt, m_embt, w1at, w1bt, b1, w2, b2):
    grid = (_B // _BLK,)
    return pl.pallas_call(
        _mlp_body,
        grid=grid,
        in_specs=[
            pl.BlockSpec((_F, _BLK), lambda i: (0, i)),
            pl.BlockSpec((_F, _BLK), lambda i: (0, i)),
            pl.BlockSpec((_HID, _F), lambda i: (0, 0)),
            pl.BlockSpec((_HID, _F), lambda i: (0, 0)),
            pl.BlockSpec((_HID, 1), lambda i: (0, 0)),
            pl.BlockSpec((_HID, 1), lambda i: (0, 0)),
            pl.BlockSpec((1, 1), lambda i: (0, 0)),
        ],
        out_specs=pl.BlockSpec((1, _BLK), lambda i: (0, i)),
        out_shape=jax.ShapeDtypeStruct((1, _B), jnp.float32),
    )(u_embt, m_embt, w1at, w1bt, b1, w2, b2)


def kernel(user, movie, u_table, m_table, W1, b1, W2, b2):
    u_rows, m_rows = _retile(u_table.T, m_table.T)
    u_idx = user.astype(jnp.int32).reshape(_NW * _NCHUNK, _CHUNK)
    m_idx = movie.astype(jnp.int32).reshape(_NW * _NCHUNK, _CHUNK)
    u_embt, m_embt = _gather(u_idx, m_idx, u_rows, m_rows)
    out = _mlp(u_embt, m_embt, W1[:_F].T, W1[_F:].T,
               b1.reshape(_HID, 1), W2.reshape(_HID, 1), b2.reshape(1, 1))
    return out.reshape(_B, 1)

# --- scband reference (transcript-rebuilt; emitter-appended) ---
"""Pipeline reference for scband-movie-lens-net-16320875724985 (READ-ONLY COPY).

The authoritative reference and input builder live on the scoring server;
editing this copy changes nothing except your own understanding.
"""

import jax, jax.numpy as jnp
import numpy as np

B = 16384
N_USERS = 1000000
N_MOVIES = 100000
N_FACTORS = 16
HIDDEN = 64
MAX_RATING = 5.0
MIN_RATING = 0.5


def setup_inputs(seed: int = 0) -> dict:
    key = jax.random.key(seed)
    ks = jax.random.split(key, 8)
    user = jax.random.randint(ks[0], (B,), 0, N_USERS, dtype=jnp.int64) if jax.config.jax_enable_x64 else jax.random.randint(ks[0], (B,), 0, N_USERS).astype(jnp.int32)
    movie = jax.random.randint(ks[1], (B,), 0, N_MOVIES).astype(user.dtype)
    u_table = jax.random.uniform(ks[2], (N_USERS, N_FACTORS), dtype=jnp.float32, minval=0.0, maxval=0.05)
    m_table = jax.random.uniform(ks[3], (N_MOVIES, N_FACTORS), dtype=jnp.float32, minval=0.0, maxval=0.05)
    W1 = jax.random.normal(ks[4], (2 * N_FACTORS, HIDDEN), dtype=jnp.float32) * (1.0 / np.sqrt(2 * N_FACTORS))
    b1 = jnp.zeros((HIDDEN,), dtype=jnp.float32)
    W2 = jax.random.normal(ks[5], (HIDDEN, 1), dtype=jnp.float32) * (1.0 / np.sqrt(HIDDEN))
    b2 = jnp.zeros((1,), dtype=jnp.float32)
    return {"user": user, "movie": movie, "u_table": u_table, "m_table": m_table, "W1": W1, "b1": b1, "W2": W2, "b2": b2}


def reference(user, movie, u_table, m_table, W1, b1, W2, b2):
    # embedding lookups (gather)
    u_emb = jnp.take(u_table, user, axis=0)   # [B, n_factors]
    m_emb = jnp.take(m_table, movie, axis=0)  # [B, n_factors]
    x = jnp.concatenate([u_emb, m_emb], axis=1)  # [B, 2*n_factors]
    # lin1: (dropout is identity in eval) -> Linear -> ReLU
    x = jax.nn.relu(x @ W1 + b1)
    # lin2: (dropout identity) -> Linear
    x = x @ W2 + b2
    # sigmoid * (max - min + 1) + min - 0.5
    return jax.nn.sigmoid(x) * (MAX_RATING - MIN_RATING + 1.0) + MIN_RATING - 0.5

if __name__ == "__main__":
    import jax
    _d = setup_inputs()
    print(jax.jit(kernel)(*tuple(_d.values())))

</pallas_src>

<mosaic_0001>
#map = affine_map<(d0, d1) -> (0, 0)>
module attributes {stable_mosaic.version = 14 : i64} {
  func.func @_gather(%arg0: i32, %arg1: i32, %arg2: memref<128x128xi32, #tpu.memory_space<hbm>>, %arg3: memref<128x128xi32, #tpu.memory_space<hbm>>, %arg4: memref<125000x128xf32, #tpu.memory_space<hbm>>, %arg5: memref<12504x128xf32, #tpu.memory_space<hbm>>, %arg6: memref<16x16384xf32, #tpu.memory_space<hbm>>, %arg7: memref<16x16384xf32, #tpu.memory_space<hbm>>, %arg8: memref<4x128xi32, #tpu.memory_space<vmem>>, %arg9: memref<4x128xi32, #tpu.memory_space<vmem>>, %arg10: memref<4x128xi32, #tpu.memory_space<vmem>>, %arg11: memref<4x128xi32, #tpu.memory_space<vmem>>, %arg12: memref<2x128x128xf32, #tpu.memory_space<vmem>>, %arg13: memref<16x512xf32, #tpu.memory_space<vmem>>, %arg14: memref<16x512xf32, #tpu.memory_space<vmem>>, %arg15: memref<!tpu.dma_semaphore, #tpu.memory_space<semaphore_mem>>) attributes {dimension_semantics = [#tpu.dimension_semantics<core_parallel>, #tpu.dimension_semantics<subcore_parallel>], iteration_bounds = array<i64: 2, 16>, scalar_prefetch = 0 : i64, scratch_operands = 8 : i64, tpu.core_type = #tpu.core_type<sc_vector_subcore>, window_params = [{transform_indices = #map}, {transform_indices = #map}, {transform_indices = #map}, {transform_indices = #map}, {transform_indices = #map}, {transform_indices = #map}]} {
    %mul3A = arith.constant 2 : i32
    %mul3A_0 = arith.muli %arg1, %mul3A : i32
    %add3A = arith.addi %mul3A_0, %arg0 : i32
    %mul3A_1 = arith.constant 512 : i32
    %mul3A_2 = arith.muli %add3A, %mul3A_1 : i32
    %mul3A_3 = arith.constant 4 : i32
    %mul3A_4 = arith.muli %add3A, %mul3A_3 : i32
    "tpu.region"() ({
      %run_scoped3A = tpu.sem_alloc : memref<!tpu.dma_semaphore, #tpu.memory_space<semaphore_mem>>
      %dma_start3A_323 = arith.constant 0 : i32
      %dma_start3A_324 = tpu.memref_slice %arg2[%mul3A_4, %dma_start3A_323] : memref<128x128xi32, #tpu.memory_space<hbm>> -> memref<4x128xi32, #tpu.memory_space<hbm>>
      %dma_start3A_325 = arith.constant 0 : i32
      %dma_start3A_326 = tpu.memref_slice %arg2[%mul3A_4, %dma_start3A_325] : memref<128x128xi32, #tpu.memory_space<hbm>> -> memref<4x128xi32, #tpu.memory_space<hbm>>
      tpu.enqueue_dma source(%dma_start3A_326 : memref<4x128xi32, #tpu.memory_space<hbm>>) target(%arg8 : memref<4x128xi32, #tpu.memory_space<vmem>>) target_semaphore(%run_scoped3A : memref<!tpu.dma_semaphore, #tpu.memory_space<semaphore_mem>>)
      %dma_wait3A_327 = arith.constant 0 : i32
      %dma_wait3A_328 = tpu.memref_slice %arg2[%mul3A_4, %dma_wait3A_327] : memref<128x128xi32, #tpu.memory_space<hbm>> -> memref<4x128xi32, #tpu.memory_space<hbm>>
      %dma_wait3A_329 = arith.constant 0 : i32
      %dma_wait3A_330 = tpu.memref_slice %arg2[%mul3A_4, %dma_wait3A_329] : memref<128x128xi32, #tpu.memory_space<hbm>> -> memref<4x128xi32, #tpu.memory_space<hbm>>
      tpu.wait_dma2 semaphore(%run_scoped3A : memref<!tpu.dma_semaphore, #tpu.memory_space<semaphore_mem>>) src(%dma_wait3A_330 : memref<4x128xi32, #tpu.memory_space<hbm>>) dst(%arg8 : memref<4x128xi32, #tpu.memory_space<vmem>>)
      tpu.yield
    }) : () -> ()
    %mul3A_5 = arith.constant 4 : i32
    %mul3A_6 = arith.muli %add3A, %mul3A_5 : i32
    "tpu.region"() ({
      %run_scoped3A = tpu.sem_alloc : memref<!tpu.dma_semaphore, #tpu.memory_space<semaphore_mem>>
      %dma_start3A_323 = arith.constant 0 : i32
      %dma_start3A_324 = tpu.memref_slice %arg3[%mul3A_6, %dma_start3A_323] : memref<128x128xi32, #tpu.memory_space<hbm>> -> memref<4x128xi32, #tpu.memory_space<hbm>>
      %dma_start3A_325 = arith.constant 0 : i32
      %dma_start3A_326 = tpu.memref_slice %arg3[%mul3A_6, %dma_start3A_325] : memref<128x128xi32, #tpu.memory_space<hbm>> -> memref<4x128xi32, #tpu.memory_space<hbm>>
      tpu.enqueue_dma source(%dma_start3A_326 : memref<4x128xi32, #tpu.memory_space<hbm>>) target(%arg9 : memref<4x128xi32, #tpu.memory_space<vmem>>) target_semaphore(%run_scoped3A : memref<!tpu.dma_semaphore, #tpu.memory_space<semaphore_mem>>)
      %dma_wait3A_327 = arith.constant 0 : i32
      %dma_wait3A_328 = tpu.memref_slice %arg3[%mul3A_6, %dma_wait3A_327] : memref<128x128xi32, #tpu.memory_space<hbm>> -> memref<4x128xi32, #tpu.memory_space<hbm>>
      %dma_wait3A_329 = arith.constant 0 : i32
      %dma_wait3A_330 = tpu.memref_slice %arg3[%mul3A_6, %dma_wait3A_329] : memref<128x128xi32, #tpu.memory_space<hbm>> -> memref<4x128xi32, #tpu.memory_space<hbm>>
      tpu.wait_dma2 semaphore(%run_scoped3A : memref<!tpu.dma_semaphore, #tpu.memory_space<semaphore_mem>>) src(%dma_wait3A_330 : memref<4x128xi32, #tpu.memory_space<hbm>>) dst(%arg9 : memref<4x128xi32, #tpu.memory_space<vmem>>)
      tpu.yield
    }) : () -> ()
    %scan3A = arith.constant 0 : i32
    %scan3A_7 = arith.constant 0 : i32
    %scan3A_8 = arith.constant 8 : i32
    %scan3A_9 = arith.addi %scan3A_7, %scan3A_8 : i32
    %scan3A_10 = arith.constant 1 : i32
    %scan3A_11 = scf.for %scan3A_323 = %scan3A_7 to %scan3A_9 step %scan3A_10 iter_args(%scan3A_324 = %scan3A) -> (i32)  : i32 {
      %mul3A_325 = arith.constant 16 : i32
      %mul3A_326 = arith.muli %scan3A_323, %mul3A_325 : i32
      %get3A = arith.constant 0 : i32
      %get3A_327 = arith.index_cast %get3A : i32 to index
      %get3A_328 = arith.index_cast %mul3A_326 : i32 to index
      %get3A_329 = tpu.vector_load %arg8[%get3A_327, %get3A_328] {strides = array<i32>} : memref<4x128xi32, #tpu.memory_space<vmem>>, vector<16xi32>,
      %shift_right_logical3A = arith.constant 3 : i32
      %shift_right_logical3A_330 = vector.broadcast %shift_right_logical3A : i32 to vector<16xi32>
      %shift_right_logical3A_331 = arith.shrui %get3A_329, %shift_right_logical3A_330 : vector<16xi32>
      %mul3A_332 = arith.constant 16 : i32
      %mul3A_333 = arith.muli %scan3A_323, %mul3A_332 : i32
      %swap3A = arith.constant 0 : i32
      %swap3A_334 = arith.index_cast %swap3A : i32 to index
      %swap3A_335 = arith.index_cast %mul3A_333 : i32 to index
      %swap3A_336 = tpu.vector_load %arg10[%swap3A_334, %swap3A_335] {strides = array<i32>} : memref<4x128xi32, #tpu.memory_space<vmem>>, vector<16xi32>,
      tpu.vector_store %arg10[%swap3A_334, %swap3A_335], %shift_right_logical3A_331 {strides = array<i32>} : memref<4x128xi32, #tpu.memory_space<vmem>>, vector<16xi32>,
      %scan3A_337 = arith.constant 0 : i32
      scf.yield %scan3A_337 : i32
    }
    %scan3A_12 = arith.constant 8 : i32
    %scan3A_13 = arith.constant 0 : i32
    %scan3A_14 = arith.constant 0 : i32
    %scan3A_15 = arith.constant 8 : i32
    %scan3A_16 = arith.addi %scan3A_14, %scan3A_15 : i32
    %scan3A_17 = arith.constant 1 : i32
    %scan3A_18 = scf.for %scan3A_323 = %scan3A_14 to %scan3A_16 step %scan3A_17 iter_args(%scan3A_324 = %scan3A_13) -> (i32)  : i32 {
      %mul3A_325 = arith.constant 16 : i32
      %mul3A_326 = arith.muli %scan3A_323, %mul3A_325 : i32
      %get3A = arith.constant 1 : i32
      %get3A_327 = arith.index_cast %get3A : i32 to index
      %get3A_328 = arith.index_cast %mul3A_326 : i32 to index
      %get3A_329 = tpu.vector_load %arg8[%get3A_327, %get3A_328] {strides = array<i32>} : memref<4x128xi32, #tpu.memory_space<vmem>>, vector<16xi32>,
      %shift_right_logical3A = arith.constant 3 : i32
      %shift_right_logical3A_330 = vector.broadcast %shift_right_logical3A : i32 to vector<16xi32>
      %shift_right_logical3A_331 = arith.shrui %get3A_329, %shift_right_logical3A_330 : vector<16xi32>
      %mul3A_332 = arith.constant 16 : i32
      %mul3A_333 = arith.muli %scan3A_323, %mul3A_332 : i32
      %swap3A = arith.constant 1 : i32
      %swap3A_334 = arith.index_cast %swap3A : i32 to index
      %swap3A_335 = arith.index_cast %mul3A_333 : i32 to index
      %swap3A_336 = tpu.vector_load %arg10[%swap3A_334, %swap3A_335] {strides = array<i32>} : memref<4x128xi32, #tpu.memory_space<vmem>>, vector<16xi32>,
      tpu.vector_store %arg10[%swap3A_334, %swap3A_335], %shift_right_logical3A_331 {strides = array<i32>} : memref<4x128xi32, #tpu.memory_space<vmem>>, vector<16xi32>,
      %scan3A_337 = arith.constant 0 : i32
      scf.yield %scan3A_337 : i32
    }
    %scan3A_19 = arith.constant 8 : i32
    %scan3A_20 = arith.constant 0 : i32
    %scan3A_21 = arith.constant 0 : i32
    %scan3A_22 = arith.constant 8 : i32
    %scan3A_23 = arith.addi %scan3A_21, %scan3A_22 : i32
    %scan3A_24 = arith.constant 1 : i32
    %scan3A_25 = scf.for %scan3A_323 = %scan3A_21 to %scan3A_23 step %scan3A_24 iter_args(%scan3A_324 = %scan3A_20) -> (i32)  : i32 {
      %mul3A_325 = arith.constant 16 : i32
      %mul3A_326 = arith.muli %scan3A_323, %mul3A_325 : i32
      %get3A = arith.constant 2 : i32
      %get3A_327 = arith.index_cast %get3A : i32 to index
      %get3A_328 = arith.index_cast %mul3A_326 : i32 to index
      %get3A_329 = tpu.vector_load %arg8[%get3A_327, %get3A_328] {strides = array<i32>} : memref<4x128xi32, #tpu.memory_space<vmem>>, vector<16xi32>,
      %shift_right_logical3A = arith.constant 3 : i32
      %shift_right_logical3A_330 = vector.broadcast %shift_right_logical3A : i32 to vector<16xi32>
      %shift_right_logical3A_331 = arith.shrui %get3A_329, %shift_right_logical3A_330 : vector<16xi32>
      %mul3A_332 = arith.constant 16 : i32
      %mul3A_333 = arith.muli %scan3A_323, %mul3A_332 : i32
      %swap3A = arith.constant 2 : i32
      %swap3A_334 = arith.index_cast %swap3A : i32 to index
      %swap3A_335 = arith.index_cast %mul3A_333 : i32 to index
      %swap3A_336 = tpu.vector_load %arg10[%swap3A_334, %swap3A_335] {strides = array<i32>} : memref<4x128xi32, #tpu.memory_space<vmem>>, vector<16xi32>,
      tpu.vector_store %arg10[%swap3A_334, %swap3A_335], %shift_right_logical3A_331 {strides = array<i32>} : memref<4x128xi32, #tpu.memory_space<vmem>>, vector<16xi32>,
      %scan3A_337 = arith.constant 0 : i32
      scf.yield %scan3A_337 : i32
    }
    %scan3A_26 = arith.constant 8 : i32
    %scan3A_27 = arith.constant 0 : i32
    %scan3A_28 = arith.constant 0 : i32
    %scan3A_29 = arith.constant 8 : i32
    %scan3A_30 = arith.addi %scan3A_28, %scan3A_29 : i32
    %scan3A_31 = arith.constant 1 : i32
    %scan3A_32 = scf.for %scan3A_323 = %scan3A_28 to %scan3A_30 step %scan3A_31 iter_args(%scan3A_324 = %scan3A_27) -> (i32)  : i32 {
      %mul3A_325 = arith.constant 16 : i32
      %mul3A_326 = arith.muli %scan3A_323, %mul3A_325 : i32
      %get3A = arith.constant 3 : i32
      %get3A_327 = arith.index_cast %get3A : i32 to index
      %get3A_328 = arith.index_cast %mul3A_326 : i32 to index
      %get3A_329 = tpu.vector_load %arg8[%get3A_327, %get3A_328] {strides = array<i32>} : memref<4x128xi32, #tpu.memory_space<vmem>>, vector<16xi32>,
      %shift_right_logical3A = arith.constant 3 : i32
      %shift_right_logical3A_330 = vector.broadcast %shift_right_logical3A : i32 to vector<16xi32>
      %shift_right_logical3A_331 = arith.shrui %get3A_329, %shift_right_logical3A_330 : vector<16xi32>
      %mul3A_332 = arith.constant 16 : i32
      %mul3A_333 = arith.muli %scan3A_323, %mul3A_332 : i32
      %swap3A = arith.constant 3 : i32
      %swap3A_334 = arith.index_cast %swap3A : i32 to index
      %swap3A_335 = arith.index_cast %mul3A_333 : i32 to index
      %swap3A_336 = tpu.vector_load %arg10[%swap3A_334, %swap3A_335] {strides = array<i32>} : memref<4x128xi32, #tpu.memory_space<vmem>>, vector<16xi32>,
      tpu.vector_store %arg10[%swap3A_334, %swap3A_335], %shift_right_logical3A_331 {strides = array<i32>} : memref<4x128xi32, #tpu.memory_space<vmem>>, vector<16xi32>,
      %scan3A_337 = arith.constant 0 : i32
      scf.yield %scan3A_337 : i32
    }
    %scan3A_33 = arith.constant 8 : i32
    %scan3A_34 = arith.constant 0 : i32
    %scan3A_35 = arith.constant 0 : i32
    %scan3A_36 = arith.constant 8 : i32
    %scan3A_37 = arith.addi %scan3A_35, %scan3A_36 : i32
    %scan3A_38 = arith.constant 1 : i32
    %scan3A_39 = scf.for %scan3A_323 = %scan3A_35 to %scan3A_37 step %scan3A_38 iter_args(%scan3A_324 = %scan3A_34) -> (i32)  : i32 {
      %mul3A_325 = arith.constant 16 : i32
      %mul3A_326 = arith.muli %scan3A_323, %mul3A_325 : i32
      %get3A = arith.constant 0 : i32
      %get3A_327 = arith.index_cast %get3A : i32 to index
      %get3A_328 = arith.index_cast %mul3A_326 : i32 to index
      %get3A_329 = tpu.vector_load %arg9[%get3A_327, %get3A_328] {strides = array<i32>} : memref<4x128xi32, #tpu.memory_space<vmem>>, vector<16xi32>,
      %shift_right_logical3A = arith.constant 3 : i32
      %shift_right_logical3A_330 = vector.broadcast %shift_right_logical3A : i32 to vector<16xi32>
      %shift_right_logical3A_331 = arith.shrui %get3A_329, %shift_right_logical3A_330 : vector<16xi32>
      %mul3A_332 = arith.constant 16 : i32
      %mul3A_333 = arith.muli %scan3A_323, %mul3A_332 : i32
      %swap3A = arith.constant 0 : i32
      %swap3A_334 = arith.index_cast %swap3A : i32 to index
      %swap3A_335 = arith.index_cast %mul3A_333 : i32 to index
      %swap3A_336 = tpu.vector_load %arg11[%swap3A_334, %swap3A_335] {strides = array<i32>} : memref<4x128xi32, #tpu.memory_space<vmem>>, vector<16xi32>,
      tpu.vector_store %arg11[%swap3A_334, %swap3A_335], %shift_right_logical3A_331 {strides = array<i32>} : memref<4x128xi32, #tpu.memory_space<vmem>>, vector<16xi32>,
      %scan3A_337 = arith.constant 0 : i32
      scf.yield %scan3A_337 : i32
    }
    %scan3A_40 = arith.constant 8 : i32
    %scan3A_41 = arith.constant 0 : i32
    %scan3A_42 = arith.constant 0 : i32
    %scan3A_43 = arith.constant 8 : i32
    %scan3A_44 = arith.addi %scan3A_42, %scan3A_43 : i32
    %scan3A_45 = arith.constant 1 : i32
    %scan3A_46 = scf.for %scan3A_323 = %scan3A_42 to %scan3A_44 step %scan3A_45 iter_args(%scan3A_324 = %scan3A_41) -> (i32)  : i32 {
      %mul3A_325 = arith.constant 16 : i32
      %mul3A_326 = arith.muli %scan3A_323, %mul3A_325 : i32
      %get3A = arith.constant 1 : i32
      %get3A_327 = arith.index_cast %get3A : i32 to index
      %get3A_328 = arith.index_cast %mul3A_326 : i32 to index
      %get3A_329 = tpu.vector_load %arg9[%get3A_327, %get3A_328] {strides = array<i32>} : memref<4x128xi32, #tpu.memory_space<vmem>>, vector<16xi32>,
      %shift_right_logical3A = arith.constant 3 : i32
      %shift_right_logical3A_330 = vector.broadcast %shift_right_logical3A : i32 to vector<16xi32>
      %shift_right_logical3A_331 = arith.shrui %get3A_329, %shift_right_logical3A_330 : vector<16xi32>
      %mul3A_332 = arith.constant 16 : i32
      %mul3A_333 = arith.muli %scan3A_323, %mul3A_332 : i32
      %swap3A = arith.constant 1 : i32
      %swap3A_334 = arith.index_cast %swap3A : i32 to index
      %swap3A_335 = arith.index_cast %mul3A_333 : i32 to index
      %swap3A_336 = tpu.vector_load %arg11[%swap3A_334, %swap3A_335] {strides = array<i32>} : memref<4x128xi32, #tpu.memory_space<vmem>>, vector<16xi32>,
      tpu.vector_store %arg11[%swap3A_334, %swap3A_335], %shift_right_logical3A_331 {strides = array<i32>} : memref<4x128xi32, #tpu.memory_space<vmem>>, vector<16xi32>,
      %scan3A_337 = arith.constant 0 : i32
      scf.yield %scan3A_337 : i32
    }
    %scan3A_47 = arith.constant 8 : i32
    %scan3A_48 = arith.constant 0 : i32
    %scan3A_49 = arith.constant 0 : i32
    %scan3A_50 = arith.constant 8 : i32
    %scan3A_51 = arith.addi %scan3A_49, %scan3A_50 : i32
    %scan3A_52 = arith.constant 1 : i32
    %scan3A_53 = scf.for %scan3A_323 = %scan3A_49 to %scan3A_51 step %scan3A_52 iter_args(%scan3A_324 = %scan3A_48) -> (i32)  : i32 {
      %mul3A_325 = arith.constant 16 : i32
      %mul3A_326 = arith.muli %scan3A_323, %mul3A_325 : i32
      %get3A = arith.constant 2 : i32
      %get3A_327 = arith.index_cast %get3A : i32 to index
      %get3A_328 = arith.index_cast %mul3A_326 : i32 to index
      %get3A_329 = tpu.vector_load %arg9[%get3A_327, %get3A_328] {strides = array<i32>} : memref<4x128xi32, #tpu.memory_space<vmem>>, vector<16xi32>,
      %shift_right_logical3A = arith.constant 3 : i32
      %shift_right_logical3A_330 = vector.broadcast %shift_right_logical3A : i32 to vector<16xi32>
      %shift_right_logical3A_331 = arith.shrui %get3A_329, %shift_right_logical3A_330 : vector<16xi32>
      %mul3A_332 = arith.constant 16 : i32
      %mul3A_333 = arith.muli %scan3A_323, %mul3A_332 : i32
      %swap3A = arith.constant 2 : i32
      %swap3A_334 = arith.index_cast %swap3A : i32 to index
      %swap3A_335 = arith.index_cast %mul3A_333 : i32 to index
      %swap3A_336 = tpu.vector_load %arg11[%swap3A_334, %swap3A_335] {strides = array<i32>} : memref<4x128xi32, #tpu.memory_space<vmem>>, vector<16xi32>,
      tpu.vector_store %arg11[%swap3A_334, %swap3A_335], %shift_right_logical3A_331 {strides = array<i32>} : memref<4x128xi32, #tpu.memory_space<vmem>>, vector<16xi32>,
      %scan3A_337 = arith.constant 0 : i32
      scf.yield %scan3A_337 : i32
    }
    %scan3A_54 = arith.constant 8 : i32
    %scan3A_55 = arith.constant 0 : i32
    %scan3A_56 = arith.constant 0 : i32
    %scan3A_57 = arith.constant 8 : i32
    %scan3A_58 = arith.addi %scan3A_56, %scan3A_57 : i32
    %scan3A_59 = arith.constant 1 : i32
    %scan3A_60 = scf.for %scan3A_323 = %scan3A_56 to %scan3A_58 step %scan3A_59 iter_args(%scan3A_324 = %scan3A_55) -> (i32)  : i32 {
      %mul3A_325 = arith.constant 16 : i32
      %mul3A_326 = arith.muli %scan3A_323, %mul3A_325 : i32
      %get3A = arith.constant 3 : i32
      %get3A_327 = arith.index_cast %get3A : i32 to index
      %get3A_328 = arith.index_cast %mul3A_326 : i32 to index
      %get3A_329 = tpu.vector_load %arg9[%get3A_327, %get3A_328] {strides = array<i32>} : memref<4x128xi32, #tpu.memory_space<vmem>>, vector<16xi32>,
      %shift_right_logical3A = arith.constant 3 : i32
      %shift_right_logical3A_330 = vector.broadcast %shift_right_logical3A : i32 to vector<16xi32>
      %shift_right_logical3A_331 = arith.shrui %get3A_329, %shift_right_logical3A_330 : vector<16xi32>
      %mul3A_332 = arith.constant 16 : i32
      %mul3A_333 = arith.muli %scan3A_323, %mul3A_332 : i32
      %swap3A = arith.constant 3 : i32
      %swap3A_334 = arith.index_cast %swap3A : i32 to index
      %swap3A_335 = arith.index_cast %mul3A_333 : i32 to index
      %swap3A_336 = tpu.vector_load %arg11[%swap3A_334, %swap3A_335] {strides = array<i32>} : memref<4x128xi32, #tpu.memory_space<vmem>>, vector<16xi32>,
      tpu.vector_store %arg11[%swap3A_334, %swap3A_335], %shift_right_logical3A_331 {strides = array<i32>} : memref<4x128xi32, #tpu.memory_space<vmem>>, vector<16xi32>,
      %scan3A_337 = arith.constant 0 : i32
      scf.yield %scan3A_337 : i32
    }
    %scan3A_61 = arith.constant 8 : i32
    %dma_start3A = arith.constant 0 : i32
    %dma_start3A_62 = arith.constant 0 : i32
    %dma_start3A_63 = arith.constant 0 : i32
    %dma_start3A_64 = arith.constant 0 : i32
    %dma_start3A_65 = tpu.memref_slice %arg12[%dma_start3A_62, %dma_start3A_63, %dma_start3A_64] : memref<2x128x128xf32, #tpu.memory_space<vmem>> -> memref<1x128x128xf32, #tpu.memory_space<vmem>>
    %dma_start3A_66 = tpu.memref_squeeze %dma_start3A_65 : memref<1x128x128xf32, #tpu.memory_space<vmem>> -> memref<128x128xf32, #tpu.memory_space<vmem>>
    %dma_start3A_67 = arith.constant 0 : i32
    %dma_start3A_68 = tpu.memref_slice %arg10[%dma_start3A, %dma_start3A_67] : memref<4x128xi32, #tpu.memory_space<vmem>> -> memref<1x128xi32, #tpu.memory_space<vmem>>
    %dma_start3A_69 = tpu.memref_squeeze %dma_start3A_68 : memref<1x128xi32, #tpu.memory_space<vmem>> -> memref<128xi32, #tpu.memory_space<vmem>>
    %dma_start3A_70 = arith.constant 0 : i32
    %dma_start3A_71 = arith.constant 0 : i32
    %dma_start3A_72 = tpu.memref_slice %arg4[%dma_start3A_70, %dma_start3A_71] : memref<125000x128xf32, #tpu.memory_space<hbm>> -> memref<125000x128xf32, #tpu.memory_space<hbm>>
    tpu.enqueue_indirect_dma source(%dma_start3A_72 : memref<125000x128xf32, #tpu.memory_space<hbm>>) target(%dma_start3A_66 : memref<128x128xf32, #tpu.memory_space<vmem>>) offsets(%dma_start3A_69 : memref<128xi32, #tpu.memory_space<vmem>>) semaphore(%arg15 : memref<!tpu.dma_semaphore, #tpu.memory_space<semaphore_mem>>)
    %dma_wait3A = arith.constant 0 : i32
    %dma_wait3A_73 = arith.constant 0 : i32
    %dma_wait3A_74 = arith.constant 0 : i32
    %dma_wait3A_75 = arith.constant 0 : i32
    %dma_wait3A_76 = tpu.memref_slice %arg12[%dma_wait3A_73, %dma_wait3A_74, %dma_wait3A_75] : memref<2x128x128xf32, #tpu.memory_space<vmem>> -> memref<1x128x128xf32, #tpu.memory_space<vmem>>
    %dma_wait3A_77 = tpu.memref_squeeze %dma_wait3A_76 : memref<1x128x128xf32, #tpu.memory_space<vmem>> -> memref<128x128xf32, #tpu.memory_space<vmem>>
    %dma_wait3A_78 = arith.constant 0 : i32
    %dma_wait3A_79 = tpu.memref_slice %arg10[%dma_wait3A, %dma_wait3A_78] : memref<4x128xi32, #tpu.memory_space<vmem>> -> memref<1x128xi32, #tpu.memory_space<vmem>>
    %dma_wait3A_80 = tpu.memref_squeeze %dma_wait3A_79 : memref<1x128xi32, #tpu.memory_space<vmem>> -> memref<128xi32, #tpu.memory_space<vmem>>
    %dma_wait3A_81 = arith.constant 0 : i32
    %dma_wait3A_82 = arith.constant 0 : i32
    %dma_wait3A_83 = tpu.memref_slice %arg4[%dma_wait3A_81, %dma_wait3A_82] : memref<125000x128xf32, #tpu.memory_space<hbm>> -> memref<125000x128xf32, #tpu.memory_space<hbm>>
    tpu.wait_indirect_dma semaphore(%arg15 : memref<!tpu.dma_semaphore, #tpu.memory_space<semaphore_mem>>) src(%dma_wait3A_83 : memref<125000x128xf32, #tpu.memory_space<hbm>>) dst(%dma_wait3A_77 : memref<128x128xf32, #tpu.memory_space<vmem>>)
    %dma_start3A_84 = arith.constant 1 : i32
    %dma_start3A_85 = arith.constant 1 : i32
    %dma_start3A_86 = arith.constant 0 : i32
    %dma_start3A_87 = arith.constant 0 : i32
    %dma_start3A_88 = tpu.memref_slice %arg12[%dma_start3A_85, %dma_start3A_86, %dma_start3A_87] : memref<2x128x128xf32, #tpu.memory_space<vmem>> -> memref<1x128x128xf32, #tpu.memory_space<vmem>>
    %dma_start3A_89 = tpu.memref_squeeze %dma_start3A_88 : memref<1x128x128xf32, #tpu.memory_space<vmem>> -> memref<128x128xf32, #tpu.memory_space<vmem>>
    %dma_start3A_90 = arith.constant 0 : i32
    %dma_start3A_91 = tpu.memref_slice %arg10[%dma_start3A_84, %dma_start3A_90] : memref<4x128xi32, #tpu.memory_space<vmem>> -> memref<1x128xi32, #tpu.memory_space<vmem>>
    %dma_start3A_92 = tpu.memref_squeeze %dma_start3A_91 : memref<1x128xi32, #tpu.memory_space<vmem>> -> memref<128xi32, #tpu.memory_space<vmem>>
    %dma_start3A_93 = arith.constant 0 : i32
    %dma_start3A_94 = arith.constant 0 : i32
    %dma_start3A_95 = tpu.memref_slice %arg4[%dma_start3A_93, %dma_start3A_94] : memref<125000x128xf32, #tpu.memory_space<hbm>> -> memref<125000x128xf32, #tpu.memory_space<hbm>>
    tpu.enqueue_indirect_dma source(%dma_start3A_95 : memref<125000x128xf32, #tpu.memory_space<hbm>>) target(%dma_start3A_89 : memref<128x128xf32, #tpu.memory_space<vmem>>) offsets(%dma_start3A_92 : memref<128xi32, #tpu.memory_space<vmem>>) semaphore(%arg15 : memref<!tpu.dma_semaphore, #tpu.memory_space<semaphore_mem>>)
    %iota3A = tpu.iota {dimensions = array<i32: 0>} : vector<16xi32>
    %scan3A_96 = arith.constant 0 : i32
    %scan3A_97 = arith.constant 0 : i32
    %scan3A_98 = arith.constant 0 : i32
    %scan3A_99 = arith.constant 8 : i32
    %scan3A_100 = arith.addi %scan3A_98, %scan3A_99 : i32
    %scan3A_101 = arith.constant 1 : i32
    %scan3A_102 = scf.for %scan3A_323 = %scan3A_98 to %scan3A_100 step %scan3A_101 iter_args(%scan3A_324 = %scan3A_97) -> (i32)  : i32 {
      %mul3A_325 = arith.constant 16 : i32
      %mul3A_326 = arith.muli %scan3A_323, %mul3A_325 : i32
      %get3A = arith.constant 0 : i32
      %get3A_327 = arith.index_cast %get3A : i32 to index
      %get3A_328 = arith.index_cast %mul3A_326 : i32 to index
      %get3A_329 = tpu.vector_load %arg8[%get3A_327, %get3A_328] {strides = array<i32>} : memref<4x128xi32, #tpu.memory_space<vmem>>, vector<16xi32>,
      %and3A = arith.constant 7 : i32
      %and3A_330 = vector.broadcast %and3A : i32 to vector<16xi32>
      %and3A_331 = arith.andi %get3A_329, %and3A_330 : vector<16xi32>
      %mul3A_332 = arith.constant 16 : i32
      %mul3A_333 = vector.broadcast %mul3A_332 : i32 to vector<16xi32>
      %mul3A_334 = arith.muli %and3A_331, %mul3A_333 : vector<16xi32>
      %mul3A_335 = arith.constant 16 : i32
      %mul3A_336 = arith.muli %scan3A_323, %mul3A_335 : i32
      %add3A_337 = vector.broadcast %mul3A_336 : i32 to vector<16xi32>
      %add3A_338 = arith.addi %add3A_337, %iota3A : vector<16xi32>
      %mul3A_339 = arith.constant 16 : i32
      %mul3A_340 = arith.muli %scan3A_323, %mul3A_339 : i32
      %add3A_341 = arith.constant 0 : i32
      %add3A_342 = arith.addi %add3A_341, %mul3A_340 : i32
      %parallel_loop3A = arith.constant 0 : i32
      %parallel_loop3A_343 = arith.constant 16 : i32
      %parallel_loop3A_344 = arith.constant 1 : i32
      scf.for %parallel_loop3A_346 = %parallel_loop3A to %parallel_loop3A_343 step %parallel_loop3A_344  : i32 {
        %parallel_loop3A_347 = vector.broadcast %parallel_loop3A_346 : i32 to vector<16xi32>
        %parallel_loop3A_348 = arith.addi %mul3A_334, %parallel_loop3A_347 : vector<16xi32>
        %parallel_loop3A_349 = arith.constant 0 : i32
        %parallel_loop3A_350 = arith.constant 0 : i32
        %parallel_loop3A_351 = tpu.memref_slice %arg12[%scan3A_96, %parallel_loop3A_349, %parallel_loop3A_350] : memref<2x128x128xf32, #tpu.memory_space<vmem>> -> memref<1x128x128xf32, #tpu.memory_space<vmem>>
        %parallel_loop3A_352 = tpu.memref_squeeze %parallel_loop3A_351 : memref<1x128x128xf32, #tpu.memory_space<vmem>> -> memref<128x128xf32, #tpu.memory_space<vmem>>
        %parallel_loop3A_353 = tpu.vector_load_idx %parallel_loop3A_352[%add3A_338, %parallel_loop3A_348] : memref<128x128xf32, #tpu.memory_space<vmem>>[vector<16xi32>, vector<16xi32>], vector<16xf32>,
        %parallel_loop3A_354 = arith.index_cast %parallel_loop3A_346 : i32 to index
        %parallel_loop3A_355 = arith.index_cast %add3A_342 : i32 to index
        %parallel_loop3A_356 = tpu.vector_load %arg13[%parallel_loop3A_354, %parallel_loop3A_355] {strides = array<i32>} : memref<16x512xf32, #tpu.memory_space<vmem>>, vector<16xf32>,
        tpu.vector_store %arg13[%parallel_loop3A_354, %parallel_loop3A_355], %parallel_loop3A_353 {strides = array<i32>} : memref<16x512xf32, #tpu.memory_space<vmem>>, vector<16xf32>,
      } {sc.loop_unroll_factor = 8 : i64, sc.parallel_access}
      %scan3A_345 = arith.constant 0 : i32
      scf.yield %scan3A_345 : i32
    }
    %scan3A_103 = arith.constant 8 : i32
    %dma_wait3A_104 = arith.constant 1 : i32
    %dma_wait3A_105 = arith.constant 1 : i32
    %dma_wait3A_106 = arith.constant 0 : i32
    %dma_wait3A_107 = arith.constant 0 : i32
    %dma_wait3A_108 = tpu.memref_slice %arg12[%dma_wait3A_105, %dma_wait3A_106, %dma_wait3A_107] : memref<2x128x128xf32, #tpu.memory_space<vmem>> -> memref<1x128x128xf32, #tpu.memory_space<vmem>>
    %dma_wait3A_109 = tpu.memref_squeeze %dma_wait3A_108 : memref<1x128x128xf32, #tpu.memory_space<vmem>> -> memref<128x128xf32, #tpu.memory_space<vmem>>
    %dma_wait3A_110 = arith.constant 0 : i32
    %dma_wait3A_111 = tpu.memref_slice %arg10[%dma_wait3A_104, %dma_wait3A_110] : memref<4x128xi32, #tpu.memory_space<vmem>> -> memref<1x128xi32, #tpu.memory_space<vmem>>
    %dma_wait3A_112 = tpu.memref_squeeze %dma_wait3A_111 : memref<1x128xi32, #tpu.memory_space<vmem>> -> memref<128xi32, #tpu.memory_space<vmem>>
    %dma_wait3A_113 = arith.constant 0 : i32
    %dma_wait3A_114 = arith.constant 0 : i32
    %dma_wait3A_115 = tpu.memref_slice %arg4[%dma_wait3A_113, %dma_wait3A_114] : memref<125000x128xf32, #tpu.memory_space<hbm>> -> memref<125000x128xf32, #tpu.memory_space<hbm>>
    tpu.wait_indirect_dma semaphore(%arg15 : memref<!tpu.dma_semaphore, #tpu.memory_space<semaphore_mem>>) src(%dma_wait3A_115 : memref<125000x128xf32, #tpu.memory_space<hbm>>) dst(%dma_wait3A_109 : memref<128x128xf32, #tpu.memory_space<vmem>>)
    %dma_start3A_116 = arith.constant 2 : i32
    %dma_start3A_117 = arith.constant 0 : i32
    %dma_start3A_118 = arith.constant 0 : i32
    %dma_start3A_119 = arith.constant 0 : i32
    %dma_start3A_120 = tpu.memref_slice %arg12[%dma_start3A_117, %dma_start3A_118, %dma_start3A_119] : memref<2x128x128xf32, #tpu.memory_space<vmem>> -> memref<1x128x128xf32, #tpu.memory_space<vmem>>
    %dma_start3A_121 = tpu.memref_squeeze %dma_start3A_120 : memref<1x128x128xf32, #tpu.memory_space<vmem>> -> memref<128x128xf32, #tpu.memory_space<vmem>>
    %dma_start3A_122 = arith.constant 0 : i32
    %dma_start3A_123 = tpu.memref_slice %arg10[%dma_start3A_116, %dma_start3A_122] : memref<4x128xi32, #tpu.memory_space<vmem>> -> memref<1x128xi32, #tpu.memory_space<vmem>>
    %dma_start3A_124 = tpu.memref_squeeze %dma_start3A_123 : memref<1x128xi32, #tpu.memory_space<vmem>> -> memref<128xi32, #tpu.memory_space<vmem>>
    %dma_start3A_125 = arith.constant 0 : i32
    %dma_start3A_126 = arith.constant 0 : i32
    %dma_start3A_127 = tpu.memref_slice %arg4[%dma_start3A_125, %dma_start3A_126] : memref<125000x128xf32, #tpu.memory_space<hbm>> -> memref<125000x128xf32, #tpu.memory_space<hbm>>
    tpu.enqueue_indirect_dma source(%dma_start3A_127 : memref<125000x128xf32, #tpu.memory_space<hbm>>) target(%dma_start3A_121 : memref<128x128xf32, #tpu.memory_space<vmem>>) offsets(%dma_start3A_124 : memref<128xi32, #tpu.memory_space<vmem>>) semaphore(%arg15 : memref<!tpu.dma_semaphore, #tpu.memory_space<semaphore_mem>>)
    %iota3A_128 = tpu.iota {dimensions = array<i32: 0>} : vector<16xi32>
    %scan3A_129 = arith.constant 1 : i32
    %scan3A_130 = arith.constant 0 : i32
    %scan3A_131 = arith.constant 0 : i32
    %scan3A_132 = arith.constant 8 : i32
    %scan3A_133 = arith.addi %scan3A_131, %scan3A_132 : i32
    %scan3A_134 = arith.constant 1 : i32
    %scan3A_135 = scf.for %scan3A_323 = %scan3A_131 to %scan3A_133 step %scan3A_134 iter_args(%scan3A_324 = %scan3A_130) -> (i32)  : i32 {
      %mul3A_325 = arith.constant 16 : i32
      %mul3A_326 = arith.muli %scan3A_323, %mul3A_325 : i32
      %get3A = arith.constant 1 : i32
      %get3A_327 = arith.index_cast %get3A : i32 to index
      %get3A_328 = arith.index_cast %mul3A_326 : i32 to index
      %get3A_329 = tpu.vector_load %arg8[%get3A_327, %get3A_328] {strides = array<i32>} : memref<4x128xi32, #tpu.memory_space<vmem>>, vector<16xi32>,
      %and3A = arith.constant 7 : i32
      %and3A_330 = vector.broadcast %and3A : i32 to vector<16xi32>
      %and3A_331 = arith.andi %get3A_329, %and3A_330 : vector<16xi32>
      %mul3A_332 = arith.constant 16 : i32
      %mul3A_333 = vector.broadcast %mul3A_332 : i32 to vector<16xi32>
      %mul3A_334 = arith.muli %and3A_331, %mul3A_333 : vector<16xi32>
      %mul3A_335 = arith.constant 16 : i32
      %mul3A_336 = arith.muli %scan3A_323, %mul3A_335 : i32
      %add3A_337 = vector.broadcast %mul3A_336 : i32 to vector<16xi32>
      %add3A_338 = arith.addi %add3A_337, %iota3A_128 : vector<16xi32>
      %mul3A_339 = arith.constant 16 : i32
      %mul3A_340 = arith.muli %scan3A_323, %mul3A_339 : i32
      %add3A_341 = arith.constant 128 : i32
      %add3A_342 = arith.addi %add3A_341, %mul3A_340 : i32
      %parallel_loop3A = arith.constant 0 : i32
      %parallel_loop3A_343 = arith.constant 16 : i32
      %parallel_loop3A_344 = arith.constant 1 : i32
      scf.for %parallel_loop3A_346 = %parallel_loop3A to %parallel_loop3A_343 step %parallel_loop3A_344  : i32 {
        %parallel_loop3A_347 = vector.broadcast %parallel_loop3A_346 : i32 to vector<16xi32>
        %parallel_loop3A_348 = arith.addi %mul3A_334, %parallel_loop3A_347 : vector<16xi32>
        %parallel_loop3A_349 = arith.constant 0 : i32
        %parallel_loop3A_350 = arith.constant 0 : i32
        %parallel_loop3A_351 = tpu.memref_slice %arg12[%scan3A_129, %parallel_loop3A_349, %parallel_loop3A_350] : memref<2x128x128xf32, #tpu.memory_space<vmem>> -> memref<1x128x128xf32, #tpu.memory_space<vmem>>
        %parallel_loop3A_352 = tpu.memref_squeeze %parallel_loop3A_351 : memref<1x128x128xf32, #tpu.memory_space<vmem>> -> memref<128x128xf32, #tpu.memory_space<vmem>>
        %parallel_loop3A_353 = tpu.vector_load_idx %parallel_loop3A_352[%add3A_338, %parallel_loop3A_348] : memref<128x128xf32, #tpu.memory_space<vmem>>[vector<16xi32>, vector<16xi32>], vector<16xf32>,
        %parallel_loop3A_354 = arith.index_cast %parallel_loop3A_346 : i32 to index
        %parallel_loop3A_355 = arith.index_cast %add3A_342 : i32 to index
        %parallel_loop3A_356 = tpu.vector_load %arg13[%parallel_loop3A_354, %parallel_loop3A_355] {strides = array<i32>} : memref<16x512xf32, #tpu.memory_space<vmem>>, vector<16xf32>,
        tpu.vector_store %arg13[%parallel_loop3A_354, %parallel_loop3A_355], %parallel_loop3A_353 {strides = array<i32>} : memref<16x512xf32, #tpu.memory_space<vmem>>, vector<16xf32>,
      } {sc.loop_unroll_factor = 8 : i64, sc.parallel_access}
      %scan3A_345 = arith.constant 0 : i32
      scf.yield %scan3A_345 : i32
    }
    %scan3A_136 = arith.constant 8 : i32
    %dma_wait3A_137 = arith.constant 2 : i32
    %dma_wait3A_138 = arith.constant 0 : i32
    %dma_wait3A_139 = arith.constant 0 : i32
    %dma_wait3A_140 = arith.constant 0 : i32
    %dma_wait3A_141 = tpu.memref_slice %arg12[%dma_wait3A_138, %dma_wait3A_139, %dma_wait3A_140] : memref<2x128x128xf32, #tpu.memory_space<vmem>> -> memref<1x128x128xf32, #tpu.memory_space<vmem>>
    %dma_wait3A_142 = tpu.memref_squeeze %dma_wait3A_141 : memref<1x128x128xf32, #tpu.memory_space<vmem>> -> memref<128x128xf32, #tpu.memory_space<vmem>>
    %dma_wait3A_143 = arith.constant 0 : i32
    %dma_wait3A_144 = tpu.memref_slice %arg10[%dma_wait3A_137, %dma_wait3A_143] : memref<4x128xi32, #tpu.memory_space<vmem>> -> memref<1x128xi32, #tpu.memory_space<vmem>>
    %dma_wait3A_145 = tpu.memref_squeeze %dma_wait3A_144 : memref<1x128xi32, #tpu.memory_space<vmem>> -> memref<128xi32, #tpu.memory_space<vmem>>
    %dma_wait3A_146 = arith.constant 0 : i32
    %dma_wait3A_147 = arith.constant 0 : i32
    %dma_wait3A_148 = tpu.memref_slice %arg4[%dma_wait3A_146, %dma_wait3A_147] : memref<125000x128xf32, #tpu.memory_space<hbm>> -> memref<125000x128xf32, #tpu.memory_space<hbm>>
    tpu.wait_indirect_dma semaphore(%arg15 : memref<!tpu.dma_semaphore, #tpu.memory_space<semaphore_mem>>) src(%dma_wait3A_148 : memref<125000x128xf32, #tpu.memory_space<hbm>>) dst(%dma_wait3A_142 : memref<128x128xf32, #tpu.memory_space<vmem>>)
    %dma_start3A_149 = arith.constant 3 : i32
    %dma_start3A_150 = arith.constant 1 : i32
    %dma_start3A_151 = arith.constant 0 : i32
    %dma_start3A_152 = arith.constant 0 : i32
    %dma_start3A_153 = tpu.memref_slice %arg12[%dma_start3A_150, %dma_start3A_151, %dma_start3A_152] : memref<2x128x128xf32, #tpu.memory_space<vmem>> -> memref<1x128x128xf32, #tpu.memory_space<vmem>>
    %dma_start3A_154 = tpu.memref_squeeze %dma_start3A_153 : memref<1x128x128xf32, #tpu.memory_space<vmem>> -> memref<128x128xf32, #tpu.memory_space<vmem>>
    %dma_start3A_155 = arith.constant 0 : i32
    %dma_start3A_156 = tpu.memref_slice %arg10[%dma_start3A_149, %dma_start3A_155] : memref<4x128xi32, #tpu.memory_space<vmem>> -> memref<1x128xi32, #tpu.memory_space<vmem>>
    %dma_start3A_157 = tpu.memref_squeeze %dma_start3A_156 : memref<1x128xi32, #tpu.memory_space<vmem>> -> memref<128xi32, #tpu.memory_space<vmem>>
    %dma_start3A_158 = arith.constant 0 : i32
    %dma_start3A_159 = arith.constant 0 : i32
    %dma_start3A_160 = tpu.memref_slice %arg4[%dma_start3A_158, %dma_start3A_159] : memref<125000x128xf32, #tpu.memory_space<hbm>> -> memref<125000x128xf32, #tpu.memory_space<hbm>>
    tpu.enqueue_indirect_dma source(%dma_start3A_160 : memref<125000x128xf32, #tpu.memory_space<hbm>>) target(%dma_start3A_154 : memref<128x128xf32, #tpu.memory_space<vmem>>) offsets(%dma_start3A_157 : memref<128xi32, #tpu.memory_space<vmem>>) semaphore(%arg15 : memref<!tpu.dma_semaphore, #tpu.memory_space<semaphore_mem>>)
    %iota3A_161 = tpu.iota {dimensions = array<i32: 0>} : vector<16xi32>
    %scan3A_162 = arith.constant 0 : i32
    %scan3A_163 = arith.constant 0 : i32
    %scan3A_164 = arith.constant 0 : i32
    %scan3A_165 = arith.constant 8 : i32
    %scan3A_166 = arith.addi %scan3A_164, %scan3A_165 : i32
    %scan3A_167 = arith.constant 1 : i32
    %scan3A_168 = scf.for %scan3A_323 = %scan3A_164 to %scan3A_166 step %scan3A_167 iter_args(%scan3A_324 = %scan3A_163) -> (i32)  : i32 {
      %mul3A_325 = arith.constant 16 : i32
      %mul3A_326 = arith.muli %scan3A_323, %mul3A_325 : i32
      %get3A = arith.constant 2 : i32
      %get3A_327 = arith.index_cast %get3A : i32 to index
      %get3A_328 = arith.index_cast %mul3A_326 : i32 to index
      %get3A_329 = tpu.vector_load %arg8[%get3A_327, %get3A_328] {strides = array<i32>} : memref<4x128xi32, #tpu.memory_space<vmem>>, vector<16xi32>,
      %and3A = arith.constant 7 : i32
      %and3A_330 = vector.broadcast %and3A : i32 to vector<16xi32>
      %and3A_331 = arith.andi %get3A_329, %and3A_330 : vector<16xi32>
      %mul3A_332 = arith.constant 16 : i32
      %mul3A_333 = vector.broadcast %mul3A_332 : i32 to vector<16xi32>
      %mul3A_334 = arith.muli %and3A_331, %mul3A_333 : vector<16xi32>
      %mul3A_335 = arith.constant 16 : i32
      %mul3A_336 = arith.muli %scan3A_323, %mul3A_335 : i32
      %add3A_337 = vector.broadcast %mul3A_336 : i32 to vector<16xi32>
      %add3A_338 = arith.addi %add3A_337, %iota3A_161 : vector<16xi32>
      %mul3A_339 = arith.constant 16 : i32
      %mul3A_340 = arith.muli %scan3A_323, %mul3A_339 : i32
      %add3A_341 = arith.constant 256 : i32
      %add3A_342 = arith.addi %add3A_341, %mul3A_340 : i32
      %parallel_loop3A = arith.constant 0 : i32
      %parallel_loop3A_343 = arith.constant 16 : i32
      %parallel_loop3A_344 = arith.constant 1 : i32
      scf.for %parallel_loop3A_346 = %parallel_loop3A to %parallel_loop3A_343 step %parallel_loop3A_344  : i32 {
        %parallel_loop3A_347 = vector.broadcast %parallel_loop3A_346 : i32 to vector<16xi32>
        %parallel_loop3A_348 = arith.addi %mul3A_334, %parallel_loop3A_347 : vector<16xi32>
        %parallel_loop3A_349 = arith.constant 0 : i32
        %parallel_loop3A_350 = arith.constant 0 : i32
        %parallel_loop3A_351 = tpu.memref_slice %arg12[%scan3A_162, %parallel_loop3A_349, %parallel_loop3A_350] : memref<2x128x128xf32, #tpu.memory_space<vmem>> -> memref<1x128x128xf32, #tpu.memory_space<vmem>>
        %parallel_loop3A_352 = tpu.memref_squeeze %parallel_loop3A_351 : memref<1x128x128xf32, #tpu.memory_space<vmem>> -> memref<128x128xf32, #tpu.memory_space<vmem>>
        %parallel_loop3A_353 = tpu.vector_load_idx %parallel_loop3A_352[%add3A_338, %parallel_loop3A_348] : memref<128x128xf32, #tpu.memory_space<vmem>>[vector<16xi32>, vector<16xi32>], vector<16xf32>,
        %parallel_loop3A_354 = arith.index_cast %parallel_loop3A_346 : i32 to index
        %parallel_loop3A_355 = arith.index_cast %add3A_342 : i32 to index
        %parallel_loop3A_356 = tpu.vector_load %arg13[%parallel_loop3A_354, %parallel_loop3A_355] {strides = array<i32>} : memref<16x512xf32, #tpu.memory_space<vmem>>, vector<16xf32>,
        tpu.vector_store %arg13[%parallel_loop3A_354, %parallel_loop3A_355], %parallel_loop3A_353 {strides = array<i32>} : memref<16x512xf32, #tpu.memory_space<vmem>>, vector<16xf32>,
      } {sc.loop_unroll_factor = 8 : i64, sc.parallel_access}
      %scan3A_345 = arith.constant 0 : i32
      scf.yield %scan3A_345 : i32
    }
    %scan3A_169 = arith.constant 8 : i32
    %dma_wait3A_170 = arith.constant 3 : i32
    %dma_wait3A_171 = arith.constant 1 : i32
    %dma_wait3A_172 = arith.constant 0 : i32
    %dma_wait3A_173 = arith.constant 0 : i32
    %dma_wait3A_174 = tpu.memref_slice %arg12[%dma_wait3A_171, %dma_wait3A_172, %dma_wait3A_173] : memref<2x128x128xf32, #tpu.memory_space<vmem>> -> memref<1x128x128xf32, #tpu.memory_space<vmem>>
    %dma_wait3A_175 = tpu.memref_squeeze %dma_wait3A_174 : memref<1x128x128xf32, #tpu.memory_space<vmem>> -> memref<128x128xf32, #tpu.memory_space<vmem>>
    %dma_wait3A_176 = arith.constant 0 : i32
    %dma_wait3A_177 = tpu.memref_slice %arg10[%dma_wait3A_170, %dma_wait3A_176] : memref<4x128xi32, #tpu.memory_space<vmem>> -> memref<1x128xi32, #tpu.memory_space<vmem>>
    %dma_wait3A_178 = tpu.memref_squeeze %dma_wait3A_177 : memref<1x128xi32, #tpu.memory_space<vmem>> -> memref<128xi32, #tpu.memory_space<vmem>>
    %dma_wait3A_179 = arith.constant 0 : i32
    %dma_wait3A_180 = arith.constant 0 : i32
    %dma_wait3A_181 = tpu.memref_slice %arg4[%dma_wait3A_179, %dma_wait3A_180] : memref<125000x128xf32, #tpu.memory_space<hbm>> -> memref<125000x128xf32, #tpu.memory_space<hbm>>
    tpu.wait_indirect_dma semaphore(%arg15 : memref<!tpu.dma_semaphore, #tpu.memory_space<semaphore_mem>>) src(%dma_wait3A_181 : memref<125000x128xf32, #tpu.memory_space<hbm>>) dst(%dma_wait3A_175 : memref<128x128xf32, #tpu.memory_space<vmem>>)
    %dma_start3A_182 = arith.constant 0 : i32
    %dma_start3A_183 = arith.constant 0 : i32
    %dma_start3A_184 = arith.constant 0 : i32
    %dma_start3A_185 = arith.constant 0 : i32
    %dma_start3A_186 = tpu.memref_slice %arg12[%dma_start3A_183, %dma_start3A_184, %dma_start3A_185] : memref<2x128x128xf32, #tpu.memory_space<vmem>> -> memref<1x128x128xf32, #tpu.memory_space<vmem>>
    %dma_start3A_187 = tpu.memref_squeeze %dma_start3A_186 : memref<1x128x128xf32, #tpu.memory_space<vmem>> -> memref<128x128xf32, #tpu.memory_space<vmem>>
    %dma_start3A_188 = arith.constant 0 : i32
    %dma_start3A_189 = tpu.memref_slice %arg11[%dma_start3A_182, %dma_start3A_188] : memref<4x128xi32, #tpu.memory_space<vmem>> -> memref<1x128xi32, #tpu.memory_space<vmem>>
    %dma_start3A_190 = tpu.memref_squeeze %dma_start3A_189 : memref<1x128xi32, #tpu.memory_space<vmem>> -> memref<128xi32, #tpu.memory_space<vmem>>
    %dma_start3A_191 = arith.constant 0 : i32
    %dma_start3A_192 = arith.constant 0 : i32
    %dma_start3A_193 = tpu.memref_slice %arg5[%dma_start3A_191, %dma_start3A_192] : memref<12504x128xf32, #tpu.memory_space<hbm>> -> memref<12504x128xf32, #tpu.memory_space<hbm>>
    tpu.enqueue_indirect_dma source(%dma_start3A_193 : memref<12504x128xf32, #tpu.memory_space<hbm>>) target(%dma_start3A_187 : memref<128x128xf32, #tpu.memory_space<vmem>>) offsets(%dma_start3A_190 : memref<128xi32, #tpu.memory_space<vmem>>) semaphore(%arg15 : memref<!tpu.dma_semaphore, #tpu.memory_space<semaphore_mem>>)
    %iota3A_194 = tpu.iota {dimensions = array<i32: 0>} : vector<16xi32>
    %scan3A_195 = arith.constant 1 : i32
    %scan3A_196 = arith.constant 0 : i32
    %scan3A_197 = arith.constant 0 : i32
    %scan3A_198 = arith.constant 8 : i32
    %scan3A_199 = arith.addi %scan3A_197, %scan3A_198 : i32
    %scan3A_200 = arith.constant 1 : i32
    %scan3A_201 = scf.for %scan3A_323 = %scan3A_197 to %scan3A_199 step %scan3A_200 iter_args(%scan3A_324 = %scan3A_196) -> (i32)  : i32 {
      %mul3A_325 = arith.constant 16 : i32
      %mul3A_326 = arith.muli %scan3A_323, %mul3A_325 : i32
      %get3A = arith.constant 3 : i32
      %get3A_327 = arith.index_cast %get3A : i32 to index
      %get3A_328 = arith.index_cast %mul3A_326 : i32 to index
      %get3A_329 = tpu.vector_load %arg8[%get3A_327, %get3A_328] {strides = array<i32>} : memref<4x128xi32, #tpu.memory_space<vmem>>, vector<16xi32>,
      %and3A = arith.constant 7 : i32
      %and3A_330 = vector.broadcast %and3A : i32 to vector<16xi32>
      %and3A_331 = arith.andi %get3A_329, %and3A_330 : vector<16xi32>
      %mul3A_332 = arith.constant 16 : i32
      %mul3A_333 = vector.broadcast %mul3A_332 : i32 to vector<16xi32>
      %mul3A_334 = arith.muli %and3A_331, %mul3A_333 : vector<16xi32>
      %mul3A_335 = arith.constant 16 : i32
      %mul3A_336 = arith.muli %scan3A_323, %mul3A_335 : i32
      %add3A_337 = vector.broadcast %mul3A_336 : i32 to vector<16xi32>
      %add3A_338 = arith.addi %add3A_337, %iota3A_194 : vector<16xi32>
      %mul3A_339 = arith.constant 16 : i32
      %mul3A_340 = arith.muli %scan3A_323, %mul3A_339 : i32
      %add3A_341 = arith.constant 384 : i32
      %add3A_342 = arith.addi %add3A_341, %mul3A_340 : i32
      %parallel_loop3A = arith.constant 0 : i32
      %parallel_loop3A_343 = arith.constant 16 : i32
      %parallel_loop3A_344 = arith.constant 1 : i32
      scf.for %parallel_loop3A_346 = %parallel_loop3A to %parallel_loop3A_343 step %parallel_loop3A_344  : i32 {
        %parallel_loop3A_347 = vector.broadcast %parallel_loop3A_346 : i32 to vector<16xi32>
        %parallel_loop3A_348 = arith.addi %mul3A_334, %parallel_loop3A_347 : vector<16xi32>
        %parallel_loop3A_349 = arith.constant 0 : i32
        %parallel_loop3A_350 = arith.constant 0 : i32
        %parallel_loop3A_351 = tpu.memref_slice %arg12[%scan3A_195, %parallel_loop3A_349, %parallel_loop3A_350] : memref<2x128x128xf32, #tpu.memory_space<vmem>> -> memref<1x128x128xf32, #tpu.memory_space<vmem>>
        %parallel_loop3A_352 = tpu.memref_squeeze %parallel_loop3A_351 : memref<1x128x128xf32, #tpu.memory_space<vmem>> -> memref<128x128xf32, #tpu.memory_space<vmem>>
        %parallel_loop3A_353 = tpu.vector_load_idx %parallel_loop3A_352[%add3A_338, %parallel_loop3A_348] : memref<128x128xf32, #tpu.memory_space<vmem>>[vector<16xi32>, vector<16xi32>], vector<16xf32>,
        %parallel_loop3A_354 = arith.index_cast %parallel_loop3A_346 : i32 to index
        %parallel_loop3A_355 = arith.index_cast %add3A_342 : i32 to index
        %parallel_loop3A_356 = tpu.vector_load %arg13[%parallel_loop3A_354, %parallel_loop3A_355] {strides = array<i32>} : memref<16x512xf32, #tpu.memory_space<vmem>>, vector<16xf32>,
        tpu.vector_store %arg13[%parallel_loop3A_354, %parallel_loop3A_355], %parallel_loop3A_353 {strides = array<i32>} : memref<16x512xf32, #tpu.memory_space<vmem>>, vector<16xf32>,
      } {sc.loop_unroll_factor = 8 : i64, sc.parallel_access}
      %scan3A_345 = arith.constant 0 : i32
      scf.yield %scan3A_345 : i32
    }
    %scan3A_202 = arith.constant 8 : i32
    %dma_wait3A_203 = arith.constant 0 : i32
    %dma_wait3A_204 = arith.constant 0 : i32
    %dma_wait3A_205 = arith.constant 0 : i32
    %dma_wait3A_206 = arith.constant 0 : i32
    %dma_wait3A_207 = tpu.memref_slice %arg12[%dma_wait3A_204, %dma_wait3A_205, %dma_wait3A_206] : memref<2x128x128xf32, #tpu.memory_space<vmem>> -> memref<1x128x128xf32, #tpu.memory_space<vmem>>
    %dma_wait3A_208 = tpu.memref_squeeze %dma_wait3A_207 : memref<1x128x128xf32, #tpu.memory_space<vmem>> -> memref<128x128xf32, #tpu.memory_space<vmem>>
    %dma_wait3A_209 = arith.constant 0 : i32
    %dma_wait3A_210 = tpu.memref_slice %arg11[%dma_wait3A_203, %dma_wait3A_209] : memref<4x128xi32, #tpu.memory_space<vmem>> -> memref<1x128xi32, #tpu.memory_space<vmem>>
    %dma_wait3A_211 = tpu.memref_squeeze %dma_wait3A_210 : memref<1x128xi32, #tpu.memory_space<vmem>> -> memref<128xi32, #tpu.memory_space<vmem>>
    %dma_wait3A_212 = arith.constant 0 : i32
    %dma_wait3A_213 = arith.constant 0 : i32
    %dma_wait3A_214 = tpu.memref_slice %arg5[%dma_wait3A_212, %dma_wait3A_213] : memref<12504x128xf32, #tpu.memory_space<hbm>> -> memref<12504x128xf32, #tpu.memory_space<hbm>>
    tpu.wait_indirect_dma semaphore(%arg15 : memref<!tpu.dma_semaphore, #tpu.memory_space<semaphore_mem>>) src(%dma_wait3A_214 : memref<12504x128xf32, #tpu.memory_space<hbm>>) dst(%dma_wait3A_208 : memref<128x128xf32, #tpu.memory_space<vmem>>)
    %dma_start3A_215 = arith.constant 1 : i32
    %dma_start3A_216 = arith.constant 1 : i32
    %dma_start3A_217 = arith.constant 0 : i32
    %dma_start3A_218 = arith.constant 0 : i32
    %dma_start3A_219 = tpu.memref_slice %arg12[%dma_start3A_216, %dma_start3A_217, %dma_start3A_218] : memref<2x128x128xf32, #tpu.memory_space<vmem>> -> memref<1x128x128xf32, #tpu.memory_space<vmem>>
    %dma_start3A_220 = tpu.memref_squeeze %dma_start3A_219 : memref<1x128x128xf32, #tpu.memory_space<vmem>> -> memref<128x128xf32, #tpu.memory_space<vmem>>
    %dma_start3A_221 = arith.constant 0 : i32
    %dma_start3A_222 = tpu.memref_slice %arg11[%dma_start3A_215, %dma_start3A_221] : memref<4x128xi32, #tpu.memory_space<vmem>> -> memref<1x128xi32, #tpu.memory_space<vmem>>
    %dma_start3A_223 = tpu.memref_squeeze %dma_start3A_222 : memref<1x128xi32, #tpu.memory_space<vmem>> -> memref<128xi32, #tpu.memory_space<vmem>>
    %dma_start3A_224 = arith.constant 0 : i32
    %dma_start3A_225 = arith.constant 0 : i32
    %dma_start3A_226 = tpu.memref_slice %arg5[%dma_start3A_224, %dma_start3A_225] : memref<12504x128xf32, #tpu.memory_space<hbm>> -> memref<12504x128xf32, #tpu.memory_space<hbm>>
    tpu.enqueue_indirect_dma source(%dma_start3A_226 : memref<12504x128xf32, #tpu.memory_space<hbm>>) target(%dma_start3A_220 : memref<128x128xf32, #tpu.memory_space<vmem>>) offsets(%dma_start3A_223 : memref<128xi32, #tpu.memory_space<vmem>>) semaphore(%arg15 : memref<!tpu.dma_semaphore, #tpu.memory_space<semaphore_mem>>)
    %iota3A_227 = tpu.iota {dimensions = array<i32: 0>} : vector<16xi32>
    %scan3A_228 = arith.constant 0 : i32
    %scan3A_229 = arith.constant 0 : i32
    %scan3A_230 = arith.constant 0 : i32
    %scan3A_231 = arith.constant 8 : i32
    %scan3A_232 = arith.addi %scan3A_230, %scan3A_231 : i32
    %scan3A_233 = arith.constant 1 : i32
    %scan3A_234 = scf.for %scan3A_323 = %scan3A_230 to %scan3A_232 step %scan3A_233 iter_args(%scan3A_324 = %scan3A_229) -> (i32)  : i32 {
      %mul3A_325 = arith.constant 16 : i32
      %mul3A_326 = arith.muli %scan3A_323, %mul3A_325 : i32
      %get3A = arith.constant 0 : i32
      %get3A_327 = arith.index_cast %get3A : i32 to index
      %get3A_328 = arith.index_cast %mul3A_326 : i32 to index
      %get3A_329 = tpu.vector_load %arg9[%get3A_327, %get3A_328] {strides = array<i32>} : memref<4x128xi32, #tpu.memory_space<vmem>>, vector<16xi32>,
      %and3A = arith.constant 7 : i32
      %and3A_330 = vector.broadcast %and3A : i32 to vector<16xi32>
      %and3A_331 = arith.andi %get3A_329, %and3A_330 : vector<16xi32>
      %mul3A_332 = arith.constant 16 : i32
      %mul3A_333 = vector.broadcast %mul3A_332 : i32 to vector<16xi32>
      %mul3A_334 = arith.muli %and3A_331, %mul3A_333 : vector<16xi32>
      %mul3A_335 = arith.constant 16 : i32
      %mul3A_336 = arith.muli %scan3A_323, %mul3A_335 : i32
      %add3A_337 = vector.broadcast %mul3A_336 : i32 to vector<16xi32>
      %add3A_338 = arith.addi %add3A_337, %iota3A_227 : vector<16xi32>
      %mul3A_339 = arith.constant 16 : i32
      %mul3A_340 = arith.muli %scan3A_323, %mul3A_339 : i32
      %add3A_341 = arith.constant 0 : i32
      %add3A_342 = arith.addi %add3A_341, %mul3A_340 : i32
      %parallel_loop3A = arith.constant 0 : i32
      %parallel_loop3A_343 = arith.constant 16 : i32
      %parallel_loop3A_344 = arith.constant 1 : i32
      scf.for %parallel_loop3A_346 = %parallel_loop3A to %parallel_loop3A_343 step %parallel_loop3A_344  : i32 {
        %parallel_loop3A_347 = vector.broadcast %parallel_loop3A_346 : i32 to vector<16xi32>
        %parallel_loop3A_348 = arith.addi %mul3A_334, %parallel_loop3A_347 : vector<16xi32>
        %parallel_loop3A_349 = arith.constant 0 : i32
        %parallel_loop3A_350 = arith.constant 0 : i32
        %parallel_loop3A_351 = tpu.memref_slice %arg12[%scan3A_228, %parallel_loop3A_349, %parallel_loop3A_350] : memref<2x128x128xf32, #tpu.memory_space<vmem>> -> memref<1x128x128xf32, #tpu.memory_space<vmem>>
        %parallel_loop3A_352 = tpu.memref_squeeze %parallel_loop3A_351 : memref<1x128x128xf32, #tpu.memory_space<vmem>> -> memref<128x128xf32, #tpu.memory_space<vmem>>
        %parallel_loop3A_353 = tpu.vector_load_idx %parallel_loop3A_352[%add3A_338, %parallel_loop3A_348] : memref<128x128xf32, #tpu.memory_space<vmem>>[vector<16xi32>, vector<16xi32>], vector<16xf32>,
        %parallel_loop3A_354 = arith.index_cast %parallel_loop3A_346 : i32 to index
        %parallel_loop3A_355 = arith.index_cast %add3A_342 : i32 to index
        %parallel_loop3A_356 = tpu.vector_load %arg14[%parallel_loop3A_354, %parallel_loop3A_355] {strides = array<i32>} : memref<16x512xf32, #tpu.memory_space<vmem>>, vector<16xf32>,
        tpu.vector_store %arg14[%parallel_loop3A_354, %parallel_loop3A_355], %parallel_loop3A_353 {strides = array<i32>} : memref<16x512xf32, #tpu.memory_space<vmem>>, vector<16xf32>,
      } {sc.loop_unroll_factor = 8 : i64, sc.parallel_access}
      %scan3A_345 = arith.constant 0 : i32
      scf.yield %scan3A_345 : i32
    }
    %scan3A_235 = arith.constant 8 : i32
    %dma_wait3A_236 = arith.constant 1 : i32
    %dma_wait3A_237 = arith.constant 1 : i32
    %dma_wait3A_238 = arith.constant 0 : i32
    %dma_wait3A_239 = arith.constant 0 : i32
    %dma_wait3A_240 = tpu.memref_slice %arg12[%dma_wait3A_237, %dma_wait3A_238, %dma_wait3A_239] : memref<2x128x128xf32, #tpu.memory_space<vmem>> -> memref<1x128x128xf32, #tpu.memory_space<vmem>>
    %dma_wait3A_241 = tpu.memref_squeeze %dma_wait3A_240 : memref<1x128x128xf32, #tpu.memory_space<vmem>> -> memref<128x128xf32, #tpu.memory_space<vmem>>
    %dma_wait3A_242 = arith.constant 0 : i32
    %dma_wait3A_243 = tpu.memref_slice %arg11[%dma_wait3A_236, %dma_wait3A_242] : memref<4x128xi32, #tpu.memory_space<vmem>> -> memref<1x128xi32, #tpu.memory_space<vmem>>
    %dma_wait3A_244 = tpu.memref_squeeze %dma_wait3A_243 : memref<1x128xi32, #tpu.memory_space<vmem>> -> memref<128xi32, #tpu.memory_space<vmem>>
    %dma_wait3A_245 = arith.constant 0 : i32
    %dma_wait3A_246 = arith.constant 0 : i32
    %dma_wait3A_247 = tpu.memref_slice %arg5[%dma_wait3A_245, %dma_wait3A_246] : memref<12504x128xf32, #tpu.memory_space<hbm>> -> memref<12504x128xf32, #tpu.memory_space<hbm>>
    tpu.wait_indirect_dma semaphore(%arg15 : memref<!tpu.dma_semaphore, #tpu.memory_space<semaphore_mem>>) src(%dma_wait3A_247 : memref<12504x128xf32, #tpu.memory_space<hbm>>) dst(%dma_wait3A_241 : memref<128x128xf32, #tpu.memory_space<vmem>>)
    %dma_start3A_248 = arith.constant 2 : i32
    %dma_start3A_249 = arith.constant 0 : i32
    %dma_start3A_250 = arith.constant 0 : i32
    %dma_start3A_251 = arith.constant 0 : i32
    %dma_start3A_252 = tpu.memref_slice %arg12[%dma_start3A_249, %dma_start3A_250, %dma_start3A_251] : memref<2x128x128xf32, #tpu.memory_space<vmem>> -> memref<1x128x128xf32, #tpu.memory_space<vmem>>
    %dma_start3A_253 = tpu.memref_squeeze %dma_start3A_252 : memref<1x128x128xf32, #tpu.memory_space<vmem>> -> memref<128x128xf32, #tpu.memory_space<vmem>>
    %dma_start3A_254 = arith.constant 0 : i32
    %dma_start3A_255 = tpu.memref_slice %arg11[%dma_start3A_248, %dma_start3A_254] : memref<4x128xi32, #tpu.memory_space<vmem>> -> memref<1x128xi32, #tpu.memory_space<vmem>>
    %dma_start3A_256 = tpu.memref_squeeze %dma_start3A_255 : memref<1x128xi32, #tpu.memory_space<vmem>> -> memref<128xi32, #tpu.memory_space<vmem>>
    %dma_start3A_257 = arith.constant 0 : i32
    %dma_start3A_258 = arith.constant 0 : i32
    %dma_start3A_259 = tpu.memref_slice %arg5[%dma_start3A_257, %dma_start3A_258] : memref<12504x128xf32, #tpu.memory_space<hbm>> -> memref<12504x128xf32, #tpu.memory_space<hbm>>
    tpu.enqueue_indirect_dma source(%dma_start3A_259 : memref<12504x128xf32, #tpu.memory_space<hbm>>) target(%dma_start3A_253 : memref<128x128xf32, #tpu.memory_space<vmem>>) offsets(%dma_start3A_256 : memref<128xi32, #tpu.memory_space<vmem>>) semaphore(%arg15 : memref<!tpu.dma_semaphore, #tpu.memory_space<semaphore_mem>>)
    %iota3A_260 = tpu.iota {dimensions = array<i32: 0>} : vector<16xi32>
    %scan3A_261 = arith.constant 1 : i32
    %scan3A_262 = arith.constant 0 : i32
    %scan3A_263 = arith.constant 0 : i32
    %scan3A_264 = arith.constant 8 : i32
    %scan3A_265 = arith.addi %scan3A_263, %scan3A_264 : i32
    %scan3A_266 = arith.constant 1 : i32
    %scan3A_267 = scf.for %scan3A_323 = %scan3A_263 to %scan3A_265 step %scan3A_266 iter_args(%scan3A_324 = %scan3A_262) -> (i32)  : i32 {
      %mul3A_325 = arith.constant 16 : i32
      %mul3A_326 = arith.muli %scan3A_323, %mul3A_325 : i32
      %get3A = arith.constant 1 : i32
      %get3A_327 = arith.index_cast %get3A : i32 to index
      %get3A_328 = arith.index_cast %mul3A_326 : i32 to index
      %get3A_329 = tpu.vector_load %arg9[%get3A_327, %get3A_328] {strides = array<i32>} : memref<4x128xi32, #tpu.memory_space<vmem>>, vector<16xi32>,
      %and3A = arith.constant 7 : i32
      %and3A_330 = vector.broadcast %and3A : i32 to vector<16xi32>
      %and3A_331 = arith.andi %get3A_329, %and3A_330 : vector<16xi32>
      %mul3A_332 = arith.constant 16 : i32
      %mul3A_333 = vector.broadcast %mul3A_332 : i32 to vector<16xi32>
      %mul3A_334 = arith.muli %and3A_331, %mul3A_333 : vector<16xi32>
      %mul3A_335 = arith.constant 16 : i32
      %mul3A_336 = arith.muli %scan3A_323, %mul3A_335 : i32
      %add3A_337 = vector.broadcast %mul3A_336 : i32 to vector<16xi32>
      %add3A_338 = arith.addi %add3A_337, %iota3A_260 : vector<16xi32>
      %mul3A_339 = arith.constant 16 : i32
      %mul3A_340 = arith.muli %scan3A_323, %mul3A_339 : i32
      %add3A_341 = arith.constant 128 : i32
      %add3A_342 = arith.addi %add3A_341, %mul3A_340 : i32
      %parallel_loop3A = arith.constant 0 : i32
      %parallel_loop3A_343 = arith.constant 16 : i32
      %parallel_loop3A_344 = arith.constant 1 : i32
      scf.for %parallel_loop3A_346 = %parallel_loop3A to %parallel_loop3A_343 step %parallel_loop3A_344  : i32 {
        %parallel_loop3A_347 = vector.broadcast %parallel_loop3A_346 : i32 to vector<16xi32>
        %parallel_loop3A_348 = arith.addi %mul3A_334, %parallel_loop3A_347 : vector<16xi32>
        %parallel_loop3A_349 = arith.constant 0 : i32
        %parallel_loop3A_350 = arith.constant 0 : i32
        %parallel_loop3A_351 = tpu.memref_slice %arg12[%scan3A_261, %parallel_loop3A_349, %parallel_loop3A_350] : memref<2x128x128xf32, #tpu.memory_space<vmem>> -> memref<1x128x128xf32, #tpu.memory_space<vmem>>
        %parallel_loop3A_352 = tpu.memref_squeeze %parallel_loop3A_351 : memref<1x128x128xf32, #tpu.memory_space<vmem>> -> memref<128x128xf32, #tpu.memory_space<vmem>>
        %parallel_loop3A_353 = tpu.vector_load_idx %parallel_loop3A_352[%add3A_338, %parallel_loop3A_348] : memref<128x128xf32, #tpu.memory_space<vmem>>[vector<16xi32>, vector<16xi32>], vector<16xf32>,
        %parallel_loop3A_354 = arith.index_cast %parallel_loop3A_346 : i32 to index
        %parallel_loop3A_355 = arith.index_cast %add3A_342 : i32 to index
        %parallel_loop3A_356 = tpu.vector_load %arg14[%parallel_loop3A_354, %parallel_loop3A_355] {strides = array<i32>} : memref<16x512xf32, #tpu.memory_space<vmem>>, vector<16xf32>,
        tpu.vector_store %arg14[%parallel_loop3A_354, %parallel_loop3A_355], %parallel_loop3A_353 {strides = array<i32>} : memref<16x512xf32, #tpu.memory_space<vmem>>, vector<16xf32>,
      } {sc.loop_unroll_factor = 8 : i64, sc.parallel_access}
      %scan3A_345 = arith.constant 0 : i32
      scf.yield %scan3A_345 : i32
    }
    %scan3A_268 = arith.constant 8 : i32
    %dma_wait3A_269 = arith.constant 2 : i32
    %dma_wait3A_270 = arith.constant 0 : i32
    %dma_wait3A_271 = arith.constant 0 : i32
    %dma_wait3A_272 = arith.constant 0 : i32
    %dma_wait3A_273 = tpu.memref_slice %arg12[%dma_wait3A_270, %dma_wait3A_271, %dma_wait3A_272] : memref<2x128x128xf32, #tpu.memory_space<vmem>> -> memref<1x128x128xf32, #tpu.memory_space<vmem>>
    %dma_wait3A_274 = tpu.memref_squeeze %dma_wait3A_273 : memref<1x128x128xf32, #tpu.memory_space<vmem>> -> memref<128x128xf32, #tpu.memory_space<vmem>>
    %dma_wait3A_275 = arith.constant 0 : i32
    %dma_wait3A_276 = tpu.memref_slice %arg11[%dma_wait3A_269, %dma_wait3A_275] : memref<4x128xi32, #tpu.memory_space<vmem>> -> memref<1x128xi32, #tpu.memory_space<vmem>>
    %dma_wait3A_277 = tpu.memref_squeeze %dma_wait3A_276 : memref<1x128xi32, #tpu.memory_space<vmem>> -> memref<128xi32, #tpu.memory_space<vmem>>
    %dma_wait3A_278 = arith.constant 0 : i32
    %dma_wait3A_279 = arith.constant 0 : i32
    %dma_wait3A_280 = tpu.memref_slice %arg5[%dma_wait3A_278, %dma_wait3A_279] : memref<12504x128xf32, #tpu.memory_space<hbm>> -> memref<12504x128xf32, #tpu.memory_space<hbm>>
    tpu.wait_indirect_dma semaphore(%arg15 : memref<!tpu.dma_semaphore, #tpu.memory_space<semaphore_mem>>) src(%dma_wait3A_280 : memref<12504x128xf32, #tpu.memory_space<hbm>>) dst(%dma_wait3A_274 : memref<128x128xf32, #tpu.memory_space<vmem>>)
    %dma_start3A_281 = arith.constant 3 : i32
    %dma_start3A_282 = arith.constant 1 : i32
    %dma_start3A_283 = arith.constant 0 : i32
    %dma_start3A_284 = arith.constant 0 : i32
    %dma_start3A_285 = tpu.memref_slice %arg12[%dma_start3A_282, %dma_start3A_283, %dma_start3A_284] : memref<2x128x128xf32, #tpu.memory_space<vmem>> -> memref<1x128x128xf32, #tpu.memory_space<vmem>>
    %dma_start3A_286 = tpu.memref_squeeze %dma_start3A_285 : memref<1x128x128xf32, #tpu.memory_space<vmem>> -> memref<128x128xf32, #tpu.memory_space<vmem>>
    %dma_start3A_287 = arith.constant 0 : i32
    %dma_start3A_288 = tpu.memref_slice %arg11[%dma_start3A_281, %dma_start3A_287] : memref<4x128xi32, #tpu.memory_space<vmem>> -> memref<1x128xi32, #tpu.memory_space<vmem>>
    %dma_start3A_289 = tpu.memref_squeeze %dma_start3A_288 : memref<1x128xi32, #tpu.memory_space<vmem>> -> memref<128xi32, #tpu.memory_space<vmem>>
    %dma_start3A_290 = arith.constant 0 : i32
    %dma_start3A_291 = arith.constant 0 : i32
    %dma_start3A_292 = tpu.memref_slice %arg5[%dma_start3A_290, %dma_start3A_291] : memref<12504x128xf32, #tpu.memory_space<hbm>> -> memref<12504x128xf32, #tpu.memory_space<hbm>>
    tpu.enqueue_indirect_dma source(%dma_start3A_292 : memref<12504x128xf32, #tpu.memory_space<hbm>>) target(%dma_start3A_286 : memref<128x128xf32, #tpu.memory_space<vmem>>) offsets(%dma_start3A_289 : memref<128xi32, #tpu.memory_space<vmem>>) semaphore(%arg15 : memref<!tpu.dma_semaphore, #tpu.memory_space<semaphore_mem>>)
    %iota3A_293 = tpu.iota {dimensions = array<i32: 0>} : vector<16xi32>
    %scan3A_294 = arith.constant 0 : i32
    %scan3A_295 = arith.constant 0 : i32
    %scan3A_296 = arith.constant 0 : i32
    %scan3A_297 = arith.constant 8 : i32
    %scan3A_298 = arith.addi %scan3A_296, %scan3A_297 : i32
    %scan3A_299 = arith.constant 1 : i32
    %scan3A_300 = scf.for %scan3A_323 = %scan3A_296 to %scan3A_298 step %scan3A_299 iter_args(%scan3A_324 = %scan3A_295) -> (i32)  : i32 {
      %mul3A_325 = arith.constant 16 : i32
      %mul3A_326 = arith.muli %scan3A_323, %mul3A_325 : i32
      %get3A = arith.constant 2 : i32
      %get3A_327 = arith.index_cast %get3A : i32 to index
      %get3A_328 = arith.index_cast %mul3A_326 : i32 to index
      %get3A_329 = tpu.vector_load %arg9[%get3A_327, %get3A_328] {strides = array<i32>} : memref<4x128xi32, #tpu.memory_space<vmem>>, vector<16xi32>,
      %and3A = arith.constant 7 : i32
      %and3A_330 = vector.broadcast %and3A : i32 to vector<16xi32>
      %and3A_331 = arith.andi %get3A_329, %and3A_330 : vector<16xi32>
      %mul3A_332 = arith.constant 16 : i32
      %mul3A_333 = vector.broadcast %mul3A_332 : i32 to vector<16xi32>
      %mul3A_334 = arith.muli %and3A_331, %mul3A_333 : vector<16xi32>
      %mul3A_335 = arith.constant 16 : i32
      %mul3A_336 = arith.muli %scan3A_323, %mul3A_335 : i32
      %add3A_337 = vector.broadcast %mul3A_336 : i32 to vector<16xi32>
      %add3A_338 = arith.addi %add3A_337, %iota3A_293 : vector<16xi32>
      %mul3A_339 = arith.constant 16 : i32
      %mul3A_340 = arith.muli %scan3A_323, %mul3A_339 : i32
      %add3A_341 = arith.constant 256 : i32
      %add3A_342 = arith.addi %add3A_341, %mul3A_340 : i32
      %parallel_loop3A = arith.constant 0 : i32
      %parallel_loop3A_343 = arith.constant 16 : i32
      %parallel_loop3A_344 = arith.constant 1 : i32
      scf.for %parallel_loop3A_346 = %parallel_loop3A to %parallel_loop3A_343 step %parallel_loop3A_344  : i32 {
        %parallel_loop3A_347 = vector.broadcast %parallel_loop3A_346 : i32 to vector<16xi32>
        %parallel_loop3A_348 = arith.addi %mul3A_334, %parallel_loop3A_347 : vector<16xi32>
        %parallel_loop3A_349 = arith.constant 0 : i32
        %parallel_loop3A_350 = arith.constant 0 : i32
        %parallel_loop3A_351 = tpu.memref_slice %arg12[%scan3A_294, %parallel_loop3A_349, %parallel_loop3A_350] : memref<2x128x128xf32, #tpu.memory_space<vmem>> -> memref<1x128x128xf32, #tpu.memory_space<vmem>>
        %parallel_loop3A_352 = tpu.memref_squeeze %parallel_loop3A_351 : memref<1x128x128xf32, #tpu.memory_space<vmem>> -> memref<128x128xf32, #tpu.memory_space<vmem>>
        %parallel_loop3A_353 = tpu.vector_load_idx %parallel_loop3A_352[%add3A_338, %parallel_loop3A_348] : memref<128x128xf32, #tpu.memory_space<vmem>>[vector<16xi32>, vector<16xi32>], vector<16xf32>,
        %parallel_loop3A_354 = arith.index_cast %parallel_loop3A_346 : i32 to index
        %parallel_loop3A_355 = arith.index_cast %add3A_342 : i32 to index
        %parallel_loop3A_356 = tpu.vector_load %arg14[%parallel_loop3A_354, %parallel_loop3A_355] {strides = array<i32>} : memref<16x512xf32, #tpu.memory_space<vmem>>, vector<16xf32>,
        tpu.vector_store %arg14[%parallel_loop3A_354, %parallel_loop3A_355], %parallel_loop3A_353 {strides = array<i32>} : memref<16x512xf32, #tpu.memory_space<vmem>>, vector<16xf32>,
      } {sc.loop_unroll_factor = 8 : i64, sc.parallel_access}
      %scan3A_345 = arith.constant 0 : i32
      scf.yield %scan3A_345 : i32
    }
    %scan3A_301 = arith.constant 8 : i32
    %dma_wait3A_302 = arith.constant 3 : i32
    %dma_wait3A_303 = arith.constant 1 : i32
    %dma_wait3A_304 = arith.constant 0 : i32
    %dma_wait3A_305 = arith.constant 0 : i32
    %dma_wait3A_306 = tpu.memref_slice %arg12[%dma_wait3A_303, %dma_wait3A_304, %dma_wait3A_305] : memref<2x128x128xf32, #tpu.memory_space<vmem>> -> memref<1x128x128xf32, #tpu.memory_space<vmem>>
    %dma_wait3A_307 = tpu.memref_squeeze %dma_wait3A_306 : memref<1x128x128xf32, #tpu.memory_space<vmem>> -> memref<128x128xf32, #tpu.memory_space<vmem>>
    %dma_wait3A_308 = arith.constant 0 : i32
    %dma_wait3A_309 = tpu.memref_slice %arg11[%dma_wait3A_302, %dma_wait3A_308] : memref<4x128xi32, #tpu.memory_space<vmem>> -> memref<1x128xi32, #tpu.memory_space<vmem>>
    %dma_wait3A_310 = tpu.memref_squeeze %dma_wait3A_309 : memref<1x128xi32, #tpu.memory_space<vmem>> -> memref<128xi32, #tpu.memory_space<vmem>>
    %dma_wait3A_311 = arith.constant 0 : i32
    %dma_wait3A_312 = arith.constant 0 : i32
    %dma_wait3A_313 = tpu.memref_slice %arg5[%dma_wait3A_311, %dma_wait3A_312] : memref<12504x128xf32, #tpu.memory_space<hbm>> -> memref<12504x128xf32, #tpu.memory_space<hbm>>
    tpu.wait_indirect_dma semaphore(%arg15 : memref<!tpu.dma_semaphore, #tpu.memory_space<semaphore_mem>>) src(%dma_wait3A_313 : memref<12504x128xf32, #tpu.memory_space<hbm>>) dst(%dma_wait3A_307 : memref<128x128xf32, #tpu.memory_space<vmem>>)
    %iota3A_314 = tpu.iota {dimensions = array<i32: 0>} : vector<16xi32>
    %scan3A_315 = arith.constant 1 : i32
    %scan3A_316 = arith.constant 0 : i32
    %scan3A_317 = arith.constant 0 : i32
    %scan3A_318 = arith.constant 8 : i32
    %scan3A_319 = arith.addi %scan3A_317, %scan3A_318 : i32
    %scan3A_320 = arith.constant 1 : i32
    %scan3A_321 = scf.for %scan3A_323 = %scan3A_317 to %scan3A_319 step %scan3A_320 iter_args(%scan3A_324 = %scan3A_316) -> (i32)  : i32 {
      %mul3A_325 = arith.constant 16 : i32
      %mul3A_326 = arith.muli %scan3A_323, %mul3A_325 : i32
      %get3A = arith.constant 3 : i32
      %get3A_327 = arith.index_cast %get3A : i32 to index
      %get3A_328 = arith.index_cast %mul3A_326 : i32 to index
      %get3A_329 = tpu.vector_load %arg9[%get3A_327, %get3A_328] {strides = array<i32>} : memref<4x128xi32, #tpu.memory_space<vmem>>, vector<16xi32>,
      %and3A = arith.constant 7 : i32
      %and3A_330 = vector.broadcast %and3A : i32 to vector<16xi32>
      %and3A_331 = arith.andi %get3A_329, %and3A_330 : vector<16xi32>
      %mul3A_332 = arith.constant 16 : i32
      %mul3A_333 = vector.broadcast %mul3A_332 : i32 to vector<16xi32>
      %mul3A_334 = arith.muli %and3A_331, %mul3A_333 : vector<16xi32>
      %mul3A_335 = arith.constant 16 : i32
      %mul3A_336 = arith.muli %scan3A_323, %mul3A_335 : i32
      %add3A_337 = vector.broadcast %mul3A_336 : i32 to vector<16xi32>
      %add3A_338 = arith.addi %add3A_337, %iota3A_314 : vector<16xi32>
      %mul3A_339 = arith.constant 16 : i32
      %mul3A_340 = arith.muli %scan3A_323, %mul3A_339 : i32
      %add3A_341 = arith.constant 384 : i32
      %add3A_342 = arith.addi %add3A_341, %mul3A_340 : i32
      %parallel_loop3A = arith.constant 0 : i32
      %parallel_loop3A_343 = arith.constant 16 : i32
      %parallel_loop3A_344 = arith.constant 1 : i32
      scf.for %parallel_loop3A_346 = %parallel_loop3A to %parallel_loop3A_343 step %parallel_loop3A_344  : i32 {
        %parallel_loop3A_347 = vector.broadcast %parallel_loop3A_346 : i32 to vector<16xi32>
        %parallel_loop3A_348 = arith.addi %mul3A_334, %parallel_loop3A_347 : vector<16xi32>
        %parallel_loop3A_349 = arith.constant 0 : i32
        %parallel_loop3A_350 = arith.constant 0 : i32
        %parallel_loop3A_351 = tpu.memref_slice %arg12[%scan3A_315, %parallel_loop3A_349, %parallel_loop3A_350] : memref<2x128x128xf32, #tpu.memory_space<vmem>> -> memref<1x128x128xf32, #tpu.memory_space<vmem>>
        %parallel_loop3A_352 = tpu.memref_squeeze %parallel_loop3A_351 : memref<1x128x128xf32, #tpu.memory_space<vmem>> -> memref<128x128xf32, #tpu.memory_space<vmem>>
        %parallel_loop3A_353 = tpu.vector_load_idx %parallel_loop3A_352[%add3A_338, %parallel_loop3A_348] : memref<128x128xf32, #tpu.memory_space<vmem>>[vector<16xi32>, vector<16xi32>], vector<16xf32>,
        %parallel_loop3A_354 = arith.index_cast %parallel_loop3A_346 : i32 to index
        %parallel_loop3A_355 = arith.index_cast %add3A_342 : i32 to index
        %parallel_loop3A_356 = tpu.vector_load %arg14[%parallel_loop3A_354, %parallel_loop3A_355] {strides = array<i32>} : memref<16x512xf32, #tpu.memory_space<vmem>>, vector<16xf32>,
        tpu.vector_store %arg14[%parallel_loop3A_354, %parallel_loop3A_355], %parallel_loop3A_353 {strides = array<i32>} : memref<16x512xf32, #tpu.memory_space<vmem>>, vector<16xf32>,
      } {sc.loop_unroll_factor = 8 : i64, sc.parallel_access}
      %scan3A_345 = arith.constant 0 : i32
      scf.yield %scan3A_345 : i32
    }
    %scan3A_322 = arith.constant 8 : i32
    "tpu.region"() ({
      %run_scoped3A = tpu.sem_alloc : memref<!tpu.dma_semaphore, #tpu.memory_space<semaphore_mem>>
      %dma_start3A_323 = arith.constant 0 : i32
      %dma_start3A_324 = tpu.memref_slice %arg6[%dma_start3A_323, %mul3A_2] : memref<16x16384xf32, #tpu.memory_space<hbm>> -> memref<16x512xf32, #tpu.memory_space<hbm>>
      %dma_start3A_325 = arith.constant 0 : i32
      %dma_start3A_326 = tpu.memref_slice %arg6[%dma_start3A_325, %mul3A_2] : memref<16x16384xf32, #tpu.memory_space<hbm>> -> memref<16x512xf32, #tpu.memory_space<hbm>>
      tpu.enqueue_dma source(%arg13 : memref<16x512xf32, #tpu.memory_space<vmem>>) target(%dma_start3A_326 : memref<16x512xf32, #tpu.memory_space<hbm>>) target_semaphore(%run_scoped3A : memref<!tpu.dma_semaphore, #tpu.memory_space<semaphore_mem>>)
      %dma_wait3A_327 = arith.constant 0 : i32
      %dma_wait3A_328 = tpu.memref_slice %arg6[%dma_wait3A_327, %mul3A_2] : memref<16x16384xf32, #tpu.memory_space<hbm>> -> memref<16x512xf32, #tpu.memory_space<hbm>>
      %dma_wait3A_329 = arith.constant 0 : i32
      %dma_wait3A_330 = tpu.memref_slice %arg6[%dma_wait3A_329, %mul3A_2] : memref<16x16384xf32, #tpu.memory_space<hbm>> -> memref<16x512xf32, #tpu.memory_space<hbm>>
      tpu.wait_dma2 semaphore(%run_scoped3A : memref<!tpu.dma_semaphore, #tpu.memory_space<semaphore_mem>>) src(%arg13 : memref<16x512xf32, #tpu.memory_space<vmem>>) dst(%dma_wait3A_330 : memref<16x512xf32, #tpu.memory_space<hbm>>)
      tpu.yield
    }) : () -> ()
    "tpu.region"() ({
      %run_scoped3A = tpu.sem_alloc : memref<!tpu.dma_semaphore, #tpu.memory_space<semaphore_mem>>
      %dma_start3A_323 = arith.constant 0 : i32
      %dma_start3A_324 = tpu.memref_slice %arg7[%dma_start3A_323, %mul3A_2] : memref<16x16384xf32, #tpu.memory_space<hbm>> -> memref<16x512xf32, #tpu.memory_space<hbm>>
      %dma_start3A_325 = arith.constant 0 : i32
      %dma_start3A_326 = tpu.memref_slice %arg7[%dma_start3A_325, %mul3A_2] : memref<16x16384xf32, #tpu.memory_space<hbm>> -> memref<16x512xf32, #tpu.memory_space<hbm>>
      tpu.enqueue_dma source(%arg14 : memref<16x512xf32, #tpu.memory_space<vmem>>) target(%dma_start3A_326 : memref<16x512xf32, #tpu.memory_space<hbm>>) target_semaphore(%run_scoped3A : memref<!tpu.dma_semaphore, #tpu.memory_space<semaphore_mem>>)
      %dma_wait3A_327 = arith.constant 0 : i32
      %dma_wait3A_328 = tpu.memref_slice %arg7[%dma_wait3A_327, %mul3A_2] : memref<16x16384xf32, #tpu.memory_space<hbm>> -> memref<16x512xf32, #tpu.memory_space<hbm>>
      %dma_wait3A_329 = arith.constant 0 : i32
      %dma_wait3A_330 = tpu.memref_slice %arg7[%dma_wait3A_329, %mul3A_2] : memref<16x16384xf32, #tpu.memory_space<hbm>> -> memref<16x512xf32, #tpu.memory_space<hbm>>
      tpu.wait_dma2 semaphore(%run_scoped3A : memref<!tpu.dma_semaphore, #tpu.memory_space<semaphore_mem>>) src(%arg14 : memref<16x512xf32, #tpu.memory_space<vmem>>) dst(%dma_wait3A_330 : memref<16x512xf32, #tpu.memory_space<hbm>>)
      tpu.yield
    }) : () -> ()
    return
  }
}

#map = affine_map<(d0, d1) -> (0, 0)>
module attributes {stable_mosaic.version = 14 : i64} {
  func.func @_retile(%arg0: i32, %arg1: i32, %arg2: memref<16x1000000xf32, #tpu.memory_space<hbm>>, %arg3: memref<16x100000xf32, #tpu.memory_space<hbm>>, %arg4: memref<125000x128xf32, #tpu.memory_space<hbm>>, %arg5: memref<12504x128xf32, #tpu.memory_space<hbm>>, %arg6: memref<8x16x128xf32, #tpu.memory_space<vmem>>, %arg7: memref<8x16x128xf32, #tpu.memory_space<vmem>>, %arg8: memref<16x64xf32, #tpu.memory_space<vmem>>, %arg9: memref<16x32xf32, #tpu.memory_space<vmem>>, %arg10: memref<8x128xf32, #tpu.memory_space<vmem>>, %arg11: memref<!tpu.dma_semaphore, #tpu.memory_space<semaphore_mem>>, %arg12: memref<!tpu.dma_semaphore, #tpu.memory_space<semaphore_mem>>) attributes {dimension_semantics = [#tpu.dimension_semantics<core_parallel>, #tpu.dimension_semantics<subcore_parallel>], iteration_bounds = array<i64: 2, 16>, scalar_prefetch = 0 : i64, scratch_operands = 7 : i64, tpu.core_type = #tpu.core_type<sc_vector_subcore>, window_params = [{transform_indices = #map}, {transform_indices = #map}, {transform_indices = #map}, {transform_indices = #map}]} {
    %mul3A = arith.constant 2 : i32
    %mul3A_0 = arith.muli %arg1, %mul3A : i32
    %add3A = arith.addi %mul3A_0, %arg0 : i32
    %sub3A = arith.constant 7812 : i32
    %sub3A_1 = arith.subi %sub3A, %add3A : i32
    %add3A_2 = arith.constant 32 : i32
    %add3A_3 = arith.addi %sub3A_1, %add3A_2 : i32
    %sub3A_4 = arith.constant 1 : i32
    %sub3A_5 = arith.subi %add3A_3, %sub3A_4 : i32
    %jit3A = arith.constant 32 : i32
    %div3A = arith.divsi %sub3A_5, %jit3A : i32
    %sign3A = arith.constant 0 : i32
    %sign3A_6 = arith.cmpi sgt, %sub3A_5, %sign3A : i32
    %sign3A_7 = arith.extui %sign3A_6 : i1 to i32
    %sign3A_8 = arith.constant 0 : i32
    %sign3A_9 = arith.cmpi slt, %sub3A_5, %sign3A_8 : i32
    %sign3A_10 = arith.extui %sign3A_9 : i1 to i32
    %sign3A_11 = arith.subi %sign3A_7, %sign3A_10 : i32
    %sign3A_12 = arith.constant 0 : i32
    %sign3A_13 = arith.cmpi sgt, %jit3A, %sign3A_12 : i32
    %sign3A_14 = arith.extui %sign3A_13 : i1 to i32
    %sign3A_15 = arith.constant 0 : i32
    %sign3A_16 = arith.cmpi slt, %jit3A, %sign3A_15 : i32
    %sign3A_17 = arith.extui %sign3A_16 : i1 to i32
    %sign3A_18 = arith.subi %sign3A_14, %sign3A_17 : i32
    %ne3A = arith.cmpi ne, %sign3A_11, %sign3A_18 : i32
    %rem3A = arith.remsi %sub3A_5, %jit3A : i32
    %ne3A_19 = arith.constant 0 : i32
    %ne3A_20 = arith.cmpi ne, %rem3A, %ne3A_19 : i32
    %and3A = arith.andi %ne3A, %ne3A_20 : i1
    %sub3A_21 = arith.constant 1 : i32
    %sub3A_22 = arith.subi %div3A, %sub3A_21 : i32
    %select_n3A = arith.select %and3A, %sub3A_22, %div3A : i32
    %add3A_23 = arith.constant 0 : i32
    %add3A_24 = arith.addi %add3A, %add3A_23 : i32
    %mul3A_25 = arith.constant 128 : i32
    %mul3A_26 = arith.muli %add3A_24, %mul3A_25 : i32
    %dma_start3A = arith.constant 0 : i32
    %dma_start3A_27 = arith.constant 0 : i32
    %dma_start3A_28 = arith.constant 0 : i32
    %dma_start3A_29 = tpu.memref_slice %arg6[%dma_start3A, %dma_start3A_27, %dma_start3A_28] : memref<8x16x128xf32, #tpu.memory_space<vmem>> -> memref<1x16x128xf32, #tpu.memory_space<vmem>>
    %dma_start3A_30 = tpu.memref_squeeze %dma_start3A_29 : memref<1x16x128xf32, #tpu.memory_space<vmem>> -> memref<16x128xf32, #tpu.memory_space<vmem>>
    %dma_start3A_31 = arith.constant 0 : i32
    %dma_start3A_32 = tpu.memref_slice %arg2[%dma_start3A_31, %mul3A_26] : memref<16x1000000xf32, #tpu.memory_space<hbm>> -> memref<16x128xf32, #tpu.memory_space<hbm>>
    %dma_start3A_33 = arith.constant 0 : i32
    %dma_start3A_34 = arith.constant 0 : i32
    %dma_start3A_35 = tpu.memref_slice %arg6[%dma_start3A, %dma_start3A_33, %dma_start3A_34] : memref<8x16x128xf32, #tpu.memory_space<vmem>> -> memref<1x16x128xf32, #tpu.memory_space<vmem>>
    %dma_start3A_36 = tpu.memref_squeeze %dma_start3A_35 : memref<1x16x128xf32, #tpu.memory_space<vmem>> -> memref<16x128xf32, #tpu.memory_space<vmem>>
    %dma_start3A_37 = arith.constant 0 : i32
    %dma_start3A_38 = tpu.memref_slice %arg2[%dma_start3A_37, %mul3A_26] : memref<16x1000000xf32, #tpu.memory_space<hbm>> -> memref<16x128xf32, #tpu.memory_space<hbm>>
    tpu.enqueue_dma source(%dma_start3A_38 : memref<16x128xf32, #tpu.memory_space<hbm>>) target(%dma_start3A_36 : memref<16x128xf32, #tpu.memory_space<vmem>>) target_semaphore(%arg11 : memref<!tpu.dma_semaphore, #tpu.memory_space<semaphore_mem>>)
    %add3A_39 = arith.constant 32 : i32
    %add3A_40 = arith.addi %add3A, %add3A_39 : i32
    %mul3A_41 = arith.constant 128 : i32
    %mul3A_42 = arith.muli %add3A_40, %mul3A_41 : i32
    %dma_start3A_43 = arith.constant 1 : i32
    %dma_start3A_44 = arith.constant 0 : i32
    %dma_start3A_45 = arith.constant 0 : i32
    %dma_start3A_46 = tpu.memref_slice %arg6[%dma_start3A_43, %dma_start3A_44, %dma_start3A_45] : memref<8x16x128xf32, #tpu.memory_space<vmem>> -> memref<1x16x128xf32, #tpu.memory_space<vmem>>
    %dma_start3A_47 = tpu.memref_squeeze %dma_start3A_46 : memref<1x16x128xf32, #tpu.memory_space<vmem>> -> memref<16x128xf32, #tpu.memory_space<vmem>>
    %dma_start3A_48 = arith.constant 0 : i32
    %dma_start3A_49 = tpu.memref_slice %arg2[%dma_start3A_48, %mul3A_42] : memref<16x1000000xf32, #tpu.memory_space<hbm>> -> memref<16x128xf32, #tpu.memory_space<hbm>>
    %dma_start3A_50 = arith.constant 0 : i32
    %dma_start3A_51 = arith.constant 0 : i32
    %dma_start3A_52 = tpu.memref_slice %arg6[%dma_start3A_43, %dma_start3A_50, %dma_start3A_51] : memref<8x16x128xf32, #tpu.memory_space<vmem>> -> memref<1x16x128xf32, #tpu.memory_space<vmem>>
    %dma_start3A_53 = tpu.memref_squeeze %dma_start3A_52 : memref<1x16x128xf32, #tpu.memory_space<vmem>> -> memref<16x128xf32, #tpu.memory_space<vmem>>
    %dma_start3A_54 = arith.constant 0 : i32
    %dma_start3A_55 = tpu.memref_slice %arg2[%dma_start3A_54, %mul3A_42] : memref<16x1000000xf32, #tpu.memory_space<hbm>> -> memref<16x128xf32, #tpu.memory_space<hbm>>
    tpu.enqueue_dma source(%dma_start3A_55 : memref<16x128xf32, #tpu.memory_space<hbm>>) target(%dma_start3A_53 : memref<16x128xf32, #tpu.memory_space<vmem>>) target_semaphore(%arg11 : memref<!tpu.dma_semaphore, #tpu.memory_space<semaphore_mem>>)
    %add3A_56 = arith.constant 64 : i32
    %add3A_57 = arith.addi %add3A, %add3A_56 : i32
    %mul3A_58 = arith.constant 128 : i32
    %mul3A_59 = arith.muli %add3A_57, %mul3A_58 : i32
    %dma_start3A_60 = arith.constant 2 : i32
    %dma_start3A_61 = arith.constant 0 : i32
    %dma_start3A_62 = arith.constant 0 : i32
    %dma_start3A_63 = tpu.memref_slice %arg6[%dma_start3A_60, %dma_start3A_61, %dma_start3A_62] : memref<8x16x128xf32, #tpu.memory_space<vmem>> -> memref<1x16x128xf32, #tpu.memory_space<vmem>>
    %dma_start3A_64 = tpu.memref_squeeze %dma_start3A_63 : memref<1x16x128xf32, #tpu.memory_space<vmem>> -> memref<16x128xf32, #tpu.memory_space<vmem>>
    %dma_start3A_65 = arith.constant 0 : i32
    %dma_start3A_66 = tpu.memref_slice %arg2[%dma_start3A_65, %mul3A_59] : memref<16x1000000xf32, #tpu.memory_space<hbm>> -> memref<16x128xf32, #tpu.memory_space<hbm>>
    %dma_start3A_67 = arith.constant 0 : i32
    %dma_start3A_68 = arith.constant 0 : i32
    %dma_start3A_69 = tpu.memref_slice %arg6[%dma_start3A_60, %dma_start3A_67, %dma_start3A_68] : memref<8x16x128xf32, #tpu.memory_space<vmem>> -> memref<1x16x128xf32, #tpu.memory_space<vmem>>
    %dma_start3A_70 = tpu.memref_squeeze %dma_start3A_69 : memref<1x16x128xf32, #tpu.memory_space<vmem>> -> memref<16x128xf32, #tpu.memory_space<vmem>>
    %dma_start3A_71 = arith.constant 0 : i32
    %dma_start3A_72 = tpu.memref_slice %arg2[%dma_start3A_71, %mul3A_59] : memref<16x1000000xf32, #tpu.memory_space<hbm>> -> memref<16x128xf32, #tpu.memory_space<hbm>>
    tpu.enqueue_dma source(%dma_start3A_72 : memref<16x128xf32, #tpu.memory_space<hbm>>) target(%dma_start3A_70 : memref<16x128xf32, #tpu.memory_space<vmem>>) target_semaphore(%arg11 : memref<!tpu.dma_semaphore, #tpu.memory_space<semaphore_mem>>)
    %add3A_73 = arith.constant 96 : i32
    %add3A_74 = arith.addi %add3A, %add3A_73 : i32
    %mul3A_75 = arith.constant 128 : i32
    %mul3A_76 = arith.muli %add3A_74, %mul3A_75 : i32
    %dma_start3A_77 = arith.constant 3 : i32
    %dma_start3A_78 = arith.constant 0 : i32
    %dma_start3A_79 = arith.constant 0 : i32
    %dma_start3A_80 = tpu.memref_slice %arg6[%dma_start3A_77, %dma_start3A_78, %dma_start3A_79] : memref<8x16x128xf32, #tpu.memory_space<vmem>> -> memref<1x16x128xf32, #tpu.memory_space<vmem>>
    %dma_start3A_81 = tpu.memref_squeeze %dma_start3A_80 : memref<1x16x128xf32, #tpu.memory_space<vmem>> -> memref<16x128xf32, #tpu.memory_space<vmem>>
    %dma_start3A_82 = arith.constant 0 : i32
    %dma_start3A_83 = tpu.memref_slice %arg2[%dma_start3A_82, %mul3A_76] : memref<16x1000000xf32, #tpu.memory_space<hbm>> -> memref<16x128xf32, #tpu.memory_space<hbm>>
    %dma_start3A_84 = arith.constant 0 : i32
    %dma_start3A_85 = arith.constant 0 : i32
    %dma_start3A_86 = tpu.memref_slice %arg6[%dma_start3A_77, %dma_start3A_84, %dma_start3A_85] : memref<8x16x128xf32, #tpu.memory_space<vmem>> -> memref<1x16x128xf32, #tpu.memory_space<vmem>>
    %dma_start3A_87 = tpu.memref_squeeze %dma_start3A_86 : memref<1x16x128xf32, #tpu.memory_space<vmem>> -> memref<16x128xf32, #tpu.memory_space<vmem>>
    %dma_start3A_88 = arith.constant 0 : i32
    %dma_start3A_89 = tpu.memref_slice %arg2[%dma_start3A_88, %mul3A_76] : memref<16x1000000xf32, #tpu.memory_space<hbm>> -> memref<16x128xf32, #tpu.memory_space<hbm>>
    tpu.enqueue_dma source(%dma_start3A_89 : memref<16x128xf32, #tpu.memory_space<hbm>>) target(%dma_start3A_87 : memref<16x128xf32, #tpu.memory_space<vmem>>) target_semaphore(%arg11 : memref<!tpu.dma_semaphore, #tpu.memory_space<semaphore_mem>>)
    %add3A_90 = arith.constant 128 : i32
    %add3A_91 = arith.addi %add3A, %add3A_90 : i32
    %mul3A_92 = arith.constant 128 : i32
    %mul3A_93 = arith.muli %add3A_91, %mul3A_92 : i32
    %dma_start3A_94 = arith.constant 4 : i32
    %dma_start3A_95 = arith.constant 0 : i32
    %dma_start3A_96 = arith.constant 0 : i32
    %dma_start3A_97 = tpu.memref_slice %arg6[%dma_start3A_94, %dma_start3A_95, %dma_start3A_96] : memref<8x16x128xf32, #tpu.memory_space<vmem>> -> memref<1x16x128xf32, #tpu.memory_space<vmem>>
    %dma_start3A_98 = tpu.memref_squeeze %dma_start3A_97 : memref<1x16x128xf32, #tpu.memory_space<vmem>> -> memref<16x128xf32, #tpu.memory_space<vmem>>
    %dma_start3A_99 = arith.constant 0 : i32
    %dma_start3A_100 = tpu.memref_slice %arg2[%dma_start3A_99, %mul3A_93] : memref<16x1000000xf32, #tpu.memory_space<hbm>> -> memref<16x128xf32, #tpu.memory_space<hbm>>
    %dma_start3A_101 = arith.constant 0 : i32
    %dma_start3A_102 = arith.constant 0 : i32
    %dma_start3A_103 = tpu.memref_slice %arg6[%dma_start3A_94, %dma_start3A_101, %dma_start3A_102] : memref<8x16x128xf32, #tpu.memory_space<vmem>> -> memref<1x16x128xf32, #tpu.memory_space<vmem>>
    %dma_start3A_104 = tpu.memref_squeeze %dma_start3A_103 : memref<1x16x128xf32, #tpu.memory_space<vmem>> -> memref<16x128xf32, #tpu.memory_space<vmem>>
    %dma_start3A_105 = arith.constant 0 : i32
    %dma_start3A_106 = tpu.memref_slice %arg2[%dma_start3A_105, %mul3A_93] : memref<16x1000000xf32, #tpu.memory_space<hbm>> -> memref<16x128xf32, #tpu.memory_space<hbm>>
    tpu.enqueue_dma source(%dma_start3A_106 : memref<16x128xf32, #tpu.memory_space<hbm>>) target(%dma_start3A_104 : memref<16x128xf32, #tpu.memory_space<vmem>>) target_semaphore(%arg11 : memref<!tpu.dma_semaphore, #tpu.memory_space<semaphore_mem>>)
    %add3A_107 = arith.constant 160 : i32
    %add3A_108 = arith.addi %add3A, %add3A_107 : i32
    %mul3A_109 = arith.constant 128 : i32
    %mul3A_110 = arith.muli %add3A_108, %mul3A_109 : i32
    %dma_start3A_111 = arith.constant 5 : i32
    %dma_start3A_112 = arith.constant 0 : i32
    %dma_start3A_113 = arith.constant 0 : i32
    %dma_start3A_114 = tpu.memref_slice %arg6[%dma_start3A_111, %dma_start3A_112, %dma_start3A_113] : memref<8x16x128xf32, #tpu.memory_space<vmem>> -> memref<1x16x128xf32, #tpu.memory_space<vmem>>
    %dma_start3A_115 = tpu.memref_squeeze %dma_start3A_114 : memref<1x16x128xf32, #tpu.memory_space<vmem>> -> memref<16x128xf32, #tpu.memory_space<vmem>>
    %dma_start3A_116 = arith.constant 0 : i32
    %dma_start3A_117 = tpu.memref_slice %arg2[%dma_start3A_116, %mul3A_110] : memref<16x1000000xf32, #tpu.memory_space<hbm>> -> memref<16x128xf32, #tpu.memory_space<hbm>>
    %dma_start3A_118 = arith.constant 0 : i32
    %dma_start3A_119 = arith.constant 0 : i32
    %dma_start3A_120 = tpu.memref_slice %arg6[%dma_start3A_111, %dma_start3A_118, %dma_start3A_119] : memref<8x16x128xf32, #tpu.memory_space<vmem>> -> memref<1x16x128xf32, #tpu.memory_space<vmem>>
    %dma_start3A_121 = tpu.memref_squeeze %dma_start3A_120 : memref<1x16x128xf32, #tpu.memory_space<vmem>> -> memref<16x128xf32, #tpu.memory_space<vmem>>
    %dma_start3A_122 = arith.constant 0 : i32
    %dma_start3A_123 = tpu.memref_slice %arg2[%dma_start3A_122, %mul3A_110] : memref<16x1000000xf32, #tpu.memory_space<hbm>> -> memref<16x128xf32, #tpu.memory_space<hbm>>
    tpu.enqueue_dma source(%dma_start3A_123 : memref<16x128xf32, #tpu.memory_space<hbm>>) target(%dma_start3A_121 : memref<16x128xf32, #tpu.memory_space<vmem>>) target_semaphore(%arg11 : memref<!tpu.dma_semaphore, #tpu.memory_space<semaphore_mem>>)
    %add3A_124 = arith.constant 192 : i32
    %add3A_125 = arith.addi %add3A, %add3A_124 : i32
    %mul3A_126 = arith.constant 128 : i32
    %mul3A_127 = arith.muli %add3A_125, %mul3A_126 : i32
    %dma_start3A_128 = arith.constant 6 : i32
    %dma_start3A_129 = arith.constant 0 : i32
    %dma_start3A_130 = arith.constant 0 : i32
    %dma_start3A_131 = tpu.memref_slice %arg6[%dma_start3A_128, %dma_start3A_129, %dma_start3A_130] : memref<8x16x128xf32, #tpu.memory_space<vmem>> -> memref<1x16x128xf32, #tpu.memory_space<vmem>>
    %dma_start3A_132 = tpu.memref_squeeze %dma_start3A_131 : memref<1x16x128xf32, #tpu.memory_space<vmem>> -> memref<16x128xf32, #tpu.memory_space<vmem>>
    %dma_start3A_133 = arith.constant 0 : i32
    %dma_start3A_134 = tpu.memref_slice %arg2[%dma_start3A_133, %mul3A_127] : memref<16x1000000xf32, #tpu.memory_space<hbm>> -> memref<16x128xf32, #tpu.memory_space<hbm>>
    %dma_start3A_135 = arith.constant 0 : i32
    %dma_start3A_136 = arith.constant 0 : i32
    %dma_start3A_137 = tpu.memref_slice %arg6[%dma_start3A_128, %dma_start3A_135, %dma_start3A_136] : memref<8x16x128xf32, #tpu.memory_space<vmem>> -> memref<1x16x128xf32, #tpu.memory_space<vmem>>
    %dma_start3A_138 = tpu.memref_squeeze %dma_start3A_137 : memref<1x16x128xf32, #tpu.memory_space<vmem>> -> memref<16x128xf32, #tpu.memory_space<vmem>>
    %dma_start3A_139 = arith.constant 0 : i32
    %dma_start3A_140 = tpu.memref_slice %arg2[%dma_start3A_139, %mul3A_127] : memref<16x1000000xf32, #tpu.memory_space<hbm>> -> memref<16x128xf32, #tpu.memory_space<hbm>>
    tpu.enqueue_dma source(%dma_start3A_140 : memref<16x128xf32, #tpu.memory_space<hbm>>) target(%dma_start3A_138 : memref<16x128xf32, #tpu.memory_space<vmem>>) target_semaphore(%arg11 : memref<!tpu.dma_semaphore, #tpu.memory_space<semaphore_mem>>)
    %add3A_141 = arith.constant 224 : i32
    %add3A_142 = arith.addi %add3A, %add3A_141 : i32
    %mul3A_143 = arith.constant 128 : i32
    %mul3A_144 = arith.muli %add3A_142, %mul3A_143 : i32
    %dma_start3A_145 = arith.constant 7 : i32
    %dma_start3A_146 = arith.constant 0 : i32
    %dma_start3A_147 = arith.constant 0 : i32
    %dma_start3A_148 = tpu.memref_slice %arg6[%dma_start3A_145, %dma_start3A_146, %dma_start3A_147] : memref<8x16x128xf32, #tpu.memory_space<vmem>> -> memref<1x16x128xf32, #tpu.memory_space<vmem>>
    %dma_start3A_149 = tpu.memref_squeeze %dma_start3A_148 : memref<1x16x128xf32, #tpu.memory_space<vmem>> -> memref<16x128xf32, #tpu.memory_space<vmem>>
    %dma_start3A_150 = arith.constant 0 : i32
    %dma_start3A_151 = tpu.memref_slice %arg2[%dma_start3A_150, %mul3A_144] : memref<16x1000000xf32, #tpu.memory_space<hbm>> -> memref<16x128xf32, #tpu.memory_space<hbm>>
    %dma_start3A_152 = arith.constant 0 : i32
    %dma_start3A_153 = arith.constant 0 : i32
    %dma_start3A_154 = tpu.memref_slice %arg6[%dma_start3A_145, %dma_start3A_152, %dma_start3A_153] : memref<8x16x128xf32, #tpu.memory_space<vmem>> -> memref<1x16x128xf32, #tpu.memory_space<vmem>>
    %dma_start3A_155 = tpu.memref_squeeze %dma_start3A_154 : memref<1x16x128xf32, #tpu.memory_space<vmem>> -> memref<16x128xf32, #tpu.memory_space<vmem>>
    %dma_start3A_156 = arith.constant 0 : i32
    %dma_start3A_157 = tpu.memref_slice %arg2[%dma_start3A_156, %mul3A_144] : memref<16x1000000xf32, #tpu.memory_space<hbm>> -> memref<16x128xf32, #tpu.memory_space<hbm>>
    tpu.enqueue_dma source(%dma_start3A_157 : memref<16x128xf32, #tpu.memory_space<hbm>>) target(%dma_start3A_155 : memref<16x128xf32, #tpu.memory_space<vmem>>) target_semaphore(%arg11 : memref<!tpu.dma_semaphore, #tpu.memory_space<semaphore_mem>>)
    %while3A = arith.constant 0 : i32
    %while3A_158 = arith.constant 0 : i32
    %while3A_159 = arith.subi %select_n3A, %while3A : i32
    %while3A_160 = arith.addi %while3A, %while3A_159 : i32
    %while3A_161 = arith.constant 1 : i32
    %while3A_162 = arith.divsi %while3A_159, %while3A_161 : i32
    %while3A_163 = arith.muli %while3A_162, %while3A_161 : i32
    %while3A_164 = arith.addi %while3A, %while3A_163 : i32
    %while3A_165 = arith.constant 1 : i32
    %while3A_166 = scf.for %while3A_593 = %while3A to %while3A_164 step %while3A_165 iter_args(%while3A_594 = %while3A_158) -> (i32)  : i32 {
      %rem3A_595 = arith.constant 8 : i32
      %rem3A_596 = arith.remsi %while3A_593, %rem3A_595 : i32
      %dma_wait3A_597 = arith.constant 0 : i32
      %dma_wait3A_598 = arith.constant 0 : i32
      %dma_wait3A_599 = tpu.memref_slice %arg6[%rem3A_596, %dma_wait3A_597, %dma_wait3A_598] : memref<8x16x128xf32, #tpu.memory_space<vmem>> -> memref<1x16x128xf32, #tpu.memory_space<vmem>>
      %dma_wait3A_600 = tpu.memref_squeeze %dma_wait3A_599 : memref<1x16x128xf32, #tpu.memory_space<vmem>> -> memref<16x128xf32, #tpu.memory_space<vmem>>
      %dma_wait3A_601 = arith.constant 0 : i32
      %dma_wait3A_602 = arith.constant 0 : i32
      %dma_wait3A_603 = tpu.memref_slice %arg2[%dma_wait3A_601, %dma_wait3A_602] : memref<16x1000000xf32, #tpu.memory_space<hbm>> -> memref<16x128xf32, #tpu.memory_space<hbm>>
      %dma_wait3A_604 = arith.constant 0 : i32
      %dma_wait3A_605 = arith.constant 0 : i32
      %dma_wait3A_606 = tpu.memref_slice %arg6[%rem3A_596, %dma_wait3A_604, %dma_wait3A_605] : memref<8x16x128xf32, #tpu.memory_space<vmem>> -> memref<1x16x128xf32, #tpu.memory_space<vmem>>
      %dma_wait3A_607 = tpu.memref_squeeze %dma_wait3A_606 : memref<1x16x128xf32, #tpu.memory_space<vmem>> -> memref<16x128xf32, #tpu.memory_space<vmem>>
      %dma_wait3A_608 = arith.constant 0 : i32
      %dma_wait3A_609 = arith.constant 0 : i32
      %dma_wait3A_610 = tpu.memref_slice %arg2[%dma_wait3A_608, %dma_wait3A_609] : memref<16x1000000xf32, #tpu.memory_space<hbm>> -> memref<16x128xf32, #tpu.memory_space<hbm>>
      tpu.wait_dma2 semaphore(%arg11 : memref<!tpu.dma_semaphore, #tpu.memory_space<semaphore_mem>>) src(%dma_wait3A_610 : memref<16x128xf32, #tpu.memory_space<hbm>>) dst(%dma_wait3A_607 : memref<16x128xf32, #tpu.memory_space<vmem>>)
      %ge3A = arith.constant 8 : i32
      %ge3A_611 = arith.cmpi sge, %while3A_593, %ge3A : i32
      %convert_element_type3A_612 = arith.extui %ge3A_611 : i1 to i32
      %cond3A_613 = arith.constant 0 : i32
      %cond3A_614 = arith.cmpi ne, %convert_element_type3A_612, %cond3A_613 : i32
      scf.if %cond3A_614 {
        %dma_wait3A_641 = arith.constant 0 : i32
        %dma_wait3A_642 = arith.constant 0 : i32
        %dma_wait3A_643 = tpu.memref_slice %arg7[%rem3A_596, %dma_wait3A_641, %dma_wait3A_642] : memref<8x16x128xf32, #tpu.memory_space<vmem>> -> memref<1x16x128xf32, #tpu.memory_space<vmem>>
        %dma_wait3A_644 = tpu.memref_squeeze %dma_wait3A_643 : memref<1x16x128xf32, #tpu.memory_space<vmem>> -> memref<16x128xf32, #tpu.memory_space<vmem>>
        %dma_wait3A_645 = arith.constant 0 : i32
        %dma_wait3A_646 = arith.constant 0 : i32
        %dma_wait3A_647 = tpu.memref_slice %arg4[%dma_wait3A_645, %dma_wait3A_646] : memref<125000x128xf32, #tpu.memory_space<hbm>> -> memref<16x128xf32, #tpu.memory_space<hbm>>
        %dma_wait3A_648 = arith.constant 0 : i32
        %dma_wait3A_649 = arith.constant 0 : i32
        %dma_wait3A_650 = tpu.memref_slice %arg4[%dma_wait3A_648, %dma_wait3A_649] : memref<125000x128xf32, #tpu.memory_space<hbm>> -> memref<16x128xf32, #tpu.memory_space<hbm>>
        %dma_wait3A_651 = arith.constant 0 : i32
        %dma_wait3A_652 = arith.constant 0 : i32
        %dma_wait3A_653 = tpu.memref_slice %arg7[%rem3A_596, %dma_wait3A_651, %dma_wait3A_652] : memref<8x16x128xf32, #tpu.memory_space<vmem>> -> memref<1x16x128xf32, #tpu.memory_space<vmem>>
        %dma_wait3A_654 = tpu.memref_squeeze %dma_wait3A_653 : memref<1x16x128xf32, #tpu.memory_space<vmem>> -> memref<16x128xf32, #tpu.memory_space<vmem>>
        tpu.wait_dma2 semaphore(%arg12 : memref<!tpu.dma_semaphore, #tpu.memory_space<semaphore_mem>>) src(%dma_wait3A_654 : memref<16x128xf32, #tpu.memory_space<vmem>>) dst(%dma_wait3A_650 : memref<16x128xf32, #tpu.memory_space<hbm>>)
      } else {
      }
      %iota3A_615 = tpu.iota {dimensions = array<i32: 0>} : vector<16xi32>
      %parallel_loop3A = arith.constant 0 : i32
      %parallel_loop3A_616 = arith.constant 128 : i32
      %parallel_loop3A_617 = arith.constant 1 : i32
      scf.for %parallel_loop3A_641 = %parallel_loop3A to %parallel_loop3A_616 step %parallel_loop3A_617  : i32 {
        %parallel_loop3A_642 = arith.constant 3 : i32
        %parallel_loop3A_643 = arith.shrsi %parallel_loop3A_641, %parallel_loop3A_642 : i32
        %parallel_loop3A_644 = arith.constant 7 : i32
        %parallel_loop3A_645 = arith.andi %parallel_loop3A_641, %parallel_loop3A_644 : i32
        %parallel_loop3A_646 = arith.constant 0 : i32
        %parallel_loop3A_647 = vector.broadcast %parallel_loop3A_646 : i32 to vector<16xi32>
        %parallel_loop3A_648 = arith.muli %iota3A_615, %parallel_loop3A_647 : vector<16xi32>
        %parallel_loop3A_649 = vector.broadcast %parallel_loop3A_641 : i32 to vector<16xi32>
        %parallel_loop3A_650 = arith.addi %parallel_loop3A_648, %parallel_loop3A_649 : vector<16xi32>
        %parallel_loop3A_651 = arith.constant 0 : i32
        %parallel_loop3A_652 = arith.constant 0 : i32
        %parallel_loop3A_653 = tpu.memref_slice %arg6[%rem3A_596, %parallel_loop3A_651, %parallel_loop3A_652] : memref<8x16x128xf32, #tpu.memory_space<vmem>> -> memref<1x16x128xf32, #tpu.memory_space<vmem>>
        %parallel_loop3A_654 = tpu.memref_squeeze %parallel_loop3A_653 : memref<1x16x128xf32, #tpu.memory_space<vmem>> -> memref<16x128xf32, #tpu.memory_space<vmem>>
        %parallel_loop3A_655 = tpu.vector_load_idx %parallel_loop3A_654[%iota3A_615, %parallel_loop3A_650] : memref<16x128xf32, #tpu.memory_space<vmem>>[vector<16xi32>, vector<16xi32>], vector<16xf32>,
        %parallel_loop3A_656 = arith.constant 16 : i32
        %parallel_loop3A_657 = arith.muli %parallel_loop3A_645, %parallel_loop3A_656 : i32
        %parallel_loop3A_658 = arith.constant 0 : i32
        %parallel_loop3A_659 = arith.constant 0 : i32
        %parallel_loop3A_660 = tpu.memref_slice %arg7[%rem3A_596, %parallel_loop3A_658, %parallel_loop3A_659] : memref<8x16x128xf32, #tpu.memory_space<vmem>> -> memref<1x16x128xf32, #tpu.memory_space<vmem>>
        %parallel_loop3A_661 = tpu.memref_squeeze %parallel_loop3A_660 : memref<1x16x128xf32, #tpu.memory_space<vmem>> -> memref<16x128xf32, #tpu.memory_space<vmem>>
        %parallel_loop3A_662 = arith.index_cast %parallel_loop3A_643 : i32 to index
        %parallel_loop3A_663 = arith.index_cast %parallel_loop3A_657 : i32 to index
        %parallel_loop3A_664 = tpu.vector_load %parallel_loop3A_661[%parallel_loop3A_662, %parallel_loop3A_663] {strides = array<i32>} : memref<16x128xf32, #tpu.memory_space<vmem>>, vector<16xf32>,
        tpu.vector_store %parallel_loop3A_661[%parallel_loop3A_662, %parallel_loop3A_663], %parallel_loop3A_655 {strides = array<i32>} : memref<16x128xf32, #tpu.memory_space<vmem>>, vector<16xf32>,
      } {sc.loop_unroll_factor = 8 : i64, sc.parallel_access}
      %mul3A_618 = arith.constant 32 : i32
      %mul3A_619 = arith.muli %mul3A_618, %while3A_593 : i32
      %add3A_620 = arith.addi %add3A, %mul3A_619 : i32
      %mul3A_621 = arith.constant 16 : i32
      %mul3A_622 = arith.muli %add3A_620, %mul3A_621 : i32
      %dma_start3A_623 = arith.constant 0 : i32
      %dma_start3A_624 = arith.constant 0 : i32
      %dma_start3A_625 = tpu.memref_slice %arg7[%rem3A_596, %dma_start3A_623, %dma_start3A_624] : memref<8x16x128xf32, #tpu.memory_space<vmem>> -> memref<1x16x128xf32, #tpu.memory_space<vmem>>
      %dma_start3A_626 = tpu.memref_squeeze %dma_start3A_625 : memref<1x16x128xf32, #tpu.memory_space<vmem>> -> memref<16x128xf32, #tpu.memory_space<vmem>>
      %dma_start3A_627 = arith.constant 0 : i32
      %dma_start3A_628 = tpu.memref_slice %arg4[%mul3A_622, %dma_start3A_627] : memref<125000x128xf32, #tpu.memory_space<hbm>> -> memref<16x128xf32, #tpu.memory_space<hbm>>
      %dma_start3A_629 = arith.constant 0 : i32
      %dma_start3A_630 = tpu.memref_slice %arg4[%mul3A_622, %dma_start3A_629] : memref<125000x128xf32, #tpu.memory_space<hbm>> -> memref<16x128xf32, #tpu.memory_space<hbm>>
      %dma_start3A_631 = arith.constant 0 : i32
      %dma_start3A_632 = arith.constant 0 : i32
      %dma_start3A_633 = tpu.memref_slice %arg7[%rem3A_596, %dma_start3A_631, %dma_start3A_632] : memref<8x16x128xf32, #tpu.memory_space<vmem>> -> memref<1x16x128xf32, #tpu.memory_space<vmem>>
      %dma_start3A_634 = tpu.memref_squeeze %dma_start3A_633 : memref<1x16x128xf32, #tpu.memory_space<vmem>> -> memref<16x128xf32, #tpu.memory_space<vmem>>
      tpu.enqueue_dma source(%dma_start3A_634 : memref<16x128xf32, #tpu.memory_space<vmem>>) target(%dma_start3A_630 : memref<16x128xf32, #tpu.memory_space<hbm>>) target_semaphore(%arg12 : memref<!tpu.dma_semaphore, #tpu.memory_space<semaphore_mem>>)
      %add3A_635 = arith.constant 8 : i32
      %add3A_636 = arith.addi %while3A_593, %add3A_635 : i32
      %lt3A = arith.cmpi slt, %add3A_636, %select_n3A : i32
      %convert_element_type3A_637 = arith.extui %lt3A : i1 to i32
      %cond3A_638 = arith.constant 0 : i32
      %cond3A_639 = arith.cmpi ne, %convert_element_type3A_637, %cond3A_638 : i32
      scf.if %cond3A_639 {
        %add3A_641 = arith.constant 8 : i32
        %add3A_642 = arith.addi %while3A_593, %add3A_641 : i32
        %mul3A_643 = arith.constant 32 : i32
        %mul3A_644 = arith.muli %mul3A_643, %add3A_642 : i32
        %add3A_645 = arith.addi %add3A, %mul3A_644 : i32
        %mul3A_646 = arith.constant 128 : i32
        %mul3A_647 = arith.muli %add3A_645, %mul3A_646 : i32
        %dma_start3A_648 = arith.constant 0 : i32
        %dma_start3A_649 = arith.constant 0 : i32
        %dma_start3A_650 = tpu.memref_slice %arg6[%rem3A_596, %dma_start3A_648, %dma_start3A_649] : memref<8x16x128xf32, #tpu.memory_space<vmem>> -> memref<1x16x128xf32, #tpu.memory_space<vmem>>
        %dma_start3A_651 = tpu.memref_squeeze %dma_start3A_650 : memref<1x16x128xf32, #tpu.memory_space<vmem>> -> memref<16x128xf32, #tpu.memory_space<vmem>>
        %dma_start3A_652 = arith.constant 0 : i32
        %dma_start3A_653 = tpu.memref_slice %arg2[%dma_start3A_652, %mul3A_647] : memref<16x1000000xf32, #tpu.memory_space<hbm>> -> memref<16x128xf32, #tpu.memory_space<hbm>>
        %dma_start3A_654 = arith.constant 0 : i32
        %dma_start3A_655 = arith.constant 0 : i32
        %dma_start3A_656 = tpu.memref_slice %arg6[%rem3A_596, %dma_start3A_654, %dma_start3A_655] : memref<8x16x128xf32, #tpu.memory_space<vmem>> -> memref<1x16x128xf32, #tpu.memory_space<vmem>>
        %dma_start3A_657 = tpu.memref_squeeze %dma_start3A_656 : memref<1x16x128xf32, #tpu.memory_space<vmem>> -> memref<16x128xf32, #tpu.memory_space<vmem>>
        %dma_start3A_658 = arith.constant 0 : i32
        %dma_start3A_659 = tpu.memref_slice %arg2[%dma_start3A_658, %mul3A_647] : memref<16x1000000xf32, #tpu.memory_space<hbm>> -> memref<16x128xf32, #tpu.memory_space<hbm>>
        tpu.enqueue_dma source(%dma_start3A_659 : memref<16x128xf32, #tpu.memory_space<hbm>>) target(%dma_start3A_657 : memref<16x128xf32, #tpu.memory_space<vmem>>) target_semaphore(%arg11 : memref<!tpu.dma_semaphore, #tpu.memory_space<semaphore_mem>>)
      } else {
      }
      %while3A_640 = arith.constant 0 : i32
      scf.yield %while3A_640 : i32
    }
    %while3A_167 = arith.constant 1 : i32
    %while3A_168 = scf.for %while3A_593 = %while3A_164 to %while3A_160 step %while3A_167 iter_args(%while3A_594 = %while3A_166) -> (i32)  : i32 {
      %rem3A_595 = arith.constant 8 : i32
      %rem3A_596 = arith.remsi %while3A_593, %rem3A_595 : i32
      %dma_wait3A_597 = arith.constant 0 : i32
      %dma_wait3A_598 = arith.constant 0 : i32
      %dma_wait3A_599 = tpu.memref_slice %arg6[%rem3A_596, %dma_wait3A_597, %dma_wait3A_598] : memref<8x16x128xf32, #tpu.memory_space<vmem>> -> memref<1x16x128xf32, #tpu.memory_space<vmem>>
      %dma_wait3A_600 = tpu.memref_squeeze %dma_wait3A_599 : memref<1x16x128xf32, #tpu.memory_space<vmem>> -> memref<16x128xf32, #tpu.memory_space<vmem>>
      %dma_wait3A_601 = arith.constant 0 : i32
      %dma_wait3A_602 = arith.constant 0 : i32
      %dma_wait3A_603 = tpu.memref_slice %arg2[%dma_wait3A_601, %dma_wait3A_602] : memref<16x1000000xf32, #tpu.memory_space<hbm>> -> memref<16x128xf32, #tpu.memory_space<hbm>>
      %dma_wait3A_604 = arith.constant 0 : i32
      %dma_wait3A_605 = arith.constant 0 : i32
      %dma_wait3A_606 = tpu.memref_slice %arg6[%rem3A_596, %dma_wait3A_604, %dma_wait3A_605] : memref<8x16x128xf32, #tpu.memory_space<vmem>> -> memref<1x16x128xf32, #tpu.memory_space<vmem>>
      %dma_wait3A_607 = tpu.memref_squeeze %dma_wait3A_606 : memref<1x16x128xf32, #tpu.memory_space<vmem>> -> memref<16x128xf32, #tpu.memory_space<vmem>>
      %dma_wait3A_608 = arith.constant 0 : i32
      %dma_wait3A_609 = arith.constant 0 : i32
      %dma_wait3A_610 = tpu.memref_slice %arg2[%dma_wait3A_608, %dma_wait3A_609] : memref<16x1000000xf32, #tpu.memory_space<hbm>> -> memref<16x128xf32, #tpu.memory_space<hbm>>
      tpu.wait_dma2 semaphore(%arg11 : memref<!tpu.dma_semaphore, #tpu.memory_space<semaphore_mem>>) src(%dma_wait3A_610 : memref<16x128xf32, #tpu.memory_space<hbm>>) dst(%dma_wait3A_607 : memref<16x128xf32, #tpu.memory_space<vmem>>)
      %ge3A = arith.constant 8 : i32
      %ge3A_611 = arith.cmpi sge, %while3A_593, %ge3A : i32
      %convert_element_type3A_612 = arith.extui %ge3A_611 : i1 to i32
      %cond3A_613 = arith.constant 0 : i32
      %cond3A_614 = arith.cmpi ne, %convert_element_type3A_612, %cond3A_613 : i32
      scf.if %cond3A_614 {
        %dma_wait3A_641 = arith.constant 0 : i32
        %dma_wait3A_642 = arith.constant 0 : i32
        %dma_wait3A_643 = tpu.memref_slice %arg7[%rem3A_596, %dma_wait3A_641, %dma_wait3A_642] : memref<8x16x128xf32, #tpu.memory_space<vmem>> -> memref<1x16x128xf32, #tpu.memory_space<vmem>>
        %dma_wait3A_644 = tpu.memref_squeeze %dma_wait3A_643 : memref<1x16x128xf32, #tpu.memory_space<vmem>> -> memref<16x128xf32, #tpu.memory_space<vmem>>
        %dma_wait3A_645 = arith.constant 0 : i32
        %dma_wait3A_646 = arith.constant 0 : i32
        %dma_wait3A_647 = tpu.memref_slice %arg4[%dma_wait3A_645, %dma_wait3A_646] : memref<125000x128xf32, #tpu.memory_space<hbm>> -> memref<16x128xf32, #tpu.memory_space<hbm>>
        %dma_wait3A_648 = arith.constant 0 : i32
        %dma_wait3A_649 = arith.constant 0 : i32
        %dma_wait3A_650 = tpu.memref_slice %arg4[%dma_wait3A_648, %dma_wait3A_649] : memref<125000x128xf32, #tpu.memory_space<hbm>> -> memref<16x128xf32, #tpu.memory_space<hbm>>
        %dma_wait3A_651 = arith.constant 0 : i32
        %dma_wait3A_652 = arith.constant 0 : i32
        %dma_wait3A_653 = tpu.memref_slice %arg7[%rem3A_596, %dma_wait3A_651, %dma_wait3A_652] : memref<8x16x128xf32, #tpu.memory_space<vmem>> -> memref<1x16x128xf32, #tpu.memory_space<vmem>>
        %dma_wait3A_654 = tpu.memref_squeeze %dma_wait3A_653 : memref<1x16x128xf32, #tpu.memory_space<vmem>> -> memref<16x128xf32, #tpu.memory_space<vmem>>
        tpu.wait_dma2 semaphore(%arg12 : memref<!tpu.dma_semaphore, #tpu.memory_space<semaphore_mem>>) src(%dma_wait3A_654 : memref<16x128xf32, #tpu.memory_space<vmem>>) dst(%dma_wait3A_650 : memref<16x128xf32, #tpu.memory_space<hbm>>)
      } else {
      }
      %iota3A_615 = tpu.iota {dimensions = array<i32: 0>} : vector<16xi32>
      %parallel_loop3A = arith.constant 0 : i32
      %parallel_loop3A_616 = arith.constant 128 : i32
      %parallel_loop3A_617 = arith.constant 1 : i32
      scf.for %parallel_loop3A_641 = %parallel_loop3A to %parallel_loop3A_616 step %parallel_loop3A_617  : i32 {
        %parallel_loop3A_642 = arith.constant 3 : i32
        %parallel_loop3A_643 = arith.shrsi %parallel_loop3A_641, %parallel_loop3A_642 : i32
        %parallel_loop3A_644 = arith.constant 7 : i32
        %parallel_loop3A_645 = arith.andi %parallel_loop3A_641, %parallel_loop3A_644 : i32
        %parallel_loop3A_646 = arith.constant 0 : i32
        %parallel_loop3A_647 = vector.broadcast %parallel_loop3A_646 : i32 to vector<16xi32>
        %parallel_loop3A_648 = arith.muli %iota3A_615, %parallel_loop3A_647 : vector<16xi32>
        %parallel_loop3A_649 = vector.broadcast %parallel_loop3A_641 : i32 to vector<16xi32>
        %parallel_loop3A_650 = arith.addi %parallel_loop3A_648, %parallel_loop3A_649 : vector<16xi32>
        %parallel_loop3A_651 = arith.constant 0 : i32
        %parallel_loop3A_652 = arith.constant 0 : i32
        %parallel_loop3A_653 = tpu.memref_slice %arg6[%rem3A_596, %parallel_loop3A_651, %parallel_loop3A_652] : memref<8x16x128xf32, #tpu.memory_space<vmem>> -> memref<1x16x128xf32, #tpu.memory_space<vmem>>
        %parallel_loop3A_654 = tpu.memref_squeeze %parallel_loop3A_653 : memref<1x16x128xf32, #tpu.memory_space<vmem>> -> memref<16x128xf32, #tpu.memory_space<vmem>>
        %parallel_loop3A_655 = tpu.vector_load_idx %parallel_loop3A_654[%iota3A_615, %parallel_loop3A_650] : memref<16x128xf32, #tpu.memory_space<vmem>>[vector<16xi32>, vector<16xi32>], vector<16xf32>,
        %parallel_loop3A_656 = arith.constant 16 : i32
        %parallel_loop3A_657 = arith.muli %parallel_loop3A_645, %parallel_loop3A_656 : i32
        %parallel_loop3A_658 = arith.constant 0 : i32
        %parallel_loop3A_659 = arith.constant 0 : i32
        %parallel_loop3A_660 = tpu.memref_slice %arg7[%rem3A_596, %parallel_loop3A_658, %parallel_loop3A_659] : memref<8x16x128xf32, #tpu.memory_space<vmem>> -> memref<1x16x128xf32, #tpu.memory_space<vmem>>
        %parallel_loop3A_661 = tpu.memref_squeeze %parallel_loop3A_660 : memref<1x16x128xf32, #tpu.memory_space<vmem>> -> memref<16x128xf32, #tpu.memory_space<vmem>>
        %parallel_loop3A_662 = arith.index_cast %parallel_loop3A_643 : i32 to index
        %parallel_loop3A_663 = arith.index_cast %parallel_loop3A_657 : i32 to index
        %parallel_loop3A_664 = tpu.vector_load %parallel_loop3A_661[%parallel_loop3A_662, %parallel_loop3A_663] {strides = array<i32>} : memref<16x128xf32, #tpu.memory_space<vmem>>, vector<16xf32>,
        tpu.vector_store %parallel_loop3A_661[%parallel_loop3A_662, %parallel_loop3A_663], %parallel_loop3A_655 {strides = array<i32>} : memref<16x128xf32, #tpu.memory_space<vmem>>, vector<16xf32>,
      } {sc.loop_unroll_factor = 8 : i64, sc.parallel_access}
      %mul3A_618 = arith.constant 32 : i32
      %mul3A_619 = arith.muli %mul3A_618, %while3A_593 : i32
      %add3A_620 = arith.addi %add3A, %mul3A_619 : i32
      %mul3A_621 = arith.constant 16 : i32
      %mul3A_622 = arith.muli %add3A_620, %mul3A_621 : i32
      %dma_start3A_623 = arith.constant 0 : i32
      %dma_start3A_624 = arith.constant 0 : i32
      %dma_start3A_625 = tpu.memref_slice %arg7[%rem3A_596, %dma_start3A_623, %dma_start3A_624] : memref<8x16x128xf32, #tpu.memory_space<vmem>> -> memref<1x16x128xf32, #tpu.memory_space<vmem>>
      %dma_start3A_626 = tpu.memref_squeeze %dma_start3A_625 : memref<1x16x128xf32, #tpu.memory_space<vmem>> -> memref<16x128xf32, #tpu.memory_space<vmem>>
      %dma_start3A_627 = arith.constant 0 : i32
      %dma_start3A_628 = tpu.memref_slice %arg4[%mul3A_622, %dma_start3A_627] : memref<125000x128xf32, #tpu.memory_space<hbm>> -> memref<16x128xf32, #tpu.memory_space<hbm>>
      %dma_start3A_629 = arith.constant 0 : i32
      %dma_start3A_630 = tpu.memref_slice %arg4[%mul3A_622, %dma_start3A_629] : memref<125000x128xf32, #tpu.memory_space<hbm>> -> memref<16x128xf32, #tpu.memory_space<hbm>>
      %dma_start3A_631 = arith.constant 0 : i32
      %dma_start3A_632 = arith.constant 0 : i32
      %dma_start3A_633 = tpu.memref_slice %arg7[%rem3A_596, %dma_start3A_631, %dma_start3A_632] : memref<8x16x128xf32, #tpu.memory_space<vmem>> -> memref<1x16x128xf32, #tpu.memory_space<vmem>>
      %dma_start3A_634 = tpu.memref_squeeze %dma_start3A_633 : memref<1x16x128xf32, #tpu.memory_space<vmem>> -> memref<16x128xf32, #tpu.memory_space<vmem>>
      tpu.enqueue_dma source(%dma_start3A_634 : memref<16x128xf32, #tpu.memory_space<vmem>>) target(%dma_start3A_630 : memref<16x128xf32, #tpu.memory_space<hbm>>) target_semaphore(%arg12 : memref<!tpu.dma_semaphore, #tpu.memory_space<semaphore_mem>>)
      %add3A_635 = arith.constant 8 : i32
      %add3A_636 = arith.addi %while3A_593, %add3A_635 : i32
      %lt3A = arith.cmpi slt, %add3A_636, %select_n3A : i32
      %convert_element_type3A_637 = arith.extui %lt3A : i1 to i32
      %cond3A_638 = arith.constant 0 : i32
      %cond3A_639 = arith.cmpi ne, %convert_element_type3A_637, %cond3A_638 : i32
      scf.if %cond3A_639 {
        %add3A_641 = arith.constant 8 : i32
        %add3A_642 = arith.addi %while3A_593, %add3A_641 : i32
        %mul3A_643 = arith.constant 32 : i32
        %mul3A_644 = arith.muli %mul3A_643, %add3A_642 : i32
        %add3A_645 = arith.addi %add3A, %mul3A_644 : i32
        %mul3A_646 = arith.constant 128 : i32
        %mul3A_647 = arith.muli %add3A_645, %mul3A_646 : i32
        %dma_start3A_648 = arith.constant 0 : i32
        %dma_start3A_649 = arith.constant 0 : i32
        %dma_start3A_650 = tpu.memref_slice %arg6[%rem3A_596, %dma_start3A_648, %dma_start3A_649] : memref<8x16x128xf32, #tpu.memory_space<vmem>> -> memref<1x16x128xf32, #tpu.memory_space<vmem>>
        %dma_start3A_651 = tpu.memref_squeeze %dma_start3A_650 : memref<1x16x128xf32, #tpu.memory_space<vmem>> -> memref<16x128xf32, #tpu.memory_space<vmem>>
        %dma_start3A_652 = arith.constant 0 : i32
        %dma_start3A_653 = tpu.memref_slice %arg2[%dma_start3A_652, %mul3A_647] : memref<16x1000000xf32, #tpu.memory_space<hbm>> -> memref<16x128xf32, #tpu.memory_space<hbm>>
        %dma_start3A_654 = arith.constant 0 : i32
        %dma_start3A_655 = arith.constant 0 : i32
        %dma_start3A_656 = tpu.memref_slice %arg6[%rem3A_596, %dma_start3A_654, %dma_start3A_655] : memref<8x16x128xf32, #tpu.memory_space<vmem>> -> memref<1x16x128xf32, #tpu.memory_space<vmem>>
        %dma_start3A_657 = tpu.memref_squeeze %dma_start3A_656 : memref<1x16x128xf32, #tpu.memory_space<vmem>> -> memref<16x128xf32, #tpu.memory_space<vmem>>
        %dma_start3A_658 = arith.constant 0 : i32
        %dma_start3A_659 = tpu.memref_slice %arg2[%dma_start3A_658, %mul3A_647] : memref<16x1000000xf32, #tpu.memory_space<hbm>> -> memref<16x128xf32, #tpu.memory_space<hbm>>
        tpu.enqueue_dma source(%dma_start3A_659 : memref<16x128xf32, #tpu.memory_space<hbm>>) target(%dma_start3A_657 : memref<16x128xf32, #tpu.memory_space<vmem>>) target_semaphore(%arg11 : memref<!tpu.dma_semaphore, #tpu.memory_space<semaphore_mem>>)
      } else {
      }
      %while3A_640 = arith.constant 0 : i32
      scf.yield %while3A_640 : i32
    }
    %dma_wait3A = arith.constant 0 : i32
    %dma_wait3A_169 = arith.constant 0 : i32
    %dma_wait3A_170 = arith.constant 0 : i32
    %dma_wait3A_171 = tpu.memref_slice %arg7[%dma_wait3A, %dma_wait3A_169, %dma_wait3A_170] : memref<8x16x128xf32, #tpu.memory_space<vmem>> -> memref<1x16x128xf32, #tpu.memory_space<vmem>>
    %dma_wait3A_172 = tpu.memref_squeeze %dma_wait3A_171 : memref<1x16x128xf32, #tpu.memory_space<vmem>> -> memref<16x128xf32, #tpu.memory_space<vmem>>
    %dma_wait3A_173 = arith.constant 0 : i32
    %dma_wait3A_174 = arith.constant 0 : i32
    %dma_wait3A_175 = tpu.memref_slice %arg4[%dma_wait3A_173, %dma_wait3A_174] : memref<125000x128xf32, #tpu.memory_space<hbm>> -> memref<16x128xf32, #tpu.memory_space<hbm>>
    %dma_wait3A_176 = arith.constant 0 : i32
    %dma_wait3A_177 = arith.constant 0 : i32
    %dma_wait3A_178 = tpu.memref_slice %arg4[%dma_wait3A_176, %dma_wait3A_177] : memref<125000x128xf32, #tpu.memory_space<hbm>> -> memref<16x128xf32, #tpu.memory_space<hbm>>
    %dma_wait3A_179 = arith.constant 0 : i32
    %dma_wait3A_180 = arith.constant 0 : i32
    %dma_wait3A_181 = tpu.memref_slice %arg7[%dma_wait3A, %dma_wait3A_179, %dma_wait3A_180] : memref<8x16x128xf32, #tpu.memory_space<vmem>> -> memref<1x16x128xf32, #tpu.memory_space<vmem>>
    %dma_wait3A_182 = tpu.memref_squeeze %dma_wait3A_181 : memref<1x16x128xf32, #tpu.memory_space<vmem>> -> memref<16x128xf32, #tpu.memory_space<vmem>>
    tpu.wait_dma2 semaphore(%arg12 : memref<!tpu.dma_semaphore, #tpu.memory_space<semaphore_mem>>) src(%dma_wait3A_182 : memref<16x128xf32, #tpu.memory_space<vmem>>) dst(%dma_wait3A_178 : memref<16x128xf32, #tpu.memory_space<hbm>>)
    %dma_wait3A_183 = arith.constant 0 : i32
    %dma_wait3A_184 = arith.constant 0 : i32
    %dma_wait3A_185 = arith.constant 0 : i32
    %dma_wait3A_186 = tpu.memref_slice %arg7[%dma_wait3A_183, %dma_wait3A_184, %dma_wait3A_185] : memref<8x16x128xf32, #tpu.memory_space<vmem>> -> memref<1x16x128xf32, #tpu.memory_space<vmem>>
    %dma_wait3A_187 = tpu.memref_squeeze %dma_wait3A_186 : memref<1x16x128xf32, #tpu.memory_space<vmem>> -> memref<16x128xf32, #tpu.memory_space<vmem>>
    %dma_wait3A_188 = arith.constant 0 : i32
    %dma_wait3A_189 = arith.constant 0 : i32
    %dma_wait3A_190 = tpu.memref_slice %arg4[%dma_wait3A_188, %dma_wait3A_189] : memref<125000x128xf32, #tpu.memory_space<hbm>> -> memref<16x128xf32, #tpu.memory_space<hbm>>
    %dma_wait3A_191 = arith.constant 0 : i32
    %dma_wait3A_192 = arith.constant 0 : i32
    %dma_wait3A_193 = tpu.memref_slice %arg4[%dma_wait3A_191, %dma_wait3A_192] : memref<125000x128xf32, #tpu.memory_space<hbm>> -> memref<16x128xf32, #tpu.memory_space<hbm>>
    %dma_wait3A_194 = arith.constant 0 : i32
    %dma_wait3A_195 = arith.constant 0 : i32
    %dma_wait3A_196 = tpu.memref_slice %arg7[%dma_wait3A_183, %dma_wait3A_194, %dma_wait3A_195] : memref<8x16x128xf32, #tpu.memory_space<vmem>> -> memref<1x16x128xf32, #tpu.memory_space<vmem>>
    %dma_wait3A_197 = tpu.memref_squeeze %dma_wait3A_196 : memref<1x16x128xf32, #tpu.memory_space<vmem>> -> memref<16x128xf32, #tpu.memory_space<vmem>>
    tpu.wait_dma2 semaphore(%arg12 : memref<!tpu.dma_semaphore, #tpu.memory_space<semaphore_mem>>) src(%dma_wait3A_197 : memref<16x128xf32, #tpu.memory_space<vmem>>) dst(%dma_wait3A_193 : memref<16x128xf32, #tpu.memory_space<hbm>>)
    %dma_wait3A_198 = arith.constant 0 : i32
    %dma_wait3A_199 = arith.constant 0 : i32
    %dma_wait3A_200 = arith.constant 0 : i32
    %dma_wait3A_201 = tpu.memref_slice %arg7[%dma_wait3A_198, %dma_wait3A_199, %dma_wait3A_200] : memref<8x16x128xf32, #tpu.memory_space<vmem>> -> memref<1x16x128xf32, #tpu.memory_space<vmem>>
    %dma_wait3A_202 = tpu.memref_squeeze %dma_wait3A_201 : memref<1x16x128xf32, #tpu.memory_space<vmem>> -> memref<16x128xf32, #tpu.memory_space<vmem>>
    %dma_wait3A_203 = arith.constant 0 : i32
    %dma_wait3A_204 = arith.constant 0 : i32
    %dma_wait3A_205 = tpu.memref_slice %arg4[%dma_wait3A_203, %dma_wait3A_204] : memref<125000x128xf32, #tpu.memory_space<hbm>> -> memref<16x128xf32, #tpu.memory_space<hbm>>
    %dma_wait3A_206 = arith.constant 0 : i32
    %dma_wait3A_207 = arith.constant 0 : i32
    %dma_wait3A_208 = tpu.memref_slice %arg4[%dma_wait3A_206, %dma_wait3A_207] : memref<125000x128xf32, #tpu.memory_space<hbm>> -> memref<16x128xf32, #tpu.memory_space<hbm>>
    %dma_wait3A_209 = arith.constant 0 : i32
    %dma_wait3A_210 = arith.constant 0 : i32
    %dma_wait3A_211 = tpu.memref_slice %arg7[%dma_wait3A_198, %dma_wait3A_209, %dma_wait3A_210] : memref<8x16x128xf32, #tpu.memory_space<vmem>> -> memref<1x16x128xf32, #tpu.memory_space<vmem>>
    %dma_wait3A_212 = tpu.memref_squeeze %dma_wait3A_211 : memref<1x16x128xf32, #tpu.memory_space<vmem>> -> memref<16x128xf32, #tpu.memory_space<vmem>>
    tpu.wait_dma2 semaphore(%arg12 : memref<!tpu.dma_semaphore, #tpu.memory_space<semaphore_mem>>) src(%dma_wait3A_212 : memref<16x128xf32, #tpu.memory_space<vmem>>) dst(%dma_wait3A_208 : memref<16x128xf32, #tpu.memory_space<hbm>>)
    %dma_wait3A_213 = arith.constant 0 : i32
    %dma_wait3A_214 = arith.constant 0 : i32
    %dma_wait3A_215 = arith.constant 0 : i32
    %dma_wait3A_216 = tpu.memref_slice %arg7[%dma_wait3A_213, %dma_wait3A_214, %dma_wait3A_215] : memref<8x16x128xf32, #tpu.memory_space<vmem>> -> memref<1x16x128xf32, #tpu.memory_space<vmem>>
    %dma_wait3A_217 = tpu.memref_squeeze %dma_wait3A_216 : memref<1x16x128xf32, #tpu.memory_space<vmem>> -> memref<16x128xf32, #tpu.memory_space<vmem>>
    %dma_wait3A_218 = arith.constant 0 : i32
    %dma_wait3A_219 = arith.constant 0 : i32
    %dma_wait3A_220 = tpu.memref_slice %arg4[%dma_wait3A_218, %dma_wait3A_219] : memref<125000x128xf32, #tpu.memory_space<hbm>> -> memref<16x128xf32, #tpu.memory_space<hbm>>
    %dma_wait3A_221 = arith.constant 0 : i32
    %dma_wait3A_222 = arith.constant 0 : i32
    %dma_wait3A_223 = tpu.memref_slice %arg4[%dma_wait3A_221, %dma_wait3A_222] : memref<125000x128xf32, #tpu.memory_space<hbm>> -> memref<16x128xf32, #tpu.memory_space<hbm>>
    %dma_wait3A_224 = arith.constant 0 : i32
    %dma_wait3A_225 = arith.constant 0 : i32
    %dma_wait3A_226 = tpu.memref_slice %arg7[%dma_wait3A_213, %dma_wait3A_224, %dma_wait3A_225] : memref<8x16x128xf32, #tpu.memory_space<vmem>> -> memref<1x16x128xf32, #tpu.memory_space<vmem>>
    %dma_wait3A_227 = tpu.memref_squeeze %dma_wait3A_226 : memref<1x16x128xf32, #tpu.memory_space<vmem>> -> memref<16x128xf32, #tpu.memory_space<vmem>>
    tpu.wait_dma2 semaphore(%arg12 : memref<!tpu.dma_semaphore, #tpu.memory_space<semaphore_mem>>) src(%dma_wait3A_227 : memref<16x128xf32, #tpu.memory_space<vmem>>) dst(%dma_wait3A_223 : memref<16x128xf32, #tpu.memory_space<hbm>>)
    %dma_wait3A_228 = arith.constant 0 : i32
    %dma_wait3A_229 = arith.constant 0 : i32
    %dma_wait3A_230 = arith.constant 0 : i32
    %dma_wait3A_231 = tpu.memref_slice %arg7[%dma_wait3A_228, %dma_wait3A_229, %dma_wait3A_230] : memref<8x16x128xf32, #tpu.memory_space<vmem>> -> memref<1x16x128xf32, #tpu.memory_space<vmem>>
    %dma_wait3A_232 = tpu.memref_squeeze %dma_wait3A_231 : memref<1x16x128xf32, #tpu.memory_space<vmem>> -> memref<16x128xf32, #tpu.memory_space<vmem>>
    %dma_wait3A_233 = arith.constant 0 : i32
    %dma_wait3A_234 = arith.constant 0 : i32
    %dma_wait3A_235 = tpu.memref_slice %arg4[%dma_wait3A_233, %dma_wait3A_234] : memref<125000x128xf32, #tpu.memory_space<hbm>> -> memref<16x128xf32, #tpu.memory_space<hbm>>
    %dma_wait3A_236 = arith.constant 0 : i32
    %dma_wait3A_237 = arith.constant 0 : i32
    %dma_wait3A_238 = tpu.memref_slice %arg4[%dma_wait3A_236, %dma_wait3A_237] : memref<125000x128xf32, #tpu.memory_space<hbm>> -> memref<16x128xf32, #tpu.memory_space<hbm>>
    %dma_wait3A_239 = arith.constant 0 : i32
    %dma_wait3A_240 = arith.constant 0 : i32
    %dma_wait3A_241 = tpu.memref_slice %arg7[%dma_wait3A_228, %dma_wait3A_239, %dma_wait3A_240] : memref<8x16x128xf32, #tpu.memory_space<vmem>> -> memref<1x16x128xf32, #tpu.memory_space<vmem>>
    %dma_wait3A_242 = tpu.memref_squeeze %dma_wait3A_241 : memref<1x16x128xf32, #tpu.memory_space<vmem>> -> memref<16x128xf32, #tpu.memory_space<vmem>>
    tpu.wait_dma2 semaphore(%arg12 : memref<!tpu.dma_semaphore, #tpu.memory_space<semaphore_mem>>) src(%dma_wait3A_242 : memref<16x128xf32, #tpu.memory_space<vmem>>) dst(%dma_wait3A_238 : memref<16x128xf32, #tpu.memory_space<hbm>>)
    %dma_wait3A_243 = arith.constant 0 : i32
    %dma_wait3A_244 = arith.constant 0 : i32
    %dma_wait3A_245 = arith.constant 0 : i32
    %dma_wait3A_246 = tpu.memref_slice %arg7[%dma_wait3A_243, %dma_wait3A_244, %dma_wait3A_245] : memref<8x16x128xf32, #tpu.memory_space<vmem>> -> memref<1x16x128xf32, #tpu.memory_space<vmem>>
    %dma_wait3A_247 = tpu.memref_squeeze %dma_wait3A_246 : memref<1x16x128xf32, #tpu.memory_space<vmem>> -> memref<16x128xf32, #tpu.memory_space<vmem>>
    %dma_wait3A_248 = arith.constant 0 : i32
    %dma_wait3A_249 = arith.constant 0 : i32
    %dma_wait3A_250 = tpu.memref_slice %arg4[%dma_wait3A_248, %dma_wait3A_249] : memref<125000x128xf32, #tpu.memory_space<hbm>> -> memref<16x128xf32, #tpu.memory_space<hbm>>
    %dma_wait3A_251 = arith.constant 0 : i32
    %dma_wait3A_252 = arith.constant 0 : i32
    %dma_wait3A_253 = tpu.memref_slice %arg4[%dma_wait3A_251, %dma_wait3A_252] : memref<125000x128xf32, #tpu.memory_space<hbm>> -> memref<16x128xf32, #tpu.memory_space<hbm>>
    %dma_wait3A_254 = arith.constant 0 : i32
    %dma_wait3A_255 = arith.constant 0 : i32
    %dma_wait3A_256 = tpu.memref_slice %arg7[%dma_wait3A_243, %dma_wait3A_254, %dma_wait3A_255] : memref<8x16x128xf32, #tpu.memory_space<vmem>> -> memref<1x16x128xf32, #tpu.memory_space<vmem>>
    %dma_wait3A_257 = tpu.memref_squeeze %dma_wait3A_256 : memref<1x16x128xf32, #tpu.memory_space<vmem>> -> memref<16x128xf32, #tpu.memory_space<vmem>>
    tpu.wait_dma2 semaphore(%arg12 : memref<!tpu.dma_semaphore, #tpu.memory_space<semaphore_mem>>) src(%dma_wait3A_257 : memref<16x128xf32, #tpu.memory_space<vmem>>) dst(%dma_wait3A_253 : memref<16x128xf32, #tpu.memory_space<hbm>>)
    %dma_wait3A_258 = arith.constant 0 : i32
    %dma_wait3A_259 = arith.constant 0 : i32
    %dma_wait3A_260 = arith.constant 0 : i32
    %dma_wait3A_261 = tpu.memref_slice %arg7[%dma_wait3A_258, %dma_wait3A_259, %dma_wait3A_260] : memref<8x16x128xf32, #tpu.memory_space<vmem>> -> memref<1x16x128xf32, #tpu.memory_space<vmem>>
    %dma_wait3A_262 = tpu.memref_squeeze %dma_wait3A_261 : memref<1x16x128xf32, #tpu.memory_space<vmem>> -> memref<16x128xf32, #tpu.memory_space<vmem>>
    %dma_wait3A_263 = arith.constant 0 : i32
    %dma_wait3A_264 = arith.constant 0 : i32
    %dma_wait3A_265 = tpu.memref_slice %arg4[%dma_wait3A_263, %dma_wait3A_264] : memref<125000x128xf32, #tpu.memory_space<hbm>> -> memref<16x128xf32, #tpu.memory_space<hbm>>
    %dma_wait3A_266 = arith.constant 0 : i32
    %dma_wait3A_267 = arith.constant 0 : i32
    %dma_wait3A_268 = tpu.memref_slice %arg4[%dma_wait3A_266, %dma_wait3A_267] : memref<125000x128xf32, #tpu.memory_space<hbm>> -> memref<16x128xf32, #tpu.memory_space<hbm>>
    %dma_wait3A_269 = arith.constant 0 : i32
    %dma_wait3A_270 = arith.constant 0 : i32
    %dma_wait3A_271 = tpu.memref_slice %arg7[%dma_wait3A_258, %dma_wait3A_269, %dma_wait3A_270] : memref<8x16x128xf32, #tpu.memory_space<vmem>> -> memref<1x16x128xf32, #tpu.memory_space<vmem>>
    %dma_wait3A_272 = tpu.memref_squeeze %dma_wait3A_271 : memref<1x16x128xf32, #tpu.memory_space<vmem>> -> memref<16x128xf32, #tpu.memory_space<vmem>>
    tpu.wait_dma2 semaphore(%arg12 : memref<!tpu.dma_semaphore, #tpu.memory_space<semaphore_mem>>) src(%dma_wait3A_272 : memref<16x128xf32, #tpu.memory_space<vmem>>) dst(%dma_wait3A_268 : memref<16x128xf32, #tpu.memory_space<hbm>>)
    %dma_wait3A_273 = arith.constant 0 : i32
    %dma_wait3A_274 = arith.constant 0 : i32
    %dma_wait3A_275 = arith.constant 0 : i32
    %dma_wait3A_276 = tpu.memref_slice %arg7[%dma_wait3A_273, %dma_wait3A_274, %dma_wait3A_275] : memref<8x16x128xf32, #tpu.memory_space<vmem>> -> memref<1x16x128xf32, #tpu.memory_space<vmem>>
    %dma_wait3A_277 = tpu.memref_squeeze %dma_wait3A_276 : memref<1x16x128xf32, #tpu.memory_space<vmem>> -> memref<16x128xf32, #tpu.memory_space<vmem>>
    %dma_wait3A_278 = arith.constant 0 : i32
    %dma_wait3A_279 = arith.constant 0 : i32
    %dma_wait3A_280 = tpu.memref_slice %arg4[%dma_wait3A_278, %dma_wait3A_279] : memref<125000x128xf32, #tpu.memory_space<hbm>> -> memref<16x128xf32, #tpu.memory_space<hbm>>
    %dma_wait3A_281 = arith.constant 0 : i32
    %dma_wait3A_282 = arith.constant 0 : i32
    %dma_wait3A_283 = tpu.memref_slice %arg4[%dma_wait3A_281, %dma_wait3A_282] : memref<125000x128xf32, #tpu.memory_space<hbm>> -> memref<16x128xf32, #tpu.memory_space<hbm>>
    %dma_wait3A_284 = arith.constant 0 : i32
    %dma_wait3A_285 = arith.constant 0 : i32
    %dma_wait3A_286 = tpu.memref_slice %arg7[%dma_wait3A_273, %dma_wait3A_284, %dma_wait3A_285] : memref<8x16x128xf32, #tpu.memory_space<vmem>> -> memref<1x16x128xf32, #tpu.memory_space<vmem>>
    %dma_wait3A_287 = tpu.memref_squeeze %dma_wait3A_286 : memref<1x16x128xf32, #tpu.memory_space<vmem>> -> memref<16x128xf32, #tpu.memory_space<vmem>>
    tpu.wait_dma2 semaphore(%arg12 : memref<!tpu.dma_semaphore, #tpu.memory_space<semaphore_mem>>) src(%dma_wait3A_287 : memref<16x128xf32, #tpu.memory_space<vmem>>) dst(%dma_wait3A_283 : memref<16x128xf32, #tpu.memory_space<hbm>>)
    %sub3A_288 = arith.constant 781 : i32
    %sub3A_289 = arith.subi %sub3A_288, %add3A : i32
    %add3A_290 = arith.constant 32 : i32
    %add3A_291 = arith.addi %sub3A_289, %add3A_290 : i32
    %sub3A_292 = arith.constant 1 : i32
    %sub3A_293 = arith.subi %add3A_291, %sub3A_292 : i32
    %jit3A_294 = arith.constant 32 : i32
    %div3A_295 = arith.divsi %sub3A_293, %jit3A_294 : i32
    %sign3A_296 = arith.constant 0 : i32
    %sign3A_297 = arith.cmpi sgt, %sub3A_293, %sign3A_296 : i32
    %sign3A_298 = arith.extui %sign3A_297 : i1 to i32
    %sign3A_299 = arith.constant 0 : i32
    %sign3A_300 = arith.cmpi slt, %sub3A_293, %sign3A_299 : i32
    %sign3A_301 = arith.extui %sign3A_300 : i1 to i32
    %sign3A_302 = arith.subi %sign3A_298, %sign3A_301 : i32
    %sign3A_303 = arith.constant 0 : i32
    %sign3A_304 = arith.cmpi sgt, %jit3A_294, %sign3A_303 : i32
    %sign3A_305 = arith.extui %sign3A_304 : i1 to i32
    %sign3A_306 = arith.constant 0 : i32
    %sign3A_307 = arith.cmpi slt, %jit3A_294, %sign3A_306 : i32
    %sign3A_308 = arith.extui %sign3A_307 : i1 to i32
    %sign3A_309 = arith.subi %sign3A_305, %sign3A_308 : i32
    %ne3A_310 = arith.cmpi ne, %sign3A_302, %sign3A_309 : i32
    %rem3A_311 = arith.remsi %sub3A_293, %jit3A_294 : i32
    %ne3A_312 = arith.constant 0 : i32
    %ne3A_313 = arith.cmpi ne, %rem3A_311, %ne3A_312 : i32
    %and3A_314 = arith.andi %ne3A_310, %ne3A_313 : i1
    %sub3A_315 = arith.constant 1 : i32
    %sub3A_316 = arith.subi %div3A_295, %sub3A_315 : i32
    %select_n3A_317 = arith.select %and3A_314, %sub3A_316, %div3A_295 : i32
    %add3A_318 = arith.constant 0 : i32
    %add3A_319 = arith.addi %add3A, %add3A_318 : i32
    %mul3A_320 = arith.constant 128 : i32
    %mul3A_321 = arith.muli %add3A_319, %mul3A_320 : i32
    %dma_start3A_322 = arith.constant 0 : i32
    %dma_start3A_323 = arith.constant 0 : i32
    %dma_start3A_324 = arith.constant 0 : i32
    %dma_start3A_325 = tpu.memref_slice %arg6[%dma_start3A_322, %dma_start3A_323, %dma_start3A_324] : memref<8x16x128xf32, #tpu.memory_space<vmem>> -> memref<1x16x128xf32, #tpu.memory_space<vmem>>
    %dma_start3A_326 = tpu.memref_squeeze %dma_start3A_325 : memref<1x16x128xf32, #tpu.memory_space<vmem>> -> memref<16x128xf32, #tpu.memory_space<vmem>>
    %dma_start3A_327 = arith.constant 0 : i32
    %dma_start3A_328 = tpu.memref_slice %arg3[%dma_start3A_327, %mul3A_321] : memref<16x100000xf32, #tpu.memory_space<hbm>> -> memref<16x128xf32, #tpu.memory_space<hbm>>
    %dma_start3A_329 = arith.constant 0 : i32
    %dma_start3A_330 = arith.constant 0 : i32
    %dma_start3A_331 = tpu.memref_slice %arg6[%dma_start3A_322, %dma_start3A_329, %dma_start3A_330] : memref<8x16x128xf32, #tpu.memory_space<vmem>> -> memref<1x16x128xf32, #tpu.memory_space<vmem>>
    %dma_start3A_332 = tpu.memref_squeeze %dma_start3A_331 : memref<1x16x128xf32, #tpu.memory_space<vmem>> -> memref<16x128xf32, #tpu.memory_space<vmem>>
    %dma_start3A_333 = arith.constant 0 : i32
    %dma_start3A_334 = tpu.memref_slice %arg3[%dma_start3A_333, %mul3A_321] : memref<16x100000xf32, #tpu.memory_space<hbm>> -> memref<16x128xf32, #tpu.memory_space<hbm>>
    tpu.enqueue_dma source(%dma_start3A_334 : memref<16x128xf32, #tpu.memory_space<hbm>>) target(%dma_start3A_332 : memref<16x128xf32, #tpu.memory_space<vmem>>) target_semaphore(%arg11 : memref<!tpu.dma_semaphore, #tpu.memory_space<semaphore_mem>>)
    %add3A_335 = arith.constant 32 : i32
    %add3A_336 = arith.addi %add3A, %add3A_335 : i32
    %mul3A_337 = arith.constant 128 : i32
    %mul3A_338 = arith.muli %add3A_336, %mul3A_337 : i32
    %dma_start3A_339 = arith.constant 1 : i32
    %dma_start3A_340 = arith.constant 0 : i32
    %dma_start3A_341 = arith.constant 0 : i32
    %dma_start3A_342 = tpu.memref_slice %arg6[%dma_start3A_339, %dma_start3A_340, %dma_start3A_341] : memref<8x16x128xf32, #tpu.memory_space<vmem>> -> memref<1x16x128xf32, #tpu.memory_space<vmem>>
    %dma_start3A_343 = tpu.memref_squeeze %dma_start3A_342 : memref<1x16x128xf32, #tpu.memory_space<vmem>> -> memref<16x128xf32, #tpu.memory_space<vmem>>
    %dma_start3A_344 = arith.constant 0 : i32
    %dma_start3A_345 = tpu.memref_slice %arg3[%dma_start3A_344, %mul3A_338] : memref<16x100000xf32, #tpu.memory_space<hbm>> -> memref<16x128xf32, #tpu.memory_space<hbm>>
    %dma_start3A_346 = arith.constant 0 : i32
    %dma_start3A_347 = arith.constant 0 : i32
    %dma_start3A_348 = tpu.memref_slice %arg6[%dma_start3A_339, %dma_start3A_346, %dma_start3A_347] : memref<8x16x128xf32, #tpu.memory_space<vmem>> -> memref<1x16x128xf32, #tpu.memory_space<vmem>>
    %dma_start3A_349 = tpu.memref_squeeze %dma_start3A_348 : memref<1x16x128xf32, #tpu.memory_space<vmem>> -> memref<16x128xf32, #tpu.memory_space<vmem>>
    %dma_start3A_350 = arith.constant 0 : i32
    %dma_start3A_351 = tpu.memref_slice %arg3[%dma_start3A_350, %mul3A_338] : memref<16x100000xf32, #tpu.memory_space<hbm>> -> memref<16x128xf32, #tpu.memory_space<hbm>>
    tpu.enqueue_dma source(%dma_start3A_351 : memref<16x128xf32, #tpu.memory_space<hbm>>) target(%dma_start3A_349 : memref<16x128xf32, #tpu.memory_space<vmem>>) target_semaphore(%arg11 : memref<!tpu.dma_semaphore, #tpu.memory_space<semaphore_mem>>)
    %add3A_352 = arith.constant 64 : i32
    %add3A_353 = arith.addi %add3A, %add3A_352 : i32
    %mul3A_354 = arith.constant 128 : i32
    %mul3A_355 = arith.muli %add3A_353, %mul3A_354 : i32
    %dma_start3A_356 = arith.constant 2 : i32
    %dma_start3A_357 = arith.constant 0 : i32
    %dma_start3A_358 = arith.constant 0 : i32
    %dma_start3A_359 = tpu.memref_slice %arg6[%dma_start3A_356, %dma_start3A_357, %dma_start3A_358] : memref<8x16x128xf32, #tpu.memory_space<vmem>> -> memref<1x16x128xf32, #tpu.memory_space<vmem>>
    %dma_start3A_360 = tpu.memref_squeeze %dma_start3A_359 : memref<1x16x128xf32, #tpu.memory_space<vmem>> -> memref<16x128xf32, #tpu.memory_space<vmem>>
    %dma_start3A_361 = arith.constant 0 : i32
    %dma_start3A_362 = tpu.memref_slice %arg3[%dma_start3A_361, %mul3A_355] : memref<16x100000xf32, #tpu.memory_space<hbm>> -> memref<16x128xf32, #tpu.memory_space<hbm>>
    %dma_start3A_363 = arith.constant 0 : i32
    %dma_start3A_364 = arith.constant 0 : i32
    %dma_start3A_365 = tpu.memref_slice %arg6[%dma_start3A_356, %dma_start3A_363, %dma_start3A_364] : memref<8x16x128xf32, #tpu.memory_space<vmem>> -> memref<1x16x128xf32, #tpu.memory_space<vmem>>
    %dma_start3A_366 = tpu.memref_squeeze %dma_start3A_365 : memref<1x16x128xf32, #tpu.memory_space<vmem>> -> memref<16x128xf32, #tpu.memory_space<vmem>>
    %dma_start3A_367 = arith.constant 0 : i32
    %dma_start3A_368 = tpu.memref_slice %arg3[%dma_start3A_367, %mul3A_355] : memref<16x100000xf32, #tpu.memory_space<hbm>> -> memref<16x128xf32, #tpu.memory_space<hbm>>
    tpu.enqueue_dma source(%dma_start3A_368 : memref<16x128xf32, #tpu.memory_space<hbm>>) target(%dma_start3A_366 : memref<16x128xf32, #tpu.memory_space<vmem>>) target_semaphore(%arg11 : memref<!tpu.dma_semaphore, #tpu.memory_space<semaphore_mem>>)
    %add3A_369 = arith.constant 96 : i32
    %add3A_370 = arith.addi %add3A, %add3A_369 : i32
    %mul3A_371 = arith.constant 128 : i32
    %mul3A_372 = arith.muli %add3A_370, %mul3A_371 : i32
    %dma_start3A_373 = arith.constant 3 : i32
    %dma_start3A_374 = arith.constant 0 : i32
    %dma_start3A_375 = arith.constant 0 : i32
    %dma_start3A_376 = tpu.memref_slice %arg6[%dma_start3A_373, %dma_start3A_374, %dma_start3A_375] : memref<8x16x128xf32, #tpu.memory_space<vmem>> -> memref<1x16x128xf32, #tpu.memory_space<vmem>>
    %dma_start3A_377 = tpu.memref_squeeze %dma_start3A_376 : memref<1x16x128xf32, #tpu.memory_space<vmem>> -> memref<16x128xf32, #tpu.memory_space<vmem>>
    %dma_start3A_378 = arith.constant 0 : i32
    %dma_start3A_379 = tpu.memref_slice %arg3[%dma_start3A_378, %mul3A_372] : memref<16x100000xf32, #tpu.memory_space<hbm>> -> memref<16x128xf32, #tpu.memory_space<hbm>>
    %dma_start3A_380 = arith.constant 0 : i32
    %dma_start3A_381 = arith.constant 0 : i32
    %dma_start3A_382 = tpu.memref_slice %arg6[%dma_start3A_373, %dma_start3A_380, %dma_start3A_381] : memref<8x16x128xf32, #tpu.memory_space<vmem>> -> memref<1x16x128xf32, #tpu.memory_space<vmem>>
    %dma_start3A_383 = tpu.memref_squeeze %dma_start3A_382 : memref<1x16x128xf32, #tpu.memory_space<vmem>> -> memref<16x128xf32, #tpu.memory_space<vmem>>
    %dma_start3A_384 = arith.constant 0 : i32
    %dma_start3A_385 = tpu.memref_slice %arg3[%dma_start3A_384, %mul3A_372] : memref<16x100000xf32, #tpu.memory_space<hbm>> -> memref<16x128xf32, #tpu.memory_space<hbm>>
    tpu.enqueue_dma source(%dma_start3A_385 : memref<16x128xf32, #tpu.memory_space<hbm>>) target(%dma_start3A_383 : memref<16x128xf32, #tpu.memory_space<vmem>>) target_semaphore(%arg11 : memref<!tpu.dma_semaphore, #tpu.memory_space<semaphore_mem>>)
    %add3A_386 = arith.constant 128 : i32
    %add3A_387 = arith.addi %add3A, %add3A_386 : i32
    %mul3A_388 = arith.constant 128 : i32
    %mul3A_389 = arith.muli %add3A_387, %mul3A_388 : i32
    %dma_start3A_390 = arith.constant 4 : i32
    %dma_start3A_391 = arith.constant 0 : i32
    %dma_start3A_392 = arith.constant 0 : i32
    %dma_start3A_393 = tpu.memref_slice %arg6[%dma_start3A_390, %dma_start3A_391, %dma_start3A_392] : memref<8x16x128xf32, #tpu.memory_space<vmem>> -> memref<1x16x128xf32, #tpu.memory_space<vmem>>
    %dma_start3A_394 = tpu.memref_squeeze %dma_start3A_393 : memref<1x16x128xf32, #tpu.memory_space<vmem>> -> memref<16x128xf32, #tpu.memory_space<vmem>>
    %dma_start3A_395 = arith.constant 0 : i32
    %dma_start3A_396 = tpu.memref_slice %arg3[%dma_start3A_395, %mul3A_389] : memref<16x100000xf32, #tpu.memory_space<hbm>> -> memref<16x128xf32, #tpu.memory_space<hbm>>
    %dma_start3A_397 = arith.constant 0 : i32
    %dma_start3A_398 = arith.constant 0 : i32
    %dma_start3A_399 = tpu.memref_slice %arg6[%dma_start3A_390, %dma_start3A_397, %dma_start3A_398] : memref<8x16x128xf32, #tpu.memory_space<vmem>> -> memref<1x16x128xf32, #tpu.memory_space<vmem>>
    %dma_start3A_400 = tpu.memref_squeeze %dma_start3A_399 : memref<1x16x128xf32, #tpu.memory_space<vmem>> -> memref<16x128xf32, #tpu.memory_space<vmem>>
    %dma_start3A_401 = arith.constant 0 : i32
    %dma_start3A_402 = tpu.memref_slice %arg3[%dma_start3A_401, %mul3A_389] : memref<16x100000xf32, #tpu.memory_space<hbm>> -> memref<16x128xf32, #tpu.memory_space<hbm>>
    tpu.enqueue_dma source(%dma_start3A_402 : memref<16x128xf32, #tpu.memory_space<hbm>>) target(%dma_start3A_400 : memref<16x128xf32, #tpu.memory_space<vmem>>) target_semaphore(%arg11 : memref<!tpu.dma_semaphore, #tpu.memory_space<semaphore_mem>>)
    %add3A_403 = arith.constant 160 : i32
    %add3A_404 = arith.addi %add3A, %add3A_403 : i32
    %mul3A_405 = arith.constant 128 : i32
    %mul3A_406 = arith.muli %add3A_404, %mul3A_405 : i32
    %dma_start3A_407 = arith.constant 5 : i32
    %dma_start3A_408 = arith.constant 0 : i32
    %dma_start3A_409 = arith.constant 0 : i32
    %dma_start3A_410 = tpu.memref_slice %arg6[%dma_start3A_407, %dma_start3A_408, %dma_start3A_409] : memref<8x16x128xf32, #tpu.memory_space<vmem>> -> memref<1x16x128xf32, #tpu.memory_space<vmem>>
    %dma_start3A_411 = tpu.memref_squeeze %dma_start3A_410 : memref<1x16x128xf32, #tpu.memory_space<vmem>> -> memref<16x128xf32, #tpu.memory_space<vmem>>
    %dma_start3A_412 = arith.constant 0 : i32
    %dma_start3A_413 = tpu.memref_slice %arg3[%dma_start3A_412, %mul3A_406] : memref<16x100000xf32, #tpu.memory_space<hbm>> -> memref<16x128xf32, #tpu.memory_space<hbm>>
    %dma_start3A_414 = arith.constant 0 : i32
    %dma_start3A_415 = arith.constant 0 : i32
    %dma_start3A_416 = tpu.memref_slice %arg6[%dma_start3A_407, %dma_start3A_414, %dma_start3A_415] : memref<8x16x128xf32, #tpu.memory_space<vmem>> -> memref<1x16x128xf32, #tpu.memory_space<vmem>>
    %dma_start3A_417 = tpu.memref_squeeze %dma_start3A_416 : memref<1x16x128xf32, #tpu.memory_space<vmem>> -> memref<16x128xf32, #tpu.memory_space<vmem>>
    %dma_start3A_418 = arith.constant 0 : i32
    %dma_start3A_419 = tpu.memref_slice %arg3[%dma_start3A_418, %mul3A_406] : memref<16x100000xf32, #tpu.memory_space<hbm>> -> memref<16x128xf32, #tpu.memory_space<hbm>>
    tpu.enqueue_dma source(%dma_start3A_419 : memref<16x128xf32, #tpu.memory_space<hbm>>) target(%dma_start3A_417 : memref<16x128xf32, #tpu.memory_space<vmem>>) target_semaphore(%arg11 : memref<!tpu.dma_semaphore, #tpu.memory_space<semaphore_mem>>)
    %add3A_420 = arith.constant 192 : i32
    %add3A_421 = arith.addi %add3A, %add3A_420 : i32
    %mul3A_422 = arith.constant 128 : i32
    %mul3A_423 = arith.muli %add3A_421, %mul3A_422 : i32
    %dma_start3A_424 = arith.constant 6 : i32
    %dma_start3A_425 = arith.constant 0 : i32
    %dma_start3A_426 = arith.constant 0 : i32
    %dma_start3A_427 = tpu.memref_slice %arg6[%dma_start3A_424, %dma_start3A_425, %dma_start3A_426] : memref<8x16x128xf32, #tpu.memory_space<vmem>> -> memref<1x16x128xf32, #tpu.memory_space<vmem>>
    %dma_start3A_428 = tpu.memref_squeeze %dma_start3A_427 : memref<1x16x128xf32, #tpu.memory_space<vmem>> -> memref<16x128xf32, #tpu.memory_space<vmem>>
    %dma_start3A_429 = arith.constant 0 : i32
    %dma_start3A_430 = tpu.memref_slice %arg3[%dma_start3A_429, %mul3A_423] : memref<16x100000xf32, #tpu.memory_space<hbm>> -> memref<16x128xf32, #tpu.memory_space<hbm>>
    %dma_start3A_431 = arith.constant 0 : i32
    %dma_start3A_432 = arith.constant 0 : i32
    %dma_start3A_433 = tpu.memref_slice %arg6[%dma_start3A_424, %dma_start3A_431, %dma_start3A_432] : memref<8x16x128xf32, #tpu.memory_space<vmem>> -> memref<1x16x128xf32, #tpu.memory_space<vmem>>
    %dma_start3A_434 = tpu.memref_squeeze %dma_start3A_433 : memref<1x16x128xf32, #tpu.memory_space<vmem>> -> memref<16x128xf32, #tpu.memory_space<vmem>>
    %dma_start3A_435 = arith.constant 0 : i32
    %dma_start3A_436 = tpu.memref_slice %arg3[%dma_start3A_435, %mul3A_423] : memref<16x100000xf32, #tpu.memory_space<hbm>> -> memref<16x128xf32, #tpu.memory_space<hbm>>
    tpu.enqueue_dma source(%dma_start3A_436 : memref<16x128xf32, #tpu.memory_space<hbm>>) target(%dma_start3A_434 : memref<16x128xf32, #tpu.memory_space<vmem>>) target_semaphore(%arg11 : memref<!tpu.dma_semaphore, #tpu.memory_space<semaphore_mem>>)
    %add3A_437 = arith.constant 224 : i32
    %add3A_438 = arith.addi %add3A, %add3A_437 : i32
    %mul3A_439 = arith.constant 128 : i32
    %mul3A_440 = arith.muli %add3A_438, %mul3A_439 : i32
    %dma_start3A_441 = arith.constant 7 : i32
    %dma_start3A_442 = arith.constant 0 : i32
    %dma_start3A_443 = arith.constant 0 : i32
    %dma_start3A_444 = tpu.memref_slice %arg6[%dma_start3A_441, %dma_start3A_442, %dma_start3A_443] : memref<8x16x128xf32, #tpu.memory_space<vmem>> -> memref<1x16x128xf32, #tpu.memory_space<vmem>>
    %dma_start3A_445 = tpu.memref_squeeze %dma_start3A_444 : memref<1x16x128xf32, #tpu.memory_space<vmem>> -> memref<16x128xf32, #tpu.memory_space<vmem>>
    %dma_start3A_446 = arith.constant 0 : i32
    %dma_start3A_447 = tpu.memref_slice %arg3[%dma_start3A_446, %mul3A_440] : memref<16x100000xf32, #tpu.memory_space<hbm>> -> memref<16x128xf32, #tpu.memory_space<hbm>>
    %dma_start3A_448 = arith.constant 0 : i32
    %dma_start3A_449 = arith.constant 0 : i32
    %dma_start3A_450 = tpu.memref_slice %arg6[%dma_start3A_441, %dma_start3A_448, %dma_start3A_449] : memref<8x16x128xf32, #tpu.memory_space<vmem>> -> memref<1x16x128xf32, #tpu.memory_space<vmem>>
    %dma_start3A_451 = tpu.memref_squeeze %dma_start3A_450 : memref<1x16x128xf32, #tpu.memory_space<vmem>> -> memref<16x128xf32, #tpu.memory_space<vmem>>
    %dma_start3A_452 = arith.constant 0 : i32
    %dma_start3A_453 = tpu.memref_slice %arg3[%dma_start3A_452, %mul3A_440] : memref<16x100000xf32, #tpu.memory_space<hbm>> -> memref<16x128xf32, #tpu.memory_space<hbm>>
    tpu.enqueue_dma source(%dma_start3A_453 : memref<16x128xf32, #tpu.memory_space<hbm>>) target(%dma_start3A_451 : memref<16x128xf32, #tpu.memory_space<vmem>>) target_semaphore(%arg11 : memref<!tpu.dma_semaphore, #tpu.memory_space<semaphore_mem>>)
    %while3A_454 = arith.constant 0 : i32
    %while3A_455 = arith.constant 0 : i32
    %while3A_456 = arith.subi %select_n3A_317, %while3A_454 : i32
    %while3A_457 = arith.addi %while3A_454, %while3A_456 : i32
    %while3A_458 = arith.constant 1 : i32
    %while3A_459 = arith.divsi %while3A_456, %while3A_458 : i32
    %while3A_460 = arith.muli %while3A_459, %while3A_458 : i32
    %while3A_461 = arith.addi %while3A_454, %while3A_460 : i32
    %while3A_462 = arith.constant 1 : i32
    %while3A_463 = scf.for %while3A_593 = %while3A_454 to %while3A_461 step %while3A_462 iter_args(%while3A_594 = %while3A_455) -> (i32)  : i32 {
      %rem3A_595 = arith.constant 8 : i32
      %rem3A_596 = arith.remsi %while3A_593, %rem3A_595 : i32
      %dma_wait3A_597 = arith.constant 0 : i32
      %dma_wait3A_598 = arith.constant 0 : i32
      %dma_wait3A_599 = tpu.memref_slice %arg6[%rem3A_596, %dma_wait3A_597, %dma_wait3A_598] : memref<8x16x128xf32, #tpu.memory_space<vmem>> -> memref<1x16x128xf32, #tpu.memory_space<vmem>>
      %dma_wait3A_600 = tpu.memref_squeeze %dma_wait3A_599 : memref<1x16x128xf32, #tpu.memory_space<vmem>> -> memref<16x128xf32, #tpu.memory_space<vmem>>
      %dma_wait3A_601 = arith.constant 0 : i32
      %dma_wait3A_602 = arith.constant 0 : i32
      %dma_wait3A_603 = tpu.memref_slice %arg3[%dma_wait3A_601, %dma_wait3A_602] : memref<16x100000xf32, #tpu.memory_space<hbm>> -> memref<16x128xf32, #tpu.memory_space<hbm>>
      %dma_wait3A_604 = arith.constant 0 : i32
      %dma_wait3A_605 = arith.constant 0 : i32
      %dma_wait3A_606 = tpu.memref_slice %arg6[%rem3A_596, %dma_wait3A_604, %dma_wait3A_605] : memref<8x16x128xf32, #tpu.memory_space<vmem>> -> memref<1x16x128xf32, #tpu.memory_space<vmem>>
      %dma_wait3A_607 = tpu.memref_squeeze %dma_wait3A_606 : memref<1x16x128xf32, #tpu.memory_space<vmem>> -> memref<16x128xf32, #tpu.memory_space<vmem>>
      %dma_wait3A_608 = arith.constant 0 : i32
      %dma_wait3A_609 = arith.constant 0 : i32
      %dma_wait3A_610 = tpu.memref_slice %arg3[%dma_wait3A_608, %dma_wait3A_609] : memref<16x100000xf32, #tpu.memory_space<hbm>> -> memref<16x128xf32, #tpu.memory_space<hbm>>
      tpu.wait_dma2 semaphore(%arg11 : memref<!tpu.dma_semaphore, #tpu.memory_space<semaphore_mem>>) src(%dma_wait3A_610 : memref<16x128xf32, #tpu.memory_space<hbm>>) dst(%dma_wait3A_607 : memref<16x128xf32, #tpu.memory_space<vmem>>)
      %ge3A = arith.constant 8 : i32
      %ge3A_611 = arith.cmpi sge, %while3A_593, %ge3A : i32
      %convert_element_type3A_612 = arith.extui %ge3A_611 : i1 to i32
      %cond3A_613 = arith.constant 0 : i32
      %cond3A_614 = arith.cmpi ne, %convert_element_type3A_612, %cond3A_613 : i32
      scf.if %cond3A_614 {
        %dma_wait3A_641 = arith.constant 0 : i32
        %dma_wait3A_642 = arith.constant 0 : i32
        %dma_wait3A_643 = tpu.memref_slice %arg7[%rem3A_596, %dma_wait3A_641, %dma_wait3A_642] : memref<8x16x128xf32, #tpu.memory_space<vmem>> -> memref<1x16x128xf32, #tpu.memory_space<vmem>>
        %dma_wait3A_644 = tpu.memref_squeeze %dma_wait3A_643 : memref<1x16x128xf32, #tpu.memory_space<vmem>> -> memref<16x128xf32, #tpu.memory_space<vmem>>
        %dma_wait3A_645 = arith.constant 0 : i32
        %dma_wait3A_646 = arith.constant 0 : i32
        %dma_wait3A_647 = tpu.memref_slice %arg5[%dma_wait3A_645, %dma_wait3A_646] : memref<12504x128xf32, #tpu.memory_space<hbm>> -> memref<16x128xf32, #tpu.memory_space<hbm>>
        %dma_wait3A_648 = arith.constant 0 : i32
        %dma_wait3A_649 = arith.constant 0 : i32
        %dma_wait3A_650 = tpu.memref_slice %arg5[%dma_wait3A_648, %dma_wait3A_649] : memref<12504x128xf32, #tpu.memory_space<hbm>> -> memref<16x128xf32, #tpu.memory_space<hbm>>
        %dma_wait3A_651 = arith.constant 0 : i32
        %dma_wait3A_652 = arith.constant 0 : i32
        %dma_wait3A_653 = tpu.memref_slice %arg7[%rem3A_596, %dma_wait3A_651, %dma_wait3A_652] : memref<8x16x128xf32, #tpu.memory_space<vmem>> -> memref<1x16x128xf32, #tpu.memory_space<vmem>>
        %dma_wait3A_654 = tpu.memref_squeeze %dma_wait3A_653 : memref<1x16x128xf32, #tpu.memory_space<vmem>> -> memref<16x128xf32, #tpu.memory_space<vmem>>
        tpu.wait_dma2 semaphore(%arg12 : memref<!tpu.dma_semaphore, #tpu.memory_space<semaphore_mem>>) src(%dma_wait3A_654 : memref<16x128xf32, #tpu.memory_space<vmem>>) dst(%dma_wait3A_650 : memref<16x128xf32, #tpu.memory_space<hbm>>)
      } else {
      }
      %iota3A_615 = tpu.iota {dimensions = array<i32: 0>} : vector<16xi32>
      %parallel_loop3A = arith.constant 0 : i32
      %parallel_loop3A_616 = arith.constant 128 : i32
      %parallel_loop3A_617 = arith.constant 1 : i32
      scf.for %parallel_loop3A_641 = %parallel_loop3A to %parallel_loop3A_616 step %parallel_loop3A_617  : i32 {
        %parallel_loop3A_642 = arith.constant 3 : i32
        %parallel_loop3A_643 = arith.shrsi %parallel_loop3A_641, %parallel_loop3A_642 : i32
        %parallel_loop3A_644 = arith.constant 7 : i32
        %parallel_loop3A_645 = arith.andi %parallel_loop3A_641, %parallel_loop3A_644 : i32
        %parallel_loop3A_646 = arith.constant 0 : i32
        %parallel_loop3A_647 = vector.broadcast %parallel_loop3A_646 : i32 to vector<16xi32>
        %parallel_loop3A_648 = arith.muli %iota3A_615, %parallel_loop3A_647 : vector<16xi32>
        %parallel_loop3A_649 = vector.broadcast %parallel_loop3A_641 : i32 to vector<16xi32>
        %parallel_loop3A_650 = arith.addi %parallel_loop3A_648, %parallel_loop3A_649 : vector<16xi32>
        %parallel_loop3A_651 = arith.constant 0 : i32
        %parallel_loop3A_652 = arith.constant 0 : i32
        %parallel_loop3A_653 = tpu.memref_slice %arg6[%rem3A_596, %parallel_loop3A_651, %parallel_loop3A_652] : memref<8x16x128xf32, #tpu.memory_space<vmem>> -> memref<1x16x128xf32, #tpu.memory_space<vmem>>
        %parallel_loop3A_654 = tpu.memref_squeeze %parallel_loop3A_653 : memref<1x16x128xf32, #tpu.memory_space<vmem>> -> memref<16x128xf32, #tpu.memory_space<vmem>>
        %parallel_loop3A_655 = tpu.vector_load_idx %parallel_loop3A_654[%iota3A_615, %parallel_loop3A_650] : memref<16x128xf32, #tpu.memory_space<vmem>>[vector<16xi32>, vector<16xi32>], vector<16xf32>,
        %parallel_loop3A_656 = arith.constant 16 : i32
        %parallel_loop3A_657 = arith.muli %parallel_loop3A_645, %parallel_loop3A_656 : i32
        %parallel_loop3A_658 = arith.constant 0 : i32
        %parallel_loop3A_659 = arith.constant 0 : i32
        %parallel_loop3A_660 = tpu.memref_slice %arg7[%rem3A_596, %parallel_loop3A_658, %parallel_loop3A_659] : memref<8x16x128xf32, #tpu.memory_space<vmem>> -> memref<1x16x128xf32, #tpu.memory_space<vmem>>
        %parallel_loop3A_661 = tpu.memref_squeeze %parallel_loop3A_660 : memref<1x16x128xf32, #tpu.memory_space<vmem>> -> memref<16x128xf32, #tpu.memory_space<vmem>>
        %parallel_loop3A_662 = arith.index_cast %parallel_loop3A_643 : i32 to index
        %parallel_loop3A_663 = arith.index_cast %parallel_loop3A_657 : i32 to index
        %parallel_loop3A_664 = tpu.vector_load %parallel_loop3A_661[%parallel_loop3A_662, %parallel_loop3A_663] {strides = array<i32>} : memref<16x128xf32, #tpu.memory_space<vmem>>, vector<16xf32>,
        tpu.vector_store %parallel_loop3A_661[%parallel_loop3A_662, %parallel_loop3A_663], %parallel_loop3A_655 {strides = array<i32>} : memref<16x128xf32, #tpu.memory_space<vmem>>, vector<16xf32>,
      } {sc.loop_unroll_factor = 8 : i64, sc.parallel_access}
      %mul3A_618 = arith.constant 32 : i32
      %mul3A_619 = arith.muli %mul3A_618, %while3A_593 : i32
      %add3A_620 = arith.addi %add3A, %mul3A_619 : i32
      %mul3A_621 = arith.constant 16 : i32
      %mul3A_622 = arith.muli %add3A_620, %mul3A_621 : i32
      %dma_start3A_623 = arith.constant 0 : i32
      %dma_start3A_624 = arith.constant 0 : i32
      %dma_start3A_625 = tpu.memref_slice %arg7[%rem3A_596, %dma_start3A_623, %dma_start3A_624] : memref<8x16x128xf32, #tpu.memory_space<vmem>> -> memref<1x16x128xf32, #tpu.memory_space<vmem>>
      %dma_start3A_626 = tpu.memref_squeeze %dma_start3A_625 : memref<1x16x128xf32, #tpu.memory_space<vmem>> -> memref<16x128xf32, #tpu.memory_space<vmem>>
      %dma_start3A_627 = arith.constant 0 : i32
      %dma_start3A_628 = tpu.memref_slice %arg5[%mul3A_622, %dma_start3A_627] : memref<12504x128xf32, #tpu.memory_space<hbm>> -> memref<16x128xf32, #tpu.memory_space<hbm>>
      %dma_start3A_629 = arith.constant 0 : i32
      %dma_start3A_630 = tpu.memref_slice %arg5[%mul3A_622, %dma_start3A_629] : memref<12504x128xf32, #tpu.memory_space<hbm>> -> memref<16x128xf32, #tpu.memory_space<hbm>>
      %dma_start3A_631 = arith.constant 0 : i32
      %dma_start3A_632 = arith.constant 0 : i32
      %dma_start3A_633 = tpu.memref_slice %arg7[%rem3A_596, %dma_start3A_631, %dma_start3A_632] : memref<8x16x128xf32, #tpu.memory_space<vmem>> -> memref<1x16x128xf32, #tpu.memory_space<vmem>>
      %dma_start3A_634 = tpu.memref_squeeze %dma_start3A_633 : memref<1x16x128xf32, #tpu.memory_space<vmem>> -> memref<16x128xf32, #tpu.memory_space<vmem>>
      tpu.enqueue_dma source(%dma_start3A_634 : memref<16x128xf32, #tpu.memory_space<vmem>>) target(%dma_start3A_630 : memref<16x128xf32, #tpu.memory_space<hbm>>) target_semaphore(%arg12 : memref<!tpu.dma_semaphore, #tpu.memory_space<semaphore_mem>>)
      %add3A_635 = arith.constant 8 : i32
      %add3A_636 = arith.addi %while3A_593, %add3A_635 : i32
      %lt3A = arith.cmpi slt, %add3A_636, %select_n3A_317 : i32
      %convert_element_type3A_637 = arith.extui %lt3A : i1 to i32
      %cond3A_638 = arith.constant 0 : i32
      %cond3A_639 = arith.cmpi ne, %convert_element_type3A_637, %cond3A_638 : i32
      scf.if %cond3A_639 {
        %add3A_641 = arith.constant 8 : i32
        %add3A_642 = arith.addi %while3A_593, %add3A_641 : i32
        %mul3A_643 = arith.constant 32 : i32
        %mul3A_644 = arith.muli %mul3A_643, %add3A_642 : i32
        %add3A_645 = arith.addi %add3A, %mul3A_644 : i32
        %mul3A_646 = arith.constant 128 : i32
        %mul3A_647 = arith.muli %add3A_645, %mul3A_646 : i32
        %dma_start3A_648 = arith.constant 0 : i32
        %dma_start3A_649 = arith.constant 0 : i32
        %dma_start3A_650 = tpu.memref_slice %arg6[%rem3A_596, %dma_start3A_648, %dma_start3A_649] : memref<8x16x128xf32, #tpu.memory_space<vmem>> -> memref<1x16x128xf32, #tpu.memory_space<vmem>>
        %dma_start3A_651 = tpu.memref_squeeze %dma_start3A_650 : memref<1x16x128xf32, #tpu.memory_space<vmem>> -> memref<16x128xf32, #tpu.memory_space<vmem>>
        %dma_start3A_652 = arith.constant 0 : i32
        %dma_start3A_653 = tpu.memref_slice %arg3[%dma_start3A_652, %mul3A_647] : memref<16x100000xf32, #tpu.memory_space<hbm>> -> memref<16x128xf32, #tpu.memory_space<hbm>>
        %dma_start3A_654 = arith.constant 0 : i32
        %dma_start3A_655 = arith.constant 0 : i32
        %dma_start3A_656 = tpu.memref_slice %arg6[%rem3A_596, %dma_start3A_654, %dma_start3A_655] : memref<8x16x128xf32, #tpu.memory_space<vmem>> -> memref<1x16x128xf32, #tpu.memory_space<vmem>>
        %dma_start3A_657 = tpu.memref_squeeze %dma_start3A_656 : memref<1x16x128xf32, #tpu.memory_space<vmem>> -> memref<16x128xf32, #tpu.memory_space<vmem>>
        %dma_start3A_658 = arith.constant 0 : i32
        %dma_start3A_659 = tpu.memref_slice %arg3[%dma_start3A_658, %mul3A_647] : memref<16x100000xf32, #tpu.memory_space<hbm>> -> memref<16x128xf32, #tpu.memory_space<hbm>>
        tpu.enqueue_dma source(%dma_start3A_659 : memref<16x128xf32, #tpu.memory_space<hbm>>) target(%dma_start3A_657 : memref<16x128xf32, #tpu.memory_space<vmem>>) target_semaphore(%arg11 : memref<!tpu.dma_semaphore, #tpu.memory_space<semaphore_mem>>)
      } else {
      }
      %while3A_640 = arith.constant 0 : i32
      scf.yield %while3A_640 : i32
    }
    %while3A_464 = arith.constant 1 : i32
    %while3A_465 = scf.for %while3A_593 = %while3A_461 to %while3A_457 step %while3A_464 iter_args(%while3A_594 = %while3A_463) -> (i32)  : i32 {
      %rem3A_595 = arith.constant 8 : i32
      %rem3A_596 = arith.remsi %while3A_593, %rem3A_595 : i32
      %dma_wait3A_597 = arith.constant 0 : i32
      %dma_wait3A_598 = arith.constant 0 : i32
      %dma_wait3A_599 = tpu.memref_slice %arg6[%rem3A_596, %dma_wait3A_597, %dma_wait3A_598] : memref<8x16x128xf32, #tpu.memory_space<vmem>> -> memref<1x16x128xf32, #tpu.memory_space<vmem>>
      %dma_wait3A_600 = tpu.memref_squeeze %dma_wait3A_599 : memref<1x16x128xf32, #tpu.memory_space<vmem>> -> memref<16x128xf32, #tpu.memory_space<vmem>>
      %dma_wait3A_601 = arith.constant 0 : i32
      %dma_wait3A_602 = arith.constant 0 : i32
      %dma_wait3A_603 = tpu.memref_slice %arg3[%dma_wait3A_601, %dma_wait3A_602] : memref<16x100000xf32, #tpu.memory_space<hbm>> -> memref<16x128xf32, #tpu.memory_space<hbm>>
      %dma_wait3A_604 = arith.constant 0 : i32
      %dma_wait3A_605 = arith.constant 0 : i32
      %dma_wait3A_606 = tpu.memref_slice %arg6[%rem3A_596, %dma_wait3A_604, %dma_wait3A_605] : memref<8x16x128xf32, #tpu.memory_space<vmem>> -> memref<1x16x128xf32, #tpu.memory_space<vmem>>
      %dma_wait3A_607 = tpu.memref_squeeze %dma_wait3A_606 : memref<1x16x128xf32, #tpu.memory_space<vmem>> -> memref<16x128xf32, #tpu.memory_space<vmem>>
      %dma_wait3A_608 = arith.constant 0 : i32
      %dma_wait3A_609 = arith.constant 0 : i32
      %dma_wait3A_610 = tpu.memref_slice %arg3[%dma_wait3A_608, %dma_wait3A_609] : memref<16x100000xf32, #tpu.memory_space<hbm>> -> memref<16x128xf32, #tpu.memory_space<hbm>>
      tpu.wait_dma2 semaphore(%arg11 : memref<!tpu.dma_semaphore, #tpu.memory_space<semaphore_mem>>) src(%dma_wait3A_610 : memref<16x128xf32, #tpu.memory_space<hbm>>) dst(%dma_wait3A_607 : memref<16x128xf32, #tpu.memory_space<vmem>>)
      %ge3A = arith.constant 8 : i32
      %ge3A_611 = arith.cmpi sge, %while3A_593, %ge3A : i32
      %convert_element_type3A_612 = arith.extui %ge3A_611 : i1 to i32
      %cond3A_613 = arith.constant 0 : i32
      %cond3A_614 = arith.cmpi ne, %convert_element_type3A_612, %cond3A_613 : i32
      scf.if %cond3A_614 {
        %dma_wait3A_641 = arith.constant 0 : i32
        %dma_wait3A_642 = arith.constant 0 : i32
        %dma_wait3A_643 = tpu.memref_slice %arg7[%rem3A_596, %dma_wait3A_641, %dma_wait3A_642] : memref<8x16x128xf32, #tpu.memory_space<vmem>> -> memref<1x16x128xf32, #tpu.memory_space<vmem>>
        %dma_wait3A_644 = tpu.memref_squeeze %dma_wait3A_643 : memref<1x16x128xf32, #tpu.memory_space<vmem>> -> memref<16x128xf32, #tpu.memory_space<vmem>>
        %dma_wait3A_645 = arith.constant 0 : i32
        %dma_wait3A_646 = arith.constant 0 : i32
        %dma_wait3A_647 = tpu.memref_slice %arg5[%dma_wait3A_645, %dma_wait3A_646] : memref<12504x128xf32, #tpu.memory_space<hbm>> -> memref<16x128xf32, #tpu.memory_space<hbm>>
        %dma_wait3A_648 = arith.constant 0 : i32
        %dma_wait3A_649 = arith.constant 0 : i32
        %dma_wait3A_650 = tpu.memref_slice %arg5[%dma_wait3A_648, %dma_wait3A_649] : memref<12504x128xf32, #tpu.memory_space<hbm>> -> memref<16x128xf32, #tpu.memory_space<hbm>>
        %dma_wait3A_651 = arith.constant 0 : i32
        %dma_wait3A_652 = arith.constant 0 : i32
        %dma_wait3A_653 = tpu.memref_slice %arg7[%rem3A_596, %dma_wait3A_651, %dma_wait3A_652] : memref<8x16x128xf32, #tpu.memory_space<vmem>> -> memref<1x16x128xf32, #tpu.memory_space<vmem>>
        %dma_wait3A_654 = tpu.memref_squeeze %dma_wait3A_653 : memref<1x16x128xf32, #tpu.memory_space<vmem>> -> memref<16x128xf32, #tpu.memory_space<vmem>>
        tpu.wait_dma2 semaphore(%arg12 : memref<!tpu.dma_semaphore, #tpu.memory_space<semaphore_mem>>) src(%dma_wait3A_654 : memref<16x128xf32, #tpu.memory_space<vmem>>) dst(%dma_wait3A_650 : memref<16x128xf32, #tpu.memory_space<hbm>>)
      } else {
      }
      %iota3A_615 = tpu.iota {dimensions = array<i32: 0>} : vector<16xi32>
      %parallel_loop3A = arith.constant 0 : i32
      %parallel_loop3A_616 = arith.constant 128 : i32
      %parallel_loop3A_617 = arith.constant 1 : i32
      scf.for %parallel_loop3A_641 = %parallel_loop3A to %parallel_loop3A_616 step %parallel_loop3A_617  : i32 {
        %parallel_loop3A_642 = arith.constant 3 : i32
        %parallel_loop3A_643 = arith.shrsi %parallel_loop3A_641, %parallel_loop3A_642 : i32
        %parallel_loop3A_644 = arith.constant 7 : i32
        %parallel_loop3A_645 = arith.andi %parallel_loop3A_641, %parallel_loop3A_644 : i32
        %parallel_loop3A_646 = arith.constant 0 : i32
        %parallel_loop3A_647 = vector.broadcast %parallel_loop3A_646 : i32 to vector<16xi32>
        %parallel_loop3A_648 = arith.muli %iota3A_615, %parallel_loop3A_647 : vector<16xi32>
        %parallel_loop3A_649 = vector.broadcast %parallel_loop3A_641 : i32 to vector<16xi32>
        %parallel_loop3A_650 = arith.addi %parallel_loop3A_648, %parallel_loop3A_649 : vector<16xi32>
        %parallel_loop3A_651 = arith.constant 0 : i32
        %parallel_loop3A_652 = arith.constant 0 : i32
        %parallel_loop3A_653 = tpu.memref_slice %arg6[%rem3A_596, %parallel_loop3A_651, %parallel_loop3A_652] : memref<8x16x128xf32, #tpu.memory_space<vmem>> -> memref<1x16x128xf32, #tpu.memory_space<vmem>>
        %parallel_loop3A_654 = tpu.memref_squeeze %parallel_loop3A_653 : memref<1x16x128xf32, #tpu.memory_space<vmem>> -> memref<16x128xf32, #tpu.memory_space<vmem>>
        %parallel_loop3A_655 = tpu.vector_load_idx %parallel_loop3A_654[%iota3A_615, %parallel_loop3A_650] : memref<16x128xf32, #tpu.memory_space<vmem>>[vector<16xi32>, vector<16xi32>], vector<16xf32>,
        %parallel_loop3A_656 = arith.constant 16 : i32
        %parallel_loop3A_657 = arith.muli %parallel_loop3A_645, %parallel_loop3A_656 : i32
        %parallel_loop3A_658 = arith.constant 0 : i32
        %parallel_loop3A_659 = arith.constant 0 : i32
        %parallel_loop3A_660 = tpu.memref_slice %arg7[%rem3A_596, %parallel_loop3A_658, %parallel_loop3A_659] : memref<8x16x128xf32, #tpu.memory_space<vmem>> -> memref<1x16x128xf32, #tpu.memory_space<vmem>>
        %parallel_loop3A_661 = tpu.memref_squeeze %parallel_loop3A_660 : memref<1x16x128xf32, #tpu.memory_space<vmem>> -> memref<16x128xf32, #tpu.memory_space<vmem>>
        %parallel_loop3A_662 = arith.index_cast %parallel_loop3A_643 : i32 to index
        %parallel_loop3A_663 = arith.index_cast %parallel_loop3A_657 : i32 to index
        %parallel_loop3A_664 = tpu.vector_load %parallel_loop3A_661[%parallel_loop3A_662, %parallel_loop3A_663] {strides = array<i32>} : memref<16x128xf32, #tpu.memory_space<vmem>>, vector<16xf32>,
        tpu.vector_store %parallel_loop3A_661[%parallel_loop3A_662, %parallel_loop3A_663], %parallel_loop3A_655 {strides = array<i32>} : memref<16x128xf32, #tpu.memory_space<vmem>>, vector<16xf32>,
      } {sc.loop_unroll_factor = 8 : i64, sc.parallel_access}
      %mul3A_618 = arith.constant 32 : i32
      %mul3A_619 = arith.muli %mul3A_618, %while3A_593 : i32
      %add3A_620 = arith.addi %add3A, %mul3A_619 : i32
      %mul3A_621 = arith.constant 16 : i32
      %mul3A_622 = arith.muli %add3A_620, %mul3A_621 : i32
      %dma_start3A_623 = arith.constant 0 : i32
      %dma_start3A_624 = arith.constant 0 : i32
      %dma_start3A_625 = tpu.memref_slice %arg7[%rem3A_596, %dma_start3A_623, %dma_start3A_624] : memref<8x16x128xf32, #tpu.memory_space<vmem>> -> memref<1x16x128xf32, #tpu.memory_space<vmem>>
      %dma_start3A_626 = tpu.memref_squeeze %dma_start3A_625 : memref<1x16x128xf32, #tpu.memory_space<vmem>> -> memref<16x128xf32, #tpu.memory_space<vmem>>
      %dma_start3A_627 = arith.constant 0 : i32
      %dma_start3A_628 = tpu.memref_slice %arg5[%mul3A_622, %dma_start3A_627] : memref<12504x128xf32, #tpu.memory_space<hbm>> -> memref<16x128xf32, #tpu.memory_space<hbm>>
      %dma_start3A_629 = arith.constant 0 : i32
      %dma_start3A_630 = tpu.memref_slice %arg5[%mul3A_622, %dma_start3A_629] : memref<12504x128xf32, #tpu.memory_space<hbm>> -> memref<16x128xf32, #tpu.memory_space<hbm>>
      %dma_start3A_631 = arith.constant 0 : i32
      %dma_start3A_632 = arith.constant 0 : i32
      %dma_start3A_633 = tpu.memref_slice %arg7[%rem3A_596, %dma_start3A_631, %dma_start3A_632] : memref<8x16x128xf32, #tpu.memory_space<vmem>> -> memref<1x16x128xf32, #tpu.memory_space<vmem>>
      %dma_start3A_634 = tpu.memref_squeeze %dma_start3A_633 : memref<1x16x128xf32, #tpu.memory_space<vmem>> -> memref<16x128xf32, #tpu.memory_space<vmem>>
      tpu.enqueue_dma source(%dma_start3A_634 : memref<16x128xf32, #tpu.memory_space<vmem>>) target(%dma_start3A_630 : memref<16x128xf32, #tpu.memory_space<hbm>>) target_semaphore(%arg12 : memref<!tpu.dma_semaphore, #tpu.memory_space<semaphore_mem>>)
      %add3A_635 = arith.constant 8 : i32
      %add3A_636 = arith.addi %while3A_593, %add3A_635 : i32
      %lt3A = arith.cmpi slt, %add3A_636, %select_n3A_317 : i32
      %convert_element_type3A_637 = arith.extui %lt3A : i1 to i32
      %cond3A_638 = arith.constant 0 : i32
      %cond3A_639 = arith.cmpi ne, %convert_element_type3A_637, %cond3A_638 : i32
      scf.if %cond3A_639 {
        %add3A_641 = arith.constant 8 : i32
        %add3A_642 = arith.addi %while3A_593, %add3A_641 : i32
        %mul3A_643 = arith.constant 32 : i32
        %mul3A_644 = arith.muli %mul3A_643, %add3A_642 : i32
        %add3A_645 = arith.addi %add3A, %mul3A_644 : i32
        %mul3A_646 = arith.constant 128 : i32
        %mul3A_647 = arith.muli %add3A_645, %mul3A_646 : i32
        %dma_start3A_648 = arith.constant 0 : i32
        %dma_start3A_649 = arith.constant 0 : i32
        %dma_start3A_650 = tpu.memref_slice %arg6[%rem3A_596, %dma_start3A_648, %dma_start3A_649] : memref<8x16x128xf32, #tpu.memory_space<vmem>> -> memref<1x16x128xf32, #tpu.memory_space<vmem>>
        %dma_start3A_651 = tpu.memref_squeeze %dma_start3A_650 : memref<1x16x128xf32, #tpu.memory_space<vmem>> -> memref<16x128xf32, #tpu.memory_space<vmem>>
        %dma_start3A_652 = arith.constant 0 : i32
        %dma_start3A_653 = tpu.memref_slice %arg3[%dma_start3A_652, %mul3A_647] : memref<16x100000xf32, #tpu.memory_space<hbm>> -> memref<16x128xf32, #tpu.memory_space<hbm>>
        %dma_start3A_654 = arith.constant 0 : i32
        %dma_start3A_655 = arith.constant 0 : i32
        %dma_start3A_656 = tpu.memref_slice %arg6[%rem3A_596, %dma_start3A_654, %dma_start3A_655] : memref<8x16x128xf32, #tpu.memory_space<vmem>> -> memref<1x16x128xf32, #tpu.memory_space<vmem>>
        %dma_start3A_657 = tpu.memref_squeeze %dma_start3A_656 : memref<1x16x128xf32, #tpu.memory_space<vmem>> -> memref<16x128xf32, #tpu.memory_space<vmem>>
        %dma_start3A_658 = arith.constant 0 : i32
        %dma_start3A_659 = tpu.memref_slice %arg3[%dma_start3A_658, %mul3A_647] : memref<16x100000xf32, #tpu.memory_space<hbm>> -> memref<16x128xf32, #tpu.memory_space<hbm>>
        tpu.enqueue_dma source(%dma_start3A_659 : memref<16x128xf32, #tpu.memory_space<hbm>>) target(%dma_start3A_657 : memref<16x128xf32, #tpu.memory_space<vmem>>) target_semaphore(%arg11 : memref<!tpu.dma_semaphore, #tpu.memory_space<semaphore_mem>>)
      } else {
      }
      %while3A_640 = arith.constant 0 : i32
      scf.yield %while3A_640 : i32
    }
    %dma_wait3A_466 = arith.constant 0 : i32
    %dma_wait3A_467 = arith.constant 0 : i32
    %dma_wait3A_468 = arith.constant 0 : i32
    %dma_wait3A_469 = tpu.memref_slice %arg7[%dma_wait3A_466, %dma_wait3A_467, %dma_wait3A_468] : memref<8x16x128xf32, #tpu.memory_space<vmem>> -> memref<1x16x128xf32, #tpu.memory_space<vmem>>
    %dma_wait3A_470 = tpu.memref_squeeze %dma_wait3A_469 : memref<1x16x128xf32, #tpu.memory_space<vmem>> -> memref<16x128xf32, #tpu.memory_space<vmem>>
    %dma_wait3A_471 = arith.constant 0 : i32
    %dma_wait3A_472 = arith.constant 0 : i32
    %dma_wait3A_473 = tpu.memref_slice %arg5[%dma_wait3A_471, %dma_wait3A_472] : memref<12504x128xf32, #tpu.memory_space<hbm>> -> memref<16x128xf32, #tpu.memory_space<hbm>>
    %dma_wait3A_474 = arith.constant 0 : i32
    %dma_wait3A_475 = arith.constant 0 : i32
    %dma_wait3A_476 = tpu.memref_slice %arg5[%dma_wait3A_474, %dma_wait3A_475] : memref<12504x128xf32, #tpu.memory_space<hbm>> -> memref<16x128xf32, #tpu.memory_space<hbm>>
    %dma_wait3A_477 = arith.constant 0 : i32
    %dma_wait3A_478 = arith.constant 0 : i32
    %dma_wait3A_479 = tpu.memref_slice %arg7[%dma_wait3A_466, %dma_wait3A_477, %dma_wait3A_478] : memref<8x16x128xf32, #tpu.memory_space<vmem>> -> memref<1x16x128xf32, #tpu.memory_space<vmem>>
    %dma_wait3A_480 = tpu.memref_squeeze %dma_wait3A_479 : memref<1x16x128xf32, #tpu.memory_space<vmem>> -> memref<16x128xf32, #tpu.memory_space<vmem>>
    tpu.wait_dma2 semaphore(%arg12 : memref<!tpu.dma_semaphore, #tpu.memory_space<semaphore_mem>>) src(%dma_wait3A_480 : memref<16x128xf32, #tpu.memory_space<vmem>>) dst(%dma_wait3A_476 : memref<16x128xf32, #tpu.memory_space<hbm>>)
    %dma_wait3A_481 = arith.constant 0 : i32
    %dma_wait3A_482 = arith.constant 0 : i32
    %dma_wait3A_483 = arith.constant 0 : i32
    %dma_wait3A_484 = tpu.memref_slice %arg7[%dma_wait3A_481, %dma_wait3A_482, %dma_wait3A_483] : memref<8x16x128xf32, #tpu.memory_space<vmem>> -> memref<1x16x128xf32, #tpu.memory_space<vmem>>
    %dma_wait3A_485 = tpu.memref_squeeze %dma_wait3A_484 : memref<1x16x128xf32, #tpu.memory_space<vmem>> -> memref<16x128xf32, #tpu.memory_space<vmem>>
    %dma_wait3A_486 = arith.constant 0 : i32
    %dma_wait3A_487 = arith.constant 0 : i32
    %dma_wait3A_488 = tpu.memref_slice %arg5[%dma_wait3A_486, %dma_wait3A_487] : memref<12504x128xf32, #tpu.memory_space<hbm>> -> memref<16x128xf32, #tpu.memory_space<hbm>>
    %dma_wait3A_489 = arith.constant 0 : i32
    %dma_wait3A_490 = arith.constant 0 : i32
    %dma_wait3A_491 = tpu.memref_slice %arg5[%dma_wait3A_489, %dma_wait3A_490] : memref<12504x128xf32, #tpu.memory_space<hbm>> -> memref<16x128xf32, #tpu.memory_space<hbm>>
    %dma_wait3A_492 = arith.constant 0 : i32
    %dma_wait3A_493 = arith.constant 0 : i32
    %dma_wait3A_494 = tpu.memref_slice %arg7[%dma_wait3A_481, %dma_wait3A_492, %dma_wait3A_493] : memref<8x16x128xf32, #tpu.memory_space<vmem>> -> memref<1x16x128xf32, #tpu.memory_space<vmem>>
    %dma_wait3A_495 = tpu.memref_squeeze %dma_wait3A_494 : memref<1x16x128xf32, #tpu.memory_space<vmem>> -> memref<16x128xf32, #tpu.memory_space<vmem>>
    tpu.wait_dma2 semaphore(%arg12 : memref<!tpu.dma_semaphore, #tpu.memory_space<semaphore_mem>>) src(%dma_wait3A_495 : memref<16x128xf32, #tpu.memory_space<vmem>>) dst(%dma_wait3A_491 : memref<16x128xf32, #tpu.memory_space<hbm>>)
    %dma_wait3A_496 = arith.constant 0 : i32
    %dma_wait3A_497 = arith.constant 0 : i32
    %dma_wait3A_498 = arith.constant 0 : i32
    %dma_wait3A_499 = tpu.memref_slice %arg7[%dma_wait3A_496, %dma_wait3A_497, %dma_wait3A_498] : memref<8x16x128xf32, #tpu.memory_space<vmem>> -> memref<1x16x128xf32, #tpu.memory_space<vmem>>
    %dma_wait3A_500 = tpu.memref_squeeze %dma_wait3A_499 : memref<1x16x128xf32, #tpu.memory_space<vmem>> -> memref<16x128xf32, #tpu.memory_space<vmem>>
    %dma_wait3A_501 = arith.constant 0 : i32
    %dma_wait3A_502 = arith.constant 0 : i32
    %dma_wait3A_503 = tpu.memref_slice %arg5[%dma_wait3A_501, %dma_wait3A_502] : memref<12504x128xf32, #tpu.memory_space<hbm>> -> memref<16x128xf32, #tpu.memory_space<hbm>>
    %dma_wait3A_504 = arith.constant 0 : i32
    %dma_wait3A_505 = arith.constant 0 : i32
    %dma_wait3A_506 = tpu.memref_slice %arg5[%dma_wait3A_504, %dma_wait3A_505] : memref<12504x128xf32, #tpu.memory_space<hbm>> -> memref<16x128xf32, #tpu.memory_space<hbm>>
    %dma_wait3A_507 = arith.constant 0 : i32
    %dma_wait3A_508 = arith.constant 0 : i32
    %dma_wait3A_509 = tpu.memref_slice %arg7[%dma_wait3A_496, %dma_wait3A_507, %dma_wait3A_508] : memref<8x16x128xf32, #tpu.memory_space<vmem>> -> memref<1x16x128xf32, #tpu.memory_space<vmem>>
    %dma_wait3A_510 = tpu.memref_squeeze %dma_wait3A_509 : memref<1x16x128xf32, #tpu.memory_space<vmem>> -> memref<16x128xf32, #tpu.memory_space<vmem>>
    tpu.wait_dma2 semaphore(%arg12 : memref<!tpu.dma_semaphore, #tpu.memory_space<semaphore_mem>>) src(%dma_wait3A_510 : memref<16x128xf32, #tpu.memory_space<vmem>>) dst(%dma_wait3A_506 : memref<16x128xf32, #tpu.memory_space<hbm>>)
    %dma_wait3A_511 = arith.constant 0 : i32
    %dma_wait3A_512 = arith.constant 0 : i32
    %dma_wait3A_513 = arith.constant 0 : i32
    %dma_wait3A_514 = tpu.memref_slice %arg7[%dma_wait3A_511, %dma_wait3A_512, %dma_wait3A_513] : memref<8x16x128xf32, #tpu.memory_space<vmem>> -> memref<1x16x128xf32, #tpu.memory_space<vmem>>
    %dma_wait3A_515 = tpu.memref_squeeze %dma_wait3A_514 : memref<1x16x128xf32, #tpu.memory_space<vmem>> -> memref<16x128xf32, #tpu.memory_space<vmem>>
    %dma_wait3A_516 = arith.constant 0 : i32
    %dma_wait3A_517 = arith.constant 0 : i32
    %dma_wait3A_518 = tpu.memref_slice %arg5[%dma_wait3A_516, %dma_wait3A_517] : memref<12504x128xf32, #tpu.memory_space<hbm>> -> memref<16x128xf32, #tpu.memory_space<hbm>>
    %dma_wait3A_519 = arith.constant 0 : i32
    %dma_wait3A_520 = arith.constant 0 : i32
    %dma_wait3A_521 = tpu.memref_slice %arg5[%dma_wait3A_519, %dma_wait3A_520] : memref<12504x128xf32, #tpu.memory_space<hbm>> -> memref<16x128xf32, #tpu.memory_space<hbm>>
    %dma_wait3A_522 = arith.constant 0 : i32
    %dma_wait3A_523 = arith.constant 0 : i32
    %dma_wait3A_524 = tpu.memref_slice %arg7[%dma_wait3A_511, %dma_wait3A_522, %dma_wait3A_523] : memref<8x16x128xf32, #tpu.memory_space<vmem>> -> memref<1x16x128xf32, #tpu.memory_space<vmem>>
    %dma_wait3A_525 = tpu.memref_squeeze %dma_wait3A_524 : memref<1x16x128xf32, #tpu.memory_space<vmem>> -> memref<16x128xf32, #tpu.memory_space<vmem>>
    tpu.wait_dma2 semaphore(%arg12 : memref<!tpu.dma_semaphore, #tpu.memory_space<semaphore_mem>>) src(%dma_wait3A_525 : memref<16x128xf32, #tpu.memory_space<vmem>>) dst(%dma_wait3A_521 : memref<16x128xf32, #tpu.memory_space<hbm>>)
    %dma_wait3A_526 = arith.constant 0 : i32
    %dma_wait3A_527 = arith.constant 0 : i32
    %dma_wait3A_528 = arith.constant 0 : i32
    %dma_wait3A_529 = tpu.memref_slice %arg7[%dma_wait3A_526, %dma_wait3A_527, %dma_wait3A_528] : memref<8x16x128xf32, #tpu.memory_space<vmem>> -> memref<1x16x128xf32, #tpu.memory_space<vmem>>
    %dma_wait3A_530 = tpu.memref_squeeze %dma_wait3A_529 : memref<1x16x128xf32, #tpu.memory_space<vmem>> -> memref<16x128xf32, #tpu.memory_space<vmem>>
    %dma_wait3A_531 = arith.constant 0 : i32
    %dma_wait3A_532 = arith.constant 0 : i32
    %dma_wait3A_533 = tpu.memref_slice %arg5[%dma_wait3A_531, %dma_wait3A_532] : memref<12504x128xf32, #tpu.memory_space<hbm>> -> memref<16x128xf32, #tpu.memory_space<hbm>>
    %dma_wait3A_534 = arith.constant 0 : i32
    %dma_wait3A_535 = arith.constant 0 : i32
    %dma_wait3A_536 = tpu.memref_slice %arg5[%dma_wait3A_534, %dma_wait3A_535] : memref<12504x128xf32, #tpu.memory_space<hbm>> -> memref<16x128xf32, #tpu.memory_space<hbm>>
    %dma_wait3A_537 = arith.constant 0 : i32
    %dma_wait3A_538 = arith.constant 0 : i32
    %dma_wait3A_539 = tpu.memref_slice %arg7[%dma_wait3A_526, %dma_wait3A_537, %dma_wait3A_538] : memref<8x16x128xf32, #tpu.memory_space<vmem>> -> memref<1x16x128xf32, #tpu.memory_space<vmem>>
    %dma_wait3A_540 = tpu.memref_squeeze %dma_wait3A_539 : memref<1x16x128xf32, #tpu.memory_space<vmem>> -> memref<16x128xf32, #tpu.memory_space<vmem>>
    tpu.wait_dma2 semaphore(%arg12 : memref<!tpu.dma_semaphore, #tpu.memory_space<semaphore_mem>>) src(%dma_wait3A_540 : memref<16x128xf32, #tpu.memory_space<vmem>>) dst(%dma_wait3A_536 : memref<16x128xf32, #tpu.memory_space<hbm>>)
    %dma_wait3A_541 = arith.constant 0 : i32
    %dma_wait3A_542 = arith.constant 0 : i32
    %dma_wait3A_543 = arith.constant 0 : i32
    %dma_wait3A_544 = tpu.memref_slice %arg7[%dma_wait3A_541, %dma_wait3A_542, %dma_wait3A_543] : memref<8x16x128xf32, #tpu.memory_space<vmem>> -> memref<1x16x128xf32, #tpu.memory_space<vmem>>
    %dma_wait3A_545 = tpu.memref_squeeze %dma_wait3A_544 : memref<1x16x128xf32, #tpu.memory_space<vmem>> -> memref<16x128xf32, #tpu.memory_space<vmem>>
    %dma_wait3A_546 = arith.constant 0 : i32
    %dma_wait3A_547 = arith.constant 0 : i32
    %dma_wait3A_548 = tpu.memref_slice %arg5[%dma_wait3A_546, %dma_wait3A_547] : memref<12504x128xf32, #tpu.memory_space<hbm>> -> memref<16x128xf32, #tpu.memory_space<hbm>>
    %dma_wait3A_549 = arith.constant 0 : i32
    %dma_wait3A_550 = arith.constant 0 : i32
    %dma_wait3A_551 = tpu.memref_slice %arg5[%dma_wait3A_549, %dma_wait3A_550] : memref<12504x128xf32, #tpu.memory_space<hbm>> -> memref<16x128xf32, #tpu.memory_space<hbm>>
    %dma_wait3A_552 = arith.constant 0 : i32
    %dma_wait3A_553 = arith.constant 0 : i32
    %dma_wait3A_554 = tpu.memref_slice %arg7[%dma_wait3A_541, %dma_wait3A_552, %dma_wait3A_553] : memref<8x16x128xf32, #tpu.memory_space<vmem>> -> memref<1x16x128xf32, #tpu.memory_space<vmem>>
    %dma_wait3A_555 = tpu.memref_squeeze %dma_wait3A_554 : memref<1x16x128xf32, #tpu.memory_space<vmem>> -> memref<16x128xf32, #tpu.memory_space<vmem>>
    tpu.wait_dma2 semaphore(%arg12 : memref<!tpu.dma_semaphore, #tpu.memory_space<semaphore_mem>>) src(%dma_wait3A_555 : memref<16x128xf32, #tpu.memory_space<vmem>>) dst(%dma_wait3A_551 : memref<16x128xf32, #tpu.memory_space<hbm>>)
    %dma_wait3A_556 = arith.constant 0 : i32
    %dma_wait3A_557 = arith.constant 0 : i32
    %dma_wait3A_558 = arith.constant 0 : i32
    %dma_wait3A_559 = tpu.memref_slice %arg7[%dma_wait3A_556, %dma_wait3A_557, %dma_wait3A_558] : memref<8x16x128xf32, #tpu.memory_space<vmem>> -> memref<1x16x128xf32, #tpu.memory_space<vmem>>
    %dma_wait3A_560 = tpu.memref_squeeze %dma_wait3A_559 : memref<1x16x128xf32, #tpu.memory_space<vmem>> -> memref<16x128xf32, #tpu.memory_space<vmem>>
    %dma_wait3A_561 = arith.constant 0 : i32
    %dma_wait3A_562 = arith.constant 0 : i32
    %dma_wait3A_563 = tpu.memref_slice %arg5[%dma_wait3A_561, %dma_wait3A_562] : memref<12504x128xf32, #tpu.memory_space<hbm>> -> memref<16x128xf32, #tpu.memory_space<hbm>>
    %dma_wait3A_564 = arith.constant 0 : i32
    %dma_wait3A_565 = arith.constant 0 : i32
    %dma_wait3A_566 = tpu.memref_slice %arg5[%dma_wait3A_564, %dma_wait3A_565] : memref<12504x128xf32, #tpu.memory_space<hbm>> -> memref<16x128xf32, #tpu.memory_space<hbm>>
    %dma_wait3A_567 = arith.constant 0 : i32
    %dma_wait3A_568 = arith.constant 0 : i32
    %dma_wait3A_569 = tpu.memref_slice %arg7[%dma_wait3A_556, %dma_wait3A_567, %dma_wait3A_568] : memref<8x16x128xf32, #tpu.memory_space<vmem>> -> memref<1x16x128xf32, #tpu.memory_space<vmem>>
    %dma_wait3A_570 = tpu.memref_squeeze %dma_wait3A_569 : memref<1x16x128xf32, #tpu.memory_space<vmem>> -> memref<16x128xf32, #tpu.memory_space<vmem>>
    tpu.wait_dma2 semaphore(%arg12 : memref<!tpu.dma_semaphore, #tpu.memory_space<semaphore_mem>>) src(%dma_wait3A_570 : memref<16x128xf32, #tpu.memory_space<vmem>>) dst(%dma_wait3A_566 : memref<16x128xf32, #tpu.memory_space<hbm>>)
    %dma_wait3A_571 = arith.constant 0 : i32
    %dma_wait3A_572 = arith.constant 0 : i32
    %dma_wait3A_573 = arith.constant 0 : i32
    %dma_wait3A_574 = tpu.memref_slice %arg7[%dma_wait3A_571, %dma_wait3A_572, %dma_wait3A_573] : memref<8x16x128xf32, #tpu.memory_space<vmem>> -> memref<1x16x128xf32, #tpu.memory_space<vmem>>
    %dma_wait3A_575 = tpu.memref_squeeze %dma_wait3A_574 : memref<1x16x128xf32, #tpu.memory_space<vmem>> -> memref<16x128xf32, #tpu.memory_space<vmem>>
    %dma_wait3A_576 = arith.constant 0 : i32
    %dma_wait3A_577 = arith.constant 0 : i32
    %dma_wait3A_578 = tpu.memref_slice %arg5[%dma_wait3A_576, %dma_wait3A_577] : memref<12504x128xf32, #tpu.memory_space<hbm>> -> memref<16x128xf32, #tpu.memory_space<hbm>>
    %dma_wait3A_579 = arith.constant 0 : i32
    %dma_wait3A_580 = arith.constant 0 : i32
    %dma_wait3A_581 = tpu.memref_slice %arg5[%dma_wait3A_579, %dma_wait3A_580] : memref<12504x128xf32, #tpu.memory_space<hbm>> -> memref<16x128xf32, #tpu.memory_space<hbm>>
    %dma_wait3A_582 = arith.constant 0 : i32
    %dma_wait3A_583 = arith.constant 0 : i32
    %dma_wait3A_584 = tpu.memref_slice %arg7[%dma_wait3A_571, %dma_wait3A_582, %dma_wait3A_583] : memref<8x16x128xf32, #tpu.memory_space<vmem>> -> memref<1x16x128xf32, #tpu.memory_space<vmem>>
    %dma_wait3A_585 = tpu.memref_squeeze %dma_wait3A_584 : memref<1x16x128xf32, #tpu.memory_space<vmem>> -> memref<16x128xf32, #tpu.memory_space<vmem>>
    tpu.wait_dma2 semaphore(%arg12 : memref<!tpu.dma_semaphore, #tpu.memory_space<semaphore_mem>>) src(%dma_wait3A_585 : memref<16x128xf32, #tpu.memory_space<vmem>>) dst(%dma_wait3A_581 : memref<16x128xf32, #tpu.memory_space<hbm>>)
    %iota3A = tpu.iota {dimensions = array<i32: 0>} : vector<16xi32>
    %eq3A = arith.constant 0 : i32
    %eq3A_586 = arith.cmpi eq, %add3A, %eq3A : i32
    %convert_element_type3A = arith.extui %eq3A_586 : i1 to i32
    %cond3A = arith.constant 0 : i32
    %cond3A_587 = arith.cmpi ne, %convert_element_type3A, %cond3A : i32
    scf.if %cond3A_587 {
      "tpu.region"() ({
        %run_scoped3A = tpu.sem_alloc : memref<!tpu.dma_semaphore, #tpu.memory_space<semaphore_mem>>
        %dma_start3A_1038 = arith.constant 0 : i32
        %dma_start3A_1039 = arith.constant 999936 : i32
        %dma_start3A_1040 = tpu.memref_slice %arg2[%dma_start3A_1038, %dma_start3A_1039] : memref<16x1000000xf32, #tpu.memory_space<hbm>> -> memref<16x64xf32, #tpu.memory_space<hbm>>
        %dma_start3A_1041 = arith.constant 0 : i32
        %dma_start3A_1042 = arith.constant 999936 : i32
        %dma_start3A_1043 = tpu.memref_slice %arg2[%dma_start3A_1041, %dma_start3A_1042] : memref<16x1000000xf32, #tpu.memory_space<hbm>> -> memref<16x64xf32, #tpu.memory_space<hbm>>
        tpu.enqueue_dma source(%dma_start3A_1043 : memref<16x64xf32, #tpu.memory_space<hbm>>) target(%arg8 : memref<16x64xf32, #tpu.memory_space<vmem>>) target_semaphore(%run_scoped3A : memref<!tpu.dma_semaphore, #tpu.memory_space<semaphore_mem>>)
        %dma_wait3A_1044 = arith.constant 0 : i32
        %dma_wait3A_1045 = arith.constant 999936 : i32
        %dma_wait3A_1046 = tpu.memref_slice %arg2[%dma_wait3A_1044, %dma_wait3A_1045] : memref<16x1000000xf32, #tpu.memory_space<hbm>> -> memref<16x64xf32, #tpu.memory_space<hbm>>
        %dma_wait3A_1047 = arith.constant 0 : i32
        %dma_wait3A_1048 = arith.constant 999936 : i32
        %dma_wait3A_1049 = tpu.memref_slice %arg2[%dma_wait3A_1047, %dma_wait3A_1048] : memref<16x1000000xf32, #tpu.memory_space<hbm>> -> memref<16x64xf32, #tpu.memory_space<hbm>>
        tpu.wait_dma2 semaphore(%run_scoped3A : memref<!tpu.dma_semaphore, #tpu.memory_space<semaphore_mem>>) src(%dma_wait3A_1049 : memref<16x64xf32, #tpu.memory_space<hbm>>) dst(%arg8 : memref<16x64xf32, #tpu.memory_space<vmem>>)
        tpu.yield
      }) : () -> ()
      %broadcast_in_dim3A = arith.constant 0 : i32
      %broadcast_in_dim3A_593 = vector.broadcast %broadcast_in_dim3A : i32 to vector<16xi32>
      %gather3A = tpu.vector_load_idx %arg8[%iota3A, %broadcast_in_dim3A_593] : memref<16x64xf32, #tpu.memory_space<vmem>>[vector<16xi32>, vector<16xi32>], vector<16xf32>,
      %swap3A = arith.constant 0 : i32
      %swap3A_594 = arith.index_cast %swap3A : i32 to index
      %swap3A_595 = arith.constant 0 : index
      %swap3A_596 = tpu.vector_load %arg10[%swap3A_594, %swap3A_595] {strides = array<i32>} : memref<8x128xf32, #tpu.memory_space<vmem>>, vector<16xf32>,
      tpu.vector_store %arg10[%swap3A_594, %swap3A_595], %gather3A {strides = array<i32>} : memref<8x128xf32, #tpu.memory_space<vmem>>, vector<16xf32>,
      %broadcast_in_dim3A_597 = arith.constant 1 : i32
      %broadcast_in_dim3A_598 = vector.broadcast %broadcast_in_dim3A_597 : i32 to vector<16xi32>
      %gather3A_599 = tpu.vector_load_idx %arg8[%iota3A, %broadcast_in_dim3A_598] : memref<16x64xf32, #tpu.memory_space<vmem>>[vector<16xi32>, vector<16xi32>], vector<16xf32>,
      %swap3A_600 = arith.constant 0 : i32
      %swap3A_601 = arith.index_cast %swap3A_600 : i32 to index
      %swap3A_602 = arith.constant 16 : index
      %swap3A_603 = tpu.vector_load %arg10[%swap3A_601, %swap3A_602] {strides = array<i32>} : memref<8x128xf32, #tpu.memory_space<vmem>>, vector<16xf32>,
      tpu.vector_store %arg10[%swap3A_601, %swap3A_602], %gather3A_599 {strides = array<i32>} : memref<8x128xf32, #tpu.memory_space<vmem>>, vector<16xf32>,
      %broadcast_in_dim3A_604 = arith.constant 2 : i32
      %broadcast_in_dim3A_605 = vector.broadcast %broadcast_in_dim3A_604 : i32 to vector<16xi32>
      %gather3A_606 = tpu.vector_load_idx %arg8[%iota3A, %broadcast_in_dim3A_605] : memref<16x64xf32, #tpu.memory_space<vmem>>[vector<16xi32>, vector<16xi32>], vector<16xf32>,
      %swap3A_607 = arith.constant 0 : i32
      %swap3A_608 = arith.index_cast %swap3A_607 : i32 to index
      %swap3A_609 = arith.constant 32 : index
      %swap3A_610 = tpu.vector_load %arg10[%swap3A_608, %swap3A_609] {strides = array<i32>} : memref<8x128xf32, #tpu.memory_space<vmem>>, vector<16xf32>,
      tpu.vector_store %arg10[%swap3A_608, %swap3A_609], %gather3A_606 {strides = array<i32>} : memref<8x128xf32, #tpu.memory_space<vmem>>, vector<16xf32>,
      %broadcast_in_dim3A_611 = arith.constant 3 : i32
      %broadcast_in_dim3A_612 = vector.broadcast %broadcast_in_dim3A_611 : i32 to vector<16xi32>
      %gather3A_613 = tpu.vector_load_idx %arg8[%iota3A, %broadcast_in_dim3A_612] : memref<16x64xf32, #tpu.memory_space<vmem>>[vector<16xi32>, vector<16xi32>], vector<16xf32>,
      %swap3A_614 = arith.constant 0 : i32
      %swap3A_615 = arith.index_cast %swap3A_614 : i32 to index
      %swap3A_616 = arith.constant 48 : index
      %swap3A_617 = tpu.vector_load %arg10[%swap3A_615, %swap3A_616] {strides = array<i32>} : memref<8x128xf32, #tpu.memory_space<vmem>>, vector<16xf32>,
      tpu.vector_store %arg10[%swap3A_615, %swap3A_616], %gather3A_613 {strides = array<i32>} : memref<8x128xf32, #tpu.memory_space<vmem>>, vector<16xf32>,
      %broadcast_in_dim3A_618 = arith.constant 4 : i32
      %broadcast_in_dim3A_619 = vector.broadcast %broadcast_in_dim3A_618 : i32 to vector<16xi32>
      %gather3A_620 = tpu.vector_load_idx %arg8[%iota3A, %broadcast_in_dim3A_619] : memref<16x64xf32, #tpu.memory_space<vmem>>[vector<16xi32>, vector<16xi32>], vector<16xf32>,
      %swap3A_621 = arith.constant 0 : i32
      %swap3A_622 = arith.index_cast %swap3A_621 : i32 to index
      %swap3A_623 = arith.constant 64 : index
      %swap3A_624 = tpu.vector_load %arg10[%swap3A_622, %swap3A_623] {strides = array<i32>} : memref<8x128xf32, #tpu.memory_space<vmem>>, vector<16xf32>,
      tpu.vector_store %arg10[%swap3A_622, %swap3A_623], %gather3A_620 {strides = array<i32>} : memref<8x128xf32, #tpu.memory_space<vmem>>, vector<16xf32>,
      %broadcast_in_dim3A_625 = arith.constant 5 : i32
      %broadcast_in_dim3A_626 = vector.broadcast %broadcast_in_dim3A_625 : i32 to vector<16xi32>
      %gather3A_627 = tpu.vector_load_idx %arg8[%iota3A, %broadcast_in_dim3A_626] : memref<16x64xf32, #tpu.memory_space<vmem>>[vector<16xi32>, vector<16xi32>], vector<16xf32>,
      %swap3A_628 = arith.constant 0 : i32
      %swap3A_629 = arith.index_cast %swap3A_628 : i32 to index
      %swap3A_630 = arith.constant 80 : index
      %swap3A_631 = tpu.vector_load %arg10[%swap3A_629, %swap3A_630] {strides = array<i32>} : memref<8x128xf32, #tpu.memory_space<vmem>>, vector<16xf32>,
      tpu.vector_store %arg10[%swap3A_629, %swap3A_630], %gather3A_627 {strides = array<i32>} : memref<8x128xf32, #tpu.memory_space<vmem>>, vector<16xf32>,
      %broadcast_in_dim3A_632 = arith.constant 6 : i32
      %broadcast_in_dim3A_633 = vector.broadcast %broadcast_in_dim3A_632 : i32 to vector<16xi32>
      %gather3A_634 = tpu.vector_load_idx %arg8[%iota3A, %broadcast_in_dim3A_633] : memref<16x64xf32, #tpu.memory_space<vmem>>[vector<16xi32>, vector<16xi32>], vector<16xf32>,
      %swap3A_635 = arith.constant 0 : i32
      %swap3A_636 = arith.index_cast %swap3A_635 : i32 to index
      %swap3A_637 = arith.constant 96 : index
      %swap3A_638 = tpu.vector_load %arg10[%swap3A_636, %swap3A_637] {strides = array<i32>} : memref<8x128xf32, #tpu.memory_space<vmem>>, vector<16xf32>,
      tpu.vector_store %arg10[%swap3A_636, %swap3A_637], %gather3A_634 {strides = array<i32>} : memref<8x128xf32, #tpu.memory_space<vmem>>, vector<16xf32>,
      %broadcast_in_dim3A_639 = arith.constant 7 : i32
      %broadcast_in_dim3A_640 = vector.broadcast %broadcast_in_dim3A_639 : i32 to vector<16xi32>
      %gather3A_641 = tpu.vector_load_idx %arg8[%iota3A, %broadcast_in_dim3A_640] : memref<16x64xf32, #tpu.memory_space<vmem>>[vector<16xi32>, vector<16xi32>], vector<16xf32>,
      %swap3A_642 = arith.constant 0 : i32
      %swap3A_643 = arith.index_cast %swap3A_642 : i32 to index
      %swap3A_644 = arith.constant 112 : index
      %swap3A_645 = tpu.vector_load %arg10[%swap3A_643, %swap3A_644] {strides = array<i32>} : memref<8x128xf32, #tpu.memory_space<vmem>>, vector<16xf32>,
      tpu.vector_store %arg10[%swap3A_643, %swap3A_644], %gather3A_641 {strides = array<i32>} : memref<8x128xf32, #tpu.memory_space<vmem>>, vector<16xf32>,
      %broadcast_in_dim3A_646 = arith.constant 8 : i32
      %broadcast_in_dim3A_647 = vector.broadcast %broadcast_in_dim3A_646 : i32 to vector<16xi32>
      %gather3A_648 = tpu.vector_load_idx %arg8[%iota3A, %broadcast_in_dim3A_647] : memref<16x64xf32, #tpu.memory_space<vmem>>[vector<16xi32>, vector<16xi32>], vector<16xf32>,
      %swap3A_649 = arith.constant 1 : i32
      %swap3A_650 = arith.index_cast %swap3A_649 : i32 to index
      %swap3A_651 = arith.constant 0 : index
      %swap3A_652 = tpu.vector_load %arg10[%swap3A_650, %swap3A_651] {strides = array<i32>} : memref<8x128xf32, #tpu.memory_space<vmem>>, vector<16xf32>,
      tpu.vector_store %arg10[%swap3A_650, %swap3A_651], %gather3A_648 {strides = array<i32>} : memref<8x128xf32, #tpu.memory_space<vmem>>, vector<16xf32>,
      %broadcast_in_dim3A_653 = arith.constant 9 : i32
      %broadcast_in_dim3A_654 = vector.broadcast %broadcast_in_dim3A_653 : i32 to vector<16xi32>
      %gather3A_655 = tpu.vector_load_idx %arg8[%iota3A, %broadcast_in_dim3A_654] : memref<16x64xf32, #tpu.memory_space<vmem>>[vector<16xi32>, vector<16xi32>], vector<16xf32>,
      %swap3A_656 = arith.constant 1 : i32
      %swap3A_657 = arith.index_cast %swap3A_656 : i32 to index
      %swap3A_658 = arith.constant 16 : index
      %swap3A_659 = tpu.vector_load %arg10[%swap3A_657, %swap3A_658] {strides = array<i32>} : memref<8x128xf32, #tpu.memory_space<vmem>>, vector<16xf32>,
      tpu.vector_store %arg10[%swap3A_657, %swap3A_658], %gather3A_655 {strides = array<i32>} : memref<8x128xf32, #tpu.memory_space<vmem>>, vector<16xf32>,
      %broadcast_in_dim3A_660 = arith.constant 10 : i32
      %broadcast_in_dim3A_661 = vector.broadcast %broadcast_in_dim3A_660 : i32 to vector<16xi32>
      %gather3A_662 = tpu.vector_load_idx %arg8[%iota3A, %broadcast_in_dim3A_661] : memref<16x64xf32, #tpu.memory_space<vmem>>[vector<16xi32>, vector<16xi32>], vector<16xf32>,
      %swap3A_663 = arith.constant 1 : i32
      %swap3A_664 = arith.index_cast %swap3A_663 : i32 to index
      %swap3A_665 = arith.constant 32 : index
      %swap3A_666 = tpu.vector_load %arg10[%swap3A_664, %swap3A_665] {strides = array<i32>} : memref<8x128xf32, #tpu.memory_space<vmem>>, vector<16xf32>,
      tpu.vector_store %arg10[%swap3A_664, %swap3A_665], %gather3A_662 {strides = array<i32>} : memref<8x128xf32, #tpu.memory_space<vmem>>, vector<16xf32>,
      %broadcast_in_dim3A_667 = arith.constant 11 : i32
      %broadcast_in_dim3A_668 = vector.broadcast %broadcast_in_dim3A_667 : i32 to vector<16xi32>
      %gather3A_669 = tpu.vector_load_idx %arg8[%iota3A, %broadcast_in_dim3A_668] : memref<16x64xf32, #tpu.memory_space<vmem>>[vector<16xi32>, vector<16xi32>], vector<16xf32>,
      %swap3A_670 = arith.constant 1 : i32
      %swap3A_671 = arith.index_cast %swap3A_670 : i32 to index
      %swap3A_672 = arith.constant 48 : index
      %swap3A_673 = tpu.vector_load %arg10[%swap3A_671, %swap3A_672] {strides = array<i32>} : memref<8x128xf32, #tpu.memory_space<vmem>>, vector<16xf32>,
      tpu.vector_store %arg10[%swap3A_671, %swap3A_672], %gather3A_669 {strides = array<i32>} : memref<8x128xf32, #tpu.memory_space<vmem>>, vector<16xf32>,
      %broadcast_in_dim3A_674 = arith.constant 12 : i32
      %broadcast_in_dim3A_675 = vector.broadcast %broadcast_in_dim3A_674 : i32 to vector<16xi32>
      %gather3A_676 = tpu.vector_load_idx %arg8[%iota3A, %broadcast_in_dim3A_675] : memref<16x64xf32, #tpu.memory_space<vmem>>[vector<16xi32>, vector<16xi32>], vector<16xf32>,
      %swap3A_677 = arith.constant 1 : i32
      %swap3A_678 = arith.index_cast %swap3A_677 : i32 to index
      %swap3A_679 = arith.constant 64 : index
      %swap3A_680 = tpu.vector_load %arg10[%swap3A_678, %swap3A_679] {strides = array<i32>} : memref<8x128xf32, #tpu.memory_space<vmem>>, vector<16xf32>,
      tpu.vector_store %arg10[%swap3A_678, %swap3A_679], %gather3A_676 {strides = array<i32>} : memref<8x128xf32, #tpu.memory_space<vmem>>, vector<16xf32>,
      %broadcast_in_dim3A_681 = arith.constant 13 : i32
      %broadcast_in_dim3A_682 = vector.broadcast %broadcast_in_dim3A_681 : i32 to vector<16xi32>
      %gather3A_683 = tpu.vector_load_idx %arg8[%iota3A, %broadcast_in_dim3A_682] : memref<16x64xf32, #tpu.memory_space<vmem>>[vector<16xi32>, vector<16xi32>], vector<16xf32>,
      %swap3A_684 = arith.constant 1 : i32
      %swap3A_685 = arith.index_cast %swap3A_684 : i32 to index
      %swap3A_686 = arith.constant 80 : index
      %swap3A_687 = tpu.vector_load %arg10[%swap3A_685, %swap3A_686] {strides = array<i32>} : memref<8x128xf32, #tpu.memory_space<vmem>>, vector<16xf32>,
      tpu.vector_store %arg10[%swap3A_685, %swap3A_686], %gather3A_683 {strides = array<i32>} : memref<8x128xf32, #tpu.memory_space<vmem>>, vector<16xf32>,
      %broadcast_in_dim3A_688 = arith.constant 14 : i32
      %broadcast_in_dim3A_689 = vector.broadcast %broadcast_in_dim3A_688 : i32 to vector<16xi32>
      %gather3A_690 = tpu.vector_load_idx %arg8[%iota3A, %broadcast_in_dim3A_689] : memref<16x64xf32, #tpu.memory_space<vmem>>[vector<16xi32>, vector<16xi32>], vector<16xf32>,
      %swap3A_691 = arith.constant 1 : i32
      %swap3A_692 = arith.index_cast %swap3A_691 : i32 to index
      %swap3A_693 = arith.constant 96 : index
      %swap3A_694 = tpu.vector_load %arg10[%swap3A_692, %swap3A_693] {strides = array<i32>} : memref<8x128xf32, #tpu.memory_space<vmem>>, vector<16xf32>,
      tpu.vector_store %arg10[%swap3A_692, %swap3A_693], %gather3A_690 {strides = array<i32>} : memref<8x128xf32, #tpu.memory_space<vmem>>, vector<16xf32>,
      %broadcast_in_dim3A_695 = arith.constant 15 : i32
      %broadcast_in_dim3A_696 = vector.broadcast %broadcast_in_dim3A_695 : i32 to vector<16xi32>
      %gather3A_697 = tpu.vector_load_idx %arg8[%iota3A, %broadcast_in_dim3A_696] : memref<16x64xf32, #tpu.memory_space<vmem>>[vector<16xi32>, vector<16xi32>], vector<16xf32>,
      %swap3A_698 = arith.constant 1 : i32
      %swap3A_699 = arith.index_cast %swap3A_698 : i32 to index
      %swap3A_700 = arith.constant 112 : index
      %swap3A_701 = tpu.vector_load %arg10[%swap3A_699, %swap3A_700] {strides = array<i32>} : memref<8x128xf32, #tpu.memory_space<vmem>>, vector<16xf32>,
      tpu.vector_store %arg10[%swap3A_699, %swap3A_700], %gather3A_697 {strides = array<i32>} : memref<8x128xf32, #tpu.memory_space<vmem>>, vector<16xf32>,
      %broadcast_in_dim3A_702 = arith.constant 16 : i32
      %broadcast_in_dim3A_703 = vector.broadcast %broadcast_in_dim3A_702 : i32 to vector<16xi32>
      %gather3A_704 = tpu.vector_load_idx %arg8[%iota3A, %broadcast_in_dim3A_703] : memref<16x64xf32, #tpu.memory_space<vmem>>[vector<16xi32>, vector<16xi32>], vector<16xf32>,
      %swap3A_705 = arith.constant 2 : i32
      %swap3A_706 = arith.index_cast %swap3A_705 : i32 to index
      %swap3A_707 = arith.constant 0 : index
      %swap3A_708 = tpu.vector_load %arg10[%swap3A_706, %swap3A_707] {strides = array<i32>} : memref<8x128xf32, #tpu.memory_space<vmem>>, vector<16xf32>,
      tpu.vector_store %arg10[%swap3A_706, %swap3A_707], %gather3A_704 {strides = array<i32>} : memref<8x128xf32, #tpu.memory_space<vmem>>, vector<16xf32>,
      %broadcast_in_dim3A_709 = arith.constant 17 : i32
      %broadcast_in_dim3A_710 = vector.broadcast %broadcast_in_dim3A_709 : i32 to vector<16xi32>
      %gather3A_711 = tpu.vector_load_idx %arg8[%iota3A, %broadcast_in_dim3A_710] : memref<16x64xf32, #tpu.memory_space<vmem>>[vector<16xi32>, vector<16xi32>], vector<16xf32>,
      %swap3A_712 = arith.constant 2 : i32
      %swap3A_713 = arith.index_cast %swap3A_712 : i32 to index
      %swap3A_714 = arith.constant 16 : index
      %swap3A_715 = tpu.vector_load %arg10[%swap3A_713, %swap3A_714] {strides = array<i32>} : memref<8x128xf32, #tpu.memory_space<vmem>>, vector<16xf32>,
      tpu.vector_store %arg10[%swap3A_713, %swap3A_714], %gather3A_711 {strides = array<i32>} : memref<8x128xf32, #tpu.memory_space<vmem>>, vector<16xf32>,
      %broadcast_in_dim3A_716 = arith.constant 18 : i32
      %broadcast_in_dim3A_717 = vector.broadcast %broadcast_in_dim3A_716 : i32 to vector<16xi32>
      %gather3A_718 = tpu.vector_load_idx %arg8[%iota3A, %broadcast_in_dim3A_717] : memref<16x64xf32, #tpu.memory_space<vmem>>[vector<16xi32>, vector<16xi32>], vector<16xf32>,
      %swap3A_719 = arith.constant 2 : i32
      %swap3A_720 = arith.index_cast %swap3A_719 : i32 to index
      %swap3A_721 = arith.constant 32 : index
      %swap3A_722 = tpu.vector_load %arg10[%swap3A_720, %swap3A_721] {strides = array<i32>} : memref<8x128xf32, #tpu.memory_space<vmem>>, vector<16xf32>,
      tpu.vector_store %arg10[%swap3A_720, %swap3A_721], %gather3A_718 {strides = array<i32>} : memref<8x128xf32, #tpu.memory_space<vmem>>, vector<16xf32>,
      %broadcast_in_dim3A_723 = arith.constant 19 : i32
      %broadcast_in_dim3A_724 = vector.broadcast %broadcast_in_dim3A_723 : i32 to vector<16xi32>
      %gather3A_725 = tpu.vector_load_idx %arg8[%iota3A, %broadcast_in_dim3A_724] : memref<16x64xf32, #tpu.memory_space<vmem>>[vector<16xi32>, vector<16xi32>], vector<16xf32>,
      %swap3A_726 = arith.constant 2 : i32
      %swap3A_727 = arith.index_cast %swap3A_726 : i32 to index
      %swap3A_728 = arith.constant 48 : index
      %swap3A_729 = tpu.vector_load %arg10[%swap3A_727, %swap3A_728] {strides = array<i32>} : memref<8x128xf32, #tpu.memory_space<vmem>>, vector<16xf32>,
      tpu.vector_store %arg10[%swap3A_727, %swap3A_728], %gather3A_725 {strides = array<i32>} : memref<8x128xf32, #tpu.memory_space<vmem>>, vector<16xf32>,
      %broadcast_in_dim3A_730 = arith.constant 20 : i32
      %broadcast_in_dim3A_731 = vector.broadcast %broadcast_in_dim3A_730 : i32 to vector<16xi32>
      %gather3A_732 = tpu.vector_load_idx %arg8[%iota3A, %broadcast_in_dim3A_731] : memref<16x64xf32, #tpu.memory_space<vmem>>[vector<16xi32>, vector<16xi32>], vector<16xf32>,
      %swap3A_733 = arith.constant 2 : i32
      %swap3A_734 = arith.index_cast %swap3A_733 : i32 to index
      %swap3A_735 = arith.constant 64 : index
      %swap3A_736 = tpu.vector_load %arg10[%swap3A_734, %swap3A_735] {strides = array<i32>} : memref<8x128xf32, #tpu.memory_space<vmem>>, vector<16xf32>,
      tpu.vector_store %arg10[%swap3A_734, %swap3A_735], %gather3A_732 {strides = array<i32>} : memref<8x128xf32, #tpu.memory_space<vmem>>, vector<16xf32>,
      %broadcast_in_dim3A_737 = arith.constant 21 : i32
      %broadcast_in_dim3A_738 = vector.broadcast %broadcast_in_dim3A_737 : i32 to vector<16xi32>
      %gather3A_739 = tpu.vector_load_idx %arg8[%iota3A, %broadcast_in_dim3A_738] : memref<16x64xf32, #tpu.memory_space<vmem>>[vector<16xi32>, vector<16xi32>], vector<16xf32>,
      %swap3A_740 = arith.constant 2 : i32
      %swap3A_741 = arith.index_cast %swap3A_740 : i32 to index
      %swap3A_742 = arith.constant 80 : index
      %swap3A_743 = tpu.vector_load %arg10[%swap3A_741, %swap3A_742] {strides = array<i32>} : memref<8x128xf32, #tpu.memory_space<vmem>>, vector<16xf32>,
      tpu.vector_store %arg10[%swap3A_741, %swap3A_742], %gather3A_739 {strides = array<i32>} : memref<8x128xf32, #tpu.memory_space<vmem>>, vector<16xf32>,
      %broadcast_in_dim3A_744 = arith.constant 22 : i32
      %broadcast_in_dim3A_745 = vector.broadcast %broadcast_in_dim3A_744 : i32 to vector<16xi32>
      %gather3A_746 = tpu.vector_load_idx %arg8[%iota3A, %broadcast_in_dim3A_745] : memref<16x64xf32, #tpu.memory_space<vmem>>[vector<16xi32>, vector<16xi32>], vector<16xf32>,
      %swap3A_747 = arith.constant 2 : i32
      %swap3A_748 = arith.index_cast %swap3A_747 : i32 to index
      %swap3A_749 = arith.constant 96 : index
      %swap3A_750 = tpu.vector_load %arg10[%swap3A_748, %swap3A_749] {strides = array<i32>} : memref<8x128xf32, #tpu.memory_space<vmem>>, vector<16xf32>,
      tpu.vector_store %arg10[%swap3A_748, %swap3A_749], %gather3A_746 {strides = array<i32>} : memref<8x128xf32, #tpu.memory_space<vmem>>, vector<16xf32>,
      %broadcast_in_dim3A_751 = arith.constant 23 : i32
      %broadcast_in_dim3A_752 = vector.broadcast %broadcast_in_dim3A_751 : i32 to vector<16xi32>
      %gather3A_753 = tpu.vector_load_idx %arg8[%iota3A, %broadcast_in_dim3A_752] : memref<16x64xf32, #tpu.memory_space<vmem>>[vector<16xi32>, vector<16xi32>], vector<16xf32>,
      %swap3A_754 = arith.constant 2 : i32
      %swap3A_755 = arith.index_cast %swap3A_754 : i32 to index
      %swap3A_756 = arith.constant 112 : index
      %swap3A_757 = tpu.vector_load %arg10[%swap3A_755, %swap3A_756] {strides = array<i32>} : memref<8x128xf32, #tpu.memory_space<vmem>>, vector<16xf32>,
      tpu.vector_store %arg10[%swap3A_755, %swap3A_756], %gather3A_753 {strides = array<i32>} : memref<8x128xf32, #tpu.memory_space<vmem>>, vector<16xf32>,
      %broadcast_in_dim3A_758 = arith.constant 24 : i32
      %broadcast_in_dim3A_759 = vector.broadcast %broadcast_in_dim3A_758 : i32 to vector<16xi32>
      %gather3A_760 = tpu.vector_load_idx %arg8[%iota3A, %broadcast_in_dim3A_759] : memref<16x64xf32, #tpu.memory_space<vmem>>[vector<16xi32>, vector<16xi32>], vector<16xf32>,
      %swap3A_761 = arith.constant 3 : i32
      %swap3A_762 = arith.index_cast %swap3A_761 : i32 to index
      %swap3A_763 = arith.constant 0 : index
      %swap3A_764 = tpu.vector_load %arg10[%swap3A_762, %swap3A_763] {strides = array<i32>} : memref<8x128xf32, #tpu.memory_space<vmem>>, vector<16xf32>,
      tpu.vector_store %arg10[%swap3A_762, %swap3A_763], %gather3A_760 {strides = array<i32>} : memref<8x128xf32, #tpu.memory_space<vmem>>, vector<16xf32>,
      %broadcast_in_dim3A_765 = arith.constant 25 : i32
      %broadcast_in_dim3A_766 = vector.broadcast %broadcast_in_dim3A_765 : i32 to vector<16xi32>
      %gather3A_767 = tpu.vector_load_idx %arg8[%iota3A, %broadcast_in_dim3A_766] : memref<16x64xf32, #tpu.memory_space<vmem>>[vector<16xi32>, vector<16xi32>], vector<16xf32>,
      %swap3A_768 = arith.constant 3 : i32
      %swap3A_769 = arith.index_cast %swap3A_768 : i32 to index
      %swap3A_770 = arith.constant 16 : index
      %swap3A_771 = tpu.vector_load %arg10[%swap3A_769, %swap3A_770] {strides = array<i32>} : memref<8x128xf32, #tpu.memory_space<vmem>>, vector<16xf32>,
      tpu.vector_store %arg10[%swap3A_769, %swap3A_770], %gather3A_767 {strides = array<i32>} : memref<8x128xf32, #tpu.memory_space<vmem>>, vector<16xf32>,
      %broadcast_in_dim3A_772 = arith.constant 26 : i32
      %broadcast_in_dim3A_773 = vector.broadcast %broadcast_in_dim3A_772 : i32 to vector<16xi32>
      %gather3A_774 = tpu.vector_load_idx %arg8[%iota3A, %broadcast_in_dim3A_773] : memref<16x64xf32, #tpu.memory_space<vmem>>[vector<16xi32>, vector<16xi32>], vector<16xf32>,
      %swap3A_775 = arith.constant 3 : i32
      %swap3A_776 = arith.index_cast %swap3A_775 : i32 to index
      %swap3A_777 = arith.constant 32 : index
      %swap3A_778 = tpu.vector_load %arg10[%swap3A_776, %swap3A_777] {strides = array<i32>} : memref<8x128xf32, #tpu.memory_space<vmem>>, vector<16xf32>,
      tpu.vector_store %arg10[%swap3A_776, %swap3A_777], %gather3A_774 {strides = array<i32>} : memref<8x128xf32, #tpu.memory_space<vmem>>, vector<16xf32>,
      %broadcast_in_dim3A_779 = arith.constant 27 : i32
      %broadcast_in_dim3A_780 = vector.broadcast %broadcast_in_dim3A_779 : i32 to vector<16xi32>
      %gather3A_781 = tpu.vector_load_idx %arg8[%iota3A, %broadcast_in_dim3A_780] : memref<16x64xf32, #tpu.memory_space<vmem>>[vector<16xi32>, vector<16xi32>], vector<16xf32>,
      %swap3A_782 = arith.constant 3 : i32
      %swap3A_783 = arith.index_cast %swap3A_782 : i32 to index
      %swap3A_784 = arith.constant 48 : index
      %swap3A_785 = tpu.vector_load %arg10[%swap3A_783, %swap3A_784] {strides = array<i32>} : memref<8x128xf32, #tpu.memory_space<vmem>>, vector<16xf32>,
      tpu.vector_store %arg10[%swap3A_783, %swap3A_784], %gather3A_781 {strides = array<i32>} : memref<8x128xf32, #tpu.memory_space<vmem>>, vector<16xf32>,
      %broadcast_in_dim3A_786 = arith.constant 28 : i32
      %broadcast_in_dim3A_787 = vector.broadcast %broadcast_in_dim3A_786 : i32 to vector<16xi32>
      %gather3A_788 = tpu.vector_load_idx %arg8[%iota3A, %broadcast_in_dim3A_787] : memref<16x64xf32, #tpu.memory_space<vmem>>[vector<16xi32>, vector<16xi32>], vector<16xf32>,
      %swap3A_789 = arith.constant 3 : i32
      %swap3A_790 = arith.index_cast %swap3A_789 : i32 to index
      %swap3A_791 = arith.constant 64 : index
      %swap3A_792 = tpu.vector_load %arg10[%swap3A_790, %swap3A_791] {strides = array<i32>} : memref<8x128xf32, #tpu.memory_space<vmem>>, vector<16xf32>,
      tpu.vector_store %arg10[%swap3A_790, %swap3A_791], %gather3A_788 {strides = array<i32>} : memref<8x128xf32, #tpu.memory_space<vmem>>, vector<16xf32>,
      %broadcast_in_dim3A_793 = arith.constant 29 : i32
      %broadcast_in_dim3A_794 = vector.broadcast %broadcast_in_dim3A_793 : i32 to vector<16xi32>
      %gather3A_795 = tpu.vector_load_idx %arg8[%iota3A, %broadcast_in_dim3A_794] : memref<16x64xf32, #tpu.memory_space<vmem>>[vector<16xi32>, vector<16xi32>], vector<16xf32>,
      %swap3A_796 = arith.constant 3 : i32
      %swap3A_797 = arith.index_cast %swap3A_796 : i32 to index
      %swap3A_798 = arith.constant 80 : index
      %swap3A_799 = tpu.vector_load %arg10[%swap3A_797, %swap3A_798] {strides = array<i32>} : memref<8x128xf32, #tpu.memory_space<vmem>>, vector<16xf32>,
      tpu.vector_store %arg10[%swap3A_797, %swap3A_798], %gather3A_795 {strides = array<i32>} : memref<8x128xf32, #tpu.memory_space<vmem>>, vector<16xf32>,
      %broadcast_in_dim3A_800 = arith.constant 30 : i32
      %broadcast_in_dim3A_801 = vector.broadcast %broadcast_in_dim3A_800 : i32 to vector<16xi32>
      %gather3A_802 = tpu.vector_load_idx %arg8[%iota3A, %broadcast_in_dim3A_801] : memref<16x64xf32, #tpu.memory_space<vmem>>[vector<16xi32>, vector<16xi32>], vector<16xf32>,
      %swap3A_803 = arith.constant 3 : i32
      %swap3A_804 = arith.index_cast %swap3A_803 : i32 to index
      %swap3A_805 = arith.constant 96 : index
      %swap3A_806 = tpu.vector_load %arg10[%swap3A_804, %swap3A_805] {strides = array<i32>} : memref<8x128xf32, #tpu.memory_space<vmem>>, vector<16xf32>,
      tpu.vector_store %arg10[%swap3A_804, %swap3A_805], %gather3A_802 {strides = array<i32>} : memref<8x128xf32, #tpu.memory_space<vmem>>, vector<16xf32>,
      %broadcast_in_dim3A_807 = arith.constant 31 : i32
      %broadcast_in_dim3A_808 = vector.broadcast %broadcast_in_dim3A_807 : i32 to vector<16xi32>
      %gather3A_809 = tpu.vector_load_idx %arg8[%iota3A, %broadcast_in_dim3A_808] : memref<16x64xf32, #tpu.memory_space<vmem>>[vector<16xi32>, vector<16xi32>], vector<16xf32>,
      %swap3A_810 = arith.constant 3 : i32
      %swap3A_811 = arith.index_cast %swap3A_810 : i32 to index
      %swap3A_812 = arith.constant 112 : index
      %swap3A_813 = tpu.vector_load %arg10[%swap3A_811, %swap3A_812] {strides = array<i32>} : memref<8x128xf32, #tpu.memory_space<vmem>>, vector<16xf32>,
      tpu.vector_store %arg10[%swap3A_811, %swap3A_812], %gather3A_809 {strides = array<i32>} : memref<8x128xf32, #tpu.memory_space<vmem>>, vector<16xf32>,
      %broadcast_in_dim3A_814 = arith.constant 32 : i32
      %broadcast_in_dim3A_815 = vector.broadcast %broadcast_in_dim3A_814 : i32 to vector<16xi32>
      %gather3A_816 = tpu.vector_load_idx %arg8[%iota3A, %broadcast_in_dim3A_815] : memref<16x64xf32, #tpu.memory_space<vmem>>[vector<16xi32>, vector<16xi32>], vector<16xf32>,
      %swap3A_817 = arith.constant 4 : i32
      %swap3A_818 = arith.index_cast %swap3A_817 : i32 to index
      %swap3A_819 = arith.constant 0 : index
      %swap3A_820 = tpu.vector_load %arg10[%swap3A_818, %swap3A_819] {strides = array<i32>} : memref<8x128xf32, #tpu.memory_space<vmem>>, vector<16xf32>,
      tpu.vector_store %arg10[%swap3A_818, %swap3A_819], %gather3A_816 {strides = array<i32>} : memref<8x128xf32, #tpu.memory_space<vmem>>, vector<16xf32>,
      %broadcast_in_dim3A_821 = arith.constant 33 : i32
      %broadcast_in_dim3A_822 = vector.broadcast %broadcast_in_dim3A_821 : i32 to vector<16xi32>
      %gather3A_823 = tpu.vector_load_idx %arg8[%iota3A, %broadcast_in_dim3A_822] : memref<16x64xf32, #tpu.memory_space<vmem>>[vector<16xi32>, vector<16xi32>], vector<16xf32>,
      %swap3A_824 = arith.constant 4 : i32
      %swap3A_825 = arith.index_cast %swap3A_824 : i32 to index
      %swap3A_826 = arith.constant 16 : index
      %swap3A_827 = tpu.vector_load %arg10[%swap3A_825, %swap3A_826] {strides = array<i32>} : memref<8x128xf32, #tpu.memory_space<vmem>>, vector<16xf32>,
      tpu.vector_store %arg10[%swap3A_825, %swap3A_826], %gather3A_823 {strides = array<i32>} : memref<8x128xf32, #tpu.memory_space<vmem>>, vector<16xf32>,
      %broadcast_in_dim3A_828 = arith.constant 34 : i32
      %broadcast_in_dim3A_829 = vector.broadcast %broadcast_in_dim3A_828 : i32 to vector<16xi32>
      %gather3A_830 = tpu.vector_load_idx %arg8[%iota3A, %broadcast_in_dim3A_829] : memref<16x64xf32, #tpu.memory_space<vmem>>[vector<16xi32>, vector<16xi32>], vector<16xf32>,
      %swap3A_831 = arith.constant 4 : i32
      %swap3A_832 = arith.index_cast %swap3A_831 : i32 to index
      %swap3A_833 = arith.constant 32 : index
      %swap3A_834 = tpu.vector_load %arg10[%swap3A_832, %swap3A_833] {strides = array<i32>} : memref<8x128xf32, #tpu.memory_space<vmem>>, vector<16xf32>,
      tpu.vector_store %arg10[%swap3A_832, %swap3A_833], %gather3A_830 {strides = array<i32>} : memref<8x128xf32, #tpu.memory_space<vmem>>, vector<16xf32>,
      %broadcast_in_dim3A_835 = arith.constant 35 : i32
      %broadcast_in_dim3A_836 = vector.broadcast %broadcast_in_dim3A_835 : i32 to vector<16xi32>
      %gather3A_837 = tpu.vector_load_idx %arg8[%iota3A, %broadcast_in_dim3A_836] : memref<16x64xf32, #tpu.memory_space<vmem>>[vector<16xi32>, vector<16xi32>], vector<16xf32>,
      %swap3A_838 = arith.constant 4 : i32
      %swap3A_839 = arith.index_cast %swap3A_838 : i32 to index
      %swap3A_840 = arith.constant 48 : index
      %swap3A_841 = tpu.vector_load %arg10[%swap3A_839, %swap3A_840] {strides = array<i32>} : memref<8x128xf32, #tpu.memory_space<vmem>>, vector<16xf32>,
      tpu.vector_store %arg10[%swap3A_839, %swap3A_840], %gather3A_837 {strides = array<i32>} : memref<8x128xf32, #tpu.memory_space<vmem>>, vector<16xf32>,
      %broadcast_in_dim3A_842 = arith.constant 36 : i32
      %broadcast_in_dim3A_843 = vector.broadcast %broadcast_in_dim3A_842 : i32 to vector<16xi32>
      %gather3A_844 = tpu.vector_load_idx %arg8[%iota3A, %broadcast_in_dim3A_843] : memref<16x64xf32, #tpu.memory_space<vmem>>[vector<16xi32>, vector<16xi32>], vector<16xf32>,
      %swap3A_845 = arith.constant 4 : i32
      %swap3A_846 = arith.index_cast %swap3A_845 : i32 to index
      %swap3A_847 = arith.constant 64 : index
      %swap3A_848 = tpu.vector_load %arg10[%swap3A_846, %swap3A_847] {strides = array<i32>} : memref<8x128xf32, #tpu.memory_space<vmem>>, vector<16xf32>,
      tpu.vector_store %arg10[%swap3A_846, %swap3A_847], %gather3A_844 {strides = array<i32>} : memref<8x128xf32, #tpu.memory_space<vmem>>, vector<16xf32>,
      %broadcast_in_dim3A_849 = arith.constant 37 : i32
      %broadcast_in_dim3A_850 = vector.broadcast %broadcast_in_dim3A_849 : i32 to vector<16xi32>
      %gather3A_851 = tpu.vector_load_idx %arg8[%iota3A, %broadcast_in_dim3A_850] : memref<16x64xf32, #tpu.memory_space<vmem>>[vector<16xi32>, vector<16xi32>], vector<16xf32>,
      %swap3A_852 = arith.constant 4 : i32
      %swap3A_853 = arith.index_cast %swap3A_852 : i32 to index
      %swap3A_854 = arith.constant 80 : index
      %swap3A_855 = tpu.vector_load %arg10[%swap3A_853, %swap3A_854] {strides = array<i32>} : memref<8x128xf32, #tpu.memory_space<vmem>>, vector<16xf32>,
      tpu.vector_store %arg10[%swap3A_853, %swap3A_854], %gather3A_851 {strides = array<i32>} : memref<8x128xf32, #tpu.memory_space<vmem>>, vector<16xf32>,
      %broadcast_in_dim3A_856 = arith.constant 38 : i32
      %broadcast_in_dim3A_857 = vector.broadcast %broadcast_in_dim3A_856 : i32 to vector<16xi32>
      %gather3A_858 = tpu.vector_load_idx %arg8[%iota3A, %broadcast_in_dim3A_857] : memref<16x64xf32, #tpu.memory_space<vmem>>[vector<16xi32>, vector<16xi32>], vector<16xf32>,
      %swap3A_859 = arith.constant 4 : i32
      %swap3A_860 = arith.index_cast %swap3A_859 : i32 to index
      %swap3A_861 = arith.constant 96 : index
      %swap3A_862 = tpu.vector_load %arg10[%swap3A_860, %swap3A_861] {strides = array<i32>} : memref<8x128xf32, #tpu.memory_space<vmem>>, vector<16xf32>,
      tpu.vector_store %arg10[%swap3A_860, %swap3A_861], %gather3A_858 {strides = array<i32>} : memref<8x128xf32, #tpu.memory_space<vmem>>, vector<16xf32>,
      %broadcast_in_dim3A_863 = arith.constant 39 : i32
      %broadcast_in_dim3A_864 = vector.broadcast %broadcast_in_dim3A_863 : i32 to vector<16xi32>
      %gather3A_865 = tpu.vector_load_idx %arg8[%iota3A, %broadcast_in_dim3A_864] : memref<16x64xf32, #tpu.memory_space<vmem>>[vector<16xi32>, vector<16xi32>], vector<16xf32>,
      %swap3A_866 = arith.constant 4 : i32
      %swap3A_867 = arith.index_cast %swap3A_866 : i32 to index
      %swap3A_868 = arith.constant 112 : index
      %swap3A_869 = tpu.vector_load %arg10[%swap3A_867, %swap3A_868] {strides = array<i32>} : memref<8x128xf32, #tpu.memory_space<vmem>>, vector<16xf32>,
      tpu.vector_store %arg10[%swap3A_867, %swap3A_868], %gather3A_865 {strides = array<i32>} : memref<8x128xf32, #tpu.memory_space<vmem>>, vector<16xf32>,
      %broadcast_in_dim3A_870 = arith.constant 40 : i32
      %broadcast_in_dim3A_871 = vector.broadcast %broadcast_in_dim3A_870 : i32 to vector<16xi32>
      %gather3A_872 = tpu.vector_load_idx %arg8[%iota3A, %broadcast_in_dim3A_871] : memref<16x64xf32, #tpu.memory_space<vmem>>[vector<16xi32>, vector<16xi32>], vector<16xf32>,
      %swap3A_873 = arith.constant 5 : i32
      %swap3A_874 = arith.index_cast %swap3A_873 : i32 to index
      %swap3A_875 = arith.constant 0 : index
      %swap3A_876 = tpu.vector_load %arg10[%swap3A_874, %swap3A_875] {strides = array<i32>} : memref<8x128xf32, #tpu.memory_space<vmem>>, vector<16xf32>,
      tpu.vector_store %arg10[%swap3A_874, %swap3A_875], %gather3A_872 {strides = array<i32>} : memref<8x128xf32, #tpu.memory_space<vmem>>, vector<16xf32>,
      %broadcast_in_dim3A_877 = arith.constant 41 : i32
      %broadcast_in_dim3A_878 = vector.broadcast %broadcast_in_dim3A_877 : i32 to vector<16xi32>
      %gather3A_879 = tpu.vector_load_idx %arg8[%iota3A, %broadcast_in_dim3A_878] : memref<16x64xf32, #tpu.memory_space<vmem>>[vector<16xi32>, vector<16xi32>], vector<16xf32>,
      %swap3A_880 = arith.constant 5 : i32
      %swap3A_881 = arith.index_cast %swap3A_880 : i32 to index
      %swap3A_882 = arith.constant 16 : index
      %swap3A_883 = tpu.vector_load %arg10[%swap3A_881, %swap3A_882] {strides = array<i32>} : memref<8x128xf32, #tpu.memory_space<vmem>>, vector<16xf32>,
      tpu.vector_store %arg10[%swap3A_881, %swap3A_882], %gather3A_879 {strides = array<i32>} : memref<8x128xf32, #tpu.memory_space<vmem>>, vector<16xf32>,
      %broadcast_in_dim3A_884 = arith.constant 42 : i32
      %broadcast_in_dim3A_885 = vector.broadcast %broadcast_in_dim3A_884 : i32 to vector<16xi32>
      %gather3A_886 = tpu.vector_load_idx %arg8[%iota3A, %broadcast_in_dim3A_885] : memref<16x64xf32, #tpu.memory_space<vmem>>[vector<16xi32>, vector<16xi32>], vector<16xf32>,
      %swap3A_887 = arith.constant 5 : i32
      %swap3A_888 = arith.index_cast %swap3A_887 : i32 to index
      %swap3A_889 = arith.constant 32 : index
      %swap3A_890 = tpu.vector_load %arg10[%swap3A_888, %swap3A_889] {strides = array<i32>} : memref<8x128xf32, #tpu.memory_space<vmem>>, vector<16xf32>,
      tpu.vector_store %arg10[%swap3A_888, %swap3A_889], %gather3A_886 {strides = array<i32>} : memref<8x128xf32, #tpu.memory_space<vmem>>, vector<16xf32>,
      %broadcast_in_dim3A_891 = arith.constant 43 : i32
      %broadcast_in_dim3A_892 = vector.broadcast %broadcast_in_dim3A_891 : i32 to vector<16xi32>
      %gather3A_893 = tpu.vector_load_idx %arg8[%iota3A, %broadcast_in_dim3A_892] : memref<16x64xf32, #tpu.memory_space<vmem>>[vector<16xi32>, vector<16xi32>], vector<16xf32>,
      %swap3A_894 = arith.constant 5 : i32
      %swap3A_895 = arith.index_cast %swap3A_894 : i32 to index
      %swap3A_896 = arith.constant 48 : index
      %swap3A_897 = tpu.vector_load %arg10[%swap3A_895, %swap3A_896] {strides = array<i32>} : memref<8x128xf32, #tpu.memory_space<vmem>>, vector<16xf32>,
      tpu.vector_store %arg10[%swap3A_895, %swap3A_896], %gather3A_893 {strides = array<i32>} : memref<8x128xf32, #tpu.memory_space<vmem>>, vector<16xf32>,
      %broadcast_in_dim3A_898 = arith.constant 44 : i32
      %broadcast_in_dim3A_899 = vector.broadcast %broadcast_in_dim3A_898 : i32 to vector<16xi32>
      %gather3A_900 = tpu.vector_load_idx %arg8[%iota3A, %broadcast_in_dim3A_899] : memref<16x64xf32, #tpu.memory_space<vmem>>[vector<16xi32>, vector<16xi32>], vector<16xf32>,
      %swap3A_901 = arith.constant 5 : i32
      %swap3A_902 = arith.index_cast %swap3A_901 : i32 to index
      %swap3A_903 = arith.constant 64 : index
      %swap3A_904 = tpu.vector_load %arg10[%swap3A_902, %swap3A_903] {strides = array<i32>} : memref<8x128xf32, #tpu.memory_space<vmem>>, vector<16xf32>,
      tpu.vector_store %arg10[%swap3A_902, %swap3A_903], %gather3A_900 {strides = array<i32>} : memref<8x128xf32, #tpu.memory_space<vmem>>, vector<16xf32>,
      %broadcast_in_dim3A_905 = arith.constant 45 : i32
      %broadcast_in_dim3A_906 = vector.broadcast %broadcast_in_dim3A_905 : i32 to vector<16xi32>
      %gather3A_907 = tpu.vector_load_idx %arg8[%iota3A, %broadcast_in_dim3A_906] : memref<16x64xf32, #tpu.memory_space<vmem>>[vector<16xi32>, vector<16xi32>], vector<16xf32>,
      %swap3A_908 = arith.constant 5 : i32
      %swap3A_909 = arith.index_cast %swap3A_908 : i32 to index
      %swap3A_910 = arith.constant 80 : index
      %swap3A_911 = tpu.vector_load %arg10[%swap3A_909, %swap3A_910] {strides = array<i32>} : memref<8x128xf32, #tpu.memory_space<vmem>>, vector<16xf32>,
      tpu.vector_store %arg10[%swap3A_909, %swap3A_910], %gather3A_907 {strides = array<i32>} : memref<8x128xf32, #tpu.memory_space<vmem>>, vector<16xf32>,
      %broadcast_in_dim3A_912 = arith.constant 46 : i32
      %broadcast_in_dim3A_913 = vector.broadcast %broadcast_in_dim3A_912 : i32 to vector<16xi32>
      %gather3A_914 = tpu.vector_load_idx %arg8[%iota3A, %broadcast_in_dim3A_913] : memref<16x64xf32, #tpu.memory_space<vmem>>[vector<16xi32>, vector<16xi32>], vector<16xf32>,
      %swap3A_915 = arith.constant 5 : i32
      %swap3A_916 = arith.index_cast %swap3A_915 : i32 to index
      %swap3A_917 = arith.constant 96 : index
      %swap3A_918 = tpu.vector_load %arg10[%swap3A_916, %swap3A_917] {strides = array<i32>} : memref<8x128xf32, #tpu.memory_space<vmem>>, vector<16xf32>,
      tpu.vector_store %arg10[%swap3A_916, %swap3A_917], %gather3A_914 {strides = array<i32>} : memref<8x128xf32, #tpu.memory_space<vmem>>, vector<16xf32>,
      %broadcast_in_dim3A_919 = arith.constant 47 : i32
      %broadcast_in_dim3A_920 = vector.broadcast %broadcast_in_dim3A_919 : i32 to vector<16xi32>
      %gather3A_921 = tpu.vector_load_idx %arg8[%iota3A, %broadcast_in_dim3A_920] : memref<16x64xf32, #tpu.memory_space<vmem>>[vector<16xi32>, vector<16xi32>], vector<16xf32>,
      %swap3A_922 = arith.constant 5 : i32
      %swap3A_923 = arith.index_cast %swap3A_922 : i32 to index
      %swap3A_924 = arith.constant 112 : index
      %swap3A_925 = tpu.vector_load %arg10[%swap3A_923, %swap3A_924] {strides = array<i32>} : memref<8x128xf32, #tpu.memory_space<vmem>>, vector<16xf32>,
      tpu.vector_store %arg10[%swap3A_923, %swap3A_924], %gather3A_921 {strides = array<i32>} : memref<8x128xf32, #tpu.memory_space<vmem>>, vector<16xf32>,
      %broadcast_in_dim3A_926 = arith.constant 48 : i32
      %broadcast_in_dim3A_927 = vector.broadcast %broadcast_in_dim3A_926 : i32 to vector<16xi32>
      %gather3A_928 = tpu.vector_load_idx %arg8[%iota3A, %broadcast_in_dim3A_927] : memref<16x64xf32, #tpu.memory_space<vmem>>[vector<16xi32>, vector<16xi32>], vector<16xf32>,
      %swap3A_929 = arith.constant 6 : i32
      %swap3A_930 = arith.index_cast %swap3A_929 : i32 to index
      %swap3A_931 = arith.constant 0 : index
      %swap3A_932 = tpu.vector_load %arg10[%swap3A_930, %swap3A_931] {strides = array<i32>} : memref<8x128xf32, #tpu.memory_space<vmem>>, vector<16xf32>,
      tpu.vector_store %arg10[%swap3A_930, %swap3A_931], %gather3A_928 {strides = array<i32>} : memref<8x128xf32, #tpu.memory_space<vmem>>, vector<16xf32>,
      %broadcast_in_dim3A_933 = arith.constant 49 : i32
      %broadcast_in_dim3A_934 = vector.broadcast %broadcast_in_dim3A_933 : i32 to vector<16xi32>
      %gather3A_935 = tpu.vector_load_idx %arg8[%iota3A, %broadcast_in_dim3A_934] : memref<16x64xf32, #tpu.memory_space<vmem>>[vector<16xi32>, vector<16xi32>], vector<16xf32>,
      %swap3A_936 = arith.constant 6 : i32
      %swap3A_937 = arith.index_cast %swap3A_936 : i32 to index
      %swap3A_938 = arith.constant 16 : index
      %swap3A_939 = tpu.vector_load %arg10[%swap3A_937, %swap3A_938] {strides = array<i32>} : memref<8x128xf32, #tpu.memory_space<vmem>>, vector<16xf32>,
      tpu.vector_store %arg10[%swap3A_937, %swap3A_938], %gather3A_935 {strides = array<i32>} : memref<8x128xf32, #tpu.memory_space<vmem>>, vector<16xf32>,
      %broadcast_in_dim3A_940 = arith.constant 50 : i32
      %broadcast_in_dim3A_941 = vector.broadcast %broadcast_in_dim3A_940 : i32 to vector<16xi32>
      %gather3A_942 = tpu.vector_load_idx %arg8[%iota3A, %broadcast_in_dim3A_941] : memref<16x64xf32, #tpu.memory_space<vmem>>[vector<16xi32>, vector<16xi32>], vector<16xf32>,
      %swap3A_943 = arith.constant 6 : i32
      %swap3A_944 = arith.index_cast %swap3A_943 : i32 to index
      %swap3A_945 = arith.constant 32 : index
      %swap3A_946 = tpu.vector_load %arg10[%swap3A_944, %swap3A_945] {strides = array<i32>} : memref<8x128xf32, #tpu.memory_space<vmem>>, vector<16xf32>,
      tpu.vector_store %arg10[%swap3A_944, %swap3A_945], %gather3A_942 {strides = array<i32>} : memref<8x128xf32, #tpu.memory_space<vmem>>, vector<16xf32>,
      %broadcast_in_dim3A_947 = arith.constant 51 : i32
      %broadcast_in_dim3A_948 = vector.broadcast %broadcast_in_dim3A_947 : i32 to vector<16xi32>
      %gather3A_949 = tpu.vector_load_idx %arg8[%iota3A, %broadcast_in_dim3A_948] : memref<16x64xf32, #tpu.memory_space<vmem>>[vector<16xi32>, vector<16xi32>], vector<16xf32>,
      %swap3A_950 = arith.constant 6 : i32
      %swap3A_951 = arith.index_cast %swap3A_950 : i32 to index
      %swap3A_952 = arith.constant 48 : index
      %swap3A_953 = tpu.vector_load %arg10[%swap3A_951, %swap3A_952] {strides = array<i32>} : memref<8x128xf32, #tpu.memory_space<vmem>>, vector<16xf32>,
      tpu.vector_store %arg10[%swap3A_951, %swap3A_952], %gather3A_949 {strides = array<i32>} : memref<8x128xf32, #tpu.memory_space<vmem>>, vector<16xf32>,
      %broadcast_in_dim3A_954 = arith.constant 52 : i32
      %broadcast_in_dim3A_955 = vector.broadcast %broadcast_in_dim3A_954 : i32 to vector<16xi32>
      %gather3A_956 = tpu.vector_load_idx %arg8[%iota3A, %broadcast_in_dim3A_955] : memref<16x64xf32, #tpu.memory_space<vmem>>[vector<16xi32>, vector<16xi32>], vector<16xf32>,
      %swap3A_957 = arith.constant 6 : i32
      %swap3A_958 = arith.index_cast %swap3A_957 : i32 to index
      %swap3A_959 = arith.constant 64 : index
      %swap3A_960 = tpu.vector_load %arg10[%swap3A_958, %swap3A_959] {strides = array<i32>} : memref<8x128xf32, #tpu.memory_space<vmem>>, vector<16xf32>,
      tpu.vector_store %arg10[%swap3A_958, %swap3A_959], %gather3A_956 {strides = array<i32>} : memref<8x128xf32, #tpu.memory_space<vmem>>, vector<16xf32>,
      %broadcast_in_dim3A_961 = arith.constant 53 : i32
      %broadcast_in_dim3A_962 = vector.broadcast %broadcast_in_dim3A_961 : i32 to vector<16xi32>
      %gather3A_963 = tpu.vector_load_idx %arg8[%iota3A, %broadcast_in_dim3A_962] : memref<16x64xf32, #tpu.memory_space<vmem>>[vector<16xi32>, vector<16xi32>], vector<16xf32>,
      %swap3A_964 = arith.constant 6 : i32
      %swap3A_965 = arith.index_cast %swap3A_964 : i32 to index
      %swap3A_966 = arith.constant 80 : index
      %swap3A_967 = tpu.vector_load %arg10[%swap3A_965, %swap3A_966] {strides = array<i32>} : memref<8x128xf32, #tpu.memory_space<vmem>>, vector<16xf32>,
      tpu.vector_store %arg10[%swap3A_965, %swap3A_966], %gather3A_963 {strides = array<i32>} : memref<8x128xf32, #tpu.memory_space<vmem>>, vector<16xf32>,
      %broadcast_in_dim3A_968 = arith.constant 54 : i32
      %broadcast_in_dim3A_969 = vector.broadcast %broadcast_in_dim3A_968 : i32 to vector<16xi32>
      %gather3A_970 = tpu.vector_load_idx %arg8[%iota3A, %broadcast_in_dim3A_969] : memref<16x64xf32, #tpu.memory_space<vmem>>[vector<16xi32>, vector<16xi32>], vector<16xf32>,
      %swap3A_971 = arith.constant 6 : i32
      %swap3A_972 = arith.index_cast %swap3A_971 : i32 to index
      %swap3A_973 = arith.constant 96 : index
      %swap3A_974 = tpu.vector_load %arg10[%swap3A_972, %swap3A_973] {strides = array<i32>} : memref<8x128xf32, #tpu.memory_space<vmem>>, vector<16xf32>,
      tpu.vector_store %arg10[%swap3A_972, %swap3A_973], %gather3A_970 {strides = array<i32>} : memref<8x128xf32, #tpu.memory_space<vmem>>, vector<16xf32>,
      %broadcast_in_dim3A_975 = arith.constant 55 : i32
      %broadcast_in_dim3A_976 = vector.broadcast %broadcast_in_dim3A_975 : i32 to vector<16xi32>
      %gather3A_977 = tpu.vector_load_idx %arg8[%iota3A, %broadcast_in_dim3A_976] : memref<16x64xf32, #tpu.memory_space<vmem>>[vector<16xi32>, vector<16xi32>], vector<16xf32>,
      %swap3A_978 = arith.constant 6 : i32
      %swap3A_979 = arith.index_cast %swap3A_978 : i32 to index
      %swap3A_980 = arith.constant 112 : index
      %swap3A_981 = tpu.vector_load %arg10[%swap3A_979, %swap3A_980] {strides = array<i32>} : memref<8x128xf32, #tpu.memory_space<vmem>>, vector<16xf32>,
      tpu.vector_store %arg10[%swap3A_979, %swap3A_980], %gather3A_977 {strides = array<i32>} : memref<8x128xf32, #tpu.memory_space<vmem>>, vector<16xf32>,
      %broadcast_in_dim3A_982 = arith.constant 56 : i32
      %broadcast_in_dim3A_983 = vector.broadcast %broadcast_in_dim3A_982 : i32 to vector<16xi32>
      %gather3A_984 = tpu.vector_load_idx %arg8[%iota3A, %broadcast_in_dim3A_983] : memref<16x64xf32, #tpu.memory_space<vmem>>[vector<16xi32>, vector<16xi32>], vector<16xf32>,
      %swap3A_985 = arith.constant 7 : i32
      %swap3A_986 = arith.index_cast %swap3A_985 : i32 to index
      %swap3A_987 = arith.constant 0 : index
      %swap3A_988 = tpu.vector_load %arg10[%swap3A_986, %swap3A_987] {strides = array<i32>} : memref<8x128xf32, #tpu.memory_space<vmem>>, vector<16xf32>,
      tpu.vector_store %arg10[%swap3A_986, %swap3A_987], %gather3A_984 {strides = array<i32>} : memref<8x128xf32, #tpu.memory_space<vmem>>, vector<16xf32>,
      %broadcast_in_dim3A_989 = arith.constant 57 : i32
      %broadcast_in_dim3A_990 = vector.broadcast %broadcast_in_dim3A_989 : i32 to vector<16xi32>
      %gather3A_991 = tpu.vector_load_idx %arg8[%iota3A, %broadcast_in_dim3A_990] : memref<16x64xf32, #tpu.memory_space<vmem>>[vector<16xi32>, vector<16xi32>], vector<16xf32>,
      %swap3A_992 = arith.constant 7 : i32
      %swap3A_993 = arith.index_cast %swap3A_992 : i32 to index
      %swap3A_994 = arith.constant 16 : index
      %swap3A_995 = tpu.vector_load %arg10[%swap3A_993, %swap3A_994] {strides = array<i32>} : memref<8x128xf32, #tpu.memory_space<vmem>>, vector<16xf32>,
      tpu.vector_store %arg10[%swap3A_993, %swap3A_994], %gather3A_991 {strides = array<i32>} : memref<8x128xf32, #tpu.memory_space<vmem>>, vector<16xf32>,
      %broadcast_in_dim3A_996 = arith.constant 58 : i32
      %broadcast_in_dim3A_997 = vector.broadcast %broadcast_in_dim3A_996 : i32 to vector<16xi32>
      %gather3A_998 = tpu.vector_load_idx %arg8[%iota3A, %broadcast_in_dim3A_997] : memref<16x64xf32, #tpu.memory_space<vmem>>[vector<16xi32>, vector<16xi32>], vector<16xf32>,
      %swap3A_999 = arith.constant 7 : i32
      %swap3A_1000 = arith.index_cast %swap3A_999 : i32 to index
      %swap3A_1001 = arith.constant 32 : index
      %swap3A_1002 = tpu.vector_load %arg10[%swap3A_1000, %swap3A_1001] {strides = array<i32>} : memref<8x128xf32, #tpu.memory_space<vmem>>, vector<16xf32>,
      tpu.vector_store %arg10[%swap3A_1000, %swap3A_1001], %gather3A_998 {strides = array<i32>} : memref<8x128xf32, #tpu.memory_space<vmem>>, vector<16xf32>,
      %broadcast_in_dim3A_1003 = arith.constant 59 : i32
      %broadcast_in_dim3A_1004 = vector.broadcast %broadcast_in_dim3A_1003 : i32 to vector<16xi32>
      %gather3A_1005 = tpu.vector_load_idx %arg8[%iota3A, %broadcast_in_dim3A_1004] : memref<16x64xf32, #tpu.memory_space<vmem>>[vector<16xi32>, vector<16xi32>], vector<16xf32>,
      %swap3A_1006 = arith.constant 7 : i32
      %swap3A_1007 = arith.index_cast %swap3A_1006 : i32 to index
      %swap3A_1008 = arith.constant 48 : index
      %swap3A_1009 = tpu.vector_load %arg10[%swap3A_1007, %swap3A_1008] {strides = array<i32>} : memref<8x128xf32, #tpu.memory_space<vmem>>, vector<16xf32>,
      tpu.vector_store %arg10[%swap3A_1007, %swap3A_1008], %gather3A_1005 {strides = array<i32>} : memref<8x128xf32, #tpu.memory_space<vmem>>, vector<16xf32>,
      %broadcast_in_dim3A_1010 = arith.constant 60 : i32
      %broadcast_in_dim3A_1011 = vector.broadcast %broadcast_in_dim3A_1010 : i32 to vector<16xi32>
      %gather3A_1012 = tpu.vector_load_idx %arg8[%iota3A, %broadcast_in_dim3A_1011] : memref<16x64xf32, #tpu.memory_space<vmem>>[vector<16xi32>, vector<16xi32>], vector<16xf32>,
      %swap3A_1013 = arith.constant 7 : i32
      %swap3A_1014 = arith.index_cast %swap3A_1013 : i32 to index
      %swap3A_1015 = arith.constant 64 : index
      %swap3A_1016 = tpu.vector_load %arg10[%swap3A_1014, %swap3A_1015] {strides = array<i32>} : memref<8x128xf32, #tpu.memory_space<vmem>>, vector<16xf32>,
      tpu.vector_store %arg10[%swap3A_1014, %swap3A_1015], %gather3A_1012 {strides = array<i32>} : memref<8x128xf32, #tpu.memory_space<vmem>>, vector<16xf32>,
      %broadcast_in_dim3A_1017 = arith.constant 61 : i32
      %broadcast_in_dim3A_1018 = vector.broadcast %broadcast_in_dim3A_1017 : i32 to vector<16xi32>
      %gather3A_1019 = tpu.vector_load_idx %arg8[%iota3A, %broadcast_in_dim3A_1018] : memref<16x64xf32, #tpu.memory_space<vmem>>[vector<16xi32>, vector<16xi32>], vector<16xf32>,
      %swap3A_1020 = arith.constant 7 : i32
      %swap3A_1021 = arith.index_cast %swap3A_1020 : i32 to index
      %swap3A_1022 = arith.constant 80 : index
      %swap3A_1023 = tpu.vector_load %arg10[%swap3A_1021, %swap3A_1022] {strides = array<i32>} : memref<8x128xf32, #tpu.memory_space<vmem>>, vector<16xf32>,
      tpu.vector_store %arg10[%swap3A_1021, %swap3A_1022], %gather3A_1019 {strides = array<i32>} : memref<8x128xf32, #tpu.memory_space<vmem>>, vector<16xf32>,
      %broadcast_in_dim3A_1024 = arith.constant 62 : i32
      %broadcast_in_dim3A_1025 = vector.broadcast %broadcast_in_dim3A_1024 : i32 to vector<16xi32>
      %gather3A_1026 = tpu.vector_load_idx %arg8[%iota3A, %broadcast_in_dim3A_1025] : memref<16x64xf32, #tpu.memory_space<vmem>>[vector<16xi32>, vector<16xi32>], vector<16xf32>,
      %swap3A_1027 = arith.constant 7 : i32
      %swap3A_1028 = arith.index_cast %swap3A_1027 : i32 to index
      %swap3A_1029 = arith.constant 96 : index
      %swap3A_1030 = tpu.vector_load %arg10[%swap3A_1028, %swap3A_1029] {strides = array<i32>} : memref<8x128xf32, #tpu.memory_space<vmem>>, vector<16xf32>,
      tpu.vector_store %arg10[%swap3A_1028, %swap3A_1029], %gather3A_1026 {strides = array<i32>} : memref<8x128xf32, #tpu.memory_space<vmem>>, vector<16xf32>,
      %broadcast_in_dim3A_1031 = arith.constant 63 : i32
      %broadcast_in_dim3A_1032 = vector.broadcast %broadcast_in_dim3A_1031 : i32 to vector<16xi32>
      %gather3A_1033 = tpu.vector_load_idx %arg8[%iota3A, %broadcast_in_dim3A_1032] : memref<16x64xf32, #tpu.memory_space<vmem>>[vector<16xi32>, vector<16xi32>], vector<16xf32>,
      %swap3A_1034 = arith.constant 7 : i32
      %swap3A_1035 = arith.index_cast %swap3A_1034 : i32 to index
      %swap3A_1036 = arith.constant 112 : index
      %swap3A_1037 = tpu.vector_load %arg10[%swap3A_1035, %swap3A_1036] {strides = array<i32>} : memref<8x128xf32, #tpu.memory_space<vmem>>, vector<16xf32>,
      tpu.vector_store %arg10[%swap3A_1035, %swap3A_1036], %gather3A_1033 {strides = array<i32>} : memref<8x128xf32, #tpu.memory_space<vmem>>, vector<16xf32>,
      "tpu.region"() ({
        %run_scoped3A = tpu.sem_alloc : memref<!tpu.dma_semaphore, #tpu.memory_space<semaphore_mem>>
        %dma_start3A_1038 = arith.constant 0 : i32
        %dma_start3A_1039 = arith.constant 0 : i32
        %dma_start3A_1040 = tpu.memref_slice %arg10[%dma_start3A_1038, %dma_start3A_1039] : memref<8x128xf32, #tpu.memory_space<vmem>> -> memref<8x128xf32, #tpu.memory_space<vmem>>
        %dma_start3A_1041 = arith.constant 124992 : i32
        %dma_start3A_1042 = arith.constant 0 : i32
        %dma_start3A_1043 = tpu.memref_slice %arg4[%dma_start3A_1041, %dma_start3A_1042] : memref<125000x128xf32, #tpu.memory_space<hbm>> -> memref<8x128xf32, #tpu.memory_space<hbm>>
        %dma_start3A_1044 = arith.constant 124992 : i32
        %dma_start3A_1045 = arith.constant 0 : i32
        %dma_start3A_1046 = tpu.memref_slice %arg4[%dma_start3A_1044, %dma_start3A_1045] : memref<125000x128xf32, #tpu.memory_space<hbm>> -> memref<8x128xf32, #tpu.memory_space<hbm>>
        %dma_start3A_1047 = arith.constant 0 : i32
        %dma_start3A_1048 = arith.constant 0 : i32
        %dma_start3A_1049 = tpu.memref_slice %arg10[%dma_start3A_1047, %dma_start3A_1048] : memref<8x128xf32, #tpu.memory_space<vmem>> -> memref<8x128xf32, #tpu.memory_space<vmem>>
        tpu.enqueue_dma source(%dma_start3A_1049 : memref<8x128xf32, #tpu.memory_space<vmem>>) target(%dma_start3A_1046 : memref<8x128xf32, #tpu.memory_space<hbm>>) target_semaphore(%run_scoped3A : memref<!tpu.dma_semaphore, #tpu.memory_space<semaphore_mem>>)
        %dma_wait3A_1050 = arith.constant 0 : i32
        %dma_wait3A_1051 = arith.constant 0 : i32
        %dma_wait3A_1052 = tpu.memref_slice %arg10[%dma_wait3A_1050, %dma_wait3A_1051] : memref<8x128xf32, #tpu.memory_space<vmem>> -> memref<8x128xf32, #tpu.memory_space<vmem>>
        %dma_wait3A_1053 = arith.constant 124992 : i32
        %dma_wait3A_1054 = arith.constant 0 : i32
        %dma_wait3A_1055 = tpu.memref_slice %arg4[%dma_wait3A_1053, %dma_wait3A_1054] : memref<125000x128xf32, #tpu.memory_space<hbm>> -> memref<8x128xf32, #tpu.memory_space<hbm>>
        %dma_wait3A_1056 = arith.constant 124992 : i32
        %dma_wait3A_1057 = arith.constant 0 : i32
        %dma_wait3A_1058 = tpu.memref_slice %arg4[%dma_wait3A_1056, %dma_wait3A_1057] : memref<125000x128xf32, #tpu.memory_space<hbm>> -> memref<8x128xf32, #tpu.memory_space<hbm>>
        %dma_wait3A_1059 = arith.constant 0 : i32
        %dma_wait3A_1060 = arith.constant 0 : i32
        %dma_wait3A_1061 = tpu.memref_slice %arg10[%dma_wait3A_1059, %dma_wait3A_1060] : memref<8x128xf32, #tpu.memory_space<vmem>> -> memref<8x128xf32, #tpu.memory_space<vmem>>
        tpu.wait_dma2 semaphore(%run_scoped3A : memref<!tpu.dma_semaphore, #tpu.memory_space<semaphore_mem>>) src(%dma_wait3A_1061 : memref<8x128xf32, #tpu.memory_space<vmem>>) dst(%dma_wait3A_1058 : memref<8x128xf32, #tpu.memory_space<hbm>>)
        tpu.yield
      }) : () -> ()
    } else {
    }
    %eq3A_588 = arith.constant 1 : i32
    %eq3A_589 = arith.cmpi eq, %add3A, %eq3A_588 : i32
    %convert_element_type3A_590 = arith.extui %eq3A_589 : i1 to i32
    %cond3A_591 = arith.constant 0 : i32
    %cond3A_592 = arith.cmpi ne, %convert_element_type3A_590, %cond3A_591 : i32
    scf.if %cond3A_592 {
      "tpu.region"() ({
        %run_scoped3A = tpu.sem_alloc : memref<!tpu.dma_semaphore, #tpu.memory_space<semaphore_mem>>
        %dma_start3A_1038 = arith.constant 0 : i32
        %dma_start3A_1039 = arith.constant 99968 : i32
        %dma_start3A_1040 = tpu.memref_slice %arg3[%dma_start3A_1038, %dma_start3A_1039] : memref<16x100000xf32, #tpu.memory_space<hbm>> -> memref<16x32xf32, #tpu.memory_space<hbm>>
        %dma_start3A_1041 = arith.constant 0 : i32
        %dma_start3A_1042 = arith.constant 99968 : i32
        %dma_start3A_1043 = tpu.memref_slice %arg3[%dma_start3A_1041, %dma_start3A_1042] : memref<16x100000xf32, #tpu.memory_space<hbm>> -> memref<16x32xf32, #tpu.memory_space<hbm>>
        tpu.enqueue_dma source(%dma_start3A_1043 : memref<16x32xf32, #tpu.memory_space<hbm>>) target(%arg9 : memref<16x32xf32, #tpu.memory_space<vmem>>) target_semaphore(%run_scoped3A : memref<!tpu.dma_semaphore, #tpu.memory_space<semaphore_mem>>)
        %dma_wait3A_1044 = arith.constant 0 : i32
        %dma_wait3A_1045 = arith.constant 99968 : i32
        %dma_wait3A_1046 = tpu.memref_slice %arg3[%dma_wait3A_1044, %dma_wait3A_1045] : memref<16x100000xf32, #tpu.memory_space<hbm>> -> memref<16x32xf32, #tpu.memory_space<hbm>>
        %dma_wait3A_1047 = arith.constant 0 : i32
        %dma_wait3A_1048 = arith.constant 99968 : i32
        %dma_wait3A_1049 = tpu.memref_slice %arg3[%dma_wait3A_1047, %dma_wait3A_1048] : memref<16x100000xf32, #tpu.memory_space<hbm>> -> memref<16x32xf32, #tpu.memory_space<hbm>>
        tpu.wait_dma2 semaphore(%run_scoped3A : memref<!tpu.dma_semaphore, #tpu.memory_space<semaphore_mem>>) src(%dma_wait3A_1049 : memref<16x32xf32, #tpu.memory_space<hbm>>) dst(%arg9 : memref<16x32xf32, #tpu.memory_space<vmem>>)
        tpu.yield
      }) : () -> ()
      %broadcast_in_dim3A = arith.constant 0 : i32
      %broadcast_in_dim3A_593 = vector.broadcast %broadcast_in_dim3A : i32 to vector<16xi32>
      %gather3A = tpu.vector_load_idx %arg9[%iota3A, %broadcast_in_dim3A_593] : memref<16x32xf32, #tpu.memory_space<vmem>>[vector<16xi32>, vector<16xi32>], vector<16xf32>,
      %swap3A = arith.constant 0 : i32
      %swap3A_594 = arith.index_cast %swap3A : i32 to index
      %swap3A_595 = arith.constant 0 : index
      %swap3A_596 = tpu.vector_load %arg10[%swap3A_594, %swap3A_595] {strides = array<i32>} : memref<8x128xf32, #tpu.memory_space<vmem>>, vector<16xf32>,
      tpu.vector_store %arg10[%swap3A_594, %swap3A_595], %gather3A {strides = array<i32>} : memref<8x128xf32, #tpu.memory_space<vmem>>, vector<16xf32>,
      %broadcast_in_dim3A_597 = arith.constant 1 : i32
      %broadcast_in_dim3A_598 = vector.broadcast %broadcast_in_dim3A_597 : i32 to vector<16xi32>
      %gather3A_599 = tpu.vector_load_idx %arg9[%iota3A, %broadcast_in_dim3A_598] : memref<16x32xf32, #tpu.memory_space<vmem>>[vector<16xi32>, vector<16xi32>], vector<16xf32>,
      %swap3A_600 = arith.constant 0 : i32
      %swap3A_601 = arith.index_cast %swap3A_600 : i32 to index
      %swap3A_602 = arith.constant 16 : index
      %swap3A_603 = tpu.vector_load %arg10[%swap3A_601, %swap3A_602] {strides = array<i32>} : memref<8x128xf32, #tpu.memory_space<vmem>>, vector<16xf32>,
      tpu.vector_store %arg10[%swap3A_601, %swap3A_602], %gather3A_599 {strides = array<i32>} : memref<8x128xf32, #tpu.memory_space<vmem>>, vector<16xf32>,
      %broadcast_in_dim3A_604 = arith.constant 2 : i32
      %broadcast_in_dim3A_605 = vector.broadcast %broadcast_in_dim3A_604 : i32 to vector<16xi32>
      %gather3A_606 = tpu.vector_load_idx %arg9[%iota3A, %broadcast_in_dim3A_605] : memref<16x32xf32, #tpu.memory_space<vmem>>[vector<16xi32>, vector<16xi32>], vector<16xf32>,
      %swap3A_607 = arith.constant 0 : i32
      %swap3A_608 = arith.index_cast %swap3A_607 : i32 to index
      %swap3A_609 = arith.constant 32 : index
      %swap3A_610 = tpu.vector_load %arg10[%swap3A_608, %swap3A_609] {strides = array<i32>} : memref<8x128xf32, #tpu.memory_space<vmem>>, vector<16xf32>,
      tpu.vector_store %arg10[%swap3A_608, %swap3A_609], %gather3A_606 {strides = array<i32>} : memref<8x128xf32, #tpu.memory_space<vmem>>, vector<16xf32>,
      %broadcast_in_dim3A_611 = arith.constant 3 : i32
      %broadcast_in_dim3A_612 = vector.broadcast %broadcast_in_dim3A_611 : i32 to vector<16xi32>
      %gather3A_613 = tpu.vector_load_idx %arg9[%iota3A, %broadcast_in_dim3A_612] : memref<16x32xf32, #tpu.memory_space<vmem>>[vector<16xi32>, vector<16xi32>], vector<16xf32>,
      %swap3A_614 = arith.constant 0 : i32
      %swap3A_615 = arith.index_cast %swap3A_614 : i32 to index
      %swap3A_616 = arith.constant 48 : index
      %swap3A_617 = tpu.vector_load %arg10[%swap3A_615, %swap3A_616] {strides = array<i32>} : memref<8x128xf32, #tpu.memory_space<vmem>>, vector<16xf32>,
      tpu.vector_store %arg10[%swap3A_615, %swap3A_616], %gather3A_613 {strides = array<i32>} : memref<8x128xf32, #tpu.memory_space<vmem>>, vector<16xf32>,
      %broadcast_in_dim3A_618 = arith.constant 4 : i32
      %broadcast_in_dim3A_619 = vector.broadcast %broadcast_in_dim3A_618 : i32 to vector<16xi32>
      %gather3A_620 = tpu.vector_load_idx %arg9[%iota3A, %broadcast_in_dim3A_619] : memref<16x32xf32, #tpu.memory_space<vmem>>[vector<16xi32>, vector<16xi32>], vector<16xf32>,
      %swap3A_621 = arith.constant 0 : i32
      %swap3A_622 = arith.index_cast %swap3A_621 : i32 to index
      %swap3A_623 = arith.constant 64 : index
      %swap3A_624 = tpu.vector_load %arg10[%swap3A_622, %swap3A_623] {strides = array<i32>} : memref<8x128xf32, #tpu.memory_space<vmem>>, vector<16xf32>,
      tpu.vector_store %arg10[%swap3A_622, %swap3A_623], %gather3A_620 {strides = array<i32>} : memref<8x128xf32, #tpu.memory_space<vmem>>, vector<16xf32>,
      %broadcast_in_dim3A_625 = arith.constant 5 : i32
      %broadcast_in_dim3A_626 = vector.broadcast %broadcast_in_dim3A_625 : i32 to vector<16xi32>
      %gather3A_627 = tpu.vector_load_idx %arg9[%iota3A, %broadcast_in_dim3A_626] : memref<16x32xf32, #tpu.memory_space<vmem>>[vector<16xi32>, vector<16xi32>], vector<16xf32>,
      %swap3A_628 = arith.constant 0 : i32
      %swap3A_629 = arith.index_cast %swap3A_628 : i32 to index
      %swap3A_630 = arith.constant 80 : index
      %swap3A_631 = tpu.vector_load %arg10[%swap3A_629, %swap3A_630] {strides = array<i32>} : memref<8x128xf32, #tpu.memory_space<vmem>>, vector<16xf32>,
      tpu.vector_store %arg10[%swap3A_629, %swap3A_630], %gather3A_627 {strides = array<i32>} : memref<8x128xf32, #tpu.memory_space<vmem>>, vector<16xf32>,
      %broadcast_in_dim3A_632 = arith.constant 6 : i32
      %broadcast_in_dim3A_633 = vector.broadcast %broadcast_in_dim3A_632 : i32 to vector<16xi32>
      %gather3A_634 = tpu.vector_load_idx %arg9[%iota3A, %broadcast_in_dim3A_633] : memref<16x32xf32, #tpu.memory_space<vmem>>[vector<16xi32>, vector<16xi32>], vector<16xf32>,
      %swap3A_635 = arith.constant 0 : i32
      %swap3A_636 = arith.index_cast %swap3A_635 : i32 to index
      %swap3A_637 = arith.constant 96 : index
      %swap3A_638 = tpu.vector_load %arg10[%swap3A_636, %swap3A_637] {strides = array<i32>} : memref<8x128xf32, #tpu.memory_space<vmem>>, vector<16xf32>,
      tpu.vector_store %arg10[%swap3A_636, %swap3A_637], %gather3A_634 {strides = array<i32>} : memref<8x128xf32, #tpu.memory_space<vmem>>, vector<16xf32>,
      %broadcast_in_dim3A_639 = arith.constant 7 : i32
      %broadcast_in_dim3A_640 = vector.broadcast %broadcast_in_dim3A_639 : i32 to vector<16xi32>
      %gather3A_641 = tpu.vector_load_idx %arg9[%iota3A, %broadcast_in_dim3A_640] : memref<16x32xf32, #tpu.memory_space<vmem>>[vector<16xi32>, vector<16xi32>], vector<16xf32>,
      %swap3A_642 = arith.constant 0 : i32
      %swap3A_643 = arith.index_cast %swap3A_642 : i32 to index
      %swap3A_644 = arith.constant 112 : index
      %swap3A_645 = tpu.vector_load %arg10[%swap3A_643, %swap3A_644] {strides = array<i32>} : memref<8x128xf32, #tpu.memory_space<vmem>>, vector<16xf32>,
      tpu.vector_store %arg10[%swap3A_643, %swap3A_644], %gather3A_641 {strides = array<i32>} : memref<8x128xf32, #tpu.memory_space<vmem>>, vector<16xf32>,
      %broadcast_in_dim3A_646 = arith.constant 8 : i32
      %broadcast_in_dim3A_647 = vector.broadcast %broadcast_in_dim3A_646 : i32 to vector<16xi32>
      %gather3A_648 = tpu.vector_load_idx %arg9[%iota3A, %broadcast_in_dim3A_647] : memref<16x32xf32, #tpu.memory_space<vmem>>[vector<16xi32>, vector<16xi32>], vector<16xf32>,
      %swap3A_649 = arith.constant 1 : i32
      %swap3A_650 = arith.index_cast %swap3A_649 : i32 to index
      %swap3A_651 = arith.constant 0 : index
      %swap3A_652 = tpu.vector_load %arg10[%swap3A_650, %swap3A_651] {strides = array<i32>} : memref<8x128xf32, #tpu.memory_space<vmem>>, vector<16xf32>,
      tpu.vector_store %arg10[%swap3A_650, %swap3A_651], %gather3A_648 {strides = array<i32>} : memref<8x128xf32, #tpu.memory_space<vmem>>, vector<16xf32>,
      %broadcast_in_dim3A_653 = arith.constant 9 : i32
      %broadcast_in_dim3A_654 = vector.broadcast %broadcast_in_dim3A_653 : i32 to vector<16xi32>
      %gather3A_655 = tpu.vector_load_idx %arg9[%iota3A, %broadcast_in_dim3A_654] : memref<16x32xf32, #tpu.memory_space<vmem>>[vector<16xi32>, vector<16xi32>], vector<16xf32>,
      %swap3A_656 = arith.constant 1 : i32
      %swap3A_657 = arith.index_cast %swap3A_656 : i32 to index
      %swap3A_658 = arith.constant 16 : index
      %swap3A_659 = tpu.vector_load %arg10[%swap3A_657, %swap3A_658] {strides = array<i32>} : memref<8x128xf32, #tpu.memory_space<vmem>>, vector<16xf32>,
      tpu.vector_store %arg10[%swap3A_657, %swap3A_658], %gather3A_655 {strides = array<i32>} : memref<8x128xf32, #tpu.memory_space<vmem>>, vector<16xf32>,
      %broadcast_in_dim3A_660 = arith.constant 10 : i32
      %broadcast_in_dim3A_661 = vector.broadcast %broadcast_in_dim3A_660 : i32 to vector<16xi32>
      %gather3A_662 = tpu.vector_load_idx %arg9[%iota3A, %broadcast_in_dim3A_661] : memref<16x32xf32, #tpu.memory_space<vmem>>[vector<16xi32>, vector<16xi32>], vector<16xf32>,
      %swap3A_663 = arith.constant 1 : i32
      %swap3A_664 = arith.index_cast %swap3A_663 : i32 to index
      %swap3A_665 = arith.constant 32 : index
      %swap3A_666 = tpu.vector_load %arg10[%swap3A_664, %swap3A_665] {strides = array<i32>} : memref<8x128xf32, #tpu.memory_space<vmem>>, vector<16xf32>,
      tpu.vector_store %arg10[%swap3A_664, %swap3A_665], %gather3A_662 {strides = array<i32>} : memref<8x128xf32, #tpu.memory_space<vmem>>, vector<16xf32>,
      %broadcast_in_dim3A_667 = arith.constant 11 : i32
      %broadcast_in_dim3A_668 = vector.broadcast %broadcast_in_dim3A_667 : i32 to vector<16xi32>
      %gather3A_669 = tpu.vector_load_idx %arg9[%iota3A, %broadcast_in_dim3A_668] : memref<16x32xf32, #tpu.memory_space<vmem>>[vector<16xi32>, vector<16xi32>], vector<16xf32>,
      %swap3A_670 = arith.constant 1 : i32
      %swap3A_671 = arith.index_cast %swap3A_670 : i32 to index
      %swap3A_672 = arith.constant 48 : index
      %swap3A_673 = tpu.vector_load %arg10[%swap3A_671, %swap3A_672] {strides = array<i32>} : memref<8x128xf32, #tpu.memory_space<vmem>>, vector<16xf32>,
      tpu.vector_store %arg10[%swap3A_671, %swap3A_672], %gather3A_669 {strides = array<i32>} : memref<8x128xf32, #tpu.memory_space<vmem>>, vector<16xf32>,
      %broadcast_in_dim3A_674 = arith.constant 12 : i32
      %broadcast_in_dim3A_675 = vector.broadcast %broadcast_in_dim3A_674 : i32 to vector<16xi32>
      %gather3A_676 = tpu.vector_load_idx %arg9[%iota3A, %broadcast_in_dim3A_675] : memref<16x32xf32, #tpu.memory_space<vmem>>[vector<16xi32>, vector<16xi32>], vector<16xf32>,
      %swap3A_677 = arith.constant 1 : i32
      %swap3A_678 = arith.index_cast %swap3A_677 : i32 to index
      %swap3A_679 = arith.constant 64 : index
      %swap3A_680 = tpu.vector_load %arg10[%swap3A_678, %swap3A_679] {strides = array<i32>} : memref<8x128xf32, #tpu.memory_space<vmem>>, vector<16xf32>,
      tpu.vector_store %arg10[%swap3A_678, %swap3A_679], %gather3A_676 {strides = array<i32>} : memref<8x128xf32, #tpu.memory_space<vmem>>, vector<16xf32>,
      %broadcast_in_dim3A_681 = arith.constant 13 : i32
      %broadcast_in_dim3A_682 = vector.broadcast %broadcast_in_dim3A_681 : i32 to vector<16xi32>
      %gather3A_683 = tpu.vector_load_idx %arg9[%iota3A, %broadcast_in_dim3A_682] : memref<16x32xf32, #tpu.memory_space<vmem>>[vector<16xi32>, vector<16xi32>], vector<16xf32>,
      %swap3A_684 = arith.constant 1 : i32
      %swap3A_685 = arith.index_cast %swap3A_684 : i32 to index
      %swap3A_686 = arith.constant 80 : index
      %swap3A_687 = tpu.vector_load %arg10[%swap3A_685, %swap3A_686] {strides = array<i32>} : memref<8x128xf32, #tpu.memory_space<vmem>>, vector<16xf32>,
      tpu.vector_store %arg10[%swap3A_685, %swap3A_686], %gather3A_683 {strides = array<i32>} : memref<8x128xf32, #tpu.memory_space<vmem>>, vector<16xf32>,
      %broadcast_in_dim3A_688 = arith.constant 14 : i32
      %broadcast_in_dim3A_689 = vector.broadcast %broadcast_in_dim3A_688 : i32 to vector<16xi32>
      %gather3A_690 = tpu.vector_load_idx %arg9[%iota3A, %broadcast_in_dim3A_689] : memref<16x32xf32, #tpu.memory_space<vmem>>[vector<16xi32>, vector<16xi32>], vector<16xf32>,
      %swap3A_691 = arith.constant 1 : i32
      %swap3A_692 = arith.index_cast %swap3A_691 : i32 to index
      %swap3A_693 = arith.constant 96 : index
      %swap3A_694 = tpu.vector_load %arg10[%swap3A_692, %swap3A_693] {strides = array<i32>} : memref<8x128xf32, #tpu.memory_space<vmem>>, vector<16xf32>,
      tpu.vector_store %arg10[%swap3A_692, %swap3A_693], %gather3A_690 {strides = array<i32>} : memref<8x128xf32, #tpu.memory_space<vmem>>, vector<16xf32>,
      %broadcast_in_dim3A_695 = arith.constant 15 : i32
      %broadcast_in_dim3A_696 = vector.broadcast %broadcast_in_dim3A_695 : i32 to vector<16xi32>
      %gather3A_697 = tpu.vector_load_idx %arg9[%iota3A, %broadcast_in_dim3A_696] : memref<16x32xf32, #tpu.memory_space<vmem>>[vector<16xi32>, vector<16xi32>], vector<16xf32>,
      %swap3A_698 = arith.constant 1 : i32
      %swap3A_699 = arith.index_cast %swap3A_698 : i32 to index
      %swap3A_700 = arith.constant 112 : index
      %swap3A_701 = tpu.vector_load %arg10[%swap3A_699, %swap3A_700] {strides = array<i32>} : memref<8x128xf32, #tpu.memory_space<vmem>>, vector<16xf32>,
      tpu.vector_store %arg10[%swap3A_699, %swap3A_700], %gather3A_697 {strides = array<i32>} : memref<8x128xf32, #tpu.memory_space<vmem>>, vector<16xf32>,
      %broadcast_in_dim3A_702 = arith.constant 16 : i32
      %broadcast_in_dim3A_703 = vector.broadcast %broadcast_in_dim3A_702 : i32 to vector<16xi32>
      %gather3A_704 = tpu.vector_load_idx %arg9[%iota3A, %broadcast_in_dim3A_703] : memref<16x32xf32, #tpu.memory_space<vmem>>[vector<16xi32>, vector<16xi32>], vector<16xf32>,
      %swap3A_705 = arith.constant 2 : i32
      %swap3A_706 = arith.index_cast %swap3A_705 : i32 to index
      %swap3A_707 = arith.constant 0 : index
      %swap3A_708 = tpu.vector_load %arg10[%swap3A_706, %swap3A_707] {strides = array<i32>} : memref<8x128xf32, #tpu.memory_space<vmem>>, vector<16xf32>,
      tpu.vector_store %arg10[%swap3A_706, %swap3A_707], %gather3A_704 {strides = array<i32>} : memref<8x128xf32, #tpu.memory_space<vmem>>, vector<16xf32>,
      %broadcast_in_dim3A_709 = arith.constant 17 : i32
      %broadcast_in_dim3A_710 = vector.broadcast %broadcast_in_dim3A_709 : i32 to vector<16xi32>
      %gather3A_711 = tpu.vector_load_idx %arg9[%iota3A, %broadcast_in_dim3A_710] : memref<16x32xf32, #tpu.memory_space<vmem>>[vector<16xi32>, vector<16xi32>], vector<16xf32>,
      %swap3A_712 = arith.constant 2 : i32
      %swap3A_713 = arith.index_cast %swap3A_712 : i32 to index
      %swap3A_714 = arith.constant 16 : index
      %swap3A_715 = tpu.vector_load %arg10[%swap3A_713, %swap3A_714] {strides = array<i32>} : memref<8x128xf32, #tpu.memory_space<vmem>>, vector<16xf32>,
      tpu.vector_store %arg10[%swap3A_713, %swap3A_714], %gather3A_711 {strides = array<i32>} : memref<8x128xf32, #tpu.memory_space<vmem>>, vector<16xf32>,
      %broadcast_in_dim3A_716 = arith.constant 18 : i32
      %broadcast_in_dim3A_717 = vector.broadcast %broadcast_in_dim3A_716 : i32 to vector<16xi32>
      %gather3A_718 = tpu.vector_load_idx %arg9[%iota3A, %broadcast_in_dim3A_717] : memref<16x32xf32, #tpu.memory_space<vmem>>[vector<16xi32>, vector<16xi32>], vector<16xf32>,
      %swap3A_719 = arith.constant 2 : i32
      %swap3A_720 = arith.index_cast %swap3A_719 : i32 to index
      %swap3A_721 = arith.constant 32 : index
      %swap3A_722 = tpu.vector_load %arg10[%swap3A_720, %swap3A_721] {strides = array<i32>} : memref<8x128xf32, #tpu.memory_space<vmem>>, vector<16xf32>,
      tpu.vector_store %arg10[%swap3A_720, %swap3A_721], %gather3A_718 {strides = array<i32>} : memref<8x128xf32, #tpu.memory_space<vmem>>, vector<16xf32>,
      %broadcast_in_dim3A_723 = arith.constant 19 : i32
      %broadcast_in_dim3A_724 = vector.broadcast %broadcast_in_dim3A_723 : i32 to vector<16xi32>
      %gather3A_725 = tpu.vector_load_idx %arg9[%iota3A, %broadcast_in_dim3A_724] : memref<16x32xf32, #tpu.memory_space<vmem>>[vector<16xi32>, vector<16xi32>], vector<16xf32>,
      %swap3A_726 = arith.constant 2 : i32
      %swap3A_727 = arith.index_cast %swap3A_726 : i32 to index
      %swap3A_728 = arith.constant 48 : index
      %swap3A_729 = tpu.vector_load %arg10[%swap3A_727, %swap3A_728] {strides = array<i32>} : memref<8x128xf32, #tpu.memory_space<vmem>>, vector<16xf32>,
      tpu.vector_store %arg10[%swap3A_727, %swap3A_728], %gather3A_725 {strides = array<i32>} : memref<8x128xf32, #tpu.memory_space<vmem>>, vector<16xf32>,
      %broadcast_in_dim3A_730 = arith.constant 20 : i32
      %broadcast_in_dim3A_731 = vector.broadcast %broadcast_in_dim3A_730 : i32 to vector<16xi32>
      %gather3A_732 = tpu.vector_load_idx %arg9[%iota3A, %broadcast_in_dim3A_731] : memref<16x32xf32, #tpu.memory_space<vmem>>[vector<16xi32>, vector<16xi32>], vector<16xf32>,
      %swap3A_733 = arith.constant 2 : i32
      %swap3A_734 = arith.index_cast %swap3A_733 : i32 to index
      %swap3A_735 = arith.constant 64 : index
      %swap3A_736 = tpu.vector_load %arg10[%swap3A_734, %swap3A_735] {strides = array<i32>} : memref<8x128xf32, #tpu.memory_space<vmem>>, vector<16xf32>,
      tpu.vector_store %arg10[%swap3A_734, %swap3A_735], %gather3A_732 {strides = array<i32>} : memref<8x128xf32, #tpu.memory_space<vmem>>, vector<16xf32>,
      %broadcast_in_dim3A_737 = arith.constant 21 : i32
      %broadcast_in_dim3A_738 = vector.broadcast %broadcast_in_dim3A_737 : i32 to vector<16xi32>
      %gather3A_739 = tpu.vector_load_idx %arg9[%iota3A, %broadcast_in_dim3A_738] : memref<16x32xf32, #tpu.memory_space<vmem>>[vector<16xi32>, vector<16xi32>], vector<16xf32>,
      %swap3A_740 = arith.constant 2 : i32
      %swap3A_741 = arith.index_cast %swap3A_740 : i32 to index
      %swap3A_742 = arith.constant 80 : index
      %swap3A_743 = tpu.vector_load %arg10[%swap3A_741, %swap3A_742] {strides = array<i32>} : memref<8x128xf32, #tpu.memory_space<vmem>>, vector<16xf32>,
      tpu.vector_store %arg10[%swap3A_741, %swap3A_742], %gather3A_739 {strides = array<i32>} : memref<8x128xf32, #tpu.memory_space<vmem>>, vector<16xf32>,
      %broadcast_in_dim3A_744 = arith.constant 22 : i32
      %broadcast_in_dim3A_745 = vector.broadcast %broadcast_in_dim3A_744 : i32 to vector<16xi32>
      %gather3A_746 = tpu.vector_load_idx %arg9[%iota3A, %broadcast_in_dim3A_745] : memref<16x32xf32, #tpu.memory_space<vmem>>[vector<16xi32>, vector<16xi32>], vector<16xf32>,
      %swap3A_747 = arith.constant 2 : i32
      %swap3A_748 = arith.index_cast %swap3A_747 : i32 to index
      %swap3A_749 = arith.constant 96 : index
      %swap3A_750 = tpu.vector_load %arg10[%swap3A_748, %swap3A_749] {strides = array<i32>} : memref<8x128xf32, #tpu.memory_space<vmem>>, vector<16xf32>,
      tpu.vector_store %arg10[%swap3A_748, %swap3A_749], %gather3A_746 {strides = array<i32>} : memref<8x128xf32, #tpu.memory_space<vmem>>, vector<16xf32>,
      %broadcast_in_dim3A_751 = arith.constant 23 : i32
      %broadcast_in_dim3A_752 = vector.broadcast %broadcast_in_dim3A_751 : i32 to vector<16xi32>
      %gather3A_753 = tpu.vector_load_idx %arg9[%iota3A, %broadcast_in_dim3A_752] : memref<16x32xf32, #tpu.memory_space<vmem>>[vector<16xi32>, vector<16xi32>], vector<16xf32>,
      %swap3A_754 = arith.constant 2 : i32
      %swap3A_755 = arith.index_cast %swap3A_754 : i32 to index
      %swap3A_756 = arith.constant 112 : index
      %swap3A_757 = tpu.vector_load %arg10[%swap3A_755, %swap3A_756] {strides = array<i32>} : memref<8x128xf32, #tpu.memory_space<vmem>>, vector<16xf32>,
      tpu.vector_store %arg10[%swap3A_755, %swap3A_756], %gather3A_753 {strides = array<i32>} : memref<8x128xf32, #tpu.memory_space<vmem>>, vector<16xf32>,
      %broadcast_in_dim3A_758 = arith.constant 24 : i32
      %broadcast_in_dim3A_759 = vector.broadcast %broadcast_in_dim3A_758 : i32 to vector<16xi32>
      %gather3A_760 = tpu.vector_load_idx %arg9[%iota3A, %broadcast_in_dim3A_759] : memref<16x32xf32, #tpu.memory_space<vmem>>[vector<16xi32>, vector<16xi32>], vector<16xf32>,
      %swap3A_761 = arith.constant 3 : i32
      %swap3A_762 = arith.index_cast %swap3A_761 : i32 to index
      %swap3A_763 = arith.constant 0 : index
      %swap3A_764 = tpu.vector_load %arg10[%swap3A_762, %swap3A_763] {strides = array<i32>} : memref<8x128xf32, #tpu.memory_space<vmem>>, vector<16xf32>,
      tpu.vector_store %arg10[%swap3A_762, %swap3A_763], %gather3A_760 {strides = array<i32>} : memref<8x128xf32, #tpu.memory_space<vmem>>, vector<16xf32>,
      %broadcast_in_dim3A_765 = arith.constant 25 : i32
      %broadcast_in_dim3A_766 = vector.broadcast %broadcast_in_dim3A_765 : i32 to vector<16xi32>
      %gather3A_767 = tpu.vector_load_idx %arg9[%iota3A, %broadcast_in_dim3A_766] : memref<16x32xf32, #tpu.memory_space<vmem>>[vector<16xi32>, vector<16xi32>], vector<16xf32>,
      %swap3A_768 = arith.constant 3 : i32
      %swap3A_769 = arith.index_cast %swap3A_768 : i32 to index
      %swap3A_770 = arith.constant 16 : index
      %swap3A_771 = tpu.vector_load %arg10[%swap3A_769, %swap3A_770] {strides = array<i32>} : memref<8x128xf32, #tpu.memory_space<vmem>>, vector<16xf32>,
      tpu.vector_store %arg10[%swap3A_769, %swap3A_770], %gather3A_767 {strides = array<i32>} : memref<8x128xf32, #tpu.memory_space<vmem>>, vector<16xf32>,
      %broadcast_in_dim3A_772 = arith.constant 26 : i32
      %broadcast_in_dim3A_773 = vector.broadcast %broadcast_in_dim3A_772 : i32 to vector<16xi32>
      %gather3A_774 = tpu.vector_load_idx %arg9[%iota3A, %broadcast_in_dim3A_773] : memref<16x32xf32, #tpu.memory_space<vmem>>[vector<16xi32>, vector<16xi32>], vector<16xf32>,
      %swap3A_775 = arith.constant 3 : i32
      %swap3A_776 = arith.index_cast %swap3A_775 : i32 to index
      %swap3A_777 = arith.constant 32 : index
      %swap3A_778 = tpu.vector_load %arg10[%swap3A_776, %swap3A_777] {strides = array<i32>} : memref<8x128xf32, #tpu.memory_space<vmem>>, vector<16xf32>,
      tpu.vector_store %arg10[%swap3A_776, %swap3A_777], %gather3A_774 {strides = array<i32>} : memref<8x128xf32, #tpu.memory_space<vmem>>, vector<16xf32>,
      %broadcast_in_dim3A_779 = arith.constant 27 : i32
      %broadcast_in_dim3A_780 = vector.broadcast %broadcast_in_dim3A_779 : i32 to vector<16xi32>
      %gather3A_781 = tpu.vector_load_idx %arg9[%iota3A, %broadcast_in_dim3A_780] : memref<16x32xf32, #tpu.memory_space<vmem>>[vector<16xi32>, vector<16xi32>], vector<16xf32>,
      %swap3A_782 = arith.constant 3 : i32
      %swap3A_783 = arith.index_cast %swap3A_782 : i32 to index
      %swap3A_784 = arith.constant 48 : index
      %swap3A_785 = tpu.vector_load %arg10[%swap3A_783, %swap3A_784] {strides = array<i32>} : memref<8x128xf32, #tpu.memory_space<vmem>>, vector<16xf32>,
      tpu.vector_store %arg10[%swap3A_783, %swap3A_784], %gather3A_781 {strides = array<i32>} : memref<8x128xf32, #tpu.memory_space<vmem>>, vector<16xf32>,
      %broadcast_in_dim3A_786 = arith.constant 28 : i32
      %broadcast_in_dim3A_787 = vector.broadcast %broadcast_in_dim3A_786 : i32 to vector<16xi32>
      %gather3A_788 = tpu.vector_load_idx %arg9[%iota3A, %broadcast_in_dim3A_787] : memref<16x32xf32, #tpu.memory_space<vmem>>[vector<16xi32>, vector<16xi32>], vector<16xf32>,
      %swap3A_789 = arith.constant 3 : i32
      %swap3A_790 = arith.index_cast %swap3A_789 : i32 to index
      %swap3A_791 = arith.constant 64 : index
      %swap3A_792 = tpu.vector_load %arg10[%swap3A_790, %swap3A_791] {strides = array<i32>} : memref<8x128xf32, #tpu.memory_space<vmem>>, vector<16xf32>,
      tpu.vector_store %arg10[%swap3A_790, %swap3A_791], %gather3A_788 {strides = array<i32>} : memref<8x128xf32, #tpu.memory_space<vmem>>, vector<16xf32>,
      %broadcast_in_dim3A_793 = arith.constant 29 : i32
      %broadcast_in_dim3A_794 = vector.broadcast %broadcast_in_dim3A_793 : i32 to vector<16xi32>
      %gather3A_795 = tpu.vector_load_idx %arg9[%iota3A, %broadcast_in_dim3A_794] : memref<16x32xf32, #tpu.memory_space<vmem>>[vector<16xi32>, vector<16xi32>], vector<16xf32>,
      %swap3A_796 = arith.constant 3 : i32
      %swap3A_797 = arith.index_cast %swap3A_796 : i32 to index
      %swap3A_798 = arith.constant 80 : index
      %swap3A_799 = tpu.vector_load %arg10[%swap3A_797, %swap3A_798] {strides = array<i32>} : memref<8x128xf32, #tpu.memory_space<vmem>>, vector<16xf32>,
      tpu.vector_store %arg10[%swap3A_797, %swap3A_798], %gather3A_795 {strides = array<i32>} : memref<8x128xf32, #tpu.memory_space<vmem>>, vector<16xf32>,
      %broadcast_in_dim3A_800 = arith.constant 30 : i32
      %broadcast_in_dim3A_801 = vector.broadcast %broadcast_in_dim3A_800 : i32 to vector<16xi32>
      %gather3A_802 = tpu.vector_load_idx %arg9[%iota3A, %broadcast_in_dim3A_801] : memref<16x32xf32, #tpu.memory_space<vmem>>[vector<16xi32>, vector<16xi32>], vector<16xf32>,
      %swap3A_803 = arith.constant 3 : i32
      %swap3A_804 = arith.index_cast %swap3A_803 : i32 to index
      %swap3A_805 = arith.constant 96 : index
      %swap3A_806 = tpu.vector_load %arg10[%swap3A_804, %swap3A_805] {strides = array<i32>} : memref<8x128xf32, #tpu.memory_space<vmem>>, vector<16xf32>,
      tpu.vector_store %arg10[%swap3A_804, %swap3A_805], %gather3A_802 {strides = array<i32>} : memref<8x128xf32, #tpu.memory_space<vmem>>, vector<16xf32>,
      %broadcast_in_dim3A_807 = arith.constant 31 : i32
      %broadcast_in_dim3A_808 = vector.broadcast %broadcast_in_dim3A_807 : i32 to vector<16xi32>
      %gather3A_809 = tpu.vector_load_idx %arg9[%iota3A, %broadcast_in_dim3A_808] : memref<16x32xf32, #tpu.memory_space<vmem>>[vector<16xi32>, vector<16xi32>], vector<16xf32>,
      %swap3A_810 = arith.constant 3 : i32
      %swap3A_811 = arith.index_cast %swap3A_810 : i32 to index
      %swap3A_812 = arith.constant 112 : index
      %swap3A_813 = tpu.vector_load %arg10[%swap3A_811, %swap3A_812] {strides = array<i32>} : memref<8x128xf32, #tpu.memory_space<vmem>>, vector<16xf32>,
      tpu.vector_store %arg10[%swap3A_811, %swap3A_812], %gather3A_809 {strides = array<i32>} : memref<8x128xf32, #tpu.memory_space<vmem>>, vector<16xf32>,
      %broadcast_in_dim3A_814 = arith.constant 31 : i32
      %broadcast_in_dim3A_815 = vector.broadcast %broadcast_in_dim3A_814 : i32 to vector<16xi32>
      %gather3A_816 = tpu.vector_load_idx %arg9[%iota3A, %broadcast_in_dim3A_815] : memref<16x32xf32, #tpu.memory_space<vmem>>[vector<16xi32>, vector<16xi32>], vector<16xf32>,
      %swap3A_817 = arith.constant 4 : i32
      %swap3A_818 = arith.index_cast %swap3A_817 : i32 to index
      %swap3A_819 = arith.constant 0 : index
      %swap3A_820 = tpu.vector_load %arg10[%swap3A_818, %swap3A_819] {strides = array<i32>} : memref<8x128xf32, #tpu.memory_space<vmem>>, vector<16xf32>,
      tpu.vector_store %arg10[%swap3A_818, %swap3A_819], %gather3A_816 {strides = array<i32>} : memref<8x128xf32, #tpu.memory_space<vmem>>, vector<16xf32>,
      %broadcast_in_dim3A_821 = arith.constant 31 : i32
      %broadcast_in_dim3A_822 = vector.broadcast %broadcast_in_dim3A_821 : i32 to vector<16xi32>
      %gather3A_823 = tpu.vector_load_idx %arg9[%iota3A, %broadcast_in_dim3A_822] : memref<16x32xf32, #tpu.memory_space<vmem>>[vector<16xi32>, vector<16xi32>], vector<16xf32>,
      %swap3A_824 = arith.constant 4 : i32
      %swap3A_825 = arith.index_cast %swap3A_824 : i32 to index
      %swap3A_826 = arith.constant 16 : index
      %swap3A_827 = tpu.vector_load %arg10[%swap3A_825, %swap3A_826] {strides = array<i32>} : memref<8x128xf32, #tpu.memory_space<vmem>>, vector<16xf32>,
      tpu.vector_store %arg10[%swap3A_825, %swap3A_826], %gather3A_823 {strides = array<i32>} : memref<8x128xf32, #tpu.memory_space<vmem>>, vector<16xf32>,
      %broadcast_in_dim3A_828 = arith.constant 31 : i32
      %broadcast_in_dim3A_829 = vector.broadcast %broadcast_in_dim3A_828 : i32 to vector<16xi32>
      %gather3A_830 = tpu.vector_load_idx %arg9[%iota3A, %broadcast_in_dim3A_829] : memref<16x32xf32, #tpu.memory_space<vmem>>[vector<16xi32>, vector<16xi32>], vector<16xf32>,
      %swap3A_831 = arith.constant 4 : i32
      %swap3A_832 = arith.index_cast %swap3A_831 : i32 to index
      %swap3A_833 = arith.constant 32 : index
      %swap3A_834 = tpu.vector_load %arg10[%swap3A_832, %swap3A_833] {strides = array<i32>} : memref<8x128xf32, #tpu.memory_space<vmem>>, vector<16xf32>,
      tpu.vector_store %arg10[%swap3A_832, %swap3A_833], %gather3A_830 {strides = array<i32>} : memref<8x128xf32, #tpu.memory_space<vmem>>, vector<16xf32>,
      %broadcast_in_dim3A_835 = arith.constant 31 : i32
      %broadcast_in_dim3A_836 = vector.broadcast %broadcast_in_dim3A_835 : i32 to vector<16xi32>
      %gather3A_837 = tpu.vector_load_idx %arg9[%iota3A, %broadcast_in_dim3A_836] : memref<16x32xf32, #tpu.memory_space<vmem>>[vector<16xi32>, vector<16xi32>], vector<16xf32>,
      %swap3A_838 = arith.constant 4 : i32
      %swap3A_839 = arith.index_cast %swap3A_838 : i32 to index
      %swap3A_840 = arith.constant 48 : index
      %swap3A_841 = tpu.vector_load %arg10[%swap3A_839, %swap3A_840] {strides = array<i32>} : memref<8x128xf32, #tpu.memory_space<vmem>>, vector<16xf32>,
      tpu.vector_store %arg10[%swap3A_839, %swap3A_840], %gather3A_837 {strides = array<i32>} : memref<8x128xf32, #tpu.memory_space<vmem>>, vector<16xf32>,
      %broadcast_in_dim3A_842 = arith.constant 31 : i32
      %broadcast_in_dim3A_843 = vector.broadcast %broadcast_in_dim3A_842 : i32 to vector<16xi32>
      %gather3A_844 = tpu.vector_load_idx %arg9[%iota3A, %broadcast_in_dim3A_843] : memref<16x32xf32, #tpu.memory_space<vmem>>[vector<16xi32>, vector<16xi32>], vector<16xf32>,
      %swap3A_845 = arith.constant 4 : i32
      %swap3A_846 = arith.index_cast %swap3A_845 : i32 to index
      %swap3A_847 = arith.constant 64 : index
      %swap3A_848 = tpu.vector_load %arg10[%swap3A_846, %swap3A_847] {strides = array<i32>} : memref<8x128xf32, #tpu.memory_space<vmem>>, vector<16xf32>,
      tpu.vector_store %arg10[%swap3A_846, %swap3A_847], %gather3A_844 {strides = array<i32>} : memref<8x128xf32, #tpu.memory_space<vmem>>, vector<16xf32>,
      %broadcast_in_dim3A_849 = arith.constant 31 : i32
      %broadcast_in_dim3A_850 = vector.broadcast %broadcast_in_dim3A_849 : i32 to vector<16xi32>
      %gather3A_851 = tpu.vector_load_idx %arg9[%iota3A, %broadcast_in_dim3A_850] : memref<16x32xf32, #tpu.memory_space<vmem>>[vector<16xi32>, vector<16xi32>], vector<16xf32>,
      %swap3A_852 = arith.constant 4 : i32
      %swap3A_853 = arith.index_cast %swap3A_852 : i32 to index
      %swap3A_854 = arith.constant 80 : index
      %swap3A_855 = tpu.vector_load %arg10[%swap3A_853, %swap3A_854] {strides = array<i32>} : memref<8x128xf32, #tpu.memory_space<vmem>>, vector<16xf32>,
      tpu.vector_store %arg10[%swap3A_853, %swap3A_854], %gather3A_851 {strides = array<i32>} : memref<8x128xf32, #tpu.memory_space<vmem>>, vector<16xf32>,
      %broadcast_in_dim3A_856 = arith.constant 31 : i32
      %broadcast_in_dim3A_857 = vector.broadcast %broadcast_in_dim3A_856 : i32 to vector<16xi32>
      %gather3A_858 = tpu.vector_load_idx %arg9[%iota3A, %broadcast_in_dim3A_857] : memref<16x32xf32, #tpu.memory_space<vmem>>[vector<16xi32>, vector<16xi32>], vector<16xf32>,
      %swap3A_859 = arith.constant 4 : i32
      %swap3A_860 = arith.index_cast %swap3A_859 : i32 to index
      %swap3A_861 = arith.constant 96 : index
      %swap3A_862 = tpu.vector_load %arg10[%swap3A_860, %swap3A_861] {strides = array<i32>} : memref<8x128xf32, #tpu.memory_space<vmem>>, vector<16xf32>,
      tpu.vector_store %arg10[%swap3A_860, %swap3A_861], %gather3A_858 {strides = array<i32>} : memref<8x128xf32, #tpu.memory_space<vmem>>, vector<16xf32>,
      %broadcast_in_dim3A_863 = arith.constant 31 : i32
      %broadcast_in_dim3A_864 = vector.broadcast %broadcast_in_dim3A_863 : i32 to vector<16xi32>
      %gather3A_865 = tpu.vector_load_idx %arg9[%iota3A, %broadcast_in_dim3A_864] : memref<16x32xf32, #tpu.memory_space<vmem>>[vector<16xi32>, vector<16xi32>], vector<16xf32>,
      %swap3A_866 = arith.constant 4 : i32
      %swap3A_867 = arith.index_cast %swap3A_866 : i32 to index
      %swap3A_868 = arith.constant 112 : index
      %swap3A_869 = tpu.vector_load %arg10[%swap3A_867, %swap3A_868] {strides = array<i32>} : memref<8x128xf32, #tpu.memory_space<vmem>>, vector<16xf32>,
      tpu.vector_store %arg10[%swap3A_867, %swap3A_868], %gather3A_865 {strides = array<i32>} : memref<8x128xf32, #tpu.memory_space<vmem>>, vector<16xf32>,
      %broadcast_in_dim3A_870 = arith.constant 31 : i32
      %broadcast_in_dim3A_871 = vector.broadcast %broadcast_in_dim3A_870 : i32 to vector<16xi32>
      %gather3A_872 = tpu.vector_load_idx %arg9[%iota3A, %broadcast_in_dim3A_871] : memref<16x32xf32, #tpu.memory_space<vmem>>[vector<16xi32>, vector<16xi32>], vector<16xf32>,
      %swap3A_873 = arith.constant 5 : i32
      %swap3A_874 = arith.index_cast %swap3A_873 : i32 to index
      %swap3A_875 = arith.constant 0 : index
      %swap3A_876 = tpu.vector_load %arg10[%swap3A_874, %swap3A_875] {strides = array<i32>} : memref<8x128xf32, #tpu.memory_space<vmem>>, vector<16xf32>,
      tpu.vector_store %arg10[%swap3A_874, %swap3A_875], %gather3A_872 {strides = array<i32>} : memref<8x128xf32, #tpu.memory_space<vmem>>, vector<16xf32>,
      %broadcast_in_dim3A_877 = arith.constant 31 : i32
      %broadcast_in_dim3A_878 = vector.broadcast %broadcast_in_dim3A_877 : i32 to vector<16xi32>
      %gather3A_879 = tpu.vector_load_idx %arg9[%iota3A, %broadcast_in_dim3A_878] : memref<16x32xf32, #tpu.memory_space<vmem>>[vector<16xi32>, vector<16xi32>], vector<16xf32>,
      %swap3A_880 = arith.constant 5 : i32
      %swap3A_881 = arith.index_cast %swap3A_880 : i32 to index
      %swap3A_882 = arith.constant 16 : index
      %swap3A_883 = tpu.vector_load %arg10[%swap3A_881, %swap3A_882] {strides = array<i32>} : memref<8x128xf32, #tpu.memory_space<vmem>>, vector<16xf32>,
      tpu.vector_store %arg10[%swap3A_881, %swap3A_882], %gather3A_879 {strides = array<i32>} : memref<8x128xf32, #tpu.memory_space<vmem>>, vector<16xf32>,
      %broadcast_in_dim3A_884 = arith.constant 31 : i32
      %broadcast_in_dim3A_885 = vector.broadcast %broadcast_in_dim3A_884 : i32 to vector<16xi32>
      %gather3A_886 = tpu.vector_load_idx %arg9[%iota3A, %broadcast_in_dim3A_885] : memref<16x32xf32, #tpu.memory_space<vmem>>[vector<16xi32>, vector<16xi32>], vector<16xf32>,
      %swap3A_887 = arith.constant 5 : i32
      %swap3A_888 = arith.index_cast %swap3A_887 : i32 to index
      %swap3A_889 = arith.constant 32 : index
      %swap3A_890 = tpu.vector_load %arg10[%swap3A_888, %swap3A_889] {strides = array<i32>} : memref<8x128xf32, #tpu.memory_space<vmem>>, vector<16xf32>,
      tpu.vector_store %arg10[%swap3A_888, %swap3A_889], %gather3A_886 {strides = array<i32>} : memref<8x128xf32, #tpu.memory_space<vmem>>, vector<16xf32>,
      %broadcast_in_dim3A_891 = arith.constant 31 : i32
      %broadcast_in_dim3A_892 = vector.broadcast %broadcast_in_dim3A_891 : i32 to vector<16xi32>
      %gather3A_893 = tpu.vector_load_idx %arg9[%iota3A, %broadcast_in_dim3A_892] : memref<16x32xf32, #tpu.memory_space<vmem>>[vector<16xi32>, vector<16xi32>], vector<16xf32>,
      %swap3A_894 = arith.constant 5 : i32
      %swap3A_895 = arith.index_cast %swap3A_894 : i32 to index
      %swap3A_896 = arith.constant 48 : index
      %swap3A_897 = tpu.vector_load %arg10[%swap3A_895, %swap3A_896] {strides = array<i32>} : memref<8x128xf32, #tpu.memory_space<vmem>>, vector<16xf32>,
      tpu.vector_store %arg10[%swap3A_895, %swap3A_896], %gather3A_893 {strides = array<i32>} : memref<8x128xf32, #tpu.memory_space<vmem>>, vector<16xf32>,
      %broadcast_in_dim3A_898 = arith.constant 31 : i32
      %broadcast_in_dim3A_899 = vector.broadcast %broadcast_in_dim3A_898 : i32 to vector<16xi32>
      %gather3A_900 = tpu.vector_load_idx %arg9[%iota3A, %broadcast_in_dim3A_899] : memref<16x32xf32, #tpu.memory_space<vmem>>[vector<16xi32>, vector<16xi32>], vector<16xf32>,
      %swap3A_901 = arith.constant 5 : i32
      %swap3A_902 = arith.index_cast %swap3A_901 : i32 to index
      %swap3A_903 = arith.constant 64 : index
      %swap3A_904 = tpu.vector_load %arg10[%swap3A_902, %swap3A_903] {strides = array<i32>} : memref<8x128xf32, #tpu.memory_space<vmem>>, vector<16xf32>,
      tpu.vector_store %arg10[%swap3A_902, %swap3A_903], %gather3A_900 {strides = array<i32>} : memref<8x128xf32, #tpu.memory_space<vmem>>, vector<16xf32>,
      %broadcast_in_dim3A_905 = arith.constant 31 : i32
      %broadcast_in_dim3A_906 = vector.broadcast %broadcast_in_dim3A_905 : i32 to vector<16xi32>
      %gather3A_907 = tpu.vector_load_idx %arg9[%iota3A, %broadcast_in_dim3A_906] : memref<16x32xf32, #tpu.memory_space<vmem>>[vector<16xi32>, vector<16xi32>], vector<16xf32>,
      %swap3A_908 = arith.constant 5 : i32
      %swap3A_909 = arith.index_cast %swap3A_908 : i32 to index
      %swap3A_910 = arith.constant 80 : index
      %swap3A_911 = tpu.vector_load %arg10[%swap3A_909, %swap3A_910] {strides = array<i32>} : memref<8x128xf32, #tpu.memory_space<vmem>>, vector<16xf32>,
      tpu.vector_store %arg10[%swap3A_909, %swap3A_910], %gather3A_907 {strides = array<i32>} : memref<8x128xf32, #tpu.memory_space<vmem>>, vector<16xf32>,
      %broadcast_in_dim3A_912 = arith.constant 31 : i32
      %broadcast_in_dim3A_913 = vector.broadcast %broadcast_in_dim3A_912 : i32 to vector<16xi32>
      %gather3A_914 = tpu.vector_load_idx %arg9[%iota3A, %broadcast_in_dim3A_913] : memref<16x32xf32, #tpu.memory_space<vmem>>[vector<16xi32>, vector<16xi32>], vector<16xf32>,
      %swap3A_915 = arith.constant 5 : i32
      %swap3A_916 = arith.index_cast %swap3A_915 : i32 to index
      %swap3A_917 = arith.constant 96 : index
      %swap3A_918 = tpu.vector_load %arg10[%swap3A_916, %swap3A_917] {strides = array<i32>} : memref<8x128xf32, #tpu.memory_space<vmem>>, vector<16xf32>,
      tpu.vector_store %arg10[%swap3A_916, %swap3A_917], %gather3A_914 {strides = array<i32>} : memref<8x128xf32, #tpu.memory_space<vmem>>, vector<16xf32>,
      %broadcast_in_dim3A_919 = arith.constant 31 : i32
      %broadcast_in_dim3A_920 = vector.broadcast %broadcast_in_dim3A_919 : i32 to vector<16xi32>
      %gather3A_921 = tpu.vector_load_idx %arg9[%iota3A, %broadcast_in_dim3A_920] : memref<16x32xf32, #tpu.memory_space<vmem>>[vector<16xi32>, vector<16xi32>], vector<16xf32>,
      %swap3A_922 = arith.constant 5 : i32
      %swap3A_923 = arith.index_cast %swap3A_922 : i32 to index
      %swap3A_924 = arith.constant 112 : index
      %swap3A_925 = tpu.vector_load %arg10[%swap3A_923, %swap3A_924] {strides = array<i32>} : memref<8x128xf32, #tpu.memory_space<vmem>>, vector<16xf32>,
      tpu.vector_store %arg10[%swap3A_923, %swap3A_924], %gather3A_921 {strides = array<i32>} : memref<8x128xf32, #tpu.memory_space<vmem>>, vector<16xf32>,
      %broadcast_in_dim3A_926 = arith.constant 31 : i32
      %broadcast_in_dim3A_927 = vector.broadcast %broadcast_in_dim3A_926 : i32 to vector<16xi32>
      %gather3A_928 = tpu.vector_load_idx %arg9[%iota3A, %broadcast_in_dim3A_927] : memref<16x32xf32, #tpu.memory_space<vmem>>[vector<16xi32>, vector<16xi32>], vector<16xf32>,
      %swap3A_929 = arith.constant 6 : i32
      %swap3A_930 = arith.index_cast %swap3A_929 : i32 to index
      %swap3A_931 = arith.constant 0 : index
      %swap3A_932 = tpu.vector_load %arg10[%swap3A_930, %swap3A_931] {strides = array<i32>} : memref<8x128xf32, #tpu.memory_space<vmem>>, vector<16xf32>,
      tpu.vector_store %arg10[%swap3A_930, %swap3A_931], %gather3A_928 {strides = array<i32>} : memref<8x128xf32, #tpu.memory_space<vmem>>, vector<16xf32>,
      %broadcast_in_dim3A_933 = arith.constant 31 : i32
      %broadcast_in_dim3A_934 = vector.broadcast %broadcast_in_dim3A_933 : i32 to vector<16xi32>
      %gather3A_935 = tpu.vector_load_idx %arg9[%iota3A, %broadcast_in_dim3A_934] : memref<16x32xf32, #tpu.memory_space<vmem>>[vector<16xi32>, vector<16xi32>], vector<16xf32>,
      %swap3A_936 = arith.constant 6 : i32
      %swap3A_937 = arith.index_cast %swap3A_936 : i32 to index
      %swap3A_938 = arith.constant 16 : index
      %swap3A_939 = tpu.vector_load %arg10[%swap3A_937, %swap3A_938] {strides = array<i32>} : memref<8x128xf32, #tpu.memory_space<vmem>>, vector<16xf32>,
      tpu.vector_store %arg10[%swap3A_937, %swap3A_938], %gather3A_935 {strides = array<i32>} : memref<8x128xf32, #tpu.memory_space<vmem>>, vector<16xf32>,
      %broadcast_in_dim3A_940 = arith.constant 31 : i32
      %broadcast_in_dim3A_941 = vector.broadcast %broadcast_in_dim3A_940 : i32 to vector<16xi32>
      %gather3A_942 = tpu.vector_load_idx %arg9[%iota3A, %broadcast_in_dim3A_941] : memref<16x32xf32, #tpu.memory_space<vmem>>[vector<16xi32>, vector<16xi32>], vector<16xf32>,
      %swap3A_943 = arith.constant 6 : i32
      %swap3A_944 = arith.index_cast %swap3A_943 : i32 to index
      %swap3A_945 = arith.constant 32 : index
      %swap3A_946 = tpu.vector_load %arg10[%swap3A_944, %swap3A_945] {strides = array<i32>} : memref<8x128xf32, #tpu.memory_space<vmem>>, vector<16xf32>,
      tpu.vector_store %arg10[%swap3A_944, %swap3A_945], %gather3A_942 {strides = array<i32>} : memref<8x128xf32, #tpu.memory_space<vmem>>, vector<16xf32>,
      %broadcast_in_dim3A_947 = arith.constant 31 : i32
      %broadcast_in_dim3A_948 = vector.broadcast %broadcast_in_dim3A_947 : i32 to vector<16xi32>
      %gather3A_949 = tpu.vector_load_idx %arg9[%iota3A, %broadcast_in_dim3A_948] : memref<16x32xf32, #tpu.memory_space<vmem>>[vector<16xi32>, vector<16xi32>], vector<16xf32>,
      %swap3A_950 = arith.constant 6 : i32
      %swap3A_951 = arith.index_cast %swap3A_950 : i32 to index
      %swap3A_952 = arith.constant 48 : index
      %swap3A_953 = tpu.vector_load %arg10[%swap3A_951, %swap3A_952] {strides = array<i32>} : memref<8x128xf32, #tpu.memory_space<vmem>>, vector<16xf32>,
      tpu.vector_store %arg10[%swap3A_951, %swap3A_952], %gather3A_949 {strides = array<i32>} : memref<8x128xf32, #tpu.memory_space<vmem>>, vector<16xf32>,
      %broadcast_in_dim3A_954 = arith.constant 31 : i32
      %broadcast_in_dim3A_955 = vector.broadcast %broadcast_in_dim3A_954 : i32 to vector<16xi32>
      %gather3A_956 = tpu.vector_load_idx %arg9[%iota3A, %broadcast_in_dim3A_955] : memref<16x32xf32, #tpu.memory_space<vmem>>[vector<16xi32>, vector<16xi32>], vector<16xf32>,
      %swap3A_957 = arith.constant 6 : i32
      %swap3A_958 = arith.index_cast %swap3A_957 : i32 to index
      %swap3A_959 = arith.constant 64 : index
      %swap3A_960 = tpu.vector_load %arg10[%swap3A_958, %swap3A_959] {strides = array<i32>} : memref<8x128xf32, #tpu.memory_space<vmem>>, vector<16xf32>,
      tpu.vector_store %arg10[%swap3A_958, %swap3A_959], %gather3A_956 {strides = array<i32>} : memref<8x128xf32, #tpu.memory_space<vmem>>, vector<16xf32>,
      %broadcast_in_dim3A_961 = arith.constant 31 : i32
      %broadcast_in_dim3A_962 = vector.broadcast %broadcast_in_dim3A_961 : i32 to vector<16xi32>
      %gather3A_963 = tpu.vector_load_idx %arg9[%iota3A, %broadcast_in_dim3A_962] : memref<16x32xf32, #tpu.memory_space<vmem>>[vector<16xi32>, vector<16xi32>], vector<16xf32>,
      %swap3A_964 = arith.constant 6 : i32
      %swap3A_965 = arith.index_cast %swap3A_964 : i32 to index
      %swap3A_966 = arith.constant 80 : index
      %swap3A_967 = tpu.vector_load %arg10[%swap3A_965, %swap3A_966] {strides = array<i32>} : memref<8x128xf32, #tpu.memory_space<vmem>>, vector<16xf32>,
      tpu.vector_store %arg10[%swap3A_965, %swap3A_966], %gather3A_963 {strides = array<i32>} : memref<8x128xf32, #tpu.memory_space<vmem>>, vector<16xf32>,
      %broadcast_in_dim3A_968 = arith.constant 31 : i32
      %broadcast_in_dim3A_969 = vector.broadcast %broadcast_in_dim3A_968 : i32 to vector<16xi32>
      %gather3A_970 = tpu.vector_load_idx %arg9[%iota3A, %broadcast_in_dim3A_969] : memref<16x32xf32, #tpu.memory_space<vmem>>[vector<16xi32>, vector<16xi32>], vector<16xf32>,
      %swap3A_971 = arith.constant 6 : i32
      %swap3A_972 = arith.index_cast %swap3A_971 : i32 to index
      %swap3A_973 = arith.constant 96 : index
      %swap3A_974 = tpu.vector_load %arg10[%swap3A_972, %swap3A_973] {strides = array<i32>} : memref<8x128xf32, #tpu.memory_space<vmem>>, vector<16xf32>,
      tpu.vector_store %arg10[%swap3A_972, %swap3A_973], %gather3A_970 {strides = array<i32>} : memref<8x128xf32, #tpu.memory_space<vmem>>, vector<16xf32>,
      %broadcast_in_dim3A_975 = arith.constant 31 : i32
      %broadcast_in_dim3A_976 = vector.broadcast %broadcast_in_dim3A_975 : i32 to vector<16xi32>
      %gather3A_977 = tpu.vector_load_idx %arg9[%iota3A, %broadcast_in_dim3A_976] : memref<16x32xf32, #tpu.memory_space<vmem>>[vector<16xi32>, vector<16xi32>], vector<16xf32>,
      %swap3A_978 = arith.constant 6 : i32
      %swap3A_979 = arith.index_cast %swap3A_978 : i32 to index
      %swap3A_980 = arith.constant 112 : index
      %swap3A_981 = tpu.vector_load %arg10[%swap3A_979, %swap3A_980] {strides = array<i32>} : memref<8x128xf32, #tpu.memory_space<vmem>>, vector<16xf32>,
      tpu.vector_store %arg10[%swap3A_979, %swap3A_980], %gather3A_977 {strides = array<i32>} : memref<8x128xf32, #tpu.memory_space<vmem>>, vector<16xf32>,
      %broadcast_in_dim3A_982 = arith.constant 31 : i32
      %broadcast_in_dim3A_983 = vector.broadcast %broadcast_in_dim3A_982 : i32 to vector<16xi32>
      %gather3A_984 = tpu.vector_load_idx %arg9[%iota3A, %broadcast_in_dim3A_983] : memref<16x32xf32, #tpu.memory_space<vmem>>[vector<16xi32>, vector<16xi32>], vector<16xf32>,
      %swap3A_985 = arith.constant 7 : i32
      %swap3A_986 = arith.index_cast %swap3A_985 : i32 to index
      %swap3A_987 = arith.constant 0 : index
      %swap3A_988 = tpu.vector_load %arg10[%swap3A_986, %swap3A_987] {strides = array<i32>} : memref<8x128xf32, #tpu.memory_space<vmem>>, vector<16xf32>,
      tpu.vector_store %arg10[%swap3A_986, %swap3A_987], %gather3A_984 {strides = array<i32>} : memref<8x128xf32, #tpu.memory_space<vmem>>, vector<16xf32>,
      %broadcast_in_dim3A_989 = arith.constant 31 : i32
      %broadcast_in_dim3A_990 = vector.broadcast %broadcast_in_dim3A_989 : i32 to vector<16xi32>
      %gather3A_991 = tpu.vector_load_idx %arg9[%iota3A, %broadcast_in_dim3A_990] : memref<16x32xf32, #tpu.memory_space<vmem>>[vector<16xi32>, vector<16xi32>], vector<16xf32>,
      %swap3A_992 = arith.constant 7 : i32
      %swap3A_993 = arith.index_cast %swap3A_992 : i32 to index
      %swap3A_994 = arith.constant 16 : index
      %swap3A_995 = tpu.vector_load %arg10[%swap3A_993, %swap3A_994] {strides = array<i32>} : memref<8x128xf32, #tpu.memory_space<vmem>>, vector<16xf32>,
      tpu.vector_store %arg10[%swap3A_993, %swap3A_994], %gather3A_991 {strides = array<i32>} : memref<8x128xf32, #tpu.memory_space<vmem>>, vector<16xf32>,
      %broadcast_in_dim3A_996 = arith.constant 31 : i32
      %broadcast_in_dim3A_997 = vector.broadcast %broadcast_in_dim3A_996 : i32 to vector<16xi32>
      %gather3A_998 = tpu.vector_load_idx %arg9[%iota3A, %broadcast_in_dim3A_997] : memref<16x32xf32, #tpu.memory_space<vmem>>[vector<16xi32>, vector<16xi32>], vector<16xf32>,
      %swap3A_999 = arith.constant 7 : i32
      %swap3A_1000 = arith.index_cast %swap3A_999 : i32 to index
      %swap3A_1001 = arith.constant 32 : index
      %swap3A_1002 = tpu.vector_load %arg10[%swap3A_1000, %swap3A_1001] {strides = array<i32>} : memref<8x128xf32, #tpu.memory_space<vmem>>, vector<16xf32>,
      tpu.vector_store %arg10[%swap3A_1000, %swap3A_1001], %gather3A_998 {strides = array<i32>} : memref<8x128xf32, #tpu.memory_space<vmem>>, vector<16xf32>,
      %broadcast_in_dim3A_1003 = arith.constant 31 : i32
      %broadcast_in_dim3A_1004 = vector.broadcast %broadcast_in_dim3A_1003 : i32 to vector<16xi32>
      %gather3A_1005 = tpu.vector_load_idx %arg9[%iota3A, %broadcast_in_dim3A_1004] : memref<16x32xf32, #tpu.memory_space<vmem>>[vector<16xi32>, vector<16xi32>], vector<16xf32>,
      %swap3A_1006 = arith.constant 7 : i32
      %swap3A_1007 = arith.index_cast %swap3A_1006 : i32 to index
      %swap3A_1008 = arith.constant 48 : index
      %swap3A_1009 = tpu.vector_load %arg10[%swap3A_1007, %swap3A_1008] {strides = array<i32>} : memref<8x128xf32, #tpu.memory_space<vmem>>, vector<16xf32>,
      tpu.vector_store %arg10[%swap3A_1007, %swap3A_1008], %gather3A_1005 {strides = array<i32>} : memref<8x128xf32, #tpu.memory_space<vmem>>, vector<16xf32>,
      %broadcast_in_dim3A_1010 = arith.constant 31 : i32
      %broadcast_in_dim3A_1011 = vector.broadcast %broadcast_in_dim3A_1010 : i32 to vector<16xi32>
      %gather3A_1012 = tpu.vector_load_idx %arg9[%iota3A, %broadcast_in_dim3A_1011] : memref<16x32xf32, #tpu.memory_space<vmem>>[vector<16xi32>, vector<16xi32>], vector<16xf32>,
      %swap3A_1013 = arith.constant 7 : i32
      %swap3A_1014 = arith.index_cast %swap3A_1013 : i32 to index
      %swap3A_1015 = arith.constant 64 : index
      %swap3A_1016 = tpu.vector_load %arg10[%swap3A_1014, %swap3A_1015] {strides = array<i32>} : memref<8x128xf32, #tpu.memory_space<vmem>>, vector<16xf32>,
      tpu.vector_store %arg10[%swap3A_1014, %swap3A_1015], %gather3A_1012 {strides = array<i32>} : memref<8x128xf32, #tpu.memory_space<vmem>>, vector<16xf32>,
      %broadcast_in_dim3A_1017 = arith.constant 31 : i32
      %broadcast_in_dim3A_1018 = vector.broadcast %broadcast_in_dim3A_1017 : i32 to vector<16xi32>
      %gather3A_1019 = tpu.vector_load_idx %arg9[%iota3A, %broadcast_in_dim3A_1018] : memref<16x32xf32, #tpu.memory_space<vmem>>[vector<16xi32>, vector<16xi32>], vector<16xf32>,
      %swap3A_1020 = arith.constant 7 : i32
      %swap3A_1021 = arith.index_cast %swap3A_1020 : i32 to index
      %swap3A_1022 = arith.constant 80 : index
      %swap3A_1023 = tpu.vector_load %arg10[%swap3A_1021, %swap3A_1022] {strides = array<i32>} : memref<8x128xf32, #tpu.memory_space<vmem>>, vector<16xf32>,
      tpu.vector_store %arg10[%swap3A_1021, %swap3A_1022], %gather3A_1019 {strides = array<i32>} : memref<8x128xf32, #tpu.memory_space<vmem>>, vector<16xf32>,
      %broadcast_in_dim3A_1024 = arith.constant 31 : i32
      %broadcast_in_dim3A_1025 = vector.broadcast %broadcast_in_dim3A_1024 : i32 to vector<16xi32>
      %gather3A_1026 = tpu.vector_load_idx %arg9[%iota3A, %broadcast_in_dim3A_1025] : memref<16x32xf32, #tpu.memory_space<vmem>>[vector<16xi32>, vector<16xi32>], vector<16xf32>,
      %swap3A_1027 = arith.constant 7 : i32
      %swap3A_1028 = arith.index_cast %swap3A_1027 : i32 to index
      %swap3A_1029 = arith.constant 96 : index
      %swap3A_1030 = tpu.vector_load %arg10[%swap3A_1028, %swap3A_1029] {strides = array<i32>} : memref<8x128xf32, #tpu.memory_space<vmem>>, vector<16xf32>,
      tpu.vector_store %arg10[%swap3A_1028, %swap3A_1029], %gather3A_1026 {strides = array<i32>} : memref<8x128xf32, #tpu.memory_space<vmem>>, vector<16xf32>,
      %broadcast_in_dim3A_1031 = arith.constant 31 : i32
      %broadcast_in_dim3A_1032 = vector.broadcast %broadcast_in_dim3A_1031 : i32 to vector<16xi32>
      %gather3A_1033 = tpu.vector_load_idx %arg9[%iota3A, %broadcast_in_dim3A_1032] : memref<16x32xf32, #tpu.memory_space<vmem>>[vector<16xi32>, vector<16xi32>], vector<16xf32>,
      %swap3A_1034 = arith.constant 7 : i32
      %swap3A_1035 = arith.index_cast %swap3A_1034 : i32 to index
      %swap3A_1036 = arith.constant 112 : index
      %swap3A_1037 = tpu.vector_load %arg10[%swap3A_1035, %swap3A_1036] {strides = array<i32>} : memref<8x128xf32, #tpu.memory_space<vmem>>, vector<16xf32>,
      tpu.vector_store %arg10[%swap3A_1035, %swap3A_1036], %gather3A_1033 {strides = array<i32>} : memref<8x128xf32, #tpu.memory_space<vmem>>, vector<16xf32>,
      "tpu.region"() ({
        %run_scoped3A = tpu.sem_alloc : memref<!tpu.dma_semaphore, #tpu.memory_space<semaphore_mem>>
        %dma_start3A_1038 = arith.constant 0 : i32
        %dma_start3A_1039 = arith.constant 0 : i32
        %dma_start3A_1040 = tpu.memref_slice %arg10[%dma_start3A_1038, %dma_start3A_1039] : memref<8x128xf32, #tpu.memory_space<vmem>> -> memref<8x128xf32, #tpu.memory_space<vmem>>
        %dma_start3A_1041 = arith.constant 12496 : i32
        %dma_start3A_1042 = arith.constant 0 : i32
        %dma_start3A_1043 = tpu.memref_slice %arg5[%dma_start3A_1041, %dma_start3A_1042] : memref<12504x128xf32, #tpu.memory_space<hbm>> -> memref<8x128xf32, #tpu.memory_space<hbm>>
        %dma_start3A_1044 = arith.constant 12496 : i32
        %dma_start3A_1045 = arith.constant 0 : i32
        %dma_start3A_1046 = tpu.memref_slice %arg5[%dma_start3A_1044, %dma_start3A_1045] : memref<12504x128xf32, #tpu.memory_space<hbm>> -> memref<8x128xf32, #tpu.memory_space<hbm>>
        %dma_start3A_1047 = arith.constant 0 : i32
        %dma_start3A_1048 = arith.constant 0 : i32
        %dma_start3A_1049 = tpu.memref_slice %arg10[%dma_start3A_1047, %dma_start3A_1048] : memref<8x128xf32, #tpu.memory_space<vmem>> -> memref<8x128xf32, #tpu.memory_space<vmem>>
        tpu.enqueue_dma source(%dma_start3A_1049 : memref<8x128xf32, #tpu.memory_space<vmem>>) target(%dma_start3A_1046 : memref<8x128xf32, #tpu.memory_space<hbm>>) target_semaphore(%run_scoped3A : memref<!tpu.dma_semaphore, #tpu.memory_space<semaphore_mem>>)
        %dma_wait3A_1050 = arith.constant 0 : i32
        %dma_wait3A_1051 = arith.constant 0 : i32
        %dma_wait3A_1052 = tpu.memref_slice %arg10[%dma_wait3A_1050, %dma_wait3A_1051] : memref<8x128xf32, #tpu.memory_space<vmem>> -> memref<8x128xf32, #tpu.memory_space<vmem>>
        %dma_wait3A_1053 = arith.constant 12496 : i32
        %dma_wait3A_1054 = arith.constant 0 : i32
        %dma_wait3A_1055 = tpu.memref_slice %arg5[%dma_wait3A_1053, %dma_wait3A_1054] : memref<12504x128xf32, #tpu.memory_space<hbm>> -> memref<8x128xf32, #tpu.memory_space<hbm>>
        %dma_wait3A_1056 = arith.constant 12496 : i32
        %dma_wait3A_1057 = arith.constant 0 : i32
        %dma_wait3A_1058 = tpu.memref_slice %arg5[%dma_wait3A_1056, %dma_wait3A_1057] : memref<12504x128xf32, #tpu.memory_space<hbm>> -> memref<8x128xf32, #tpu.memory_space<hbm>>
        %dma_wait3A_1059 = arith.constant 0 : i32
        %dma_wait3A_1060 = arith.constant 0 : i32
        %dma_wait3A_1061 = tpu.memref_slice %arg10[%dma_wait3A_1059, %dma_wait3A_1060] : memref<8x128xf32, #tpu.memory_space<vmem>> -> memref<8x128xf32, #tpu.memory_space<vmem>>
        tpu.wait_dma2 semaphore(%run_scoped3A : memref<!tpu.dma_semaphore, #tpu.memory_space<semaphore_mem>>) src(%dma_wait3A_1061 : memref<8x128xf32, #tpu.memory_space<vmem>>) dst(%dma_wait3A_1058 : memref<8x128xf32, #tpu.memory_space<hbm>>)
        tpu.yield
      }) : () -> ()
    } else {
    }
    return
  }
}

module attributes {stable_mosaic.version = 14 : i64} {
  func.func @_mlp_body(%arg0: i32, %arg1: memref<16x2048xf32, #tpu.memory_space<vmem>>, %arg2: memref<16x2048xf32, #tpu.memory_space<vmem>>, %arg3: memref<64x16xf32, #tpu.memory_space<vmem>>, %arg4: memref<64x16xf32, #tpu.memory_space<vmem>>, %arg5: memref<64x1xf32, #tpu.memory_space<vmem>>, %arg6: memref<64x1xf32, #tpu.memory_space<vmem>>, %arg7: memref<1x1xf32, #tpu.memory_space<vmem>>, %arg8: memref<1x2048xf32, #tpu.memory_space<vmem>>) attributes {dimension_semantics = [#tpu.dimension_semantics<arbitrary>], iteration_bounds = array<i64: 8>, scalar_prefetch = 0 : i64, scratch_operands = 0 : i64, tpu.core_type = #tpu.core_type<tc>, window_params = [{transform_indices = @transform_0, window_bounds = array<i64: 16, 2048>}, {transform_indices = @transform_1, window_bounds = array<i64: 16, 2048>}, {pipeline_mode = #tpu.pipeline_mode<synchronous>, transform_indices = @transform_2, window_bounds = array<i64: 64, 16>}, {pipeline_mode = #tpu.pipeline_mode<synchronous>, transform_indices = @transform_3, window_bounds = array<i64: 64, 16>}, {pipeline_mode = #tpu.pipeline_mode<synchronous>, transform_indices = @transform_4, window_bounds = array<i64: 64, 1>}, {pipeline_mode = #tpu.pipeline_mode<synchronous>, transform_indices = @transform_5, window_bounds = array<i64: 64, 1>}, {pipeline_mode = #tpu.pipeline_mode<synchronous>, transform_indices = @transform_6, window_bounds = array<i64: 1, 1>}, {transform_indices = @transform_7, window_bounds = array<i64: 1, 2048>}]} {
    %get3A = arith.constant 0 : index
    %get3A_0 = arith.constant 0 : index
    %get3A_1 = vector.load %arg3[%get3A, %get3A_0] : memref<64x16xf32, #tpu.memory_space<vmem>>, vector<64x16xf32>
    %get3A_2 = arith.constant 0 : index
    %get3A_3 = arith.constant 0 : index
    %get3A_4 = vector.load %arg1[%get3A_2, %get3A_3] : memref<16x2048xf32, #tpu.memory_space<vmem>>, vector<16x2048xf32>
    %dot_general3A = arith.constant dense<0.000000e+00> : vector<64x2048xf32>
    %dot_general3A_5 = tpu.matmul %get3A_1, %get3A_4, %dot_general3A {dimension_numbers = #tpu.dot_dimension_numbers<[1], [0], [0], [1], [0, 0, 1, 1], [], []>, precision = #tpu.contract_precision<fp32>, transpose_lhs_hint = false} : vector<64x16xf32>, vector<16x2048xf32>, vector<64x2048xf32> -> vector<64x2048xf32>
    %get3A_6 = arith.constant 0 : index
    %get3A_7 = arith.constant 0 : index
    %get3A_8 = vector.load %arg4[%get3A_6, %get3A_7] : memref<64x16xf32, #tpu.memory_space<vmem>>, vector<64x16xf32>
    %get3A_9 = arith.constant 0 : index
    %get3A_10 = arith.constant 0 : index
    %get3A_11 = vector.load %arg2[%get3A_9, %get3A_10] : memref<16x2048xf32, #tpu.memory_space<vmem>>, vector<16x2048xf32>
    %dot_general3A_12 = arith.constant dense<0.000000e+00> : vector<64x2048xf32>
    %dot_general3A_13 = tpu.matmul %get3A_8, %get3A_11, %dot_general3A_12 {dimension_numbers = #tpu.dot_dimension_numbers<[1], [0], [0], [1], [0, 0, 1, 1], [], []>, precision = #tpu.contract_precision<fp32>, transpose_lhs_hint = false} : vector<64x16xf32>, vector<16x2048xf32>, vector<64x2048xf32> -> vector<64x2048xf32>
    %add3A = arith.addf %dot_general3A_5, %dot_general3A_13 : vector<64x2048xf32>
    %get3A_14 = arith.constant 0 : index
    %get3A_15 = arith.constant 0 : index
    %get3A_16 = vector.load %arg5[%get3A_14, %get3A_15] : memref<64x1xf32, #tpu.memory_space<vmem>>, vector<64x1xf32>
    %add3A_17 = vector.broadcast %get3A_16 : vector<64x1xf32> to vector<64x2048xf32>
    %add3A_18 = arith.addf %add3A, %add3A_17 : vector<64x2048xf32>
    %max3A = arith.constant 0.000000e+00 : f32
    %max3A_19 = vector.broadcast %max3A : f32 to vector<64x2048xf32>
    %max3A_20 = arith.maximumf %add3A_18, %max3A_19 : vector<64x2048xf32>
    %get3A_21 = arith.constant 0 : index
    %get3A_22 = arith.constant 0 : index
    %get3A_23 = vector.load %arg6[%get3A_21, %get3A_22] : memref<64x1xf32, #tpu.memory_space<vmem>>, vector<64x1xf32>
    %mul3A = vector.broadcast %get3A_23 : vector<64x1xf32> to vector<64x2048xf32>
    %mul3A_24 = arith.mulf %max3A_20, %mul3A : vector<64x2048xf32>
    %reduce_sum3A = arith.constant dense<0.000000e+00> : vector<2048xf32>
    %reduce_sum3A_25 = vector.multi_reduction <add>, %mul3A_24, %reduce_sum3A [0] : vector<64x2048xf32> to vector<2048xf32>
    %broadcast_in_dim3A = vector.shape_cast %reduce_sum3A_25 : vector<2048xf32> to vector<1x2048xf32>
    %get3A_26 = arith.constant 0 : index
    %get3A_27 = arith.constant 0 : index
    %get3A_28 = vector.load %arg7[%get3A_26, %get3A_27] : memref<1x1xf32, #tpu.memory_space<vmem>>, vector<1x1xf32>
    %add3A_29 = vector.broadcast %get3A_28 : vector<1x1xf32> to vector<1x2048xf32>
    %add3A_30 = arith.addf %broadcast_in_dim3A, %add3A_29 : vector<1x2048xf32>
    %logistic3A = arith.negf %add3A_30 : vector<1x2048xf32>
    %logistic3A_31 = math.exp %logistic3A : vector<1x2048xf32>
    %logistic3A_32 = arith.constant 1.000000e+00 : f32
    %logistic3A_33 = vector.broadcast %logistic3A_32 : f32 to vector<1x2048xf32>
    %logistic3A_34 = arith.addf %logistic3A_33, %logistic3A_31 : vector<1x2048xf32>
    %logistic3A_35 = arith.divf %logistic3A_33, %logistic3A_34 : vector<1x2048xf32>
    %mul3A_36 = arith.constant 5.500000e+00 : f32
    %mul3A_37 = vector.broadcast %mul3A_36 : f32 to vector<1x2048xf32>
    %mul3A_38 = arith.mulf %logistic3A_35, %mul3A_37 : vector<1x2048xf32>
    %add3A_39 = arith.constant 0.000000e+00 : f32
    %add3A_40 = vector.broadcast %add3A_39 : f32 to vector<1x2048xf32>
    %add3A_41 = arith.addf %mul3A_38, %add3A_40 : vector<1x2048xf32>
    %swap3A = arith.constant 0 : index
    %swap3A_42 = arith.constant 0 : index
    %swap3A_43 = vector.load %arg8[%swap3A, %swap3A_42] : memref<1x2048xf32, #tpu.memory_space<vmem>>, vector<1x2048xf32>
    tpu.vector_store %arg8[%swap3A, %swap3A_42], %add3A_41 {strides = array<i32>} : memref<1x2048xf32, #tpu.memory_space<vmem>>, vector<1x2048xf32>,
    return
  }
  func.func @transform_0(%arg0: i32) -> (i32, i32) {
    %c0_i32 = arith.constant 0 : i32
    %c0_i32_0 = arith.constant 0 : i32
    return %c0_i32, %arg0 : i32, i32
  }
  func.func @transform_1(%arg0: i32) -> (i32, i32) {
    %c0_i32 = arith.constant 0 : i32
    %c0_i32_0 = arith.constant 0 : i32
    return %c0_i32, %arg0 : i32, i32
  }
  func.func @transform_2(%arg0: i32) -> (i32, i32) {
    %c0_i32 = arith.constant 0 : i32
    %c0_i32_0 = arith.constant 0 : i32
    %c0_i32_1 = arith.constant 0 : i32
    return %c0_i32, %c0_i32_0 : i32, i32
  }
  func.func @transform_3(%arg0: i32) -> (i32, i32) {
    %c0_i32 = arith.constant 0 : i32
    %c0_i32_0 = arith.constant 0 : i32
    %c0_i32_1 = arith.constant 0 : i32
    return %c0_i32, %c0_i32_0 : i32, i32
  }
  func.func @transform_4(%arg0: i32) -> (i32, i32) {
    %c0_i32 = arith.constant 0 : i32
    %c0_i32_0 = arith.constant 0 : i32
    %c0_i32_1 = arith.constant 0 : i32
    return %c0_i32, %c0_i32_0 : i32, i32
  }
  func.func @transform_5(%arg0: i32) -> (i32, i32) {
    %c0_i32 = arith.constant 0 : i32
    %c0_i32_0 = arith.constant 0 : i32
    %c0_i32_1 = arith.constant 0 : i32
    return %c0_i32, %c0_i32_0 : i32, i32
  }
  func.func @transform_6(%arg0: i32) -> (i32, i32) {
    %c0_i32 = arith.constant 0 : i32
    %c0_i32_0 = arith.constant 0 : i32
    %c0_i32_1 = arith.constant 0 : i32
    return %c0_i32, %c0_i32_0 : i32, i32
  }
  func.func @transform_7(%arg0: i32) -> (i32, i32) {
    %c0_i32 = arith.constant 0 : i32
    %c0_i32_0 = arith.constant 0 : i32
    return %c0_i32, %arg0 : i32, i32
  }
}

</mosaic_0001>

<sc_bundles>
// kernel: kernel.5.cloned.1.call-start
scs
__scs_entry_jumppad:
0x0: {  	(pc) =	sbr.rel $0x88, $3  }
0x1: {  	(tag) =	ssettag $0x0;
	lr =	simm.s32 $0x1  }
0x2: {  	[smem:$0x3F99] =	sst lr;
	_ =	strace $0xD0000000  }
0x3: {  	_ = 	snop  }
0x4: {  	_ = 	snop  }
0x5: {  	_ = 	snop  }
0x6: {  	_ = 	snop  }
0x7: {  	_ = 	snop  }
__scs_overlays_trampoline_lowered:
0x8: {  	[smem:$0x3FA8] =	sst s0  }
0x9: {  	[smem:$0x3FA9] =	sst s1  }
0xa: {  	[smem:$0x3FAA] =	sst s2  }
0xb: {  	[smem:$0x3FAB] =	sst s3  }
0xc: {  	[smem:$0x3FAC] =	sst s4  }
0xd: {  	[smem:$0x3FAD] =	sst s5  }
0xe: {  	[smem:$0x3FAE] =	sst s6  }
0xf: {  	[smem:$0x3FAF] =	sst s7  }
0x10: {  	[smem:$0x3FB0] =	sst s8  }
0x11: {  	[smem:$0x3FB1] =	sst s9;
	s0 =	simm.s32 @!p0 $0x0  }
0x12: {  	s1 =	sld [smem:$0x3F97];
	s0 =	simm.s32 @p0 $0x1  }
0x13: {  	[smem:$0x3FB2] =	sst s0;
	s0 =	simm.s32 @!p1 $0x0  }
0x14: {  	s2 =	sld [smem:$0x3F96];
	s0 =	simm.s32 @p1 $0x1  }
0x15: {  	[smem:$0x3FB3] =	sst s0;
	s0 =	simm.s32 @!p2 $0x0  }
0x16: {  	s3 =	sld [smem:$0x3FDB];
	s0 =	simm.s32 @p2 $0x1  }
0x17: {  	s4 =	simm.s32 $0x1BF5;
	[smem:$0x3FB5] =	sst s0  }
0x18: {  	s0 =	sld [smem:$0x3F98];
	_ =	swait.ge [sflag:s4], $0x0  }
0x19: {  	s7 =	sld [smem:$0x3F99]  }
0x1a: {  	s8 =	sadd.s32 $0xFFFFE003, lr  }
0x1b: {  	s9 =	sadd.s32 $0xFFFFFEF7, lr;
	s5 =	simm.s32 $0xFFFFFFFF;
	p2 =	slt.u32 s8, $0xFFFFF086  }
0x1c: {  	p1 =	slt.u32 s9, $0xF7A;
	s5 =	simm.s32 @!p2 $0x0  }
0x1d: {  	s5 =	simm.s32 @p1 $0x1;
	p0 =	seq.s32 s7, s2  }
0x1e: {  	s7 =	smul.u32 @!p0 $0xF7A, s2;
	p2 =	seq.s32 @!p0 s5, $0x0  }
0x1f: {  	s9 =	smul.u32 $0xF7A, s1;
	s8 =	simm.s32 @!p0 $0x1BF5;
	p2 =	por !p2, p0  }
0x20: {  	[sflag:s8] =	ssyncset.s32 @!p0 $0xFFFFF086;
	s6 =	sadd.s32 @!p0 s3, s7;
	s7 =	simm.s32 @!p0 $0x108  }
0x21: {  	s3 =	sadd.s32 s3, s9;
	s6 =	sadd.s32 @!p0 $0x88, s6;
	s7 =	simm.s32 @p2 $0x1082  }
0x22: {  	[simem:s7], [sflag:s8] =	dma.local @!p0 [hbm:s6], $0xF7A  }
0x23: {  	s9 =	sor.u32 $0xD0000000, s2;
	s6 =	simm.s32 $0x108;
	_ =	swait.ge @!p0 [sflag:s8], $0x0  }
0x24: {  	s3 =	sadd.s32 $0x88, s3;
	s6 =	simm.s32 @!p1 $0x1082;
	[sflag:s4] =	ssyncset.s32 $0xFFFFF086  }
0x25: {  	[simem:s6], [sflag:s4] =	dma.local [hbm:s3], $0xF7A  }
0x26: {  	[smem:$0x3F99] =	sst s1;
	(tag) =	ssettag s2;
	_ =	strace s9  }
0x27: {  	s1 =	sld [smem:$0x3FA9]  }
0x28: {  	s2 =	sld [smem:$0x3FAA]  }
0x29: {  	s4 =	sld [smem:$0x3FAC]  }
0x2a: {  	p0 =	seq.s32 s5, $0x0;
	s5 =	sld [smem:$0x3FAD]  }
0x2b: {  	s6 =	sld [smem:$0x3FAE]  }
0x2c: {  	s7 =	sld [smem:$0x3FAF]  }
0x2d: {  	s3 =	simm.s32 $0x108;
	s8 =	sld [smem:$0x3FB0]  }
0x2e: {  	s3 =	simm.s32 @!p0 $0x1082;
	s9 =	sld [smem:$0x3FB1]  }
0x2f: {  	lr =	sadd.s32 s0, s3;
	s0 =	sld [smem:$0x3FA8]  }
0x30: {  	s3 =	sld [smem:$0x3FAB]  }
0x31: {  	[smem:$0x3FB4] =	sst s10  }
0x32: {  	s10 =	sld [smem:$0x3FB2];
	_ =	sdelay $0x3  }
0x33: {  	p0 =	seq.s32 s10, $0x1;
	s10 =	sld [smem:$0x3FB4];
	_ =	sdelay $0x3  }
0x34: {  	[smem:$0x3FB4] =	sst s10  }
0x35: {  	s10 =	sld [smem:$0x3FB3];
	_ =	sdelay $0x3  }
0x36: {  	p1 =	seq.s32 s10, $0x1;
	s10 =	sld [smem:$0x3FB4];
	_ =	sdelay $0x3  }
0x37: {  	[smem:$0x3FB4] =	sst s10  }
0x38: {  	s10 =	sld [smem:$0x3FB5]  }
0x39: {  	_ = 	snop;
	(pc) =	sbr.ind lr, $3  }
0x3a: {  	_ = 	snop  }
0x3b: {  	_ = 	snop  }
0x3c: {  	p2 =	seq.s32 s10, $0x1;
	s10 =	sld [smem:$0x3FB4]  }
0x3d: {  	_ =	shalt  }
0x3e: {  	_ =	shalt  }
0x3f: {  	_ =	shalt  }
0x40: {  	_ =	shalt  }
0x41: {  	_ =	shalt  }
0x42: {  	_ =	shalt  }
0x43: {  	_ =	shalt  }
0x44: {  	_ =	shalt  }
0x45: {  	_ =	shalt  }
0x46: {  	_ =	shalt  }
0x47: {  	_ =	shalt  }
0x48: {  	_ =	shalt  }
0x49: {  	_ =	shalt  }
0x4a: {  	_ =	shalt  }
0x4b: {  	_ =	shalt  }
0x4c: {  	_ =	shalt  }
0x4d: {  	_ =	shalt  }
0x4e: {  	_ =	shalt  }
0x4f: {  	_ =	shalt  }
0x50: {  	_ =	shalt  }
0x51: {  	_ =	shalt  }
0x52: {  	_ =	shalt  }
0x53: {  	_ =	shalt  }
0x54: {  	_ =	shalt  }
0x55: {  	_ =	shalt  }
0x56: {  	_ =	shalt  }
0x57: {  	_ =	shalt  }
0x58: {  	_ =	shalt  }
0x59: {  	_ =	shalt  }
0x5a: {  	_ =	shalt  }
0x5b: {  	_ =	shalt  }
0x5c: {  	_ =	shalt  }
0x5d: {  	_ =	shalt  }
0x5e: {  	_ =	shalt  }
0x5f: {  	_ =	shalt  }
0x60: {  	_ =	shalt  }
0x61: {  	_ =	shalt  }
0x62: {  	_ =	shalt  }
0x63: {  	_ =	shalt  }
0x64: {  	_ =	shalt  }
0x65: {  	_ =	shalt  }
0x66: {  	_ =	shalt  }
0x67: {  	_ =	shalt  }
0x68: {  	_ =	shalt  }
0x69: {  	_ =	shalt  }
0x6a: {  	_ =	shalt  }
0x6b: {  	_ =	shalt  }
0x6c: {  	_ =	shalt  }
0x6d: {  	_ =	shalt  }
0x6e: {  	_ =	shalt  }
0x6f: {  	_ =	shalt  }
0x70: {  	_ =	shalt  }
0x71: {  	_ =	shalt  }
0x72: {  	_ =	shalt  }
0x73: {  	_ =	shalt  }
0x74: {  	_ =	shalt  }
0x75: {  	_ =	shalt  }
0x76: {  	_ =	shalt  }
0x77: {  	_ =	shalt  }
0x78: {  	_ =	shalt  }
0x79: {  	_ =	shalt  }
0x7a: {  	_ =	shalt  }
0x7b: {  	_ =	shalt  }
0x7c: {  	_ =	shalt  }
0x7d: {  	_ =	shalt  }
0x7e: {  	_ =	shalt  }
0x7f: {  	_ =	shalt  }
0x80: {  	_ =	shalt  }
0x81: {  	_ =	shalt  }
0x82: {  	_ =	shalt  }
0x83: {  	_ =	shalt  }
0x84: {  	_ =	shalt  }
0x85: {  	_ =	shalt  }
0x86: {  	_ =	shalt  }
0x87: {  	_ =	shalt  }
.Lfunc_end0:
.L_simem_size_0:
called_computation_lowered:
.L_overlay_start_0:
0x88: {  	s2 =	sld [smem:$0x3FD9]  }
0x89: {  	s3 =	sld [smem:$0x3FFE];
	_ =	sdelay $0x1  }
0x8a: {  	s1 =	srdreg.scid  }
0x8b: {  	s0 =	sand.u32 $0x1, s1  }
0x8c: {  	s17 =	sshll.u32 s0, $0xA;
	s2 =	sadd.s32 s3, s2  }
0x8d: {  	s2 =	sadd.s32 s2, s17  }
0x8e: {  	[smem:$0x3FC0] =	sst s2  }
0x8f: {  	_ = 	snop  }
0x90: {  	s2 =	sld [smem:$0x3FC7]  }
0x91: {  	s18 =	sld [smem:$0x3FC6];
	(tm) =	ssettm $0x1  }
0x92: {  	s4 =	sld [smem:$0x3FFB];
	_ =	sdelay $0x3  }
0x93: {  	_ =	strace s4  }
0x94: {  	s4 =	sld [smem:$0x3FFC];
	_ =	sdelay $0x3  }
0x95: {  	_ =	strace s4  }
0x96: {  	s4 =	sld [smem:$0x3FFD];
	_ =	sdelay $0x3  }
0x97: {  	_ =	strace s4  }
0x98: {  	_ =	strace $0x8FFFFFFF  }
0x99: {  	s19 =	sld [smem:$0x3FDB];
	_ =	sdelay $0x1  }
0x9a: {  	s5 =	simm.s32 $_scs_section_size  }
0x9b: {  	s6 =	simm.s32 $_size__tile_overlayer_lowered;
	s7 =	simm.s32 $_tile_overlayer_lowered  }
0x9c: {  	s22 =	simm.s32 $0x1BFF;
	s21 =	sshll.u32 s7, $0x1;
	s4 =	sadd.s32 s5, s19  }
0x9d: {  	s8 =	simm.s32 $0x0;
	s20 =	sshll.u32 s6, $0x1;
	s6 =	sadd.s32 s21, s4  }
0x9e: {  	[timem:s8], [sflag:s22] =	dma.local [hbm:s6], s20  }
0x9f: {  	_ =	swait.ge [sflag:s22], s20  }
0xa0: {  	s5 =	ssub.s32 $0x0, s20;
	[sflag:s22] =	ssyncset.done $0x0  }
0xa1: {  	[sflag:s22] =	ssyncadd.s32 s5;
	_ =	sdelay $0x1  }
0xa2: {  	s23 =	simm.s32 $0x1B8B  }
0xa3: {  	_ =	swait.ge [sflag:s23], $0x1  }
0xa4: {  	[sflag:s23] =	ssyncset.done $0x0  }
0xa5: {  	s25 =	simm.s32 $0x1B8E;
	s24 =	sld [smem:$0x3FFE];
	[sflag:s23] =	ssyncadd.s32 $0xFFFFFFFF  }
0xa6: {  	s26 =	simm.s32 $execute0_lowered;
	[smem:$0x3FD2] =	sst s25  }
0xa7: {  	s6 =	sshll.u32 s26, $0x1;
	_ =	strace $0x80000046;
	[dreg:$0x1] =	wrdreg $0xFFFFFFFF  }
0xa8: {  	s28 =	simm.s32 $_size_execute0_lowered;
	s4 =	sadd.s32 s4, s6;
	[dreg:$0x0] =	wrdreg $0x0  }
0xa9: {  	s6 =	sshll.u32 s28, $0x1;
	[dreg:$0x2] =	wrdreg s4  }
0xaa: {  	[dreg:$0x3] =	wrdreg s6  }
0xab: {  	[dreg:$0x4] =	wrdreg $0xC0  }
0xac: {  	_ =	task [dreg:s8], $0x5FFFF  }
0xad: {  	[dreg:$0x1] =	wrdreg $0xFFFFFFFF  }
0xae: {  	[dreg:$0x0] =	wrdreg $0x60  }
0xaf: {  	[dreg:$0x2] =	wrdreg s2  }
0xb0: {  	[dreg:$0x3] =	wrdreg s18  }
0xb1: {  	[dreg:$0x4] =	wrdreg s24  }
0xb2: {  	[dreg:$0x5] =	wrdreg $0x9  }
0xb3: {  	_ =	task.clear_ibuf [dreg:s8], $0x6FFFF;
	_ =	strace $0x90000046  }
0xb4: {  	s29 =	simm.s32 $0x9;
	_ =	strace $0x80000048  }
0xb5: {  	_ =	swait.ge [sflag:s29], $0x1  }
0xb6: {  	[sflag:s29] =	ssyncadd.s32 $0xFFFFFFFF  }
0xb7: {  	_ =	strace $0x90000048  }
0xb8: {  	_ =	sfence  }
0xb9: {  	s30 =	sld [smem:$0x0];
	_ =	sdelay $0x2  }
0xba: {  	s31 =	sshll.u32 s1, $0xD;
	s1 =	sshrl.u32 s1, $0x2  }
0xbb: {  	s3 =	sand.u32 $0x4000, s31;
	s1 =	sadd.s32 s1, s30  }
0xbc: {  	s0 =	sor.u32 s3, s0;
	s1 =	sshll.u32 s1, $0x11  }
0xbd: {  	s0 =	sor.u32 s1, s0  }
0xbe: {  	s0 =	sadd.s32 $0x8F2B, s0  }
0xbf: {  	[sflag:s0] =	ssyncadd.remote.s32 $0x1  }
0xc0: {  	_ =	sfence.sel $0xFFFF  }
0xc1: {  	[dreg:$0x0] =	wrdreg $0xFFFFFFFF;
	(pc) =	sbr.abs _section_cstart, $3  }
0xc2: {  	[dreg:$0x1] =	wrdreg $0xFFFFFFFF  }
0xc3: {  	_ =	task.clear_ibuf [dreg:s8], $0x2FFFF;
	_ =	strace $0x9FFFFFFF  }
0xc4: {  	(tm) =	ssettm $0x7FFFFFFF  }
0xc5: {  	_ =	shalt  }
tec
execute0_lowered:
.L_overlay_start_1:
0x0: {  	(tag) =	ssettag $0x1  }
0x1: {  	s1 =	rddreg [dreg:$0x0]  }
0x2: {  	s2 =	rddreg [dreg:$0x1]  }
0x3: {  	s0 =	rddreg [dreg:$0x2]  }
0x4: {  	s3 =	srdreg.scid;
	s4 =	simm.s32 $0x0;
	s6 =	stileid.u32  }
0x5: {  	s31 =	simm.s32 $0x7A1400;
	s3 =	sand.u32 $0x1, s3;
	s6 =	sshll.u32 s6, $0x1  }
0x6: {  	[smem:$0x7FF] =	sst s4;
	s5 =	ssub.s32 $0x2, s3;
	s6 =	sor.u32 s3, s6  }
0x7: {  	_ =	strace $0x80000047;
	s7 =	sshrl.u32 s5, $0x1;
	s8 =	sshll.u32 s6, $0x7  }
0x8: {  	v0 =	vlaneseq.u32;
	s23 =	ssub.s32 $0x1EA3, s6;
	s15 =	ssub.s32 $0x32C, s6;
	s24 =	sadd.s32 s1, s8  }
0x9: {  	v0 =	vmul.u32 $0x80, v0;
	s9 =	sor.u32 $0x1000, s8;
	s10 =	sor.u32 $0x2000, s8;
	s11 =	sor.u32 $0x3000, s8  }
0xa: {  	s28 =	sor.u32 $0x4000, s8;
	s13 =	sor.u32 $0x5000, s8;
	s16 =	sor.u32 $0x6000, s8  }
0xb: {  	v1 =	vor.u32 $0x1, v0;
	v2 =	vor.u32 $0x2, v0;
	v3 =	vor.u32 $0x3, v0;
	s17 =	sor.u32 $0x7000, s8;
	s8 =	sadd.s32 s2, s8;
	[dreg:$0x4] =	wrdreg s24  }
0xc: {  	v4 =	vor.u32 $0x4, v0;
	v5 =	vor.u32 $0x5, v0;
	v6 =	vor.u32 $0x6, v0;
	p0 =	seq.s32 s6, $0x1;
	s12 =	sadd.s32 s1, s9;
	[dreg:$0xb] =	wrdreg s8  }
0xd: {  	v7 =	vor.u32 $0x7, v0;
	v8 =	vor.u32 $0x9, v0;
	p1 =	sne.s32 s6, $0x0;
	v31 =	vor.u32 $0x20, v0;
	s25 =	sadd.s32 s1, s10;
	[dreg:$0x5] =	wrdreg s12  }
0xe: {  	v9 =	vor.u32 $0xA, v0;
	v10 =	vor.u32 $0xB, v0;
	s3 =	ssub.s32 s5, s7;
	[tilespmem:$0x1FEE0] =	vst v31;
	v31 =	vor.u32 $0x22, v0;
	s26 =	sadd.s32 s1, s11;
	[dreg:$0x6] =	wrdreg s25  }
0xf: {  	v11 =	vor.u32 $0xC, v0;
	v12 =	vor.u32 $0xD, v0;
	s5 =	sshrl.u32 s23, $0x5;
	s14 =	sadd.s32 s1, s28;
	[tilespmem:$0x1FEF0] =	vst v31;
	v31 =	vor.u32 $0x23, v0;
	[dreg:$0x7] =	wrdreg s26  }
0x10: {  	v13 =	vor.u32 $0xE, v0;
	v14 =	vor.u32 $0xF, v0;
	s7 =	sshll.u32 s6, $0xA;
	s29 =	sadd.s32 s1, s13;
	[dreg:$0x8] =	wrdreg s14;
	[tilespmem:$0x1FF00] =	vst v31;
	v31 =	vor.u32 $0x24, v0  }
0x11: {  	v15 =	vor.u32 $0x10, v0;
	v16 =	vor.u32 $0x11, v0;
	s15 =	sshrl.u32 s15, $0x5;
	s30 =	sadd.s32 s1, s16;
	[dreg:$0x9] =	wrdreg s29;
	[tilespmem:$0x1FF10] =	vst v31;
	v31 =	vor.u32 $0x25, v0  }
0x12: {  	v17 =	vor.u32 $0x12, v0;
	v18 =	vor.u32 $0x13, v0;
	s23 =	sadd.s32 $0x1C00, s0;
	s9 =	sadd.s32 s2, s9;
	[dreg:$0xa] =	wrdreg s30;
	[tilespmem:$0x1FF20] =	vst v31;
	v31 =	vor.u32 $0x26, v0  }
0x13: {  	v19 =	vor.u32 $0x14, v0;
	v20 =	vor.u32 $0x15, v0;
	s10 =	sadd.s32 s2, s10;
	s18 =	sadd.s32 s2, s11;
	[dreg:$0xc] =	wrdreg s9;
	[tilespmem:$0x1FF30] =	vst v31;
	v31 =	vor.u32 $0x27, v0  }
0x14: {  	v21 =	vor.u32 $0x16, v0;
	v22 =	vor.u32 $0x17, v0;
	s19 =	sadd.s32 s2, s28;
	s20 =	sadd.s32 s2, s13;
	[dreg:$0xd] =	wrdreg s10;
	[tilespmem:$0x1FF40] =	vst v31;
	v31 =	vor.u32 $0x28, v0  }
0x15: {  	v23 =	vor.u32 $0x18, v0;
	v24 =	vor.u32 $0x19, v0;
	s21 =	sadd.s32 s2, s16;
	s22 =	sadd.s32 s1, s17;
	[dreg:$0xe] =	wrdreg s18;
	[tilespmem:$0x1FF50] =	vst v31;
	v31 =	vor.u32 $0x29, v0  }
0x16: {  	v25 =	vor.u32 $0x1A, v0;
	v26 =	vor.u32 $0x1B, v0;
	s24 =	sadd.s32 s2, s17;
	s28 =	smax.u32 s3, $0x1;
	[dreg:$0xf] =	wrdreg s19;
	[tilespmem:$0x1FF60] =	vst v31;
	v31 =	vor.u32 $0x21, v0  }
0x17: {  	v27 =	vor.u32 $0x1C, v0;
	v28 =	vor.u32 $0x1D, v0;
	s3 =	simm.s32 $0x400;
	s8 =	simm.s32 $0x800;
	[dreg:$0x10] =	wrdreg s20;
	[tilespmem:$0x1FF70] =	vst v31;
	v31 =	vor.u32 $0x2A, v0  }
0x18: {  	v30 =	vor.u32 $0x1F, v0;
	v50 =	vor.u32 $0x32, v0;
	s11 =	simm.s32 $0x1;
	s13 =	simm.s32 $0xC3800;
	[dreg:$0x11] =	wrdreg s21;
	[tilespmem:$0x1FF80] =	vst v31;
	v31 =	vor.u32 $0x2B, v0  }
0x19: {  	v51 =	vor.u32 $0x33, v0;
	v52 =	vor.u32 $0x34, v0;
	s16 =	simm.s32 $0x8800;
	s17 =	simm.s32 $0x3;
	[dreg:$0x12] =	wrdreg s22;
	[tilespmem:$0x1FF90] =	vst v31;
	v31 =	vor.u32 $0x2C, v0  }
0x1a: {  	v29 =	vor.u32 $0x1E, v0;
	v53 =	vor.u32 $0x35, v0;
	s14 =	sshll.u32 s6, $0xB;
	[dreg:$0x13] =	wrdreg s24;
	s26 =	sadd.s32 $0x1EA200, s0;
	[tilespmem:$0x1FFA0] =	vst v31;
	v31 =	vor.u32 $0x2D, v0  }
.Ltmp0:
0x1b: {  	v46 =	vor.u32 $0x8, v0;
	v54 =	vor.u32 $0x36, v0;
	s25 =	sadd.s32 $0x21AF00, s0;
	[dreg:$0x16] =	wrdreg s28;
	[tilespmem:$0x1FFB0] =	vst v31;
	v31 =	vor.u32 $0x2E, v0;
	(pc) =	sbr.rel .LBB2_1-.Ltmp0, $4  }
0x1c: {  	v55 =	vor.u32 $0x37, v0;
	v56 =	vor.u32 $0x38, v0;
	s0 =	sadd.s32 $0x1EA000, s0;
	s29 =	sadd.s32 $0x18680, s2;
	[dreg:$0x14] =	wrdreg s25;
	[tilespmem:$0x1FFC0] =	vst v31;
	v31 =	vor.u32 $0x2F, v0  }
0x1d: {  	v57 =	vor.u32 $0x39, v0;
	v58 =	vor.u32 $0x3A, v0;
	s30 =	sadd.s32 $0xF4200, s1;
	s9 =	simm.s32 $0x3000;
	[dreg:$0x15] =	wrdreg s0;
	[tilespmem:$0x1FFD0] =	vst v31;
	v31 =	vor.u32 $0x30, v0  }
0x1e: {  	v59 =	vor.u32 $0x3B, v0;
	v60 =	vor.u32 $0x3C, v0;
	s10 =	simm.s32 $0x3800;
	s12 =	simm.s32 $0x2;
	[dreg:$0x17] =	wrdreg s29;
	[tilespmem:$0x1FFE0] =	vst v31;
	v31 =	vor.u32 $0x31, v0  }
0x1f: {  	v61 =	vor.u32 $0x3D, v0;
	v62 =	vor.u32 $0x3E, v0;
	v63 =	vor.u32 $0x3F, v0;
	s18 =	simm.s32 $0x8000;
	s19 =	simm.s32 $0x0;
	[dreg:$0x18] =	wrdreg s30;
	[tilespmem:$0x1FFF0] =	vst v31  }
.LBB2_12:
0x20: {  	s0 =	rddreg [dreg:$0x17]  }
0x21: {  	[tilespmem:s16], [sflag:$0x3] =	stream.strided.gather [hbm4b:s0+s3], $0x800, s13, s3, $0x38;
	[tilespmem:$0x9400] =	vst v63  }
0x22: {  	_ =	swait.ge [sflag:s17], $0x800  }
0x23: {  	[sflag:s17] =	ssyncset.done $0x0  }
0x24: {  	[sflag:s17] =	ssyncadd.s32 $0xFFFFF800  }
0x25: {  	v31 =	vld.idx.msk [tilespmem:v0+s16+$0x0], $0xffff;
	_ =	sdelay $0x4  }
0x26: {  	[tilespmem:$0x9000] =	vst v31  }
0x27: {  	v31 =	vld.idx.msk [tilespmem:v1+s16+$0x0], $0xffff;
	_ =	sdelay $0x4  }
0x28: {  	[tilespmem:$0x9010] =	vst v31  }
0x29: {  	v31 =	vld.idx.msk [tilespmem:v2+s16+$0x0], $0xffff;
	_ =	sdelay $0x4  }
0x2a: {  	[tilespmem:$0x9020] =	vst v31  }
0x2b: {  	v31 =	vld.idx.msk [tilespmem:v3+s16+$0x0], $0xffff;
	_ =	sdelay $0x4  }
0x2c: {  	[tilespmem:$0x9030] =	vst v31  }
0x2d: {  	v31 =	vld.idx.msk [tilespmem:v4+s16+$0x0], $0xffff;
	_ =	sdelay $0x4  }
0x2e: {  	[tilespmem:$0x9040] =	vst v31  }
0x2f: {  	v31 =	vld.idx.msk [tilespmem:v5+s16+$0x0], $0xffff;
	_ =	sdelay $0x4  }
0x30: {  	[tilespmem:$0x9050] =	vst v31  }
0x31: {  	v31 =	vld.idx.msk [tilespmem:v6+s16+$0x0], $0xffff;
	_ =	sdelay $0x4  }
0x32: {  	[tilespmem:$0x9060] =	vst v31  }
0x33: {  	v31 =	vld.idx.msk [tilespmem:v7+s16+$0x0], $0xffff;
	_ =	sdelay $0x4  }
0x34: {  	[tilespmem:$0x9070] =	vst v31  }
0x35: {  	v31 =	vld.idx.msk [tilespmem:v46+s16+$0x0], $0xffff;
	_ =	sdelay $0x4  }
0x36: {  	[tilespmem:$0x9080] =	vst v31  }
0x37: {  	v31 =	vld.idx.msk [tilespmem:v8+s16+$0x0], $0xffff;
	_ =	sdelay $0x4  }
0x38: {  	[tilespmem:$0x9090] =	vst v31  }
0x39: {  	v31 =	vld.idx.msk [tilespmem:v9+s16+$0x0], $0xffff;
	_ =	sdelay $0x4  }
0x3a: {  	[tilespmem:$0x90A0] =	vst v31  }
0x3b: {  	v31 =	vld.idx.msk [tilespmem:v10+s16+$0x0], $0xffff;
	_ =	sdelay $0x4  }
0x3c: {  	[tilespmem:$0x90B0] =	vst v31  }
0x3d: {  	v31 =	vld.idx.msk [tilespmem:v11+s16+$0x0], $0xffff;
	_ =	sdelay $0x4  }
0x3e: {  	[tilespmem:$0x90C0] =	vst v31  }
0x3f: {  	v31 =	vld.idx.msk [tilespmem:v12+s16+$0x0], $0xffff;
	_ =	sdelay $0x4  }
0x40: {  	[tilespmem:$0x90D0] =	vst v31  }
0x41: {  	v31 =	vld.idx.msk [tilespmem:v13+s16+$0x0], $0xffff;
	_ =	sdelay $0x4  }
0x42: {  	[tilespmem:$0x90E0] =	vst v31  }
0x43: {  	v31 =	vld.idx.msk [tilespmem:v14+s16+$0x0], $0xffff;
	_ =	sdelay $0x4  }
0x44: {  	[tilespmem:$0x90F0] =	vst v31  }
0x45: {  	v31 =	vld.idx.msk [tilespmem:v15+s16+$0x0], $0xffff;
	_ =	sdelay $0x4  }
0x46: {  	[tilespmem:$0x9100] =	vst v31  }
0x47: {  	v31 =	vld.idx.msk [tilespmem:v16+s16+$0x0], $0xffff;
	_ =	sdelay $0x4  }
0x48: {  	[tilespmem:$0x9110] =	vst v31  }
0x49: {  	v31 =	vld.idx.msk [tilespmem:v17+s16+$0x0], $0xffff;
	_ =	sdelay $0x4  }
0x4a: {  	[tilespmem:$0x9120] =	vst v31  }
0x4b: {  	v31 =	vld.idx.msk [tilespmem:v18+s16+$0x0], $0xffff;
	_ =	sdelay $0x4  }
0x4c: {  	[tilespmem:$0x9130] =	vst v31  }
0x4d: {  	v31 =	vld.idx.msk [tilespmem:v19+s16+$0x0], $0xffff;
	_ =	sdelay $0x4  }
0x4e: {  	[tilespmem:$0x9140] =	vst v31  }
0x4f: {  	v31 =	vld.idx.msk [tilespmem:v20+s16+$0x0], $0xffff;
	_ =	sdelay $0x4  }
0x50: {  	[tilespmem:$0x9150] =	vst v31  }
0x51: {  	v31 =	vld.idx.msk [tilespmem:v21+s16+$0x0], $0xffff;
	_ =	sdelay $0x4  }
0x52: {  	[tilespmem:$0x9160] =	vst v31  }
0x53: {  	v31 =	vld.idx.msk [tilespmem:v22+s16+$0x0], $0xffff;
	_ =	sdelay $0x4  }
0x54: {  	[tilespmem:$0x9170] =	vst v31  }
0x55: {  	v31 =	vld.idx.msk [tilespmem:v23+s16+$0x0], $0xffff;
	_ =	sdelay $0x4  }
0x56: {  	[tilespmem:$0x9180] =	vst v31  }
0x57: {  	v31 =	vld.idx.msk [tilespmem:v24+s16+$0x0], $0xffff;
	_ =	sdelay $0x4  }
0x58: {  	[tilespmem:$0x9190] =	vst v31  }
0x59: {  	v31 =	vld.idx.msk [tilespmem:v25+s16+$0x0], $0xffff;
	_ =	sdelay $0x4  }
0x5a: {  	[tilespmem:$0x91A0] =	vst v31  }
0x5b: {  	v31 =	vld.idx.msk [tilespmem:v26+s16+$0x0], $0xffff;
	_ =	sdelay $0x4  }
0x5c: {  	[tilespmem:$0x91B0] =	vst v31  }
0x5d: {  	v31 =	vld.idx.msk [tilespmem:v27+s16+$0x0], $0xffff;
	_ =	sdelay $0x4  }
0x5e: {  	[tilespmem:$0x91C0] =	vst v31  }
0x5f: {  	v31 =	vld.idx.msk [tilespmem:v28+s16+$0x0], $0xffff;
	_ =	sdelay $0x4  }
0x60: {  	[tilespmem:$0x91D0] =	vst v31  }
0x61: {  	v31 =	vld.idx.msk [tilespmem:v29+s16+$0x0], $0xffff;
	_ =	sdelay $0x4  }
0x62: {  	[tilespmem:$0x91E0] =	vst v31  }
0x63: {  	v31 =	vld.idx.msk [tilespmem:v30+s16+$0x0], $0xffff;
	_ =	sdelay $0x4  }
0x64: {  	[tilespmem:$0x91F0] =	vst v31  }
0x65: {  	v31 =	vld.idx.msk [tilespmem:v30+s16+$0x0], $0xffff;
	_ =	sdelay $0x4  }
0x66: {  	[tilespmem:$0x9200] =	vst v31  }
0x67: {  	v31 =	vld.idx.msk [tilespmem:v30+s16+$0x0], $0xffff;
	_ =	sdelay $0x4  }
0x68: {  	[tilespmem:$0x9210] =	vst v31  }
0x69: {  	v31 =	vld.idx.msk [tilespmem:v30+s16+$0x0], $0xffff;
	_ =	sdelay $0x4  }
0x6a: {  	[tilespmem:$0x9220] =	vst v31  }
0x6b: {  	v31 =	vld.idx.msk [tilespmem:v30+s16+$0x0], $0xffff;
	_ =	sdelay $0x4  }
0x6c: {  	[tilespmem:$0x9230] =	vst v31  }
0x6d: {  	v31 =	vld.idx.msk [tilespmem:v30+s16+$0x0], $0xffff;
	_ =	sdelay $0x4  }
0x6e: {  	[tilespmem:$0x9240] =	vst v31  }
0x6f: {  	v31 =	vld.idx.msk [tilespmem:v30+s16+$0x0], $0xffff;
	_ =	sdelay $0x4  }
0x70: {  	[tilespmem:$0x9250] =	vst v31  }
0x71: {  	v31 =	vld.idx.msk [tilespmem:v30+s16+$0x0], $0xffff;
	_ =	sdelay $0x4  }
0x72: {  	[tilespmem:$0x9260] =	vst v31  }
0x73: {  	v31 =	vld.idx.msk [tilespmem:v30+s16+$0x0], $0xffff;
	_ =	sdelay $0x4  }
0x74: {  	[tilespmem:$0x9270] =	vst v31  }
0x75: {  	v31 =	vld.idx.msk [tilespmem:v30+s16+$0x0], $0xffff;
	_ =	sdelay $0x4  }
0x76: {  	[tilespmem:$0x9280] =	vst v31  }
0x77: {  	v31 =	vld.idx.msk [tilespmem:v30+s16+$0x0], $0xffff;
	_ =	sdelay $0x4  }
0x78: {  	[tilespmem:$0x9290] =	vst v31  }
0x79: {  	v31 =	vld.idx.msk [tilespmem:v30+s16+$0x0], $0xffff;
	_ =	sdelay $0x4  }
0x7a: {  	[tilespmem:$0x92A0] =	vst v31  }
0x7b: {  	v31 =	vld.idx.msk [tilespmem:v30+s16+$0x0], $0xffff;
	_ =	sdelay $0x4  }
0x7c: {  	[tilespmem:$0x92B0] =	vst v31  }
0x7d: {  	v31 =	vld.idx.msk [tilespmem:v30+s16+$0x0], $0xffff;
	_ =	sdelay $0x4  }
0x7e: {  	[tilespmem:$0x92C0] =	vst v31  }
0x7f: {  	v31 =	vld.idx.msk [tilespmem:v30+s16+$0x0], $0xffff;
	_ =	sdelay $0x4  }
0x80: {  	[tilespmem:$0x92D0] =	vst v31  }
0x81: {  	v31 =	vld.idx.msk [tilespmem:v30+s16+$0x0], $0xffff;
	_ =	sdelay $0x4  }
0x82: {  	[tilespmem:$0x92E0] =	vst v31  }
0x83: {  	v31 =	vld.idx.msk [tilespmem:v30+s16+$0x0], $0xffff;
	_ =	sdelay $0x4  }
0x84: {  	[tilespmem:$0x92F0] =	vst v31  }
0x85: {  	v31 =	vld.idx.msk [tilespmem:v30+s16+$0x0], $0xffff;
	_ =	sdelay $0x4  }
0x86: {  	[tilespmem:$0x9300] =	vst v31  }
0x87: {  	v31 =	vld.idx.msk [tilespmem:v30+s16+$0x0], $0xffff;
	_ =	sdelay $0x4  }
0x88: {  	[tilespmem:$0x9310] =	vst v31  }
0x89: {  	v31 =	vld.idx.msk [tilespmem:v30+s16+$0x0], $0xffff;
	_ =	sdelay $0x4  }
0x8a: {  	[tilespmem:$0x9320] =	vst v31  }
0x8b: {  	v31 =	vld.idx.msk [tilespmem:v30+s16+$0x0], $0xffff;
	_ =	sdelay $0x4  }
0x8c: {  	[tilespmem:$0x9330] =	vst v31  }
0x8d: {  	v31 =	vld.idx.msk [tilespmem:v30+s16+$0x0], $0xffff;
	_ =	sdelay $0x4  }
0x8e: {  	[tilespmem:$0x9340] =	vst v31  }
0x8f: {  	v31 =	vld.idx.msk [tilespmem:v30+s16+$0x0], $0xffff;
	_ =	sdelay $0x4  }
0x90: {  	[tilespmem:$0x9350] =	vst v31  }
0x91: {  	v31 =	vld.idx.msk [tilespmem:v30+s16+$0x0], $0xffff;
	_ =	sdelay $0x4  }
0x92: {  	[tilespmem:$0x9360] =	vst v31  }
0x93: {  	v31 =	vld.idx.msk [tilespmem:v30+s16+$0x0], $0xffff;
	_ =	sdelay $0x4  }
0x94: {  	[tilespmem:$0x9370] =	vst v31  }
0x95: {  	v31 =	vld.idx.msk [tilespmem:v30+s16+$0x0], $0xffff;
	_ =	sdelay $0x4  }
0x96: {  	[tilespmem:$0x9380] =	vst v31  }
0x97: {  	v31 =	vld.idx.msk [tilespmem:v30+s16+$0x0], $0xffff;
	_ =	sdelay $0x4  }
0x98: {  	[tilespmem:$0x9390] =	vst v31  }
0x99: {  	v31 =	vld.idx.msk [tilespmem:v30+s16+$0x0], $0xffff;
	_ =	sdelay $0x4  }
0x9a: {  	[tilespmem:$0x93A0] =	vst v31  }
0x9b: {  	v31 =	vld.idx.msk [tilespmem:v30+s16+$0x0], $0xffff;
	_ =	sdelay $0x4  }
0x9c: {  	[tilespmem:$0x93B0] =	vst v31  }
0x9d: {  	v31 =	vld.idx.msk [tilespmem:v30+s16+$0x0], $0xffff;
	_ =	sdelay $0x4  }
0x9e: {  	[tilespmem:$0x93C0] =	vst v31  }
0x9f: {  	v31 =	vld.idx.msk [tilespmem:v30+s16+$0x0], $0xffff;
	_ =	sdelay $0x4  }
0xa0: {  	[tilespmem:$0x93D0] =	vst v31  }
0xa1: {  	v31 =	vld.idx.msk [tilespmem:v30+s16+$0x0], $0xffff;
	_ =	sdelay $0x4  }
0xa2: {  	[tilespmem:$0x93E0] =	vst v31  }
0xa3: {  	s8 =	simm.s32 $0x800;
	s0 =	rddreg [dreg:$0x14];
	v31 =	vld.idx.msk [tilespmem:v30+s16+$0x0], $0xffff  }
.LBB2_13:
0xa4: {  	_ =	sdelay $0x3  }
0xa5: {  	s6 =	simm.s32 $0x9000;
	[tilespmem:$0x93F0] =	vst v31  }
0xa6: {  	[hbm4b:s0+s4] =	stream.linear.scatter [tilespmem:s6], [sflag:$0x3], $0x400, $0x38;
	[tilespmem:$0x9400] =	vst v63  }
0xa7: {  	_ =	swait.ge [sflag:s17], $0x400  }
0xa8: {  	[sflag:s17] =	ssyncset.done $0x0  }
0xa9: {  	[sflag:s17] =	ssyncadd.s32 $0xFFFFFC00  }
.LBB2_14:
0xaa: {  	s19 =	sadd.s32 $0x1, s19;
	s0 =	rddreg [dreg:$0x16]  }
0xab: {  	p2 =	sne.s32 s19, s0  }
.Ltmp1:
0xac: {  	_ = 	snop;
	(pc) =	sbr.rel @!p2 .LBB2_15-.Ltmp1, $1  }
0xad: {  	_ =	sdelay $0x3  }
.LBB2_1:
0xae: {  	s0 =	rddreg [dreg:$0x4]  }
0xaf: {  	[tilespmem:s4], [sflag:$0x1] =	stream.strided.gather [hbm4b:s0+s3], $0x800, s31, s3, $0x38;
	[tilespmem:$0x9400] =	vst v63  }
0xb0: {  	s29 =	rddreg [dreg:$0x5]  }
0xb1: {  	[tilespmem:s8], [sflag:$0x1] =	stream.strided.gather [hbm4b:s29+s3], $0x800, s31, s3, $0x38;
	[tilespmem:$0x9400] =	vst v63  }
0xb2: {  	s30 =	rddreg [dreg:$0x6];
	s6 =	simm.s32 $0x1000  }
0xb3: {  	[tilespmem:s6], [sflag:$0x1] =	stream.strided.gather [hbm4b:s30+s3], $0x800, s31, s3, $0x38;
	[tilespmem:$0x9400] =	vst v63  }
0xb4: {  	s20 =	rddreg [dreg:$0x7];
	s21 =	simm.s32 $0x1800  }
0xb5: {  	[tilespmem:s21], [sflag:$0x1] =	stream.strided.gather [hbm4b:s20+s3], $0x800, s31, s3, $0x38;
	[tilespmem:$0x9400] =	vst v63  }
0xb6: {  	s22 =	rddreg [dreg:$0x8];
	s24 =	simm.s32 $0x2000  }
0xb7: {  	[tilespmem:s24], [sflag:$0x1] =	stream.strided.gather [hbm4b:s22+s3], $0x800, s31, s3, $0x38;
	[tilespmem:$0x9400] =	vst v63  }
0xb8: {  	s25 =	rddreg [dreg:$0x9];
	s28 =	simm.s32 $0x2800  }
0xb9: {  	[tilespmem:s28], [sflag:$0x1] =	stream.strided.gather [hbm4b:s25+s3], $0x800, s31, s3, $0x38;
	[tilespmem:$0x9400] =	vst v63  }
0xba: {  	s29 =	rddreg [dreg:$0xa]  }
0xbb: {  	[tilespmem:s9], [sflag:$0x1] =	stream.strided.gather [hbm4b:s29+s3], $0x800, s31, s3, $0x38;
	[tilespmem:$0x9400] =	vst v63  }
0xbc: {  	s30 =	rddreg [dreg:$0x12];
	s20 =	simm.s32 $0x0;
	s21 =	simm.s32 $0x0  }
0xbd: {  	[tilespmem:s10], [sflag:$0x1] =	stream.strided.gather [hbm4b:s30+s3], $0x800, s31, s3, $0x38;
	[tilespmem:$0x9400] =	vst v63  }
.LBB2_2:
0xbe: {  	s0 =	simm.s32 $0x0;
	s6 =	simm.s32 $0x1;
	s24 =	simm.s32 $0x2  }
0xbf: {  	s25 =	simm.s32 $0x7;
	s22 =	simm.s32 $0x3;
	v31 =	vmov s0;
	v32 =	vmov s6;
	v33 =	vmov s24;
	s24 =	simm.s32 $0x4  }
0xc0: {  	v34 =	vmov s25;
	v35 =	vmov s22;
	s25 =	simm.s32 $0x5;
	v36 =	vmov s24  }
0xc1: {  	v34 =	vand.u32 $0x7F, v34;
	v32 =	vand.u32 $0x79, v32;
	v37 =	vmov s25  }
0xc2: {  	s6 =	simm.s32 $0x6;
	v33 =	vand.u32 $0x7A, v33;
	v35 =	vand.u32 $0x7B, v35;
	v34 =	vbroadcast v34, $0x0  }
0xc3: {  	_ =	swait.ge [sflag:s11], $0x800;
	v38 =	vmov s6;
	v31 =	vand.u32 $0x78, v31;
	v32 =	vbroadcast v32, $0x0  }
0xc4: {  	p2 =	slt.u32 s21, $0x8;
	[sflag:s11] =	ssyncset.done $0x0;
	v33 =	vbroadcast v33, $0x0;
	v35 =	vbroadcast v35, $0x0;
	v34 =	vor.u32 v0, v34  }
0xc5: {  	s0 =	simm.s32 @!p2 $0x2;
	[sflag:s11] =	ssyncadd.s32 $0xFFFFF800;
	v36 =	vand.u32 $0x7C, v36;
	v37 =	vand.u32 $0x7D, v37;
	v32 =	vor.u32 v0, v32  }
0xc6: {  	s22 =	sshll.u32 s21, $0xB;
	_ =	swait.ge @!p2 [sflag:s0], $0x800;
	v38 =	vand.u32 $0x7E, v38;
	v36 =	vbroadcast v36, $0x0;
	v33 =	vor.u32 v0, v33  }
0xc7: {  	s22 =	sand.u32 $0x3800, s22;
	s24 =	simm.s32 $0x8;
	v31 =	vbroadcast v31, $0x0;
	[sflag:s0] =	ssyncset.done @!p2 $0x0;
	v37 =	vbroadcast v37, $0x0;
	v35 =	vor.u32 v0, v35  }
0xc8: {  	s25 =	simm.s32 $0x9;
	v39 =	vmov s24;
	s24 =	simm.s32 $0xF;
	v38 =	vbroadcast v38, $0x0;
	[sflag:s0] =	ssyncadd.s32 @!p2 $0xFFFFF800;
	v36 =	vor.u32 v0, v36  }
0xc9: {  	s6 =	simm.s32 $0xA;
	v40 =	vmov s25;
	v42 =	vmov s24;
	v37 =	vor.u32 v0, v37;
	v34 =	vld.idx.msk [tilespmem:v34+s22+$0x0], $0xffff  }
0xca: {  	v41 =	vmov s6;
	v42 =	vand.u32 $0x7F, v42;
	v38 =	vor.u32 v0, v38;
	v32 =	vld.idx.msk [tilespmem:v32+s22+$0x0], $0xffff  }
0xcb: {  	s25 =	simm.s32 $0xB;
	s24 =	simm.s32 $0xC;
	v47 =	vand.u32 $0x79, v40;
	v31 =	vor.u32 v0, v31;
	v48 =	vbroadcast v42, $0x0;
	v33 =	vld.idx.msk [tilespmem:v33+s22+$0x0], $0xffff  }
0xcc: {  	v43 =	vmov s25;
	s25 =	sand.u32 $0x3800, s20;
	v44 =	vmov s24;
	s24 =	simm.s32 $0xD;
	v45 =	vld.idx.msk [tilespmem:v35+s22+$0x0], $0xffff;
	v35 =	vbroadcast v47, $0x0  }
0xcd: {  	v41 =	vand.u32 $0x7A, v41;
	s25 =	sor.u32 $0x4040, s25;
	v42 =	vmov s24;
	v40 =	vor.u32 v0, v48;
	v36 =	vld.idx.msk [tilespmem:v36+s22+$0x0], $0xffff  }
0xce: {  	v47 =	vld.idx.msk [tilespmem:v37+s22+$0x0], $0xffff;
	v37 =	vbroadcast v41, $0x0;
	v41 =	vand.u32 $0x7B, v43;
	v48 =	vor.u32 v0, v35;
	[tilespmem:s25+$0x30] =	vst v34  }
0xcf: {  	s24 =	simm.s32 $0xE;
	v43 =	vld.idx.msk [tilespmem:v38+s22+$0x0], $0xffff;
	v49 =	vbroadcast v41, $0x0;
	v41 =	vand.u32 $0x7C, v44;
	v44 =	vand.u32 $0x7D, v42;
	[tilespmem:s25+$0xFFFFFFD0] =	vst v32  }
0xd0: {  	v35 =	vor.u32 v0, v37;
	v34 =	vmov s24;
	[tilespmem:s25+$0xFFFFFFE0] =	vst v33;
	v33 =	vbroadcast v41, $0x0;
	v32 =	vld.idx.msk [tilespmem:v31+s22+$0x0], $0xffff  }
0xd1: {  	v42 =	vbroadcast v44, $0x0;
	v37 =	vor.u32 v0, v49;
	[tilespmem:s25+$0xFFFFFFF0] =	vst v45;
	v34 =	vand.u32 $0x7E, v34  }
0xd2: {  	v31 =	vand.u32 $0x78, v39;
	[tilespmem:s25+$0x0] =	vst v36;
	v49 =	vbroadcast v34, $0x0;
	v38 =	vor.u32 v0, v33  }
0xd3: {  	s28 =	simm.s32 $0x10;
	s29 =	simm.s32 $0x12;
	s6 =	simm.s32 $0x11;
	v41 =	vbroadcast v31, $0x0;
	v36 =	vor.u32 v0, v42;
	[tilespmem:s25+$0x10] =	vst v47;
	v33 =	vld.idx.msk [tilespmem:v40+s22+$0x0], $0xffff  }
0xd4: {  	s30 =	simm.s32 $0x18;
	s0 =	simm.s32 $0x17;
	s24 =	sor.u32 $0x4000, s22;
	v31 =	vmov s28;
	[tilespmem:s25+$0x20] =	vst v43;
	v40 =	vmov s6;
	v34 =	vld.idx.msk [tilespmem:v48+s22+$0x0], $0xffff;
	v39 =	vor.u32 v0, v49  }
.LBB2_3:
0xd5: {  	p2 =	slt.u32 s30, $0x78;
	v42 =	vmov s29;
	s6 =	sadd.s32 $0x3, s28;
	s29 =	sadd.s32 $0x4, s28;
	v43 =	vmov s0;
	v41 =	vor.u32 v0, v41;
	v44 =	vld.idx.msk [tilespmem:v35+s22+$0x0], $0xffff;
	[tilespmem:s25+$0xFFFFFFC0] =	vst v32  }
0xd6: {  	s0 =	sadd.s32 $0x5, s28;
	v32 =	vmov s6;
	v35 =	vmov s29;
	v43 =	vand.u32 $0x7F, v43;
	v45 =	vld.idx.msk [tilespmem:v37+s22+$0x0], $0xffff  }
0xd7: {  	v37 =	vand.u32 $0x79, v40;
	v40 =	vmov s0;
	s0 =	sadd.s32 $0x6, s28;
	s28 =	smov.u32 s30;
	v43 =	vbroadcast v43, $0x0;
	v47 =	vld.idx.msk [tilespmem:v38+s22+$0x0], $0xffff  }
0xd8: {  	s25 =	sadd.s32 $0x80, s25;
	v37 =	vbroadcast v37, $0x0;
	v38 =	vand.u32 $0x7A, v42;
	v42 =	vmov s0;
	v48 =	vld.idx.msk [tilespmem:v36+s22+$0x0], $0xffff  }
0xd9: {  	v32 =	vand.u32 $0x7B, v32;
	v36 =	vbroadcast v38, $0x0;
	v43 =	vor.u32 v0, v43;
	v49 =	vld.idx.msk [tilespmem:v39+s22+$0x0], $0xffff;
	[tilespmem:s25+$0x30] =	vst v33  }
0xda: {  	v39 =	vor.u32 v0, v37;
	v33 =	vbroadcast v32, $0x0;
	v37 =	vand.u32 $0x7C, v35;
	v32 =	vld.idx.msk [tilespmem:v41+s22+$0x0], $0xffff;
	[tilespmem:s25+$0xFFFFFFD0] =	vst v34  }
.Ltmp2:
0xdb: {  	v35 =	vor.u32 v0, v36;
	v34 =	vbroadcast v37, $0x0;
	v36 =	vand.u32 $0x7D, v40;
	[tilespmem:s25+$0xFFFFFFE0] =	vst v44;
	(pc) =	sbr.rel @p2 .LBB2_3-.Ltmp2, $4  }
0xdc: {  	v37 =	vor.u32 v0, v33;
	v33 =	vbroadcast v36, $0x0;
	v36 =	vand.u32 $0x7E, v42;
	[tilespmem:s25+$0xFFFFFFF0] =	vst v45  }
0xdd: {  	v31 =	vand.u32 $0x78, v31;
	v38 =	vor.u32 v0, v34;
	v42 =	vbroadcast v36, $0x0;
	[tilespmem:s25+$0x0] =	vst v47  }
0xde: {  	s0 =	sadd.s32 $0x1, s30;
	v41 =	vbroadcast v31, $0x0;
	v36 =	vor.u32 v0, v33;
	v33 =	vld.idx.msk [tilespmem:v43+s22+$0x0], $0xffff;
	[tilespmem:s25+$0x10] =	vst v48  }
0xdf: {  	s29 =	sadd.s32 $0x2, s28;
	s30 =	sadd.s32 $0x8, s30;
	v31 =	vmov s28;
	v40 =	vmov s0;
	s0 =	sadd.s32 $0x7, s28;
	v34 =	vld.idx.msk [tilespmem:v39+s22+$0x0], $0xffff;
	v39 =	vor.u32 v0, v42;
	[tilespmem:s25+$0x20] =	vst v49  }
0xe0: {  	_ =	sdelay $0x1  }
0xe1: {  	v42 =	vmov s29;
	s6 =	sadd.s32 $0x3, s28;
	v43 =	vmov s0;
	v41 =	vor.u32 v0, v41  }
0xe2: {  	s30 =	sadd.s32 $0x4, s28;
	v40 =	vand.u32 $0x79, v40;
	v31 =	vand.u32 $0x78, v31;
	v44 =	vmov s6  }
0xe3: {  	v35 =	vld.idx.msk [tilespmem:v35+s22+$0x0], $0xffff;
	v45 =	vmov s30;
	s30 =	sadd.s32 $0x5, s28;
	v43 =	vand.u32 $0x7F, v43;
	v40 =	vbroadcast v40, $0x0  }
0xe4: {  	v37 =	vld.idx.msk [tilespmem:v37+s22+$0x0], $0xffff;
	s6 =	sadd.s32 $0x6, s28;
	v42 =	vand.u32 $0x7A, v42;
	v31 =	vbroadcast v31, $0x0;
	v47 =	vmov s30  }
0xe5: {  	[tilespmem:s25+$0xFFFFFFC0] =	vst v32;
	v32 =	vld.idx.msk [tilespmem:v38+s22+$0x0], $0xffff;
	v43 =	vbroadcast v43, $0x0;
	v48 =	vmov s6;
	v38 =	vor.u32 v0, v40  }
0xe6: {  	s28 =	sadd.s32 $0x80, s25;
	v42 =	vbroadcast v42, $0x0;
	v44 =	vand.u32 $0x7B, v44;
	v31 =	vor.u32 v0, v31  }
0xe7: {  	v36 =	vld.idx.msk [tilespmem:v36+s22+$0x0], $0xffff;
	v49 =	vand.u32 $0x7C, v45;
	v40 =	vbroadcast v44, $0x0;
	[tilespmem:s28+$0x30] =	vst v33;
	v43 =	vor.u32 v0, v43  }
0xe8: {  	v39 =	vld.idx.msk [tilespmem:v39+s22+$0x0], $0xffff;
	v33 =	vor.u32 v0, v42;
	v42 =	vbroadcast v49, $0x0;
	v49 =	vand.u32 $0x7D, v47;
	[tilespmem:s28+$0xFFFFFFD0] =	vst v34  }
0xe9: {  	v34 =	vor.u32 v0, v40;
	v40 =	vbroadcast v49, $0x0;
	v49 =	vand.u32 $0x7E, v48;
	v41 =	vld.idx.msk [tilespmem:v41+s22+$0x0], $0xffff;
	[tilespmem:s28+$0xFFFFFFE0] =	vst v35  }
0xea: {  	[tilespmem:s28+$0xFFFFFFF0] =	vst v37;
	v35 =	vor.u32 v0, v42;
	v48 =	vbroadcast v49, $0x0;
	v45 =	vld.idx.msk [tilespmem:v38+s22+$0x0], $0xffff  }
0xeb: {  	[tilespmem:s28+$0x0] =	vst v32;
	v49 =	vor.u32 v0, v40;
	v31 =	vld.idx.msk [tilespmem:v31+s22+$0x0], $0xffff  }
0xec: {  	[tilespmem:s28+$0x10] =	vst v36;
	v47 =	vor.u32 v0, v48;
	v44 =	vld.idx.msk [tilespmem:v43+s22+$0x0], $0xffff  }
0xed: {  	[tilespmem:s28+$0x20] =	vst v39;
	v33 =	vld.idx.msk [tilespmem:v33+s22+$0x0], $0xffff  }
0xee: {  	s0 =	sadd.s32 $0x80, s28;
	v34 =	vld.idx.msk [tilespmem:v34+s22+$0x0], $0xffff;
	[tilespmem:s28+$0xFFFFFFC0] =	vst v41  }
0xef: {  	v35 =	vld.idx.msk [tilespmem:v35+s22+$0x0], $0xffff;
	[tilespmem:s0+$0xFFFFFFD0] =	vst v45  }
0xf0: {  	v48 =	vld.idx.msk [tilespmem:v49+s22+$0x0], $0xffff;
	[tilespmem:s0+$0xFFFFFFC0] =	vst v31  }
0xf1: {  	v49 =	vld.idx.msk [tilespmem:v47+s22+$0x0], $0xffff;
	[tilespmem:s0+$0x30] =	vst v44  }
0xf2: {  	[tilespmem:s0+$0xFFFFFFE0] =	vst v33  }
0xf3: {  	s29 =	sshll.u32 s21, $0x10;
	[tilespmem:s0+$0xFFFFFFF0] =	vst v34  }
0xf4: {  	s6 =	sor.u32 s14, s29;
	[tilespmem:s0+$0x0] =	vst v35  }
0xf5: {  	s6 =	sshrl.u32 s6, $0x3;
	[tilespmem:s0+$0x10] =	vst v48  }
0xf6: {  	s30 =	sadd.s32 s23, s6;
	[tilespmem:s0+$0x20] =	vst v49;
	s0 =	sadd.s32 $0x8, s21  }
0xf7: {  	[hbm4b:s30+s4] =	stream.linear.scatter [tilespmem:s24], [sflag:$0x2], $0x800, $0x38;
	[tilespmem:$0x9400] =	vst v63  }
0xf8: {  	p2 =	sge.u32 s0, s5  }
0xf9: {  	s0 =	sshll.u32 @!p2 s0, $0xF  }
0xfa: {  	s0 =	sor.u32 @!p2 s7, s0  }
0xfb: {  	s21 =	sadd.s32 $0x1, s21;
	s0 =	sshrl.u32 @!p2 s0, $0x3  }
0xfc: {  	s6 =	simm.s32 @!p2 $0x400;
	s24 =	simm.s32 @!p2 $0x7A1400;
	s0 =	sadd.s32 @!p2 s1, s0  }
0xfd: {  	[tilespmem:s22], [sflag:$0x1] =	stream.strided.gather @!p2 [hbm4b:s0+s6], $0x800, s24, s6, $0x38;
	[tilespmem:$0x9400] =	vst v63  }
0xfe: {  	p2 =	sne.s32 s21, s5  }
.Ltmp3:
0xff: {  	_ = 	snop;
	(pc) =	sbr.rel @p2 .LBB2_2-.Ltmp3, $2  }
0x100: {  	_ =	sdelay $0x2  }
0x101: {  	s20 =	sadd.s32 $0x800, s20  }
0x102: {  	_ =	swait.ge [sflag:s12], $0x800  }
0x103: {  	[sflag:s12] =	ssyncset.done $0x0  }
0x104: {  	[sflag:s12] =	ssyncadd.s32 $0xFFFFF800  }
0x105: {  	_ =	swait.ge [sflag:s12], $0x800  }
0x106: {  	[sflag:s12] =	ssyncset.done $0x0  }
0x107: {  	[sflag:s12] =	ssyncadd.s32 $0xFFFFF800  }
0x108: {  	_ =	swait.ge [sflag:s12], $0x800  }
0x109: {  	[sflag:s12] =	ssyncset.done $0x0  }
0x10a: {  	[sflag:s12] =	ssyncadd.s32 $0xFFFFF800  }
0x10b: {  	_ =	swait.ge [sflag:s12], $0x800  }
0x10c: {  	[sflag:s12] =	ssyncset.done $0x0  }
0x10d: {  	[sflag:s12] =	ssyncadd.s32 $0xFFFFF800  }
0x10e: {  	_ =	swait.ge [sflag:s12], $0x800  }
0x10f: {  	[sflag:s12] =	ssyncset.done $0x0  }
0x110: {  	[sflag:s12] =	ssyncadd.s32 $0xFFFFF800  }
0x111: {  	_ =	swait.ge [sflag:s12], $0x800  }
0x112: {  	[sflag:s12] =	ssyncset.done $0x0  }
0x113: {  	[sflag:s12] =	ssyncadd.s32 $0xFFFFF800  }
0x114: {  	_ =	swait.ge [sflag:s12], $0x800  }
0x115: {  	[sflag:s12] =	ssyncset.done $0x0  }
0x116: {  	[sflag:s12] =	ssyncadd.s32 $0xFFFFF800  }
0x117: {  	_ =	swait.ge [sflag:s12], $0x800  }
0x118: {  	[sflag:s12] =	ssyncset.done $0x0  }
0x119: {  	s20 =	simm.s32 $0x0;
	s0 =	rddreg [dreg:$0xb];
	[sflag:s12] =	ssyncadd.s32 $0xFFFFF800  }
0x11a: {  	[tilespmem:s20], [sflag:$0x1] =	stream.strided.gather [hbm4b:s0+s3], $0x800, s13, s3, $0x38;
	[tilespmem:$0x9400] =	vst v63  }
0x11b: {  	s29 =	rddreg [dreg:$0xc]  }
0x11c: {  	[tilespmem:s8], [sflag:$0x1] =	stream.strided.gather [hbm4b:s29+s3], $0x800, s13, s3, $0x38;
	[tilespmem:$0x9400] =	vst v63  }
0x11d: {  	s6 =	simm.s32 $0x1000;
	s30 =	rddreg [dreg:$0xd]  }
0x11e: {  	[tilespmem:s6], [sflag:$0x1] =	stream.strided.gather [hbm4b:s30+s3], $0x800, s13, s3, $0x38;
	[tilespmem:$0x9400] =	vst v63  }
0x11f: {  	s21 =	simm.s32 $0x1800;
	s8 =	rddreg [dreg:$0xe]  }
0x120: {  	[tilespmem:s21], [sflag:$0x1] =	stream.strided.gather [hbm4b:s8+s3], $0x800, s13, s3, $0x38;
	[tilespmem:$0x9400] =	vst v63  }
0x121: {  	s24 =	simm.s32 $0x2000;
	s22 =	rddreg [dreg:$0xf]  }
0x122: {  	[tilespmem:s24], [sflag:$0x1] =	stream.strided.gather [hbm4b:s22+s3], $0x800, s13, s3, $0x38;
	[tilespmem:$0x9400] =	vst v63  }
0x123: {  	s28 =	simm.s32 $0x2800;
	s25 =	rddreg [dreg:$0x10]  }
0x124: {  	[tilespmem:s28], [sflag:$0x1] =	stream.strided.gather [hbm4b:s25+s3], $0x800, s13, s3, $0x38;
	[tilespmem:$0x9400] =	vst v63  }
0x125: {  	s29 =	rddreg [dreg:$0x11]  }
0x126: {  	[tilespmem:s9], [sflag:$0x1] =	stream.strided.gather [hbm4b:s29+s3], $0x800, s13, s3, $0x38;
	[tilespmem:$0x9400] =	vst v63  }
0x127: {  	s30 =	rddreg [dreg:$0x13];
	s21 =	simm.s32 $0x0;
	s22 =	simm.s32 $0x0  }
0x128: {  	[tilespmem:s10], [sflag:$0x1] =	stream.strided.gather [hbm4b:s30+s3], $0x800, s13, s3, $0x38;
	[tilespmem:$0x9400] =	vst v63  }
.LBB2_6:
0x129: {  	s0 =	simm.s32 $0x1;
	s8 =	simm.s32 $0x2  }
0x12a: {  	v31 =	vmov s20;
	s6 =	simm.s32 $0x7;
	s24 =	simm.s32 $0x3;
	s25 =	simm.s32 $0x4;
	v32 =	vmov s0;
	v33 =	vmov s8  }
0x12b: {  	v34 =	vmov s6;
	v35 =	vmov s24;
	v36 =	vmov s25  }
0x12c: {  	s8 =	simm.s32 $0x5;
	v31 =	vand.u32 $0x78, v31;
	v34 =	vand.u32 $0x7F, v34;
	v32 =	vand.u32 $0x79, v32  }
0x12d: {  	s24 =	simm.s32 $0x6;
	v37 =	vmov s8;
	v33 =	vand.u32 $0x7A, v33;
	v34 =	vbroadcast v34, $0x0  }
0x12e: {  	_ =	swait.ge [sflag:s11], $0x800;
	v35 =	vand.u32 $0x7B, v35;
	v38 =	vmov s24;
	v32 =	vbroadcast v32, $0x0  }
0x12f: {  	p2 =	slt.u32 s22, $0x8;
	[sflag:s11] =	ssyncset.done $0x0;
	v36 =	vand.u32 $0x7C, v36;
	v33 =	vbroadcast v33, $0x0;
	v34 =	vor.u32 v0, v34  }
0x130: {  	s0 =	simm.s32 @!p2 $0x2;
	[sflag:s11] =	ssyncadd.s32 $0xFFFFF800;
	v31 =	vbroadcast v31, $0x0;
	v35 =	vbroadcast v35, $0x0;
	v32 =	vor.u32 v0, v32  }
0x131: {  	s25 =	sshll.u32 s22, $0xB;
	_ =	swait.ge @!p2 [sflag:s0], $0x800;
	v36 =	vbroadcast v36, $0x0;
	v37 =	vand.u32 $0x7D, v37;
	v33 =	vor.u32 v0, v33  }
0x132: {  	s24 =	sand.u32 $0x3800, s25;
	s25 =	simm.s32 $0x9;
	v38 =	vand.u32 $0x7E, v38;
	[sflag:s0] =	ssyncset.done @!p2 $0x0;
	v37 =	vbroadcast v37, $0x0;
	v35 =	vor.u32 v0, v35  }
0x133: {  	s8 =	simm.s32 $0x8;
	v40 =	vmov s25;
	s25 =	simm.s32 $0xF;
	v38 =	vbroadcast v38, $0x0;
	[sflag:s0] =	ssyncadd.s32 @!p2 $0xFFFFF800;
	v36 =	vor.u32 v0, v36  }
0x134: {  	v39 =	vmov s8;
	s8 =	simm.s32 $0xA;
	v42 =	vmov s25;
	v37 =	vor.u32 v0, v37;
	v34 =	vld.idx.msk [tilespmem:v34+s24+$0x0], $0xffff  }
0x135: {  	v41 =	vmov s8;
	v42 =	vand.u32 $0x7F, v42;
	v38 =	vor.u32 v0, v38;
	v32 =	vld.idx.msk [tilespmem:v32+s24+$0x0], $0xffff  }
0x136: {  	s8 =	simm.s32 $0xB;
	s25 =	simm.s32 $0xC;
	v31 =	vor.u32 v0, v31;
	v47 =	vand.u32 $0x79, v40;
	v48 =	vbroadcast v42, $0x0;
	v33 =	vld.idx.msk [tilespmem:v33+s24+$0x0], $0xffff  }
0x137: {  	v43 =	vmov s8;
	s8 =	sand.u32 $0x3800, s21;
	v44 =	vmov s25;
	s25 =	simm.s32 $0xD;
	v45 =	vld.idx.msk [tilespmem:v35+s24+$0x0], $0xffff;
	v35 =	vbroadcast v47, $0x0  }
0x138: {  	v41 =	vand.u32 $0x7A, v41;
	s28 =	sor.u32 $0x4040, s8;
	v42 =	vmov s25;
	v40 =	vor.u32 v0, v48;
	v36 =	vld.idx.msk [tilespmem:v36+s24+$0x0], $0xffff  }
0x139: {  	v47 =	vld.idx.msk [tilespmem:v37+s24+$0x0], $0xffff;
	v37 =	vbroadcast v41, $0x0;
	v41 =	vand.u32 $0x7B, v43;
	v48 =	vor.u32 v0, v35;
	[tilespmem:s28+$0x30] =	vst v34  }
0x13a: {  	s6 =	simm.s32 $0xE;
	v43 =	vld.idx.msk [tilespmem:v38+s24+$0x0], $0xffff;
	v49 =	vbroadcast v41, $0x0;
	v41 =	vand.u32 $0x7C, v44;
	v44 =	vand.u32 $0x7D, v42;
	[tilespmem:s28+$0xFFFFFFD0] =	vst v32  }
0x13b: {  	v35 =	vor.u32 v0, v37;
	v34 =	vmov s6;
	[tilespmem:s28+$0xFFFFFFE0] =	vst v33;
	v33 =	vbroadcast v41, $0x0;
	v32 =	vld.idx.msk [tilespmem:v31+s24+$0x0], $0xffff  }
0x13c: {  	v42 =	vbroadcast v44, $0x0;
	v37 =	vor.u32 v0, v49;
	[tilespmem:s28+$0xFFFFFFF0] =	vst v45;
	v34 =	vand.u32 $0x7E, v34  }
0x13d: {  	v31 =	vand.u32 $0x78, v39;
	[tilespmem:s28+$0x0] =	vst v36;
	v49 =	vbroadcast v34, $0x0;
	v38 =	vor.u32 v0, v33  }
0x13e: {  	s30 =	simm.s32 $0x10;
	s29 =	simm.s32 $0x17;
	s8 =	simm.s32 $0x11;
	v36 =	vor.u32 v0, v42;
	v41 =	vbroadcast v31, $0x0;
	[tilespmem:s28+$0x10] =	vst v47;
	v33 =	vld.idx.msk [tilespmem:v40+s24+$0x0], $0xffff  }
0x13f: {  	s0 =	simm.s32 $0x18;
	s25 =	sor.u32 $0x4000, s24;
	s6 =	simm.s32 $0x12;
	v31 =	vmov s30;
	[tilespmem:s28+$0x20] =	vst v43;
	v40 =	vmov s8;
	v34 =	vld.idx.msk [tilespmem:v48+s24+$0x0], $0xffff;
	v39 =	vor.u32 v0, v49  }
.LBB2_7:
0x140: {  	p2 =	slt.u32 s0, $0x78;
	v42 =	vmov s6;
	s6 =	sadd.s32 $0x3, s30;
	s8 =	sadd.s32 $0x4, s30;
	v43 =	vmov s29;
	v41 =	vor.u32 v0, v41;
	v44 =	vld.idx.msk [tilespmem:v35+s24+$0x0], $0xffff;
	[tilespmem:s28+$0xFFFFFFC0] =	vst v32  }
0x141: {  	v32 =	vmov s6;
	v35 =	vmov s8;
	s6 =	sadd.s32 $0x5, s30;
	v43 =	vand.u32 $0x7F, v43;
	v45 =	vld.idx.msk [tilespmem:v37+s24+$0x0], $0xffff  }
0x142: {  	v37 =	vand.u32 $0x79, v40;
	v40 =	vmov s6;
	s6 =	sadd.s32 $0x6, s30;
	v43 =	vbroadcast v43, $0x0;
	v47 =	vld.idx.msk [tilespmem:v38+s24+$0x0], $0xffff;
	s30 =	smov.u32 s0  }
0x143: {  	s28 =	sadd.s32 $0x80, s28;
	v37 =	vbroadcast v37, $0x0;
	v38 =	vand.u32 $0x7A, v42;
	v42 =	vmov s6;
	v48 =	vld.idx.msk [tilespmem:v36+s24+$0x0], $0xffff  }
0x144: {  	v32 =	vand.u32 $0x7B, v32;
	v36 =	vbroadcast v38, $0x0;
	v43 =	vor.u32 v0, v43;
	v49 =	vld.idx.msk [tilespmem:v39+s24+$0x0], $0xffff;
	[tilespmem:s28+$0x30] =	vst v33  }
0x145: {  	v39 =	vor.u32 v0, v37;
	v33 =	vbroadcast v32, $0x0;
	v37 =	vand.u32 $0x7C, v35;
	v32 =	vld.idx.msk [tilespmem:v41+s24+$0x0], $0xffff;
	[tilespmem:s28+$0xFFFFFFD0] =	vst v34  }
.Ltmp4:
0x146: {  	v35 =	vor.u32 v0, v36;
	v34 =	vbroadcast v37, $0x0;
	v36 =	vand.u32 $0x7D, v40;
	[tilespmem:s28+$0xFFFFFFE0] =	vst v44;
	(pc) =	sbr.rel @p2 .LBB2_7-.Ltmp4, $4  }
0x147: {  	v37 =	vor.u32 v0, v33;
	v33 =	vbroadcast v36, $0x0;
	v36 =	vand.u32 $0x7E, v42;
	[tilespmem:s28+$0xFFFFFFF0] =	vst v45  }
0x148: {  	v31 =	vand.u32 $0x78, v31;
	v38 =	vor.u32 v0, v34;
	v42 =	vbroadcast v36, $0x0;
	[tilespmem:s28+$0x0] =	vst v47  }
0x149: {  	s6 =	sadd.s32 $0x1, s0;
	v41 =	vbroadcast v31, $0x0;
	v36 =	vor.u32 v0, v33;
	v33 =	vld.idx.msk [tilespmem:v43+s24+$0x0], $0xffff;
	[tilespmem:s28+$0x10] =	vst v48  }
0x14a: {  	s29 =	sadd.s32 $0x7, s30;
	s0 =	sadd.s32 $0x8, s0;
	v31 =	vmov s30;
	v40 =	vmov s6;
	s6 =	sadd.s32 $0x2, s30;
	v34 =	vld.idx.msk [tilespmem:v39+s24+$0x0], $0xffff;
	v39 =	vor.u32 v0, v42;
	[tilespmem:s28+$0x20] =	vst v49  }
0x14b: {  	_ =	sdelay $0x1  }
0x14c: {  	v42 =	vmov s6;
	s0 =	sadd.s32 $0x3, s30;
	v43 =	vmov s29;
	v41 =	vor.u32 v0, v41  }
0x14d: {  	s8 =	sadd.s32 $0x4, s30;
	v40 =	vand.u32 $0x79, v40;
	v31 =	vand.u32 $0x78, v31;
	v44 =	vmov s0  }
0x14e: {  	s6 =	sadd.s32 $0x5, s30;
	v35 =	vld.idx.msk [tilespmem:v35+s24+$0x0], $0xffff;
	v45 =	vmov s8;
	v43 =	vand.u32 $0x7F, v43;
	v40 =	vbroadcast v40, $0x0  }
0x14f: {  	v37 =	vld.idx.msk [tilespmem:v37+s24+$0x0], $0xffff;
	v47 =	vmov s6;
	s8 =	sadd.s32 $0x6, s30;
	v42 =	vand.u32 $0x7A, v42;
	v31 =	vbroadcast v31, $0x0  }
0x150: {  	[tilespmem:s28+$0xFFFFFFC0] =	vst v32;
	v32 =	vld.idx.msk [tilespmem:v38+s24+$0x0], $0xffff;
	v43 =	vbroadcast v43, $0x0;
	v48 =	vmov s8;
	v38 =	vor.u32 v0, v40  }
0x151: {  	s28 =	sadd.s32 $0x80, s28;
	v42 =	vbroadcast v42, $0x0;
	v44 =	vand.u32 $0x7B, v44;
	v31 =	vor.u32 v0, v31  }
0x152: {  	v36 =	vld.idx.msk [tilespmem:v36+s24+$0x0], $0xffff;
	v49 =	vand.u32 $0x7C, v45;
	v40 =	vbroadcast v44, $0x0;
	[tilespmem:s28+$0x30] =	vst v33;
	v43 =	vor.u32 v0, v43  }
0x153: {  	v39 =	vld.idx.msk [tilespmem:v39+s24+$0x0], $0xffff;
	v33 =	vor.u32 v0, v42;
	v42 =	vbroadcast v49, $0x0;
	v49 =	vand.u32 $0x7D, v47;
	[tilespmem:s28+$0xFFFFFFD0] =	vst v34  }
0x154: {  	v34 =	vor.u32 v0, v40;
	v40 =	vbroadcast v49, $0x0;
	v49 =	vand.u32 $0x7E, v48;
	v41 =	vld.idx.msk [tilespmem:v41+s24+$0x0], $0xffff;
	[tilespmem:s28+$0xFFFFFFE0] =	vst v35  }
0x155: {  	[tilespmem:s28+$0xFFFFFFF0] =	vst v37;
	v35 =	vor.u32 v0, v42;
	v48 =	vbroadcast v49, $0x0;
	v45 =	vld.idx.msk [tilespmem:v38+s24+$0x0], $0xffff  }
0x156: {  	[tilespmem:s28+$0x0] =	vst v32;
	v49 =	vor.u32 v0, v40;
	v31 =	vld.idx.msk [tilespmem:v31+s24+$0x0], $0xffff  }
0x157: {  	[tilespmem:s28+$0x10] =	vst v36;
	v47 =	vor.u32 v0, v48;
	v44 =	vld.idx.msk [tilespmem:v43+s24+$0x0], $0xffff  }
0x158: {  	[tilespmem:s28+$0x20] =	vst v39;
	v33 =	vld.idx.msk [tilespmem:v33+s24+$0x0], $0xffff  }
0x159: {  	s0 =	sadd.s32 $0x80, s28;
	v34 =	vld.idx.msk [tilespmem:v34+s24+$0x0], $0xffff;
	[tilespmem:s28+$0xFFFFFFC0] =	vst v41  }
0x15a: {  	v35 =	vld.idx.msk [tilespmem:v35+s24+$0x0], $0xffff;
	[tilespmem:s0+$0xFFFFFFD0] =	vst v45  }
0x15b: {  	v48 =	vld.idx.msk [tilespmem:v49+s24+$0x0], $0xffff;
	[tilespmem:s0+$0xFFFFFFC0] =	vst v31  }
0x15c: {  	v49 =	vld.idx.msk [tilespmem:v47+s24+$0x0], $0xffff;
	[tilespmem:s0+$0x30] =	vst v44  }
0x15d: {  	[tilespmem:s0+$0xFFFFFFE0] =	vst v33  }
0x15e: {  	s29 =	sshll.u32 s22, $0x10;
	[tilespmem:s0+$0xFFFFFFF0] =	vst v34  }
0x15f: {  	s6 =	sor.u32 s14, s29;
	[tilespmem:s0+$0x0] =	vst v35  }
0x160: {  	s6 =	sshrl.u32 s6, $0x3;
	[tilespmem:s0+$0x10] =	vst v48  }
0x161: {  	s30 =	sadd.s32 s26, s6;
	[tilespmem:s0+$0x20] =	vst v49;
	s0 =	sadd.s32 $0x8, s22  }
0x162: {  	[hbm4b:s30+s4] =	stream.linear.scatter [tilespmem:s25], [sflag:$0x2], $0x800, $0x38;
	[tilespmem:$0x9400] =	vst v63  }
0x163: {  	p2 =	sge.u32 s0, s15  }
0x164: {  	s0 =	sshll.u32 @!p2 s0, $0xF  }
0x165: {  	s0 =	sor.u32 @!p2 s7, s0  }
0x166: {  	s22 =	sadd.s32 $0x1, s22;
	s0 =	sshrl.u32 @!p2 s0, $0x3  }
0x167: {  	s6 =	simm.s32 @!p2 $0x400;
	s8 =	simm.s32 @!p2 $0xC3800;
	s0 =	sadd.s32 @!p2 s2, s0  }
0x168: {  	[tilespmem:s24], [sflag:$0x1] =	stream.strided.gather @!p2 [hbm4b:s0+s6], $0x800, s8, s6, $0x38;
	[tilespmem:$0x9400] =	vst v63  }
0x169: {  	p2 =	sne.s32 s22, s15  }
.Ltmp5:
0x16a: {  	_ = 	snop;
	(pc) =	sbr.rel @p2 .LBB2_6-.Ltmp5, $2  }
0x16b: {  	_ =	sdelay $0x2  }
0x16c: {  	s21 =	sadd.s32 $0x800, s21  }
0x16d: {  	_ =	swait.ge [sflag:s12], $0x800  }
0x16e: {  	[sflag:s12] =	ssyncset.done $0x0  }
0x16f: {  	[sflag:s12] =	ssyncadd.s32 $0xFFFFF800  }
0x170: {  	_ =	swait.ge [sflag:s12], $0x800  }
0x171: {  	[sflag:s12] =	ssyncset.done $0x0  }
0x172: {  	[sflag:s12] =	ssyncadd.s32 $0xFFFFF800  }
0x173: {  	_ =	swait.ge [sflag:s12], $0x800  }
0x174: {  	[sflag:s12] =	ssyncset.done $0x0  }
0x175: {  	[sflag:s12] =	ssyncadd.s32 $0xFFFFF800  }
0x176: {  	_ =	swait.ge [sflag:s12], $0x800  }
0x177: {  	[sflag:s12] =	ssyncset.done $0x0  }
0x178: {  	[sflag:s12] =	ssyncadd.s32 $0xFFFFF800  }
0x179: {  	_ =	swait.ge [sflag:s12], $0x800  }
0x17a: {  	[sflag:s12] =	ssyncset.done $0x0  }
0x17b: {  	[sflag:s12] =	ssyncadd.s32 $0xFFFFF800  }
0x17c: {  	_ =	swait.ge [sflag:s12], $0x800  }
0x17d: {  	[sflag:s12] =	ssyncset.done $0x0  }
0x17e: {  	[sflag:s12] =	ssyncadd.s32 $0xFFFFF800  }
0x17f: {  	_ =	swait.ge [sflag:s12], $0x800  }
.Ltmp6:
0x180: {  	[sflag:s12] =	ssyncset.done $0x0;
	(pc) =	sbr.rel @p0 .LBB2_12-.Ltmp6, $4  }
0x181: {  	[sflag:s12] =	ssyncadd.s32 $0xFFFFF800  }
0x182: {  	_ =	swait.ge [sflag:s12], $0x800  }
0x183: {  	[sflag:s12] =	ssyncset.done $0x0  }
0x184: {  	[sflag:s12] =	ssyncadd.s32 $0xFFFFF800  }
.Ltmp7:
0x185: {  	(pc) =	sbr.rel @p1 .LBB2_14-.Ltmp7, $2  }
0x186: {  	_ =	sdelay $0x2  }
0x187: {  	s8 =	simm.s32 $0x800  }
0x188: {  	s0 =	rddreg [dreg:$0x18]  }
0x189: {  	[tilespmem:s18], [sflag:$0x3] =	stream.strided.gather [hbm4b:s0+s3], $0x800, s31, s3, $0x38;
	[tilespmem:$0x9400] =	vst v63  }
0x18a: {  	_ =	swait.ge [sflag:s17], $0x800  }
0x18b: {  	[sflag:s17] =	ssyncset.done $0x0  }
0x18c: {  	[sflag:s17] =	ssyncadd.s32 $0xFFFFF800  }
0x18d: {  	v31 =	vld.idx.msk [tilespmem:v0+s18+$0x0], $0xffff;
	_ =	sdelay $0x4  }
0x18e: {  	[tilespmem:$0x9000] =	vst v31  }
0x18f: {  	v31 =	vld.idx.msk [tilespmem:v1+s18+$0x0], $0xffff;
	_ =	sdelay $0x4  }
0x190: {  	[tilespmem:$0x9010] =	vst v31  }
0x191: {  	v31 =	vld.idx.msk [tilespmem:v2+s18+$0x0], $0xffff;
	_ =	sdelay $0x4  }
0x192: {  	[tilespmem:$0x9020] =	vst v31  }
0x193: {  	v31 =	vld.idx.msk [tilespmem:v3+s18+$0x0], $0xffff;
	_ =	sdelay $0x4  }
0x194: {  	[tilespmem:$0x9030] =	vst v31  }
0x195: {  	v31 =	vld.idx.msk [tilespmem:v4+s18+$0x0], $0xffff;
	_ =	sdelay $0x4  }
0x196: {  	[tilespmem:$0x9040] =	vst v31  }
0x197: {  	v31 =	vld.idx.msk [tilespmem:v5+s18+$0x0], $0xffff;
	_ =	sdelay $0x4  }
0x198: {  	[tilespmem:$0x9050] =	vst v31  }
0x199: {  	v31 =	vld.idx.msk [tilespmem:v6+s18+$0x0], $0xffff;
	_ =	sdelay $0x4  }
0x19a: {  	[tilespmem:$0x9060] =	vst v31  }
0x19b: {  	v31 =	vld.idx.msk [tilespmem:v7+s18+$0x0], $0xffff;
	_ =	sdelay $0x4  }
0x19c: {  	[tilespmem:$0x9070] =	vst v31  }
0x19d: {  	v31 =	vld.idx.msk [tilespmem:v46+s18+$0x0], $0xffff;
	_ =	sdelay $0x4  }
0x19e: {  	[tilespmem:$0x9080] =	vst v31  }
0x19f: {  	v31 =	vld.idx.msk [tilespmem:v8+s18+$0x0], $0xffff;
	_ =	sdelay $0x4  }
0x1a0: {  	[tilespmem:$0x9090] =	vst v31  }
0x1a1: {  	v31 =	vld.idx.msk [tilespmem:v9+s18+$0x0], $0xffff;
	_ =	sdelay $0x4  }
0x1a2: {  	[tilespmem:$0x90A0] =	vst v31  }
0x1a3: {  	v31 =	vld.idx.msk [tilespmem:v10+s18+$0x0], $0xffff;
	_ =	sdelay $0x4  }
0x1a4: {  	[tilespmem:$0x90B0] =	vst v31  }
0x1a5: {  	v31 =	vld.idx.msk [tilespmem:v11+s18+$0x0], $0xffff;
	_ =	sdelay $0x4  }
0x1a6: {  	[tilespmem:$0x90C0] =	vst v31  }
0x1a7: {  	v31 =	vld.idx.msk [tilespmem:v12+s18+$0x0], $0xffff;
	_ =	sdelay $0x4  }
0x1a8: {  	[tilespmem:$0x90D0] =	vst v31  }
0x1a9: {  	v31 =	vld.idx.msk [tilespmem:v13+s18+$0x0], $0xffff;
	_ =	sdelay $0x4  }
0x1aa: {  	[tilespmem:$0x90E0] =	vst v31  }
0x1ab: {  	v31 =	vld.idx.msk [tilespmem:v14+s18+$0x0], $0xffff;
	_ =	sdelay $0x4  }
0x1ac: {  	[tilespmem:$0x90F0] =	vst v31  }
0x1ad: {  	v31 =	vld.idx.msk [tilespmem:v15+s18+$0x0], $0xffff;
	_ =	sdelay $0x4  }
0x1ae: {  	[tilespmem:$0x9100] =	vst v31  }
0x1af: {  	v31 =	vld.idx.msk [tilespmem:v16+s18+$0x0], $0xffff;
	_ =	sdelay $0x4  }
0x1b0: {  	[tilespmem:$0x9110] =	vst v31  }
0x1b1: {  	v31 =	vld.idx.msk [tilespmem:v17+s18+$0x0], $0xffff;
	_ =	sdelay $0x4  }
0x1b2: {  	[tilespmem:$0x9120] =	vst v31  }
0x1b3: {  	v31 =	vld.idx.msk [tilespmem:v18+s18+$0x0], $0xffff;
	_ =	sdelay $0x4  }
0x1b4: {  	[tilespmem:$0x9130] =	vst v31  }
0x1b5: {  	v31 =	vld.idx.msk [tilespmem:v19+s18+$0x0], $0xffff;
	_ =	sdelay $0x4  }
0x1b6: {  	[tilespmem:$0x9140] =	vst v31  }
0x1b7: {  	v31 =	vld.idx.msk [tilespmem:v20+s18+$0x0], $0xffff;
	_ =	sdelay $0x4  }
0x1b8: {  	[tilespmem:$0x9150] =	vst v31  }
0x1b9: {  	v31 =	vld.idx.msk [tilespmem:v21+s18+$0x0], $0xffff;
	_ =	sdelay $0x4  }
0x1ba: {  	[tilespmem:$0x9160] =	vst v31  }
0x1bb: {  	v31 =	vld.idx.msk [tilespmem:v22+s18+$0x0], $0xffff;
	_ =	sdelay $0x4  }
0x1bc: {  	[tilespmem:$0x9170] =	vst v31  }
0x1bd: {  	v31 =	vld.idx.msk [tilespmem:v23+s18+$0x0], $0xffff;
	_ =	sdelay $0x4  }
0x1be: {  	[tilespmem:$0x9180] =	vst v31  }
0x1bf: {  	v31 =	vld.idx.msk [tilespmem:v24+s18+$0x0], $0xffff;
	_ =	sdelay $0x4  }
0x1c0: {  	[tilespmem:$0x9190] =	vst v31  }
0x1c1: {  	v31 =	vld.idx.msk [tilespmem:v25+s18+$0x0], $0xffff;
	_ =	sdelay $0x4  }
0x1c2: {  	[tilespmem:$0x91A0] =	vst v31  }
0x1c3: {  	v31 =	vld.idx.msk [tilespmem:v26+s18+$0x0], $0xffff;
	_ =	sdelay $0x4  }
0x1c4: {  	[tilespmem:$0x91B0] =	vst v31  }
0x1c5: {  	v31 =	vld.idx.msk [tilespmem:v27+s18+$0x0], $0xffff;
	_ =	sdelay $0x4  }
0x1c6: {  	[tilespmem:$0x91C0] =	vst v31  }
0x1c7: {  	v31 =	vld.idx.msk [tilespmem:v28+s18+$0x0], $0xffff;
	_ =	sdelay $0x4  }
0x1c8: {  	[tilespmem:$0x91D0] =	vst v31  }
0x1c9: {  	v31 =	vld.idx.msk [tilespmem:v29+s18+$0x0], $0xffff;
	_ =	sdelay $0x4  }
0x1ca: {  	[tilespmem:$0x91E0] =	vst v31  }
0x1cb: {  	v31 =	vld.idx.msk [tilespmem:v30+s18+$0x0], $0xffff;
	_ =	sdelay $0x4  }
0x1cc: {  	[tilespmem:$0x91F0] =	vst v31;
	v31 =	vld [tilespmem:$0x1FEE0];
	_ =	sdelay $0x7  }
0x1cd: {  	v31 =	vld.idx.msk [tilespmem:v31+s18+$0x0], $0xffff;
	_ =	sdelay $0x4  }
0x1ce: {  	[tilespmem:$0x9200] =	vst v31;
	v31 =	vld [tilespmem:$0x1FF70];
	_ =	sdelay $0x7  }
0x1cf: {  	v31 =	vld.idx.msk [tilespmem:v31+s18+$0x0], $0xffff;
	_ =	sdelay $0x4  }
0x1d0: {  	[tilespmem:$0x9210] =	vst v31;
	v31 =	vld [tilespmem:$0x1FEF0];
	_ =	sdelay $0x7  }
0x1d1: {  	v31 =	vld.idx.msk [tilespmem:v31+s18+$0x0], $0xffff;
	_ =	sdelay $0x4  }
0x1d2: {  	[tilespmem:$0x9220] =	vst v31;
	v31 =	vld [tilespmem:$0x1FF00];
	_ =	sdelay $0x7  }
0x1d3: {  	v31 =	vld.idx.msk [tilespmem:v31+s18+$0x0], $0xffff;
	_ =	sdelay $0x4  }
0x1d4: {  	[tilespmem:$0x9230] =	vst v31;
	v31 =	vld [tilespmem:$0x1FF10];
	_ =	sdelay $0x7  }
0x1d5: {  	v31 =	vld.idx.msk [tilespmem:v31+s18+$0x0], $0xffff;
	_ =	sdelay $0x4  }
0x1d6: {  	[tilespmem:$0x9240] =	vst v31;
	v31 =	vld [tilespmem:$0x1FF20];
	_ =	sdelay $0x7  }
0x1d7: {  	v31 =	vld.idx.msk [tilespmem:v31+s18+$0x0], $0xffff;
	_ =	sdelay $0x4  }
0x1d8: {  	[tilespmem:$0x9250] =	vst v31;
	v31 =	vld [tilespmem:$0x1FF30];
	_ =	sdelay $0x7  }
0x1d9: {  	v31 =	vld.idx.msk [tilespmem:v31+s18+$0x0], $0xffff;
	_ =	sdelay $0x4  }
0x1da: {  	[tilespmem:$0x9260] =	vst v31;
	v31 =	vld [tilespmem:$0x1FF40];
	_ =	sdelay $0x7  }
0x1db: {  	v31 =	vld.idx.msk [tilespmem:v31+s18+$0x0], $0xffff;
	_ =	sdelay $0x4  }
0x1dc: {  	[tilespmem:$0x9270] =	vst v31;
	v31 =	vld [tilespmem:$0x1FF50];
	_ =	sdelay $0x7  }
0x1dd: {  	v31 =	vld.idx.msk [tilespmem:v31+s18+$0x0], $0xffff;
	_ =	sdelay $0x4  }
0x1de: {  	[tilespmem:$0x9280] =	vst v31;
	v31 =	vld [tilespmem:$0x1FF60];
	_ =	sdelay $0x7  }
0x1df: {  	v31 =	vld.idx.msk [tilespmem:v31+s18+$0x0], $0xffff;
	_ =	sdelay $0x4  }
0x1e0: {  	[tilespmem:$0x9290] =	vst v31;
	v31 =	vld [tilespmem:$0x1FF80];
	_ =	sdelay $0x7  }
0x1e1: {  	v31 =	vld.idx.msk [tilespmem:v31+s18+$0x0], $0xffff;
	_ =	sdelay $0x4  }
0x1e2: {  	[tilespmem:$0x92A0] =	vst v31;
	v31 =	vld [tilespmem:$0x1FF90];
	_ =	sdelay $0x7  }
0x1e3: {  	v31 =	vld.idx.msk [tilespmem:v31+s18+$0x0], $0xffff;
	_ =	sdelay $0x4  }
0x1e4: {  	[tilespmem:$0x92B0] =	vst v31;
	v31 =	vld [tilespmem:$0x1FFA0];
	_ =	sdelay $0x7  }
0x1e5: {  	v31 =	vld.idx.msk [tilespmem:v31+s18+$0x0], $0xffff;
	_ =	sdelay $0x4  }
0x1e6: {  	[tilespmem:$0x92C0] =	vst v31;
	v31 =	vld [tilespmem:$0x1FFB0];
	_ =	sdelay $0x7  }
0x1e7: {  	v31 =	vld.idx.msk [tilespmem:v31+s18+$0x0], $0xffff;
	_ =	sdelay $0x4  }
0x1e8: {  	[tilespmem:$0x92D0] =	vst v31;
	v31 =	vld [tilespmem:$0x1FFC0];
	_ =	sdelay $0x7  }
0x1e9: {  	v31 =	vld.idx.msk [tilespmem:v31+s18+$0x0], $0xffff;
	_ =	sdelay $0x4  }
0x1ea: {  	[tilespmem:$0x92E0] =	vst v31;
	v31 =	vld [tilespmem:$0x1FFD0];
	_ =	sdelay $0x7  }
0x1eb: {  	v31 =	vld.idx.msk [tilespmem:v31+s18+$0x0], $0xffff;
	_ =	sdelay $0x4  }
0x1ec: {  	[tilespmem:$0x92F0] =	vst v31;
	v31 =	vld [tilespmem:$0x1FFE0];
	_ =	sdelay $0x7  }
0x1ed: {  	v31 =	vld.idx.msk [tilespmem:v31+s18+$0x0], $0xffff;
	_ =	sdelay $0x4  }
0x1ee: {  	[tilespmem:$0x9300] =	vst v31;
	v31 =	vld [tilespmem:$0x1FFF0];
	_ =	sdelay $0x7  }
0x1ef: {  	v31 =	vld.idx.msk [tilespmem:v31+s18+$0x0], $0xffff;
	_ =	sdelay $0x4  }
0x1f0: {  	[tilespmem:$0x9310] =	vst v31  }
0x1f1: {  	v31 =	vld.idx.msk [tilespmem:v50+s18+$0x0], $0xffff;
	_ =	sdelay $0x4  }
0x1f2: {  	[tilespmem:$0x9320] =	vst v31  }
0x1f3: {  	v31 =	vld.idx.msk [tilespmem:v51+s18+$0x0], $0xffff;
	_ =	sdelay $0x4  }
0x1f4: {  	[tilespmem:$0x9330] =	vst v31  }
0x1f5: {  	v31 =	vld.idx.msk [tilespmem:v52+s18+$0x0], $0xffff;
	_ =	sdelay $0x4  }
0x1f6: {  	[tilespmem:$0x9340] =	vst v31  }
0x1f7: {  	v31 =	vld.idx.msk [tilespmem:v53+s18+$0x0], $0xffff;
	_ =	sdelay $0x4  }
0x1f8: {  	[tilespmem:$0x9350] =	vst v31  }
0x1f9: {  	v31 =	vld.idx.msk [tilespmem:v54+s18+$0x0], $0xffff;
	_ =	sdelay $0x4  }
0x1fa: {  	[tilespmem:$0x9360] =	vst v31  }
0x1fb: {  	v31 =	vld.idx.msk [tilespmem:v55+s18+$0x0], $0xffff;
	_ =	sdelay $0x4  }
0x1fc: {  	[tilespmem:$0x9370] =	vst v31  }
0x1fd: {  	v31 =	vld.idx.msk [tilespmem:v56+s18+$0x0], $0xffff;
	_ =	sdelay $0x4  }
0x1fe: {  	[tilespmem:$0x9380] =	vst v31  }
0x1ff: {  	v31 =	vld.idx.msk [tilespmem:v57+s18+$0x0], $0xffff;
	_ =	sdelay $0x4  }
0x200: {  	[tilespmem:$0x9390] =	vst v31  }
0x201: {  	v31 =	vld.idx.msk [tilespmem:v58+s18+$0x0], $0xffff;
	_ =	sdelay $0x4  }
0x202: {  	[tilespmem:$0x93A0] =	vst v31  }
0x203: {  	v31 =	vld.idx.msk [tilespmem:v59+s18+$0x0], $0xffff;
	_ =	sdelay $0x4  }
0x204: {  	[tilespmem:$0x93B0] =	vst v31  }
0x205: {  	v31 =	vld.idx.msk [tilespmem:v60+s18+$0x0], $0xffff;
	_ =	sdelay $0x4  }
0x206: {  	[tilespmem:$0x93C0] =	vst v31  }
0x207: {  	v31 =	vld.idx.msk [tilespmem:v61+s18+$0x0], $0xffff;
	_ =	sdelay $0x4  }
0x208: {  	[tilespmem:$0x93D0] =	vst v31  }
0x209: {  	v31 =	vld.idx.msk [tilespmem:v62+s18+$0x0], $0xffff;
	_ =	sdelay $0x1  }
.Ltmp8:
0x20a: {  	_ = 	snop;
	(pc) =	sbr.rel .LBB2_13-.Ltmp8, $3  }
0x20b: {  	_ =	sdelay $0x1  }
0x20c: {  	[tilespmem:$0x93E0] =	vst v31  }
0x20d: {  	s0 =	rddreg [dreg:$0x15];
	v31 =	vld.idx.msk [tilespmem:v63+s18+$0x0], $0xffff  }
.LBB2_15:
0x20e: {  	_ =	sfence.sel $0x180000  }
0x20f: {  	[bflag:$0x0] =	sbarrier.arrive $0xFFFF  }
0x210: {  	_ =	strace $0x90000047  }
0x211: {  	s0 =	stileid.u32;
	[bflag:$0x2] =	sbarrier.arrive $0xFFFF  }
0x212: {  	p0 =	sne.s32 s0, $0x0;
	s0 =	rddreg [dreg:$0x3]  }
0x213: {  	s0 =	sadd.s32 @!p0 $0x100000, s0  }
0x214: {  	[sflag:s0] =	ssyncadd.tile.s32 @!p0 $0x1;
	_ =	shalt  }
.Lfunc_end2:
_tile_overlayer_lowered:
.L_overlay_start_2:
0x215: {  	(tag) =	ssettag $0x2  }
0x216: {  	s0 =	rddreg [dreg:$0x0];
	s2 =	stileid.u32  }
0x217: {  	s1 =	rddreg [dreg:$0x1];
	p0 =	sne.s32 s2, $0x0  }
0x218: {  	s3 =	rddreg [dreg:$0x2];
	[bflag:$0x3] =	sbarrier.arrive $0xFFFF;
	s2 =	simm.s32 @!p0 $0x1C03  }
0x219: {  	[timem:s3], [sflag:s2] =	dma.local @!p0 [hbm:s0], s1  }
0x21a: {  	s0 =	simm.s32 @!p0 $0x3  }
0x21b: {  	_ =	swait.ge @!p0 [sflag:s0], s1  }
0x21c: {  	s1 =	ssub.s32 @!p0 $0x0, s1;
	[sflag:s0] =	ssyncset.done @!p0 $0x0  }
0x21d: {  	[sflag:s0] =	ssyncadd.s32 @!p0 s1  }
0x21e: {  	[bflag:$0x3] =	sbarrier.arrive $0xFFFF  }
0x21f: {  	_ =	shalt  }

// kernel: kernel.8.cloned.1.call-start
scs
__scs_entry_jumppad:
0x0: {  	(pc) =	sbr.rel $0x88, $3  }
0x1: {  	(tag) =	ssettag $0x0;
	lr =	simm.s32 $0x1  }
0x2: {  	[smem:$0x3F99] =	sst lr;
	_ =	strace $0xD0000000  }
0x3: {  	_ = 	snop  }
0x4: {  	_ = 	snop  }
0x5: {  	_ = 	snop  }
0x6: {  	_ = 	snop  }
0x7: {  	_ = 	snop  }
__scs_overlays_trampoline_lowered:
0x8: {  	[smem:$0x3FA8] =	sst s0  }
0x9: {  	[smem:$0x3FA9] =	sst s1  }
0xa: {  	[smem:$0x3FAA] =	sst s2  }
0xb: {  	[smem:$0x3FAB] =	sst s3  }
0xc: {  	[smem:$0x3FAC] =	sst s4  }
0xd: {  	[smem:$0x3FAD] =	sst s5  }
0xe: {  	[smem:$0x3FAE] =	sst s6  }
0xf: {  	[smem:$0x3FAF] =	sst s7  }
0x10: {  	[smem:$0x3FB0] =	sst s8  }
0x11: {  	[smem:$0x3FB1] =	sst s9;
	s0 =	simm.s32 @!p0 $0x0  }
0x12: {  	s1 =	sld [smem:$0x3F97];
	s0 =	simm.s32 @p0 $0x1  }
0x13: {  	[smem:$0x3FB2] =	sst s0;
	s0 =	simm.s32 @!p1 $0x0  }
0x14: {  	s2 =	sld [smem:$0x3F96];
	s0 =	simm.s32 @p1 $0x1  }
0x15: {  	[smem:$0x3FB3] =	sst s0;
	s0 =	simm.s32 @!p2 $0x0  }
0x16: {  	s3 =	sld [smem:$0x3FDB];
	s0 =	simm.s32 @p2 $0x1  }
0x17: {  	s4 =	simm.s32 $0x1BF5;
	[smem:$0x3FB5] =	sst s0  }
0x18: {  	s0 =	sld [smem:$0x3F98];
	_ =	swait.ge [sflag:s4], $0x0  }
0x19: {  	s7 =	sld [smem:$0x3F99]  }
0x1a: {  	s8 =	sadd.s32 $0xFFFFE003, lr  }
0x1b: {  	s9 =	sadd.s32 $0xFFFFFEF7, lr;
	s5 =	simm.s32 $0xFFFFFFFF;
	p2 =	slt.u32 s8, $0xFFFFF086  }
0x1c: {  	p1 =	slt.u32 s9, $0xF7A;
	s5 =	simm.s32 @!p2 $0x0  }
0x1d: {  	s5 =	simm.s32 @p1 $0x1;
	p0 =	seq.s32 s7, s2  }
0x1e: {  	s7 =	smul.u32 @!p0 $0xF7A, s2;
	p2 =	seq.s32 @!p0 s5, $0x0  }
0x1f: {  	s9 =	smul.u32 $0xF7A, s1;
	s8 =	simm.s32 @!p0 $0x1BF5;
	p2 =	por !p2, p0  }
0x20: {  	[sflag:s8] =	ssyncset.s32 @!p0 $0xFFFFF086;
	s6 =	sadd.s32 @!p0 s3, s7;
	s7 =	simm.s32 @!p0 $0x108  }
0x21: {  	s3 =	sadd.s32 s3, s9;
	s6 =	sadd.s32 @!p0 $0x88, s6;
	s7 =	simm.s32 @p2 $0x1082  }
0x22: {  	[simem:s7], [sflag:s8] =	dma.local @!p0 [hbm:s6], $0xF7A  }
0x23: {  	s9 =	sor.u32 $0xD0000000, s2;
	s6 =	simm.s32 $0x108;
	_ =	swait.ge @!p0 [sflag:s8], $0x0  }
0x24: {  	s3 =	sadd.s32 $0x88, s3;
	s6 =	simm.s32 @!p1 $0x1082;
	[sflag:s4] =	ssyncset.s32 $0xFFFFF086  }
0x25: {  	[simem:s6], [sflag:s4] =	dma.local [hbm:s3], $0xF7A  }
0x26: {  	[smem:$0x3F99] =	sst s1;
	(tag) =	ssettag s2;
	_ =	strace s9  }
0x27: {  	s1 =	sld [smem:$0x3FA9]  }
0x28: {  	s2 =	sld [smem:$0x3FAA]  }
0x29: {  	s4 =	sld [smem:$0x3FAC]  }
0x2a: {  	p0 =	seq.s32 s5, $0x0;
	s5 =	sld [smem:$0x3FAD]  }
0x2b: {  	s6 =	sld [smem:$0x3FAE]  }
0x2c: {  	s7 =	sld [smem:$0x3FAF]  }
0x2d: {  	s3 =	simm.s32 $0x108;
	s8 =	sld [smem:$0x3FB0]  }
0x2e: {  	s3 =	simm.s32 @!p0 $0x1082;
	s9 =	sld [smem:$0x3FB1]  }
0x2f: {  	lr =	sadd.s32 s0, s3;
	s0 =	sld [smem:$0x3FA8]  }
0x30: {  	s3 =	sld [smem:$0x3FAB]  }
0x31: {  	[smem:$0x3FB4] =	sst s10  }
0x32: {  	s10 =	sld [smem:$0x3FB2];
	_ =	sdelay $0x3  }
0x33: {  	p0 =	seq.s32 s10, $0x1;
	s10 =	sld [smem:$0x3FB4];
	_ =	sdelay $0x3  }
0x34: {  	[smem:$0x3FB4] =	sst s10  }
0x35: {  	s10 =	sld [smem:$0x3FB3];
	_ =	sdelay $0x3  }
0x36: {  	p1 =	seq.s32 s10, $0x1;
	s10 =	sld [smem:$0x3FB4];
	_ =	sdelay $0x3  }
0x37: {  	[smem:$0x3FB4] =	sst s10  }
0x38: {  	s10 =	sld [smem:$0x3FB5]  }
0x39: {  	_ = 	snop;
	(pc) =	sbr.ind lr, $3  }
0x3a: {  	_ = 	snop  }
0x3b: {  	_ = 	snop  }
0x3c: {  	p2 =	seq.s32 s10, $0x1;
	s10 =	sld [smem:$0x3FB4]  }
0x3d: {  	_ =	shalt  }
0x3e: {  	_ =	shalt  }
0x3f: {  	_ =	shalt  }
0x40: {  	_ =	shalt  }
0x41: {  	_ =	shalt  }
0x42: {  	_ =	shalt  }
0x43: {  	_ =	shalt  }
0x44: {  	_ =	shalt  }
0x45: {  	_ =	shalt  }
0x46: {  	_ =	shalt  }
0x47: {  	_ =	shalt  }
0x48: {  	_ =	shalt  }
0x49: {  	_ =	shalt  }
0x4a: {  	_ =	shalt  }
0x4b: {  	_ =	shalt  }
0x4c: {  	_ =	shalt  }
0x4d: {  	_ =	shalt  }
0x4e: {  	_ =	shalt  }
0x4f: {  	_ =	shalt  }
0x50: {  	_ =	shalt  }
0x51: {  	_ =	shalt  }
0x52: {  	_ =	shalt  }
0x53: {  	_ =	shalt  }
0x54: {  	_ =	shalt  }
0x55: {  	_ =	shalt  }
0x56: {  	_ =	shalt  }
0x57: {  	_ =	shalt  }
0x58: {  	_ =	shalt  }
0x59: {  	_ =	shalt  }
0x5a: {  	_ =	shalt  }
0x5b: {  	_ =	shalt  }
0x5c: {  	_ =	shalt  }
0x5d: {  	_ =	shalt  }
0x5e: {  	_ =	shalt  }
0x5f: {  	_ =	shalt  }
0x60: {  	_ =	shalt  }
0x61: {  	_ =	shalt  }
0x62: {  	_ =	shalt  }
0x63: {  	_ =	shalt  }
0x64: {  	_ =	shalt  }
0x65: {  	_ =	shalt  }
0x66: {  	_ =	shalt  }
0x67: {  	_ =	shalt  }
0x68: {  	_ =	shalt  }
0x69: {  	_ =	shalt  }
0x6a: {  	_ =	shalt  }
0x6b: {  	_ =	shalt  }
0x6c: {  	_ =	shalt  }
0x6d: {  	_ =	shalt  }
0x6e: {  	_ =	shalt  }
0x6f: {  	_ =	shalt  }
0x70: {  	_ =	shalt  }
0x71: {  	_ =	shalt  }
0x72: {  	_ =	shalt  }
0x73: {  	_ =	shalt  }
0x74: {  	_ =	shalt  }
0x75: {  	_ =	shalt  }
0x76: {  	_ =	shalt  }
0x77: {  	_ =	shalt  }
0x78: {  	_ =	shalt  }
0x79: {  	_ =	shalt  }
0x7a: {  	_ =	shalt  }
0x7b: {  	_ =	shalt  }
0x7c: {  	_ =	shalt  }
0x7d: {  	_ =	shalt  }
0x7e: {  	_ =	shalt  }
0x7f: {  	_ =	shalt  }
0x80: {  	_ =	shalt  }
0x81: {  	_ =	shalt  }
0x82: {  	_ =	shalt  }
0x83: {  	_ =	shalt  }
0x84: {  	_ =	shalt  }
0x85: {  	_ =	shalt  }
0x86: {  	_ =	shalt  }
0x87: {  	_ =	shalt  }
.Lfunc_end0:
.L_simem_size_0:
called_computation.1_lowered:
.L_overlay_start_0:
0x88: {  	s2 =	sld [smem:$0x3FD9]  }
0x89: {  	s3 =	sld [smem:$0x3FFE];
	_ =	sdelay $0x1  }
0x8a: {  	s1 =	srdreg.scid  }
0x8b: {  	s0 =	sand.u32 $0x1, s1  }
0x8c: {  	s17 =	sshll.u32 s0, $0xA;
	s2 =	sadd.s32 s3, s2  }
0x8d: {  	s2 =	sadd.s32 s2, s17  }
0x8e: {  	[smem:$0x3FC0] =	sst s2  }
0x8f: {  	_ = 	snop  }
0x90: {  	s2 =	sld [smem:$0x3FC9]  }
0x91: {  	s18 =	sld [smem:$0x3FC8];
	(tm) =	ssettm $0x1  }
0x92: {  	s4 =	sld [smem:$0x3FFB];
	_ =	sdelay $0x3  }
0x93: {  	_ =	strace s4  }
0x94: {  	s4 =	sld [smem:$0x3FFC];
	_ =	sdelay $0x3  }
0x95: {  	_ =	strace s4  }
0x96: {  	s4 =	sld [smem:$0x3FFD];
	_ =	sdelay $0x3  }
0x97: {  	_ =	strace s4  }
0x98: {  	_ =	strace $0x8FFFFFFF  }
0x99: {  	s19 =	sld [smem:$0x3FDB];
	_ =	sdelay $0x1  }
0x9a: {  	s5 =	simm.s32 $_scs_section_size  }
0x9b: {  	s6 =	simm.s32 $_size__tile_overlayer_lowered;
	s7 =	simm.s32 $_tile_overlayer_lowered  }
0x9c: {  	s22 =	simm.s32 $0x1BFF;
	s21 =	sshll.u32 s7, $0x1;
	s4 =	sadd.s32 s5, s19  }
0x9d: {  	s8 =	simm.s32 $0x0;
	s20 =	sshll.u32 s6, $0x1;
	s6 =	sadd.s32 s21, s4  }
0x9e: {  	[timem:s8], [sflag:s22] =	dma.local [hbm:s6], s20  }
0x9f: {  	_ =	swait.ge [sflag:s22], s20  }
0xa0: {  	s5 =	ssub.s32 $0x0, s20;
	[sflag:s22] =	ssyncset.done $0x0  }
0xa1: {  	[sflag:s22] =	ssyncadd.s32 s5;
	_ =	sdelay $0x1  }
0xa2: {  	s23 =	simm.s32 $0x1B8B  }
0xa3: {  	_ =	swait.ge [sflag:s23], $0x1  }
0xa4: {  	[sflag:s23] =	ssyncset.done $0x0  }
0xa5: {  	s25 =	simm.s32 $0x1B8E;
	s24 =	sld [smem:$0x3FFE];
	[sflag:s23] =	ssyncadd.s32 $0xFFFFFFFF  }
0xa6: {  	s26 =	simm.s32 $execute0_lowered;
	[smem:$0x3FD2] =	sst s25  }
0xa7: {  	s6 =	sshll.u32 s26, $0x1;
	_ =	strace $0x80000049;
	[dreg:$0x1] =	wrdreg $0xFFFFFFFF  }
0xa8: {  	s28 =	simm.s32 $_size_execute0_lowered;
	s4 =	sadd.s32 s4, s6;
	[dreg:$0x0] =	wrdreg $0x0  }
0xa9: {  	s6 =	sshll.u32 s28, $0x1;
	[dreg:$0x2] =	wrdreg s4  }
0xaa: {  	[dreg:$0x3] =	wrdreg s6  }
0xab: {  	[dreg:$0x4] =	wrdreg $0xC0  }
0xac: {  	_ =	task [dreg:s8], $0x5FFFF  }
0xad: {  	[dreg:$0x1] =	wrdreg $0xFFFFFFFF  }
0xae: {  	[dreg:$0x0] =	wrdreg $0x60  }
0xaf: {  	[dreg:$0x2] =	wrdreg s2  }
0xb0: {  	[dreg:$0x3] =	wrdreg s18  }
0xb1: {  	[dreg:$0x4] =	wrdreg s24  }
0xb2: {  	[dreg:$0x5] =	wrdreg $0x9  }
0xb3: {  	_ =	task.clear_ibuf [dreg:s8], $0x6FFFF;
	_ =	strace $0x90000049  }
0xb4: {  	s29 =	simm.s32 $0x9;
	_ =	strace $0x8000004B  }
0xb5: {  	_ =	swait.ge [sflag:s29], $0x1  }
0xb6: {  	[sflag:s29] =	ssyncadd.s32 $0xFFFFFFFF  }
0xb7: {  	_ =	strace $0x9000004B  }
0xb8: {  	_ =	sfence  }
0xb9: {  	s30 =	sld [smem:$0x0];
	_ =	sdelay $0x2  }
0xba: {  	s31 =	sshll.u32 s1, $0xD;
	s1 =	sshrl.u32 s1, $0x2  }
0xbb: {  	s3 =	sand.u32 $0x4000, s31;
	s1 =	sadd.s32 s1, s30  }
0xbc: {  	s0 =	sor.u32 s3, s0;
	s1 =	sshll.u32 s1, $0x11  }
0xbd: {  	s0 =	sor.u32 s1, s0  }
0xbe: {  	s0 =	sadd.s32 $0x8F2B, s0  }
0xbf: {  	[sflag:s0] =	ssyncadd.remote.s32 $0x1  }
0xc0: {  	_ =	sfence.sel $0xFFFF  }
0xc1: {  	[dreg:$0x0] =	wrdreg $0xFFFFFFFF;
	(pc) =	sbr.abs _section_cstart, $3  }
0xc2: {  	[dreg:$0x1] =	wrdreg $0xFFFFFFFF  }
0xc3: {  	_ =	task.clear_ibuf [dreg:s8], $0x2FFFF;
	_ =	strace $0x9FFFFFFF  }
0xc4: {  	(tm) =	ssettm $0x7FFFFFFF  }
0xc5: {  	_ =	shalt  }
tec
execute0_lowered:
.L_overlay_start_1:
0x0: {  	(tag) =	ssettag $0x1  }
0x1: {  	s5 =	rddreg [dreg:$0x0]  }
0x2: {  	s6 =	rddreg [dreg:$0x1]  }
0x3: {  	s7 =	rddreg [dreg:$0x2];
	s1 =	simm.s32 $0x0  }
0x4: {  	s4 =	srdreg.scid;
	s2 =	stileid.u32;
	s12 =	simm.s32 $0x80  }
0x5: {  	s13 =	simm.s32 $0x400;
	s14 =	simm.s32 $0x800;
	s15 =	simm.s32 $0x1  }
0x6: {  	s16 =	simm.s32 $0x480;
	s17 =	simm.s32 $0x4800;
	s18 =	simm.s32 $0x500  }
0x7: {  	s19 =	simm.s32 $0x580;
	s20 =	simm.s32 $0x600;
	s21 =	simm.s32 $0x680  }
0x8: {  	s22 =	simm.s32 $0x700;
	s23 =	simm.s32 $0x780;
	s24 =	simm.s32 $0x1000  }
0x9: {  	s25 =	simm.s32 $0x20000;
	s26 =	simm.s32 $0x8800;
	s28 =	simm.s32 $0xA800  }
0xa: {  	s29 =	simm.s32 $0x0;
	[smem:$0x7FF] =	sst s1;
	s4 =	sand.u32 $0x1, s4  }
0xb: {  	s3 =	sadd.s32 $0x1C00, s7;
	s8 =	sshll.u32 s2, $0xA;
	s9 =	sshll.u32 s4, $0x9  }
0xc: {  	_ =	strace $0x8000004A;
	s10 =	ssub.s32 $0x2, s4;
	s8 =	sor.u32 s9, s8  }
0xd: {  	s4 =	sadd.s32 $0x1EA200, s7;
	s30 =	sshrl.u32 s10, $0x1;
	s11 =	sadd.s32 s8, s7  }
0xe: {  	s9 =	ssub.s32 s10, s30;
	s31 =	sshrl.u32 s8, $0x3;
	s10 =	simm.s32 $0x2  }
0xf: {  	v0 =	vlaneseq.u32;
	s5 =	sadd.s32 s5, s31;
	s6 =	sadd.s32 s6, s31;
	s7 =	sadd.s32 $0x21B000, s11  }
0x10: {  	v0 =	vmul.u32 $0x80, v0;
	s8 =	sadd.s32 $0x223000, s11;
	s9 =	smax.u32 s9, $0x1;
	s11 =	simm.s32 $0x200  }
.LBB2_1:
0x11: {  	[tilespmem:s1], [sflag:$0x2] =	stream.linear.gather [hbm4b:s5+s1], $0x200, $0x38;
	[tilespmem:$0xC800] =	vst v63  }
0x12: {  	_ =	swait.ge [sflag:s10], $0x200  }
0x13: {  	[sflag:s10] =	ssyncset.done $0x0  }
0x14: {  	[sflag:s10] =	ssyncadd.s32 $0xFFFFFE00  }
0x15: {  	[tilespmem:s11], [sflag:$0x2] =	stream.linear.gather [hbm4b:s6+s1], $0x200, $0x38;
	[tilespmem:$0xC800] =	vst v63  }
0x16: {  	_ =	swait.ge [sflag:s10], $0x200  }
0x17: {  	[sflag:s10] =	ssyncset.done $0x0  }
0x18: {  	[sflag:s10] =	ssyncadd.s32 $0xFFFFFE00  }
0x19: {  	v1 =	vld [tilespmem:$0x0]  }
0x1a: {  	v2 =	vld [tilespmem:$0x10]  }
0x1b: {  	v3 =	vld [tilespmem:$0x20]  }
0x1c: {  	v4 =	vld [tilespmem:$0x30]  }
0x1d: {  	v5 =	vld [tilespmem:$0x40]  }
0x1e: {  	v6 =	vld [tilespmem:$0x50];
	v1 =	vshrl.u32 v1, $0x3  }
0x1f: {  	[tilespmem:$0x400] =	vst v1;
	v1 =	vshrl.u32 v2, $0x3;
	v2 =	vld [tilespmem:$0x60]  }
0x20: {  	[tilespmem:$0x410] =	vst v1;
	v1 =	vshrl.u32 v3, $0x3;
	v3 =	vld [tilespmem:$0x70]  }
0x21: {  	v30 =	vld [tilespmem:$0x80];
	[tilespmem:$0x420] =	vst v1;
	v1 =	vshrl.u32 v4, $0x3  }
0x22: {  	v31 =	vld [tilespmem:$0x90];
	[tilespmem:$0x430] =	vst v1;
	v1 =	vshrl.u32 v5, $0x3  }
0x23: {  	v32 =	vld [tilespmem:$0xA0];
	[tilespmem:$0x440] =	vst v1;
	v1 =	vshrl.u32 v6, $0x3  }
0x24: {  	[tilespmem:$0x450] =	vst v1;
	v1 =	vshrl.u32 v2, $0x3;
	v2 =	vld [tilespmem:$0xB0]  }
0x25: {  	[tilespmem:$0x460] =	vst v1;
	v1 =	vshrl.u32 v3, $0x3;
	v3 =	vld [tilespmem:$0xC0]  }
0x26: {  	v33 =	vld [tilespmem:$0xD0];
	[tilespmem:$0x470] =	vst v1;
	v1 =	vshrl.u32 v30, $0x3  }
0x27: {  	v34 =	vld [tilespmem:$0xE0];
	[tilespmem:$0x480] =	vst v1;
	v1 =	vshrl.u32 v31, $0x3  }
0x28: {  	v35 =	vld [tilespmem:$0xF0];
	[tilespmem:$0x490] =	vst v1;
	v1 =	vshrl.u32 v32, $0x3  }
0x29: {  	[tilespmem:$0x4A0] =	vst v1;
	v1 =	vshrl.u32 v2, $0x3;
	v2 =	vld [tilespmem:$0x100]  }
0x2a: {  	[tilespmem:$0x4B0] =	vst v1;
	v1 =	vshrl.u32 v3, $0x3;
	v3 =	vld [tilespmem:$0x110]  }
0x2b: {  	v36 =	vld [tilespmem:$0x120];
	[tilespmem:$0x4C0] =	vst v1;
	v1 =	vshrl.u32 v33, $0x3  }
0x2c: {  	v37 =	vld [tilespmem:$0x130];
	[tilespmem:$0x4D0] =	vst v1;
	v1 =	vshrl.u32 v34, $0x3  }
0x2d: {  	v38 =	vld [tilespmem:$0x140];
	[tilespmem:$0x4E0] =	vst v1;
	v1 =	vshrl.u32 v35, $0x3  }
0x2e: {  	[tilespmem:$0x4F0] =	vst v1;
	v1 =	vshrl.u32 v2, $0x3;
	v2 =	vld [tilespmem:$0x150]  }
0x2f: {  	[tilespmem:$0x500] =	vst v1;
	v1 =	vshrl.u32 v3, $0x3;
	v3 =	vld [tilespmem:$0x160]  }
0x30: {  	v39 =	vld [tilespmem:$0x170];
	[tilespmem:$0x510] =	vst v1;
	v1 =	vshrl.u32 v36, $0x3  }
0x31: {  	v40 =	vld [tilespmem:$0x180];
	[tilespmem:$0x520] =	vst v1;
	v1 =	vshrl.u32 v37, $0x3  }
0x32: {  	v41 =	vld [tilespmem:$0x190];
	[tilespmem:$0x530] =	vst v1;
	v1 =	vshrl.u32 v38, $0x3  }
0x33: {  	[tilespmem:$0x540] =	vst v1;
	v1 =	vshrl.u32 v2, $0x3;
	v2 =	vld [tilespmem:$0x1A0]  }
0x34: {  	[tilespmem:$0x550] =	vst v1;
	v1 =	vshrl.u32 v3, $0x3;
	v3 =	vld [tilespmem:$0x1B0]  }
0x35: {  	v42 =	vld [tilespmem:$0x1C0];
	[tilespmem:$0x560] =	vst v1;
	v1 =	vshrl.u32 v39, $0x3  }
0x36: {  	v43 =	vld [tilespmem:$0x1D0];
	[tilespmem:$0x570] =	vst v1;
	v1 =	vshrl.u32 v40, $0x3  }
0x37: {  	v44 =	vld [tilespmem:$0x1E0];
	[tilespmem:$0x580] =	vst v1;
	v1 =	vshrl.u32 v41, $0x3  }
0x38: {  	[tilespmem:$0x590] =	vst v1;
	v1 =	vshrl.u32 v2, $0x3;
	v2 =	vld [tilespmem:$0x1F0]  }
0x39: {  	[tilespmem:$0x5A0] =	vst v1;
	v1 =	vshrl.u32 v3, $0x3;
	v3 =	vld [tilespmem:$0x200]  }
0x3a: {  	v45 =	vld [tilespmem:$0x210];
	[tilespmem:$0x5B0] =	vst v1;
	v1 =	vshrl.u32 v42, $0x3  }
0x3b: {  	v46 =	vld [tilespmem:$0x220];
	[tilespmem:$0x5C0] =	vst v1;
	v1 =	vshrl.u32 v43, $0x3  }
0x3c: {  	v47 =	vld [tilespmem:$0x230];
	[tilespmem:$0x5D0] =	vst v1;
	v1 =	vshrl.u32 v44, $0x3  }
0x3d: {  	[tilespmem:$0x5E0] =	vst v1;
	v1 =	vshrl.u32 v2, $0x3;
	v2 =	vld [tilespmem:$0x240]  }
0x3e: {  	[tilespmem:$0x5F0] =	vst v1;
	v1 =	vshrl.u32 v3, $0x3;
	v3 =	vld [tilespmem:$0x250]  }
0x3f: {  	v48 =	vld [tilespmem:$0x260];
	[tilespmem:$0x600] =	vst v1;
	v1 =	vshrl.u32 v45, $0x3  }
0x40: {  	v49 =	vld [tilespmem:$0x270];
	[tilespmem:$0x610] =	vst v1;
	v1 =	vshrl.u32 v46, $0x3  }
0x41: {  	v50 =	vld [tilespmem:$0x280];
	[tilespmem:$0x620] =	vst v1;
	v1 =	vshrl.u32 v47, $0x3  }
0x42: {  	[tilespmem:$0x630] =	vst v1;
	v1 =	vshrl.u32 v2, $0x3;
	v2 =	vld [tilespmem:$0x290]  }
0x43: {  	[tilespmem:$0x640] =	vst v1;
	v1 =	vshrl.u32 v3, $0x3;
	v3 =	vld [tilespmem:$0x2A0]  }
0x44: {  	v51 =	vld [tilespmem:$0x2B0];
	[tilespmem:$0x650] =	vst v1;
	v1 =	vshrl.u32 v48, $0x3  }
0x45: {  	v52 =	vld [tilespmem:$0x2C0];
	[tilespmem:$0x660] =	vst v1;
	v1 =	vshrl.u32 v49, $0x3  }
0x46: {  	v53 =	vld [tilespmem:$0x2D0];
	[tilespmem:$0x670] =	vst v1;
	v1 =	vshrl.u32 v50, $0x3  }
0x47: {  	[tilespmem:$0x680] =	vst v1;
	v1 =	vshrl.u32 v2, $0x3;
	v2 =	vld [tilespmem:$0x2E0]  }
0x48: {  	[tilespmem:$0x690] =	vst v1;
	v1 =	vshrl.u32 v3, $0x3;
	v3 =	vld [tilespmem:$0x2F0]  }
0x49: {  	v54 =	vld [tilespmem:$0x300];
	[tilespmem:$0x6A0] =	vst v1;
	v1 =	vshrl.u32 v51, $0x3  }
0x4a: {  	v55 =	vld [tilespmem:$0x310];
	[tilespmem:$0x6B0] =	vst v1;
	v1 =	vshrl.u32 v52, $0x3  }
0x4b: {  	v56 =	vld [tilespmem:$0x320];
	[tilespmem:$0x6C0] =	vst v1;
	v1 =	vshrl.u32 v53, $0x3  }
0x4c: {  	[tilespmem:$0x6D0] =	vst v1;
	v1 =	vshrl.u32 v2, $0x3;
	v2 =	vld [tilespmem:$0x330]  }
0x4d: {  	[tilespmem:$0x6E0] =	vst v1;
	v1 =	vshrl.u32 v3, $0x3;
	v3 =	vld [tilespmem:$0x340]  }
0x4e: {  	v57 =	vld [tilespmem:$0x350];
	[tilespmem:$0x6F0] =	vst v1;
	v1 =	vshrl.u32 v54, $0x3  }
0x4f: {  	v58 =	vld [tilespmem:$0x360];
	[tilespmem:$0x700] =	vst v1;
	v1 =	vshrl.u32 v55, $0x3  }
0x50: {  	v59 =	vld [tilespmem:$0x370];
	[tilespmem:$0x710] =	vst v1;
	v1 =	vshrl.u32 v56, $0x3  }
0x51: {  	[tilespmem:$0x720] =	vst v1;
	v1 =	vshrl.u32 v2, $0x3;
	v2 =	vld [tilespmem:$0x380]  }
0x52: {  	[tilespmem:$0x730] =	vst v1;
	v1 =	vshrl.u32 v3, $0x3;
	v3 =	vld [tilespmem:$0x390]  }
0x53: {  	v60 =	vld [tilespmem:$0x3A0];
	[tilespmem:$0x740] =	vst v1;
	v1 =	vshrl.u32 v57, $0x3  }
0x54: {  	v61 =	vld [tilespmem:$0x3B0];
	[tilespmem:$0x750] =	vst v1;
	v1 =	vshrl.u32 v58, $0x3  }
0x55: {  	v62 =	vld [tilespmem:$0x3C0];
	[tilespmem:$0x760] =	vst v1;
	v1 =	vshrl.u32 v59, $0x3  }
0x56: {  	[tilespmem:$0x770] =	vst v1;
	v1 =	vshrl.u32 v2, $0x3;
	v2 =	vld [tilespmem:$0x3D0]  }
0x57: {  	[tilespmem:$0x780] =	vst v1;
	v1 =	vshrl.u32 v3, $0x3;
	v3 =	vld [tilespmem:$0x3E0]  }
0x58: {  	v63 =	vld [tilespmem:$0x3F0];
	[tilespmem:$0x790] =	vst v1;
	v1 =	vshrl.u32 v60, $0x3  }
0x59: {  	[tilespmem:$0x7A0] =	vst v1;
	v1 =	vshrl.u32 v61, $0x3  }
0x5a: {  	[tilespmem:$0x7B0] =	vst v1;
	v1 =	vshrl.u32 v62, $0x3  }
0x5b: {  	[tilespmem:$0x7C0] =	vst v1;
	v1 =	vshrl.u32 v2, $0x3  }
0x5c: {  	[tilespmem:$0x7D0] =	vst v1;
	v1 =	vshrl.u32 v3, $0x3  }
0x5d: {  	[tilespmem:$0x7E0] =	vst v1;
	v1 =	vshrl.u32 v63, $0x3  }
0x5e: {  	[tilespmem:$0x7F0] =	vst v1  }
0x5f: {  	[tilespmem:s14], [sflag:$0x1] =	stream.indirect.gather [hbm4b:s3+s12], $0x80, s13, s12, $0xb8;
	[tilespmem:$0xC800] =	vst v63  }
0x60: {  	_ =	swait.ge [sflag:s15], $0x4000  }
0x61: {  	[sflag:s15] =	ssyncset.done $0x0  }
0x62: {  	s30 =	simm.s32 $0x0;
	[sflag:s15] =	ssyncadd.s32 $0xFFFFC000  }
0x63: {  	[tilespmem:s17], [sflag:$0x1] =	stream.indirect.gather [hbm4b:s3+s12], $0x80, s16, s12, $0xb8;
	[tilespmem:$0xC800] =	vst v63  }
.LBB2_2:
0x64: {  	s31 =	sshll.u32 s30, $0x4  }
0x65: {  	v1 =	vld [tilespmem:s31+$0x0];
	_ =	sdelay $0x3  }
0x66: {  	v2 =	vmov s31  }
0x67: {  	v2 =	vshll.u32 v2, $0x7;
	v1 =	vshll.u32 v1, $0x4  }
0x68: {  	s0 =	sadd.s32 $0x8800, s31;
	v2 =	vor.u32 v0, v2;
	v1 =	vand.u32 $0x70, v1  }
0x69: {  	p0 =	por $0x1, $0x1;
	s31 =	simm.s32 $0x0;
	v1 =	vor.u32 v2, v1;
	v2 =	vmov s0  }
.LBB2_3:
0x6a: {  	v3 =	vor.u32 s31, v1;
	s0 =	sor.u32 $0x1, s31  }
0x6b: {  	v4 =	vor.u32 s0, v1;
	s0 =	sor.u32 $0x2, s31  }
0x6c: {  	v5 =	vor.u32 s0, v1;
	s0 =	sor.u32 $0x3, s31  }
0x6d: {  	v6 =	vor.u32 s0, v1;
	s0 =	sor.u32 $0x4, s31  }
0x6e: {  	v7 =	vor.u32 s0, v1;
	s0 =	sor.u32 $0x5, s31  }
0x6f: {  	v3 =	vld.idx.msk [tilespmem:v3+s14+$0x0], $0xffff;
	v8 =	vor.u32 s0, v1;
	s0 =	sor.u32 $0x6, s31  }
0x70: {  	v4 =	vld.idx.msk [tilespmem:v4+s14+$0x0], $0xffff;
	v9 =	vor.u32 s0, v1;
	s0 =	sor.u32 $0x7, s31  }
0x71: {  	v5 =	vld.idx.msk [tilespmem:v5+s14+$0x0], $0xffff;
	v10 =	vor.u32 s0, v1  }
0x72: {  	s0 =	sshll.u32 s31, $0x9;
	v6 =	vld.idx.msk [tilespmem:v6+s14+$0x0], $0xffff  }
0x73: {  	s0 =	sand.u32 $0x3FFFFE00, s0;
	v7 =	vld.idx.msk [tilespmem:v7+s14+$0x0], $0xffff  }
0x74: {  	[tilespmem:v2+s0+$0x0 ss:$0x1] =	vst.idx.msk $0xffff, v3;
	v3 =	vld.idx.msk [tilespmem:v8+s14+$0x0], $0xffff  }
0x75: {  	[tilespmem:v2+s0+$0x80 ss:$0x1] =	vst.idx.msk $0xffff, v4;
	v62 =	vld.idx.msk [tilespmem:v9+s14+$0x0], $0xffff  }
0x76: {  	p1 =	por p0, p0;
	[tilespmem:v2+s0+$0x100 ss:$0x1] =	vst.idx.msk $0xffff, v5;
	v63 =	vld.idx.msk [tilespmem:v10+s14+$0x0], $0xffff  }
.Ltmp0:
0x77: {  	[tilespmem:v2+s0+$0x180 ss:$0x1] =	vst.idx.msk $0xffff, v6;
	(pc) =	sbr.rel @p1 .LBB2_3-.Ltmp0, $4  }
0x78: {  	[tilespmem:v2+s0+$0x200 ss:$0x1] =	vst.idx.msk $0xffff, v7  }
0x79: {  	[tilespmem:v2+s0+$0x280 ss:$0x1] =	vst.idx.msk $0xffff, v3  }
0x7a: {  	[tilespmem:v2+s0+$0x300 ss:$0x1] =	vst.idx.msk $0xffff, v62  }
0x7b: {  	p0 =	por $0x0, $0x0;
	s31 =	simm.s32 $0x8;
	[tilespmem:v2+s0+$0x380 ss:$0x1] =	vst.idx.msk $0xffff, v63  }
0x7c: {  	s30 =	sadd.s32 $0x1, s30  }
0x7d: {  	p0 =	sne.s32 s30, $0x8  }
.Ltmp1:
0x7e: {  	_ = 	snop;
	(pc) =	sbr.rel @p0 .LBB2_2-.Ltmp1, $1  }
0x7f: {  	_ =	sdelay $0x3  }
0x80: {  	_ =	swait.ge [sflag:s15], $0x4000  }
0x81: {  	[sflag:s15] =	ssyncset.done $0x0  }
0x82: {  	s30 =	simm.s32 $0x0;
	[sflag:s15] =	ssyncadd.s32 $0xFFFFC000  }
0x83: {  	[tilespmem:s14], [sflag:$0x1] =	stream.indirect.gather [hbm4b:s3+s12], $0x80, s18, s12, $0xb8;
	[tilespmem:$0xC800] =	vst v63  }
.LBB2_6:
0x84: {  	s0 =	sshll.u32 s30, $0x4  }
0x85: {  	v2 =	vld [tilespmem:s0+$0x80];
	_ =	sdelay $0x3  }
0x86: {  	v1 =	vmov s0  }
0x87: {  	v3 =	vshll.u32 v1, $0x7;
	v2 =	vshll.u32 v2, $0x4  }
0x88: {  	v3 =	vor.u32 v0, v3;
	v2 =	vand.u32 $0x70, v2  }
0x89: {  	p0 =	por $0x1, $0x1;
	s31 =	simm.s32 $0x0;
	v2 =	vor.u32 v3, v2  }
.LBB2_7:
0x8a: {  	v3 =	vor.u32 s31, v2;
	s0 =	sor.u32 $0x1, s31  }
0x8b: {  	v4 =	vor.u32 s0, v2;
	s0 =	sor.u32 $0x2, s31  }
0x8c: {  	v5 =	vor.u32 s0, v2;
	s0 =	sor.u32 $0x3, s31  }
0x8d: {  	v6 =	vor.u32 s0, v2;
	s0 =	sor.u32 $0x4, s31  }
0x8e: {  	v7 =	vor.u32 s0, v2;
	s0 =	sor.u32 $0x5, s31  }
0x8f: {  	v3 =	vld.idx.msk [tilespmem:v3+s17+$0x0], $0xffff;
	v8 =	vor.u32 s0, v2;
	s0 =	sor.u32 $0x6, s31  }
0x90: {  	v4 =	vld.idx.msk [tilespmem:v4+s17+$0x0], $0xffff;
	v9 =	vor.u32 s0, v2;
	s0 =	sor.u32 $0x7, s31  }
0x91: {  	v5 =	vld.idx.msk [tilespmem:v5+s17+$0x0], $0xffff;
	v10 =	vor.u32 s0, v2  }
0x92: {  	s0 =	sshll.u32 s31, $0x9;
	v6 =	vld.idx.msk [tilespmem:v6+s17+$0x0], $0xffff  }
0x93: {  	s0 =	sand.u32 $0x3FFFFE00, s0;
	v7 =	vld.idx.msk [tilespmem:v7+s17+$0x0], $0xffff  }
0x94: {  	[tilespmem:v1+s0+$0x8C00 ss:$0x1] =	vst.idx.msk $0xffff, v3;
	v3 =	vld.idx.msk [tilespmem:v8+s17+$0x0], $0xffff  }
0x95: {  	[tilespmem:v1+s0+$0x8C80 ss:$0x1] =	vst.idx.msk $0xffff, v4;
	v62 =	vld.idx.msk [tilespmem:v9+s17+$0x0], $0xffff  }
0x96: {  	p1 =	por p0, p0;
	[tilespmem:v1+s0+$0x8D00 ss:$0x1] =	vst.idx.msk $0xffff, v5;
	v63 =	vld.idx.msk [tilespmem:v10+s17+$0x0], $0xffff  }
.Ltmp2:
0x97: {  	[tilespmem:v1+s0+$0x8D80 ss:$0x1] =	vst.idx.msk $0xffff, v6;
	(pc) =	sbr.rel @p1 .LBB2_7-.Ltmp2, $4  }
0x98: {  	[tilespmem:v1+s0+$0x8E00 ss:$0x1] =	vst.idx.msk $0xffff, v7  }
0x99: {  	[tilespmem:v1+s0+$0x8E80 ss:$0x1] =	vst.idx.msk $0xffff, v3  }
0x9a: {  	[tilespmem:v1+s0+$0x8F00 ss:$0x1] =	vst.idx.msk $0xffff, v62  }
0x9b: {  	p0 =	por $0x0, $0x0;
	s31 =	simm.s32 $0x8;
	[tilespmem:v1+s0+$0x8F80 ss:$0x1] =	vst.idx.msk $0xffff, v63  }
0x9c: {  	s30 =	sadd.s32 $0x1, s30  }
0x9d: {  	p0 =	sne.s32 s30, $0x8  }
.Ltmp3:
0x9e: {  	_ = 	snop;
	(pc) =	sbr.rel @p0 .LBB2_6-.Ltmp3, $1  }
0x9f: {  	_ =	sdelay $0x3  }
0xa0: {  	_ =	swait.ge [sflag:s15], $0x4000  }
0xa1: {  	[sflag:s15] =	ssyncset.done $0x0  }
0xa2: {  	s30 =	simm.s32 $0x0;
	[sflag:s15] =	ssyncadd.s32 $0xFFFFC000  }
0xa3: {  	[tilespmem:s17], [sflag:$0x1] =	stream.indirect.gather [hbm4b:s3+s12], $0x80, s19, s12, $0xb8;
	[tilespmem:$0xC800] =	vst v63  }
.LBB2_10:
0xa4: {  	s0 =	sshll.u32 s30, $0x4  }
0xa5: {  	v2 =	vld [tilespmem:s0+$0x100];
	_ =	sdelay $0x3  }
0xa6: {  	v1 =	vmov s0  }
0xa7: {  	v3 =	vshll.u32 v1, $0x7;
	v2 =	vshll.u32 v2, $0x4  }
0xa8: {  	v3 =	vor.u32 v0, v3;
	v2 =	vand.u32 $0x70, v2  }
0xa9: {  	p0 =	por $0x1, $0x1;
	s31 =	simm.s32 $0x0;
	v2 =	vor.u32 v3, v2  }
.LBB2_11:
0xaa: {  	v3 =	vor.u32 s31, v2;
	s0 =	sor.u32 $0x1, s31  }
0xab: {  	v4 =	vor.u32 s0, v2;
	s0 =	sor.u32 $0x2, s31  }
0xac: {  	v5 =	vor.u32 s0, v2;
	s0 =	sor.u32 $0x3, s31  }
0xad: {  	v6 =	vor.u32 s0, v2;
	s0 =	sor.u32 $0x4, s31  }
0xae: {  	v7 =	vor.u32 s0, v2;
	s0 =	sor.u32 $0x5, s31  }
0xaf: {  	v3 =	vld.idx.msk [tilespmem:v3+s14+$0x0], $0xffff;
	v8 =	vor.u32 s0, v2;
	s0 =	sor.u32 $0x6, s31  }
0xb0: {  	v4 =	vld.idx.msk [tilespmem:v4+s14+$0x0], $0xffff;
	v9 =	vor.u32 s0, v2;
	s0 =	sor.u32 $0x7, s31  }
0xb1: {  	v5 =	vld.idx.msk [tilespmem:v5+s14+$0x0], $0xffff;
	v10 =	vor.u32 s0, v2  }
0xb2: {  	s0 =	sshll.u32 s31, $0x9;
	v6 =	vld.idx.msk [tilespmem:v6+s14+$0x0], $0xffff  }
0xb3: {  	s0 =	sand.u32 $0x3FFFFE00, s0;
	v7 =	vld.idx.msk [tilespmem:v7+s14+$0x0], $0xffff  }
0xb4: {  	[tilespmem:v1+s0+$0x9000 ss:$0x1] =	vst.idx.msk $0xffff, v3;
	v3 =	vld.idx.msk [tilespmem:v8+s14+$0x0], $0xffff  }
0xb5: {  	[tilespmem:v1+s0+$0x9080 ss:$0x1] =	vst.idx.msk $0xffff, v4;
	v62 =	vld.idx.msk [tilespmem:v9+s14+$0x0], $0xffff  }
0xb6: {  	p1 =	por p0, p0;
	[tilespmem:v1+s0+$0x9100 ss:$0x1] =	vst.idx.msk $0xffff, v5;
	v63 =	vld.idx.msk [tilespmem:v10+s14+$0x0], $0xffff  }
.Ltmp4:
0xb7: {  	[tilespmem:v1+s0+$0x9180 ss:$0x1] =	vst.idx.msk $0xffff, v6;
	(pc) =	sbr.rel @p1 .LBB2_11-.Ltmp4, $4  }
0xb8: {  	[tilespmem:v1+s0+$0x9200 ss:$0x1] =	vst.idx.msk $0xffff, v7  }
0xb9: {  	[tilespmem:v1+s0+$0x9280 ss:$0x1] =	vst.idx.msk $0xffff, v3  }
0xba: {  	[tilespmem:v1+s0+$0x9300 ss:$0x1] =	vst.idx.msk $0xffff, v62  }
0xbb: {  	p0 =	por $0x0, $0x0;
	s31 =	simm.s32 $0x8;
	[tilespmem:v1+s0+$0x9380 ss:$0x1] =	vst.idx.msk $0xffff, v63  }
0xbc: {  	s30 =	sadd.s32 $0x1, s30  }
0xbd: {  	p0 =	sne.s32 s30, $0x8  }
.Ltmp5:
0xbe: {  	_ = 	snop;
	(pc) =	sbr.rel @p0 .LBB2_10-.Ltmp5, $1  }
0xbf: {  	_ =	sdelay $0x3  }
0xc0: {  	_ =	swait.ge [sflag:s15], $0x4000  }
0xc1: {  	[sflag:s15] =	ssyncset.done $0x0  }
0xc2: {  	s30 =	simm.s32 $0x0;
	[sflag:s15] =	ssyncadd.s32 $0xFFFFC000  }
0xc3: {  	[tilespmem:s14], [sflag:$0x1] =	stream.indirect.gather [hbm4b:s4+s12], $0x80, s20, s12, $0xb8;
	[tilespmem:$0xC800] =	vst v63  }
.LBB2_14:
0xc4: {  	s0 =	sshll.u32 s30, $0x4  }
0xc5: {  	v2 =	vld [tilespmem:s0+$0x180];
	_ =	sdelay $0x3  }
0xc6: {  	v1 =	vmov s0  }
0xc7: {  	v3 =	vshll.u32 v1, $0x7;
	v2 =	vshll.u32 v2, $0x4  }
0xc8: {  	v3 =	vor.u32 v0, v3;
	v2 =	vand.u32 $0x70, v2  }
0xc9: {  	p0 =	por $0x1, $0x1;
	s31 =	simm.s32 $0x0;
	v2 =	vor.u32 v3, v2  }
.LBB2_15:
0xca: {  	v3 =	vor.u32 s31, v2;
	s0 =	sor.u32 $0x1, s31  }
0xcb: {  	v4 =	vor.u32 s0, v2;
	s0 =	sor.u32 $0x2, s31  }
0xcc: {  	v5 =	vor.u32 s0, v2;
	s0 =	sor.u32 $0x3, s31  }
0xcd: {  	v6 =	vor.u32 s0, v2;
	s0 =	sor.u32 $0x4, s31  }
0xce: {  	v7 =	vor.u32 s0, v2;
	s0 =	sor.u32 $0x5, s31  }
0xcf: {  	v3 =	vld.idx.msk [tilespmem:v3+s17+$0x0], $0xffff;
	v8 =	vor.u32 s0, v2;
	s0 =	sor.u32 $0x6, s31  }
0xd0: {  	v4 =	vld.idx.msk [tilespmem:v4+s17+$0x0], $0xffff;
	v9 =	vor.u32 s0, v2;
	s0 =	sor.u32 $0x7, s31  }
0xd1: {  	v5 =	vld.idx.msk [tilespmem:v5+s17+$0x0], $0xffff;
	v10 =	vor.u32 s0, v2  }
0xd2: {  	s0 =	sshll.u32 s31, $0x9;
	v6 =	vld.idx.msk [tilespmem:v6+s17+$0x0], $0xffff  }
0xd3: {  	s0 =	sand.u32 $0x3FFFFE00, s0;
	v7 =	vld.idx.msk [tilespmem:v7+s17+$0x0], $0xffff  }
0xd4: {  	[tilespmem:v1+s0+$0x9400 ss:$0x1] =	vst.idx.msk $0xffff, v3;
	v3 =	vld.idx.msk [tilespmem:v8+s17+$0x0], $0xffff  }
0xd5: {  	[tilespmem:v1+s0+$0x9480 ss:$0x1] =	vst.idx.msk $0xffff, v4;
	v62 =	vld.idx.msk [tilespmem:v9+s17+$0x0], $0xffff  }
0xd6: {  	p1 =	por p0, p0;
	[tilespmem:v1+s0+$0x9500 ss:$0x1] =	vst.idx.msk $0xffff, v5;
	v63 =	vld.idx.msk [tilespmem:v10+s17+$0x0], $0xffff  }
.Ltmp6:
0xd7: {  	[tilespmem:v1+s0+$0x9580 ss:$0x1] =	vst.idx.msk $0xffff, v6;
	(pc) =	sbr.rel @p1 .LBB2_15-.Ltmp6, $4  }
0xd8: {  	[tilespmem:v1+s0+$0x9600 ss:$0x1] =	vst.idx.msk $0xffff, v7  }
0xd9: {  	[tilespmem:v1+s0+$0x9680 ss:$0x1] =	vst.idx.msk $0xffff, v3  }
0xda: {  	[tilespmem:v1+s0+$0x9700 ss:$0x1] =	vst.idx.msk $0xffff, v62  }
0xdb: {  	p0 =	por $0x0, $0x0;
	s31 =	simm.s32 $0x8;
	[tilespmem:v1+s0+$0x9780 ss:$0x1] =	vst.idx.msk $0xffff, v63  }
0xdc: {  	s30 =	sadd.s32 $0x1, s30  }
0xdd: {  	p0 =	sne.s32 s30, $0x8  }
.Ltmp7:
0xde: {  	_ = 	snop;
	(pc) =	sbr.rel @p0 .LBB2_14-.Ltmp7, $1  }
0xdf: {  	_ =	sdelay $0x3  }
0xe0: {  	_ =	swait.ge [sflag:s15], $0x4000  }
0xe1: {  	[sflag:s15] =	ssyncset.done $0x0  }
0xe2: {  	s30 =	simm.s32 $0x0;
	[sflag:s15] =	ssyncadd.s32 $0xFFFFC000  }
0xe3: {  	[tilespmem:s17], [sflag:$0x1] =	stream.indirect.gather [hbm4b:s4+s12], $0x80, s21, s12, $0xb8;
	[tilespmem:$0xC800] =	vst v63  }
.LBB2_18:
0xe4: {  	s0 =	sshll.u32 s30, $0x4  }
0xe5: {  	v1 =	vld [tilespmem:s0+$0x200];
	_ =	sdelay $0x3  }
0xe6: {  	v2 =	vmov s0  }
0xe7: {  	v2 =	vshll.u32 v2, $0x7;
	v1 =	vshll.u32 v1, $0x4  }
0xe8: {  	s0 =	sadd.s32 $0xA800, s0;
	v2 =	vor.u32 v0, v2;
	v1 =	vand.u32 $0x70, v1  }
0xe9: {  	p0 =	por $0x1, $0x1;
	s31 =	simm.s32 $0x0;
	v1 =	vor.u32 v2, v1;
	v2 =	vmov s0  }
.LBB2_19:
0xea: {  	v3 =	vor.u32 s31, v1;
	s0 =	sor.u32 $0x1, s31  }
0xeb: {  	v4 =	vor.u32 s0, v1;
	s0 =	sor.u32 $0x2, s31  }
0xec: {  	v5 =	vor.u32 s0, v1;
	s0 =	sor.u32 $0x3, s31  }
0xed: {  	v6 =	vor.u32 s0, v1;
	s0 =	sor.u32 $0x4, s31  }
0xee: {  	v7 =	vor.u32 s0, v1;
	s0 =	sor.u32 $0x5, s31  }
0xef: {  	v3 =	vld.idx.msk [tilespmem:v3+s14+$0x0], $0xffff;
	v8 =	vor.u32 s0, v1;
	s0 =	sor.u32 $0x6, s31  }
0xf0: {  	v4 =	vld.idx.msk [tilespmem:v4+s14+$0x0], $0xffff;
	v9 =	vor.u32 s0, v1;
	s0 =	sor.u32 $0x7, s31  }
0xf1: {  	v5 =	vld.idx.msk [tilespmem:v5+s14+$0x0], $0xffff;
	v10 =	vor.u32 s0, v1  }
0xf2: {  	s0 =	sshll.u32 s31, $0x9;
	v6 =	vld.idx.msk [tilespmem:v6+s14+$0x0], $0xffff  }
0xf3: {  	s0 =	sand.u32 $0x3FFFFE00, s0;
	v7 =	vld.idx.msk [tilespmem:v7+s14+$0x0], $0xffff  }
0xf4: {  	[tilespmem:v2+s0+$0x0 ss:$0x1] =	vst.idx.msk $0xffff, v3;
	v3 =	vld.idx.msk [tilespmem:v8+s14+$0x0], $0xffff  }
0xf5: {  	[tilespmem:v2+s0+$0x80 ss:$0x1] =	vst.idx.msk $0xffff, v4;
	v62 =	vld.idx.msk [tilespmem:v9+s14+$0x0], $0xffff  }
0xf6: {  	p1 =	por p0, p0;
	[tilespmem:v2+s0+$0x100 ss:$0x1] =	vst.idx.msk $0xffff, v5;
	v63 =	vld.idx.msk [tilespmem:v10+s14+$0x0], $0xffff  }
.Ltmp8:
0xf7: {  	[tilespmem:v2+s0+$0x180 ss:$0x1] =	vst.idx.msk $0xffff, v6;
	(pc) =	sbr.rel @p1 .LBB2_19-.Ltmp8, $4  }
0xf8: {  	[tilespmem:v2+s0+$0x200 ss:$0x1] =	vst.idx.msk $0xffff, v7  }
0xf9: {  	[tilespmem:v2+s0+$0x280 ss:$0x1] =	vst.idx.msk $0xffff, v3  }
0xfa: {  	[tilespmem:v2+s0+$0x300 ss:$0x1] =	vst.idx.msk $0xffff, v62  }
0xfb: {  	p0 =	por $0x0, $0x0;
	s31 =	simm.s32 $0x8;
	[tilespmem:v2+s0+$0x380 ss:$0x1] =	vst.idx.msk $0xffff, v63  }
0xfc: {  	s30 =	sadd.s32 $0x1, s30  }
0xfd: {  	p0 =	sne.s32 s30, $0x8  }
.Ltmp9:
0xfe: {  	_ = 	snop;
	(pc) =	sbr.rel @p0 .LBB2_18-.Ltmp9, $1  }
0xff: {  	_ =	sdelay $0x3  }
0x100: {  	_ =	swait.ge [sflag:s15], $0x4000  }
0x101: {  	[sflag:s15] =	ssyncset.done $0x0  }
0x102: {  	s30 =	simm.s32 $0x0;
	[sflag:s15] =	ssyncadd.s32 $0xFFFFC000  }
0x103: {  	[tilespmem:s14], [sflag:$0x1] =	stream.indirect.gather [hbm4b:s4+s12], $0x80, s22, s12, $0xb8;
	[tilespmem:$0xC800] =	vst v63  }
.LBB2_22:
0x104: {  	s0 =	sshll.u32 s30, $0x4  }
0x105: {  	v2 =	vld [tilespmem:s0+$0x280];
	_ =	sdelay $0x3  }
0x106: {  	v1 =	vmov s0  }
0x107: {  	v3 =	vshll.u32 v1, $0x7;
	v2 =	vshll.u32 v2, $0x4  }
0x108: {  	v3 =	vor.u32 v0, v3;
	v2 =	vand.u32 $0x70, v2  }
0x109: {  	p0 =	por $0x1, $0x1;
	s31 =	simm.s32 $0x0;
	v2 =	vor.u32 v3, v2  }
.LBB2_23:
0x10a: {  	v3 =	vor.u32 s31, v2;
	s0 =	sor.u32 $0x1, s31  }
0x10b: {  	v4 =	vor.u32 s0, v2;
	s0 =	sor.u32 $0x2, s31  }
0x10c: {  	v5 =	vor.u32 s0, v2;
	s0 =	sor.u32 $0x3, s31  }
0x10d: {  	v6 =	vor.u32 s0, v2;
	s0 =	sor.u32 $0x4, s31  }
0x10e: {  	v7 =	vor.u32 s0, v2;
	s0 =	sor.u32 $0x5, s31  }
0x10f: {  	v3 =	vld.idx.msk [tilespmem:v3+s17+$0x0], $0xffff;
	v8 =	vor.u32 s0, v2;
	s0 =	sor.u32 $0x6, s31  }
0x110: {  	v4 =	vld.idx.msk [tilespmem:v4+s17+$0x0], $0xffff;
	v9 =	vor.u32 s0, v2;
	s0 =	sor.u32 $0x7, s31  }
0x111: {  	v5 =	vld.idx.msk [tilespmem:v5+s17+$0x0], $0xffff;
	v10 =	vor.u32 s0, v2  }
0x112: {  	s0 =	sshll.u32 s31, $0x9;
	v6 =	vld.idx.msk [tilespmem:v6+s17+$0x0], $0xffff  }
0x113: {  	s0 =	sand.u32 $0x3FFFFE00, s0;
	v7 =	vld.idx.msk [tilespmem:v7+s17+$0x0], $0xffff  }
0x114: {  	[tilespmem:v1+s0+$0xAC00 ss:$0x1] =	vst.idx.msk $0xffff, v3;
	v3 =	vld.idx.msk [tilespmem:v8+s17+$0x0], $0xffff  }
0x115: {  	[tilespmem:v1+s0+$0xAC80 ss:$0x1] =	vst.idx.msk $0xffff, v4;
	v62 =	vld.idx.msk [tilespmem:v9+s17+$0x0], $0xffff  }
0x116: {  	p1 =	por p0, p0;
	[tilespmem:v1+s0+$0xAD00 ss:$0x1] =	vst.idx.msk $0xffff, v5;
	v63 =	vld.idx.msk [tilespmem:v10+s17+$0x0], $0xffff  }
.Ltmp10:
0x117: {  	[tilespmem:v1+s0+$0xAD80 ss:$0x1] =	vst.idx.msk $0xffff, v6;
	(pc) =	sbr.rel @p1 .LBB2_23-.Ltmp10, $4  }
0x118: {  	[tilespmem:v1+s0+$0xAE00 ss:$0x1] =	vst.idx.msk $0xffff, v7  }
0x119: {  	[tilespmem:v1+s0+$0xAE80 ss:$0x1] =	vst.idx.msk $0xffff, v3  }
0x11a: {  	[tilespmem:v1+s0+$0xAF00 ss:$0x1] =	vst.idx.msk $0xffff, v62  }
0x11b: {  	p0 =	por $0x0, $0x0;
	s31 =	simm.s32 $0x8;
	[tilespmem:v1+s0+$0xAF80 ss:$0x1] =	vst.idx.msk $0xffff, v63  }
0x11c: {  	s30 =	sadd.s32 $0x1, s30  }
0x11d: {  	p0 =	sne.s32 s30, $0x8  }
.Ltmp11:
0x11e: {  	_ = 	snop;
	(pc) =	sbr.rel @p0 .LBB2_22-.Ltmp11, $1  }
0x11f: {  	_ =	sdelay $0x3  }
0x120: {  	_ =	swait.ge [sflag:s15], $0x4000  }
0x121: {  	[sflag:s15] =	ssyncset.done $0x0  }
0x122: {  	s30 =	simm.s32 $0x0;
	[sflag:s15] =	ssyncadd.s32 $0xFFFFC000  }
0x123: {  	[tilespmem:s17], [sflag:$0x1] =	stream.indirect.gather [hbm4b:s4+s12], $0x80, s23, s12, $0xb8;
	[tilespmem:$0xC800] =	vst v63  }
.LBB2_26:
0x124: {  	s0 =	sshll.u32 s30, $0x4  }
0x125: {  	v2 =	vld [tilespmem:s0+$0x300];
	_ =	sdelay $0x3  }
0x126: {  	v1 =	vmov s0  }
0x127: {  	v3 =	vshll.u32 v1, $0x7;
	v2 =	vshll.u32 v2, $0x4  }
0x128: {  	v3 =	vor.u32 v0, v3;
	v2 =	vand.u32 $0x70, v2  }
0x129: {  	p0 =	por $0x1, $0x1;
	s31 =	simm.s32 $0x0;
	v2 =	vor.u32 v3, v2  }
.LBB2_27:
0x12a: {  	v3 =	vor.u32 s31, v2;
	s0 =	sor.u32 $0x1, s31  }
0x12b: {  	v4 =	vor.u32 s0, v2;
	s0 =	sor.u32 $0x2, s31  }
0x12c: {  	v5 =	vor.u32 s0, v2;
	s0 =	sor.u32 $0x3, s31  }
0x12d: {  	v6 =	vor.u32 s0, v2;
	s0 =	sor.u32 $0x4, s31  }
0x12e: {  	v7 =	vor.u32 s0, v2;
	s0 =	sor.u32 $0x5, s31  }
0x12f: {  	v3 =	vld.idx.msk [tilespmem:v3+s14+$0x0], $0xffff;
	v8 =	vor.u32 s0, v2;
	s0 =	sor.u32 $0x6, s31  }
0x130: {  	v4 =	vld.idx.msk [tilespmem:v4+s14+$0x0], $0xffff;
	v9 =	vor.u32 s0, v2;
	s0 =	sor.u32 $0x7, s31  }
0x131: {  	v5 =	vld.idx.msk [tilespmem:v5+s14+$0x0], $0xffff;
	v10 =	vor.u32 s0, v2  }
0x132: {  	s0 =	sshll.u32 s31, $0x9;
	v6 =	vld.idx.msk [tilespmem:v6+s14+$0x0], $0xffff  }
0x133: {  	s0 =	sand.u32 $0x3FFFFE00, s0;
	v7 =	vld.idx.msk [tilespmem:v7+s14+$0x0], $0xffff  }
0x134: {  	[tilespmem:v1+s0+$0xB000 ss:$0x1] =	vst.idx.msk $0xffff, v3;
	v3 =	vld.idx.msk [tilespmem:v8+s14+$0x0], $0xffff  }
0x135: {  	[tilespmem:v1+s0+$0xB080 ss:$0x1] =	vst.idx.msk $0xffff, v4;
	v62 =	vld.idx.msk [tilespmem:v9+s14+$0x0], $0xffff  }
0x136: {  	p1 =	por p0, p0;
	[tilespmem:v1+s0+$0xB100 ss:$0x1] =	vst.idx.msk $0xffff, v5;
	v63 =	vld.idx.msk [tilespmem:v10+s14+$0x0], $0xffff  }
.Ltmp12:
0x137: {  	[tilespmem:v1+s0+$0xB180 ss:$0x1] =	vst.idx.msk $0xffff, v6;
	(pc) =	sbr.rel @p1 .LBB2_27-.Ltmp12, $4  }
0x138: {  	[tilespmem:v1+s0+$0xB200 ss:$0x1] =	vst.idx.msk $0xffff, v7  }
0x139: {  	[tilespmem:v1+s0+$0xB280 ss:$0x1] =	vst.idx.msk $0xffff, v3  }
0x13a: {  	[tilespmem:v1+s0+$0xB300 ss:$0x1] =	vst.idx.msk $0xffff, v62  }
0x13b: {  	p0 =	por $0x0, $0x0;
	s31 =	simm.s32 $0x8;
	[tilespmem:v1+s0+$0xB380 ss:$0x1] =	vst.idx.msk $0xffff, v63  }
0x13c: {  	s30 =	sadd.s32 $0x1, s30  }
0x13d: {  	p0 =	sne.s32 s30, $0x8  }
.Ltmp13:
0x13e: {  	_ = 	snop;
	(pc) =	sbr.rel @p0 .LBB2_26-.Ltmp13, $1  }
0x13f: {  	_ =	sdelay $0x3  }
0x140: {  	_ =	swait.ge [sflag:s15], $0x4000  }
0x141: {  	[sflag:s15] =	ssyncset.done $0x0  }
0x142: {  	s30 =	simm.s32 $0x0;
	[sflag:s15] =	ssyncadd.s32 $0xFFFFC000  }
.LBB2_30:
0x143: {  	s0 =	sshll.u32 s30, $0x4  }
0x144: {  	v2 =	vld [tilespmem:s0+$0x380];
	_ =	sdelay $0x3  }
0x145: {  	v1 =	vmov s0  }
0x146: {  	v3 =	vshll.u32 v1, $0x7;
	v2 =	vshll.u32 v2, $0x4  }
0x147: {  	v3 =	vor.u32 v0, v3;
	v2 =	vand.u32 $0x70, v2  }
0x148: {  	p0 =	por $0x1, $0x1;
	s31 =	simm.s32 $0x0;
	v2 =	vor.u32 v3, v2  }
.LBB2_31:
0x149: {  	v3 =	vor.u32 s31, v2;
	s0 =	sor.u32 $0x1, s31  }
0x14a: {  	v4 =	vor.u32 s0, v2;
	s0 =	sor.u32 $0x2, s31  }
0x14b: {  	v5 =	vor.u32 s0, v2;
	s0 =	sor.u32 $0x3, s31  }
0x14c: {  	v6 =	vor.u32 s0, v2;
	s0 =	sor.u32 $0x4, s31  }
0x14d: {  	v7 =	vor.u32 s0, v2;
	s0 =	sor.u32 $0x5, s31  }
0x14e: {  	v3 =	vld.idx.msk [tilespmem:v3+s17+$0x0], $0xffff;
	v8 =	vor.u32 s0, v2;
	s0 =	sor.u32 $0x6, s31  }
0x14f: {  	v4 =	vld.idx.msk [tilespmem:v4+s17+$0x0], $0xffff;
	v9 =	vor.u32 s0, v2;
	s0 =	sor.u32 $0x7, s31  }
0x150: {  	v5 =	vld.idx.msk [tilespmem:v5+s17+$0x0], $0xffff;
	v10 =	vor.u32 s0, v2  }
0x151: {  	s0 =	sshll.u32 s31, $0x9;
	v6 =	vld.idx.msk [tilespmem:v6+s17+$0x0], $0xffff  }
0x152: {  	s0 =	sand.u32 $0x3FFFFE00, s0;
	v7 =	vld.idx.msk [tilespmem:v7+s17+$0x0], $0xffff  }
0x153: {  	[tilespmem:v1+s0+$0xB400 ss:$0x1] =	vst.idx.msk $0xffff, v3;
	v3 =	vld.idx.msk [tilespmem:v8+s17+$0x0], $0xffff  }
0x154: {  	[tilespmem:v1+s0+$0xB480 ss:$0x1] =	vst.idx.msk $0xffff, v4;
	v62 =	vld.idx.msk [tilespmem:v9+s17+$0x0], $0xffff  }
0x155: {  	p1 =	por p0, p0;
	[tilespmem:v1+s0+$0xB500 ss:$0x1] =	vst.idx.msk $0xffff, v5;
	v63 =	vld.idx.msk [tilespmem:v10+s17+$0x0], $0xffff  }
.Ltmp14:
0x156: {  	[tilespmem:v1+s0+$0xB580 ss:$0x1] =	vst.idx.msk $0xffff, v6;
	(pc) =	sbr.rel @p1 .LBB2_31-.Ltmp14, $4  }
0x157: {  	[tilespmem:v1+s0+$0xB600 ss:$0x1] =	vst.idx.msk $0xffff, v7  }
0x158: {  	[tilespmem:v1+s0+$0xB680 ss:$0x1] =	vst.idx.msk $0xffff, v3  }
0x159: {  	[tilespmem:v1+s0+$0xB700 ss:$0x1] =	vst.idx.msk $0xffff, v62  }
0x15a: {  	p0 =	por $0x0, $0x0;
	s31 =	simm.s32 $0x8;
	[tilespmem:v1+s0+$0xB780 ss:$0x1] =	vst.idx.msk $0xffff, v63  }
0x15b: {  	s30 =	sadd.s32 $0x1, s30  }
0x15c: {  	p0 =	sne.s32 s30, $0x8  }
.Ltmp15:
0x15d: {  	_ = 	snop;
	(pc) =	sbr.rel @p0 .LBB2_30-.Ltmp15, $1  }
0x15e: {  	_ =	sdelay $0x3  }
0x15f: {  	[hbm4b:s7+s24] =	stream.strided.scatter [tilespmem:s26], [sflag:$0x2], $0x2000, s25, s24, $0x38;
	[tilespmem:$0xC800] =	vst v63  }
0x160: {  	s29 =	sadd.s32 $0x1, s29;
	_ =	swait.ge [sflag:s10], $0x2000  }
0x161: {  	p0 =	sne.s32 s29, s9;
	[sflag:s10] =	ssyncset.done $0x0  }
.Ltmp16:
0x162: {  	[sflag:s10] =	ssyncadd.s32 $0xFFFFE000;
	(pc) =	sbr.rel @p0 .LBB2_1-.Ltmp16, $4  }
0x163: {  	[hbm4b:s8+s24] =	stream.strided.scatter [tilespmem:s28], [sflag:$0x2], $0x2000, s25, s24, $0x38;
	[tilespmem:$0xC800] =	vst v63  }
0x164: {  	_ =	swait.ge [sflag:s10], $0x2000  }
0x165: {  	[sflag:s10] =	ssyncset.done $0x0  }
0x166: {  	[sflag:s10] =	ssyncadd.s32 $0xFFFFE000  }
0x167: {  	_ =	sfence.sel $0x180000  }
0x168: {  	[bflag:$0x0] =	sbarrier.arrive $0xFFFF  }
0x169: {  	_ =	strace $0x9000004A  }
0x16a: {  	[bflag:$0x2] =	sbarrier.arrive $0xFFFF  }
0x16b: {  	p0 =	sne.s32 s2, $0x0;
	s0 =	rddreg [dreg:$0x3]  }
0x16c: {  	s0 =	sadd.s32 @!p0 $0x100000, s0  }
0x16d: {  	[sflag:s0] =	ssyncadd.tile.s32 @!p0 $0x1;
	_ =	shalt  }
.Lfunc_end2:
_tile_overlayer_lowered:
.L_overlay_start_2:
0x16e: {  	(tag) =	ssettag $0x2  }
0x16f: {  	s0 =	rddreg [dreg:$0x0];
	s2 =	stileid.u32  }
0x170: {  	s1 =	rddreg [dreg:$0x1];
	p0 =	sne.s32 s2, $0x0  }
0x171: {  	s3 =	rddreg [dreg:$0x2];
	[bflag:$0x3] =	sbarrier.arrive $0xFFFF;
	s2 =	simm.s32 @!p0 $0x1C02  }
0x172: {  	[timem:s3], [sflag:s2] =	dma.local @!p0 [hbm:s0], s1  }
0x173: {  	s0 =	simm.s32 @!p0 $0x2  }
0x174: {  	_ =	swait.ge @!p0 [sflag:s0], s1  }
0x175: {  	s1 =	ssub.s32 @!p0 $0x0, s1;
	[sflag:s0] =	ssyncset.done @!p0 $0x0  }
0x176: {  	[sflag:s0] =	ssyncadd.s32 @!p0 s1  }
0x177: {  	[bflag:$0x3] =	sbarrier.arrive $0xFFFF  }
0x178: {  	_ =	shalt  }

</sc_bundles>
